<compile_context>
chip_gen: v7x
topology: tpu7x:2x2x1
jax: 0.10.2.dev20260603
libtpu: 0.0.44.dev20260713+nightly
codegen_flags: <defaults>
</compile_context>

<pallas_src>
import functools

import jax
import jax.numpy as jnp
from jax import lax
from jax.experimental import pallas as pl
from jax.experimental.pallas import tpu as pltpu
from jax.experimental.pallas import tpu_sc as plsc

B = 25
N_PER = 400
N = B * N_PER
DEG = 16
E = N * DEG
D = 128
K = 320
PN = B * K
KK = K * K
NC = B * KK
E_PER = N_PER * DEG
HALF = N_PER // 2
LAMB = 1.0
SLOPE = 0.2

_SC_PARAMS = pltpu.CompilerParams(needs_layout_passes=False)


def _sc_degrees(src, dst):
    mesh = plsc.VectorSubcoreMesh(core_axis_name="c", subcore_axis_name="s")

    @functools.partial(
        pl.kernel,
        mesh=mesh,
        out_type=jax.ShapeDtypeStruct((B * 2 * N_PER,), jnp.float32),
        scratch_types=[
            pltpu.VMEM((E_PER,), jnp.int32),
            pltpu.VMEM((E_PER,), jnp.int32),
            pltpu.VMEM((2 * N_PER,), jnp.float32),
        ],
        compiler_params=_SC_PARAMS,
    )
    def k(src_hbm, dst_hbm, deg_hbm, s_buf, d_buf, deg_buf):
        c = lax.axis_index("c")
        s = lax.axis_index("s")
        wid = s * 2 + c
        zero16f = jnp.zeros((16,), jnp.float32)
        ones16 = jnp.ones((16,), jnp.float32)

        @pl.when(wid < B)
        def _():
            g = wid
            pltpu.sync_copy(src_hbm.at[pl.ds(g * E_PER, E_PER)], s_buf)
            pltpu.sync_copy(dst_hbm.at[pl.ds(g * E_PER, E_PER)], d_buf)

            def zbody(i, _):
                deg_buf[pl.ds(i * 16, 16)] = zero16f
                return 0

            lax.fori_loop(0, (2 * N_PER) // 16, zbody, 0, unroll=4)

            goff = g * N_PER

            def body(i, _):
                sl = s_buf[pl.ds(i * 16, 16)] - goff
                dl = d_buf[pl.ds(i * 16, 16)] - goff
                plsc.addupdate_scatter(deg_buf, [sl], ones16)
                plsc.addupdate_scatter(deg_buf, [dl + N_PER], ones16)
                return 0

            lax.fori_loop(0, E_PER // 16, body, 0, unroll=4)
            pltpu.sync_copy(deg_buf, deg_hbm.at[pl.ds(g * 2 * N_PER, 2 * N_PER)])

    return k(src, dst)


def _sc_gather_rows(x, srcarr):
    EPW = E // 32
    CH = 200
    mesh = plsc.VectorSubcoreMesh(core_axis_name="c", subcore_axis_name="s")

    NCHUNK = EPW // CH

    @functools.partial(
        pl.kernel,
        mesh=mesh,
        out_type=jax.ShapeDtypeStruct((E, D), jnp.float32),
        scratch_types=[
            pltpu.VMEM((EPW,), jnp.int32),
            pltpu.VMEM((CH, D), jnp.float32),
            pltpu.VMEM((CH, D), jnp.float32),
            pltpu.SemaphoreType.DMA,
            pltpu.SemaphoreType.DMA,
        ],
        compiler_params=_SC_PARAMS,
    )
    def k(x_hbm, src_hbm, out_hbm, idx_v, rows0, rows1, sem0, sem1):
        c = lax.axis_index("c")
        s = lax.axis_index("s")
        wid = s * 2 + c
        base = wid * EPW
        pltpu.sync_copy(src_hbm.at[pl.ds(base, EPW)], idx_v)
        bufs = (rows0, rows1)
        sems = (sem0, sem1)
        handles = [None, None]
        handles[0] = pltpu.async_copy(x_hbm.at[idx_v.at[pl.ds(0, CH)]], rows0, sem0)
        for ci in range(1, NCHUNK):
            b = ci % 2
            handles[b] = pltpu.async_copy(
                x_hbm.at[idx_v.at[pl.ds(ci * CH, CH)]], bufs[b], sems[b]
            )
            handles[1 - b].wait()
            pltpu.sync_copy(bufs[1 - b], out_hbm.at[pl.ds(base + (ci - 1) * CH, CH)])
        last = (NCHUNK - 1) % 2
        handles[last].wait()
        pltpu.sync_copy(bufs[last], out_hbm.at[pl.ds(base + (NCHUNK - 1) * CH, CH)])

    return k(x, srcarr)


def _sc_build_bias(src, dst, ef, nm):
    mesh = plsc.VectorSubcoreMesh(core_axis_name="c", subcore_axis_name="s")

    @functools.partial(
        pl.kernel,
        mesh=mesh,
        out_type=jax.ShapeDtypeStruct((NC,), jnp.float32),
        scratch_types=[
            pltpu.VMEM((KK,), jnp.float32),
            pltpu.VMEM((E_PER,), jnp.int32),
            pltpu.VMEM((E_PER,), jnp.int32),
            pltpu.VMEM((E_PER,), jnp.float32),
            pltpu.VMEM((N_PER,), jnp.int32),
        ],
        compiler_params=_SC_PARAMS,
    )
    def k(src_hbm, dst_hbm, ef_hbm, nm_hbm, bias_hbm, bias_buf, s_buf, d_buf, e_buf, nm_buf):
        c = lax.axis_index("c")
        s = lax.axis_index("s")
        wid = s * 2 + c
        zero16f = jnp.zeros((16,), jnp.float32)

        @pl.when(wid < B)
        def _():
            g = wid
            pltpu.sync_copy(src_hbm.at[pl.ds(g * E_PER, E_PER)], s_buf)
            pltpu.sync_copy(dst_hbm.at[pl.ds(g * E_PER, E_PER)], d_buf)
            pltpu.sync_copy(ef_hbm.at[pl.ds(g * E_PER, E_PER)], e_buf)
            pltpu.sync_copy(nm_hbm.at[pl.ds(g * N_PER, N_PER)], nm_buf)

            def zbody(i, _):
                bias_buf[pl.ds(i * 16, 16)] = zero16f
                return 0

            lax.fori_loop(0, KK // 16, zbody, 0, unroll=8)

            goff = g * N_PER

            def body(i, _):
                sl = s_buf[pl.ds(i * 16, 16)] - goff
                dl = d_buf[pl.ds(i * 16, 16)] - goff
                ev = e_buf[pl.ds(i * 16, 16)]
                ms = plsc.load_gather(nm_buf, [sl])
                md = plsc.load_gather(nm_buf, [dl])
                valid = (ms >= 0) & (md >= 0)
                idx = jnp.where(valid, ms * K + md, 0)
                plsc.addupdate_scatter(bias_buf, [idx], ev, mask=valid)
                return 0

            lax.fori_loop(0, E_PER // 16, body, 0, unroll=4)
            pltpu.sync_copy(bias_buf, bias_hbm.at[pl.ds(g * KK, KK)])

    return k(src, dst, ef, nm)


def _dot(x, y, dims):
    return lax.dot_general(
        x, y, (dims, ((), ())),
        precision=lax.Precision.HIGHEST, preferred_element_type=jnp.float32,
    )


def _tc_topk(score_c3, score_r3, feat_r, att2):

    def body(sc_ref, sr_ref, f_ref, att_ref, fp_ref, perm_ref, nm_ref, ab_ref):
        g = pl.program_id(0)
        fg = f_ref[0]
        score_col = sc_ref[0]
        score_row = sr_ref[0]
        ii = lax.broadcasted_iota(jnp.int32, (N_PER, N_PER), 0)
        jj = lax.broadcasted_iota(jnp.int32, (N_PER, N_PER), 1)
        gt = score_col > score_row
        eq = score_col == score_row
        cmpT_f = jnp.where(gt | (eq & (ii < jj)), 1.0, 0.0)
        ones_col = jnp.ones((N_PER, 1), jnp.float32)
        rank_row = _dot(ones_col, cmpT_f, ((0,), (0,)))
        rank_i = rank_row.astype(jnp.int32)
        nm_ref[0] = jnp.where(rank_i < K, rank_i, -1)
        kk = lax.broadcasted_iota(jnp.int32, (K, N_PER), 0)
        Ob_f = jnp.where(rank_i == kk, 1.0, 0.0)
        iota_col = lax.broadcasted_iota(jnp.int32, (N_PER, 1), 0).astype(jnp.float32)
        slsr = _dot(fg, att_ref[...], ((1,), (1,)))
        rhs = jnp.concatenate([iota_col, slsr], axis=1)
        small = _dot(Ob_f, rhs, ((1,), (0,)))
        perm_ref[0] = small[:, 0:1].astype(jnp.int32) + g * N_PER
        ab_ref[0] = small[:, 1:3]
        fp_ref[0] = _dot(Ob_f, fg, ((1,), (0,)))

    return pl.pallas_call(
        body,
        grid=(B,),
        in_specs=[
            pl.BlockSpec((1, N_PER, 1), lambda g: (g, 0, 0)),
            pl.BlockSpec((1, 1, N_PER), lambda g: (g, 0, 0)),
            pl.BlockSpec((1, N_PER, D), lambda g: (g, 0, 0)),
            pl.BlockSpec((2, D), lambda g: (0, 0)),
        ],
        out_specs=[
            pl.BlockSpec((1, K, D), lambda g: (g, 0, 0)),
            pl.BlockSpec((1, K, 1), lambda g: (g, 0, 0)),
            pl.BlockSpec((1, 1, N_PER), lambda g: (g, 0, 0)),
            pl.BlockSpec((1, K, 2), lambda g: (g, 0, 0)),
        ],
        out_shape=[
            jax.ShapeDtypeStruct((B, K, D), jnp.float32),
            jax.ShapeDtypeStruct((B, K, 1), jnp.int32),
            jax.ShapeDtypeStruct((B, 1, N_PER), jnp.int32),
            jax.ShapeDtypeStruct((B, K, 2), jnp.float32),
        ],
    )(score_c3, score_r3, feat_r, att2)


def _tc_softmax(a3, b3, bias3):
    def body(a_ref, b_ref, bias_ref, ws_ref, row_ref, col_ref):
        g = pl.program_id(0)
        av = a_ref[0]
        bv = b_ref[0]
        w = av + bv
        w = jnp.where(w >= 0, w, SLOPE * w)
        w = w + bias_ref[0]
        m = jnp.max(w, axis=0, keepdims=True)
        ew = jnp.exp(w - m)
        den = jnp.sum(ew, axis=0, keepdims=True)
        ws_ref[0] = ew / den
        rr = lax.broadcasted_iota(jnp.int32, (K, K), 0)
        cc = lax.broadcasted_iota(jnp.int32, (K, K), 1)
        row_ref[0] = g * K + rr
        col_ref[0] = g * K + cc

    return pl.pallas_call(
        body,
        grid=(B,),
        in_specs=[
            pl.BlockSpec((1, K, 1), lambda g: (g, 0, 0)),
            pl.BlockSpec((1, 1, K), lambda g: (g, 0, 0)),
            pl.BlockSpec((1, K, K), lambda g: (g, 0, 0)),
        ],
        out_specs=[
            pl.BlockSpec((1, K, K), lambda g: (g, 0, 0)),
            pl.BlockSpec((1, K, K), lambda g: (g, 0, 0)),
            pl.BlockSpec((1, K, K), lambda g: (g, 0, 0)),
        ],
        out_shape=[
            jax.ShapeDtypeStruct((B, K, K), jnp.float32),
            jax.ShapeDtypeStruct((B, K, K), jnp.int32),
            jax.ShapeDtypeStruct((B, K, K), jnp.int32),
        ],
    )(a3, b3, bias3)


def kernel(feat, edge_index, e_feat, att):
    src = edge_index[0]
    dst = edge_index[1]
    deg = _sc_degrees(src, dst).reshape(B, 2, N_PER)
    out_deg = jnp.maximum(deg[:, 0].reshape(N), 1.0)
    in_deg = jnp.maximum(deg[:, 1].reshape(N), 1.0)
    src_norm = out_deg ** -0.5
    dst_norm = in_deg ** -0.5
    x = feat * src_norm[:, None]
    msg = _sc_gather_rows(x, src) * e_feat[:, None]
    msg = lax.optimization_barrier(msg)
    agg = jnp.zeros((N, D), feat.dtype).at[dst].add(msg)
    f2 = feat - agg * dst_norm[:, None]
    score = jnp.sum(jnp.abs(f2), axis=1)
    feat_r = feat.reshape(B, N_PER, D)
    att2 = att.reshape(2, D)
    feat_p, perm3, nm3, ab3 = _tc_topk(
        score.reshape(B, N_PER, 1), score.reshape(B, 1, N_PER), feat_r, att2
    )
    bias_flat = _sc_build_bias(src, dst, e_feat, nm3.reshape(N))
    a3 = ab3[:, :, 0:1]
    b3 = ab3[:, :, 1:2].reshape(B, 1, K)
    w3, row3, col3 = _tc_softmax(a3, b3, bias_flat.reshape(B, K, K))
    return (
        feat_p.reshape(PN, D),
        w3.reshape(NC),
        perm3.reshape(PN),
        row3.reshape(NC),
        col3.reshape(NC),
    )

# --- scband reference (transcript-rebuilt; emitter-appended) ---
"""Pipeline reference for scband-hgpslpool-10634339025567 (READ-ONLY COPY).

The authoritative reference and input builder live on the scoring server;
editing this copy changes nothing except your own understanding.
"""

import jax, jax.numpy as jnp
import numpy as np

B = 25          # number of component graphs in the batch
N_PER = 400     # nodes per component graph
N = B * N_PER   # 10000 total nodes
DEG = 16
E = N * DEG     # 160000 edges
D = 128
RATIO = 0.8
K = int(RATIO * N_PER)   # 320 nodes kept per graph
PN = B * K               # 8000 pooled nodes
NC = B * K * K           # 2,560,000 complete-block edges
LAMB = 1.0
SLOPE = 0.2


def setup_inputs(seed: int = 0) -> dict:
    key = jax.random.key(seed)
    k1, k2, k3, k4, k5 = jax.random.split(key, 5)
    feat = jax.random.normal(k1, (N, D), dtype=jnp.float32)
    # edges are generated strictly inside each component graph's node block,
    # matching DGL batched-graph structure
    src = jax.random.randint(k2, (B, N_PER * DEG), 0, N_PER)
    dst = jax.random.randint(k3, (B, N_PER * DEG), 0, N_PER)
    offs = (jnp.arange(B) * N_PER)[:, None]
    edge_index = jnp.stack([(src + offs).reshape(-1), (dst + offs).reshape(-1)]).astype(jnp.int32)
    e_feat = jax.random.uniform(k4, (E,), dtype=jnp.float32)
    # learned attention parameter, xavier-normal like init
    att = jax.random.normal(k5, (1, 2 * D), dtype=jnp.float32) * (2.0 / (1 + 2 * D)) ** 0.5
    return {"feat": feat, "edge_index": edge_index, "e_feat": e_feat, "att": att}


def reference(feat, edge_index, e_feat, att):
    src = edge_index[0]
    dst = edge_index[1]
    # ---- NodeInfoScoreLayer (sym_norm=True) ----
    out_deg = jnp.maximum(jnp.zeros((N,), jnp.float32).at[src].add(1.0), 1.0)
    in_deg = jnp.maximum(jnp.zeros((N,), jnp.float32).at[dst].add(1.0), 1.0)
    src_norm = out_deg ** -0.5
    dst_norm = in_deg ** -0.5
    msg = (feat * src_norm[:, None])[src] * e_feat[:, None]
    agg = jnp.zeros((N, D), feat.dtype).at[dst].add(msg)
    f2 = feat - agg * dst_norm[:, None]
    score = jnp.sum(jnp.abs(f2), axis=1)
    # ---- per-graph top-k node selection ----
    sc = score.reshape(B, N_PER)
    order = jnp.argsort(-sc, axis=1)[:, :K]
    perm = (order + (jnp.arange(B) * N_PER)[:, None]).reshape(-1)
    feat_p = feat[perm]
    # ---- node_subgraph edge relabeling ----
    node_map = jnp.full((N,), -1, jnp.int32).at[perm].set(jnp.arange(PN, dtype=jnp.int32))
    ms = node_map[src]
    md = node_map[dst]
    valid = (ms >= 0) & (md >= 0)
    # ---- structure learning on complete per-graph block graphs ----
    gidx = jnp.repeat(jnp.arange(B), K * K)
    rr = jnp.tile(jnp.repeat(jnp.arange(K), K), B)
    cc = jnp.tile(jnp.arange(K), K * B)
    row = gidx * K + rr
    col = gidx * K + cc
    # (cat(feat[row], feat[col]) * att).sum(-1) == (feat@att_l)[row] + (feat@att_r)[col]
    w = (feat_p @ att[0, :D])[row] + (feat_p @ att[0, D:])[col]
    w = jnp.where(w >= 0, w, SLOPE * w)  # leaky_relu
    # add lamb * e_feat on the pooled subgraph edges (block-row-major position)
    gm = ms // K
    pos = gm * (K * K) + (ms % K) * K + (md % K)
    pos = jnp.where(valid, pos, NC)  # dummy slot for dropped edges
    w = jnp.concatenate([w, jnp.zeros((1,), w.dtype)]).at[pos].add(jnp.where(valid, LAMB * e_feat, 0.0))[:NC]
    # ---- edge_softmax over destination nodes (col) ----
    wmax = jax.ops.segment_max(w, col, num_segments=PN)
    ew = jnp.exp(w - wmax[col])
    den = jax.ops.segment_sum(ew, col, num_segments=PN)
    w_soft = ew / den[col]
    # returns (pooled node feats, new edge weights, perm, new graph edges)
    return feat_p, w_soft, perm, row, col

if __name__ == "__main__":
    import jax
    _d = setup_inputs()
    print(jax.jit(kernel)(*tuple(_d.values())))

</pallas_src>

<mosaic_0001>
#map = affine_map<(d0, d1) -> (0)>
module attributes {stable_mosaic.version = 14 : i64} {
  func.func @k(%arg0: i32, %arg1: i32, %arg2: memref<160000xi32, #tpu.memory_space<hbm>>, %arg3: memref<160000xi32, #tpu.memory_space<hbm>>, %arg4: memref<160000xf32, #tpu.memory_space<hbm>>, %arg5: memref<10000xi32, #tpu.memory_space<hbm>>, %arg6: memref<2560000xf32, #tpu.memory_space<hbm>>, %arg7: memref<102400xf32, #tpu.memory_space<vmem>>, %arg8: memref<6400xi32, #tpu.memory_space<vmem>>, %arg9: memref<6400xi32, #tpu.memory_space<vmem>>, %arg10: memref<6400xf32, #tpu.memory_space<vmem>>, %arg11: memref<400xi32, #tpu.memory_space<vmem>>) attributes {dimension_semantics = [#tpu.dimension_semantics<core_parallel>, #tpu.dimension_semantics<subcore_parallel>], iteration_bounds = array<i64: 2, 16>, scalar_prefetch = 0 : i64, scratch_operands = 5 : i64, tpu.core_type = #tpu.core_type<sc_vector_subcore>, window_params = [{transform_indices = #map}, {transform_indices = #map}, {transform_indices = #map}, {transform_indices = #map}, {transform_indices = #map}]} {
    %mul3A = arith.constant 2 : i32
    %mul3A_0 = arith.muli %arg1, %mul3A : i32
    %add3A = arith.addi %mul3A_0, %arg0 : i32
    %broadcast_in_dim3A = arith.constant 0.000000e+00 : f32
    %broadcast_in_dim3A_1 = vector.broadcast %broadcast_in_dim3A : f32 to vector<16xf32>
    %lt3A = arith.constant 25 : i32
    %lt3A_2 = arith.cmpi slt, %add3A, %lt3A : i32
    %convert_element_type3A = arith.extui %lt3A_2 : i1 to i32
    %cond3A = arith.constant 0 : i32
    %cond3A_3 = arith.cmpi ne, %convert_element_type3A, %cond3A : i32
    scf.if %cond3A_3 {
      %mul3A_4 = arith.constant 6400 : i32
      %mul3A_5 = arith.muli %add3A, %mul3A_4 : i32
      "tpu.region"() ({
        %run_scoped3A = tpu.sem_alloc : memref<!tpu.dma_semaphore, #tpu.memory_space<semaphore_mem>>
        %dma_start3A = tpu.memref_slice %arg2[%mul3A_5] : memref<160000xi32, #tpu.memory_space<hbm>> -> memref<6400xi32, #tpu.memory_space<hbm>>
        %dma_start3A_29 = tpu.memref_slice %arg2[%mul3A_5] : memref<160000xi32, #tpu.memory_space<hbm>> -> memref<6400xi32, #tpu.memory_space<hbm>>
        tpu.enqueue_dma source(%dma_start3A_29 : memref<6400xi32, #tpu.memory_space<hbm>>) target(%arg8 : memref<6400xi32, #tpu.memory_space<vmem>>) target_semaphore(%run_scoped3A : memref<!tpu.dma_semaphore, #tpu.memory_space<semaphore_mem>>)
        %dma_wait3A = tpu.memref_slice %arg2[%mul3A_5] : memref<160000xi32, #tpu.memory_space<hbm>> -> memref<6400xi32, #tpu.memory_space<hbm>>
        %dma_wait3A_30 = tpu.memref_slice %arg2[%mul3A_5] : memref<160000xi32, #tpu.memory_space<hbm>> -> memref<6400xi32, #tpu.memory_space<hbm>>
        tpu.wait_dma2 semaphore(%run_scoped3A : memref<!tpu.dma_semaphore, #tpu.memory_space<semaphore_mem>>) src(%dma_wait3A_30 : memref<6400xi32, #tpu.memory_space<hbm>>) dst(%arg8 : memref<6400xi32, #tpu.memory_space<vmem>>)
        tpu.yield
      }) : () -> ()
      %mul3A_6 = arith.constant 6400 : i32
      %mul3A_7 = arith.muli %add3A, %mul3A_6 : i32
      "tpu.region"() ({
        %run_scoped3A = tpu.sem_alloc : memref<!tpu.dma_semaphore, #tpu.memory_space<semaphore_mem>>
        %dma_start3A = tpu.memref_slice %arg3[%mul3A_7] : memref<160000xi32, #tpu.memory_space<hbm>> -> memref<6400xi32, #tpu.memory_space<hbm>>
        %dma_start3A_29 = tpu.memref_slice %arg3[%mul3A_7] : memref<160000xi32, #tpu.memory_space<hbm>> -> memref<6400xi32, #tpu.memory_space<hbm>>
        tpu.enqueue_dma source(%dma_start3A_29 : memref<6400xi32, #tpu.memory_space<hbm>>) target(%arg9 : memref<6400xi32, #tpu.memory_space<vmem>>) target_semaphore(%run_scoped3A : memref<!tpu.dma_semaphore, #tpu.memory_space<semaphore_mem>>)
        %dma_wait3A = tpu.memref_slice %arg3[%mul3A_7] : memref<160000xi32, #tpu.memory_space<hbm>> -> memref<6400xi32, #tpu.memory_space<hbm>>
        %dma_wait3A_30 = tpu.memref_slice %arg3[%mul3A_7] : memref<160000xi32, #tpu.memory_space<hbm>> -> memref<6400xi32, #tpu.memory_space<hbm>>
        tpu.wait_dma2 semaphore(%run_scoped3A : memref<!tpu.dma_semaphore, #tpu.memory_space<semaphore_mem>>) src(%dma_wait3A_30 : memref<6400xi32, #tpu.memory_space<hbm>>) dst(%arg9 : memref<6400xi32, #tpu.memory_space<vmem>>)
        tpu.yield
      }) : () -> ()
      %mul3A_8 = arith.constant 6400 : i32
      %mul3A_9 = arith.muli %add3A, %mul3A_8 : i32
      "tpu.region"() ({
        %run_scoped3A = tpu.sem_alloc : memref<!tpu.dma_semaphore, #tpu.memory_space<semaphore_mem>>
        %dma_start3A = tpu.memref_slice %arg4[%mul3A_9] : memref<160000xf32, #tpu.memory_space<hbm>> -> memref<6400xf32, #tpu.memory_space<hbm>>
        %dma_start3A_29 = tpu.memref_slice %arg4[%mul3A_9] : memref<160000xf32, #tpu.memory_space<hbm>> -> memref<6400xf32, #tpu.memory_space<hbm>>
        tpu.enqueue_dma source(%dma_start3A_29 : memref<6400xf32, #tpu.memory_space<hbm>>) target(%arg10 : memref<6400xf32, #tpu.memory_space<vmem>>) target_semaphore(%run_scoped3A : memref<!tpu.dma_semaphore, #tpu.memory_space<semaphore_mem>>)
        %dma_wait3A = tpu.memref_slice %arg4[%mul3A_9] : memref<160000xf32, #tpu.memory_space<hbm>> -> memref<6400xf32, #tpu.memory_space<hbm>>
        %dma_wait3A_30 = tpu.memref_slice %arg4[%mul3A_9] : memref<160000xf32, #tpu.memory_space<hbm>> -> memref<6400xf32, #tpu.memory_space<hbm>>
        tpu.wait_dma2 semaphore(%run_scoped3A : memref<!tpu.dma_semaphore, #tpu.memory_space<semaphore_mem>>) src(%dma_wait3A_30 : memref<6400xf32, #tpu.memory_space<hbm>>) dst(%arg10 : memref<6400xf32, #tpu.memory_space<vmem>>)
        tpu.yield
      }) : () -> ()
      %mul3A_10 = arith.constant 400 : i32
      %mul3A_11 = arith.muli %add3A, %mul3A_10 : i32
      "tpu.region"() ({
        %run_scoped3A = tpu.sem_alloc : memref<!tpu.dma_semaphore, #tpu.memory_space<semaphore_mem>>
        %dma_start3A = tpu.memref_slice %arg5[%mul3A_11] : memref<10000xi32, #tpu.memory_space<hbm>> -> memref<400xi32, #tpu.memory_space<hbm>>
        %dma_start3A_29 = tpu.memref_slice %arg5[%mul3A_11] : memref<10000xi32, #tpu.memory_space<hbm>> -> memref<400xi32, #tpu.memory_space<hbm>>
        tpu.enqueue_dma source(%dma_start3A_29 : memref<400xi32, #tpu.memory_space<hbm>>) target(%arg11 : memref<400xi32, #tpu.memory_space<vmem>>) target_semaphore(%run_scoped3A : memref<!tpu.dma_semaphore, #tpu.memory_space<semaphore_mem>>)
        %dma_wait3A = tpu.memref_slice %arg5[%mul3A_11] : memref<10000xi32, #tpu.memory_space<hbm>> -> memref<400xi32, #tpu.memory_space<hbm>>
        %dma_wait3A_30 = tpu.memref_slice %arg5[%mul3A_11] : memref<10000xi32, #tpu.memory_space<hbm>> -> memref<400xi32, #tpu.memory_space<hbm>>
        tpu.wait_dma2 semaphore(%run_scoped3A : memref<!tpu.dma_semaphore, #tpu.memory_space<semaphore_mem>>) src(%dma_wait3A_30 : memref<400xi32, #tpu.memory_space<hbm>>) dst(%arg11 : memref<400xi32, #tpu.memory_space<vmem>>)
        tpu.yield
      }) : () -> ()
      %scan3A = arith.constant 0 : i32
      %scan3A_12 = arith.constant 0 : i32
      %scan3A_13 = arith.constant 6400 : i32
      %scan3A_14 = arith.addi %scan3A_12, %scan3A_13 : i32
      %scan3A_15 = arith.constant 8 : i32
      %scan3A_16 = scf.for %scan3A_29 = %scan3A_12 to %scan3A_14 step %scan3A_15 iter_args(%scan3A_30 = %scan3A) -> (i32)  : i32 {
        %mul3A_31 = arith.constant 16 : i32
        %mul3A_32 = arith.muli %scan3A_29, %mul3A_31 : i32
        %swap3A = arith.index_cast %mul3A_32 : i32 to index
        %swap3A_33 = tpu.vector_load %arg7[%swap3A] {strides = array<i32>} : memref<102400xf32, #tpu.memory_space<vmem>>, vector<16xf32>,
        tpu.vector_store %arg7[%swap3A], %broadcast_in_dim3A_1 {strides = array<i32>} : memref<102400xf32, #tpu.memory_space<vmem>>, vector<16xf32>,
        %scan3A_34 = arith.constant 0 : i32
        %scan3A_35 = arith.constant 1 : i32
        %scan3A_36 = arith.addi %scan3A_29, %scan3A_35 : i32
        %mul3A_37 = arith.constant 16 : i32
        %mul3A_38 = arith.muli %scan3A_36, %mul3A_37 : i32
        %swap3A_39 = arith.index_cast %mul3A_38 : i32 to index
        %swap3A_40 = tpu.vector_load %arg7[%swap3A_39] {strides = array<i32>} : memref<102400xf32, #tpu.memory_space<vmem>>, vector<16xf32>,
        tpu.vector_store %arg7[%swap3A_39], %broadcast_in_dim3A_1 {strides = array<i32>} : memref<102400xf32, #tpu.memory_space<vmem>>, vector<16xf32>,
        %scan3A_41 = arith.constant 0 : i32
        %scan3A_42 = arith.constant 2 : i32
        %scan3A_43 = arith.addi %scan3A_29, %scan3A_42 : i32
        %mul3A_44 = arith.constant 16 : i32
        %mul3A_45 = arith.muli %scan3A_43, %mul3A_44 : i32
        %swap3A_46 = arith.index_cast %mul3A_45 : i32 to index
        %swap3A_47 = tpu.vector_load %arg7[%swap3A_46] {strides = array<i32>} : memref<102400xf32, #tpu.memory_space<vmem>>, vector<16xf32>,
        tpu.vector_store %arg7[%swap3A_46], %broadcast_in_dim3A_1 {strides = array<i32>} : memref<102400xf32, #tpu.memory_space<vmem>>, vector<16xf32>,
        %scan3A_48 = arith.constant 0 : i32
        %scan3A_49 = arith.constant 3 : i32
        %scan3A_50 = arith.addi %scan3A_29, %scan3A_49 : i32
        %mul3A_51 = arith.constant 16 : i32
        %mul3A_52 = arith.muli %scan3A_50, %mul3A_51 : i32
        %swap3A_53 = arith.index_cast %mul3A_52 : i32 to index
        %swap3A_54 = tpu.vector_load %arg7[%swap3A_53] {strides = array<i32>} : memref<102400xf32, #tpu.memory_space<vmem>>, vector<16xf32>,
        tpu.vector_store %arg7[%swap3A_53], %broadcast_in_dim3A_1 {strides = array<i32>} : memref<102400xf32, #tpu.memory_space<vmem>>, vector<16xf32>,
        %scan3A_55 = arith.constant 0 : i32
        %scan3A_56 = arith.constant 4 : i32
        %scan3A_57 = arith.addi %scan3A_29, %scan3A_56 : i32
        %mul3A_58 = arith.constant 16 : i32
        %mul3A_59 = arith.muli %scan3A_57, %mul3A_58 : i32
        %swap3A_60 = arith.index_cast %mul3A_59 : i32 to index
        %swap3A_61 = tpu.vector_load %arg7[%swap3A_60] {strides = array<i32>} : memref<102400xf32, #tpu.memory_space<vmem>>, vector<16xf32>,
        tpu.vector_store %arg7[%swap3A_60], %broadcast_in_dim3A_1 {strides = array<i32>} : memref<102400xf32, #tpu.memory_space<vmem>>, vector<16xf32>,
        %scan3A_62 = arith.constant 0 : i32
        %scan3A_63 = arith.constant 5 : i32
        %scan3A_64 = arith.addi %scan3A_29, %scan3A_63 : i32
        %mul3A_65 = arith.constant 16 : i32
        %mul3A_66 = arith.muli %scan3A_64, %mul3A_65 : i32
        %swap3A_67 = arith.index_cast %mul3A_66 : i32 to index
        %swap3A_68 = tpu.vector_load %arg7[%swap3A_67] {strides = array<i32>} : memref<102400xf32, #tpu.memory_space<vmem>>, vector<16xf32>,
        tpu.vector_store %arg7[%swap3A_67], %broadcast_in_dim3A_1 {strides = array<i32>} : memref<102400xf32, #tpu.memory_space<vmem>>, vector<16xf32>,
        %scan3A_69 = arith.constant 0 : i32
        %scan3A_70 = arith.constant 6 : i32
        %scan3A_71 = arith.addi %scan3A_29, %scan3A_70 : i32
        %mul3A_72 = arith.constant 16 : i32
        %mul3A_73 = arith.muli %scan3A_71, %mul3A_72 : i32
        %swap3A_74 = arith.index_cast %mul3A_73 : i32 to index
        %swap3A_75 = tpu.vector_load %arg7[%swap3A_74] {strides = array<i32>} : memref<102400xf32, #tpu.memory_space<vmem>>, vector<16xf32>,
        tpu.vector_store %arg7[%swap3A_74], %broadcast_in_dim3A_1 {strides = array<i32>} : memref<102400xf32, #tpu.memory_space<vmem>>, vector<16xf32>,
        %scan3A_76 = arith.constant 0 : i32
        %scan3A_77 = arith.constant 7 : i32
        %scan3A_78 = arith.addi %scan3A_29, %scan3A_77 : i32
        %mul3A_79 = arith.constant 16 : i32
        %mul3A_80 = arith.muli %scan3A_78, %mul3A_79 : i32
        %swap3A_81 = arith.index_cast %mul3A_80 : i32 to index
        %swap3A_82 = tpu.vector_load %arg7[%swap3A_81] {strides = array<i32>} : memref<102400xf32, #tpu.memory_space<vmem>>, vector<16xf32>,
        tpu.vector_store %arg7[%swap3A_81], %broadcast_in_dim3A_1 {strides = array<i32>} : memref<102400xf32, #tpu.memory_space<vmem>>, vector<16xf32>,
        %scan3A_83 = arith.constant 0 : i32
        scf.yield %scan3A_83 : i32
      }
      %scan3A_17 = arith.constant 6400 : i32
      %mul3A_18 = arith.constant 400 : i32
      %mul3A_19 = arith.muli %add3A, %mul3A_18 : i32
      %scan3A_20 = arith.constant 0 : i32
      %scan3A_21 = arith.constant 0 : i32
      %scan3A_22 = arith.constant 400 : i32
      %scan3A_23 = arith.addi %scan3A_21, %scan3A_22 : i32
      %scan3A_24 = arith.constant 4 : i32
      %scan3A_25 = scf.for %scan3A_29 = %scan3A_21 to %scan3A_23 step %scan3A_24 iter_args(%scan3A_30 = %scan3A_20) -> (i32)  : i32 {
        %mul3A_31 = arith.constant 16 : i32
        %mul3A_32 = arith.muli %scan3A_29, %mul3A_31 : i32
        %get3A = arith.index_cast %mul3A_32 : i32 to index
        %get3A_33 = tpu.vector_load %arg8[%get3A] {strides = array<i32>} : memref<6400xi32, #tpu.memory_space<vmem>>, vector<16xi32>,
        %sub3A = vector.broadcast %mul3A_19 : i32 to vector<16xi32>
        %sub3A_34 = arith.subi %get3A_33, %sub3A : vector<16xi32>
        %mul3A_35 = arith.constant 16 : i32
        %mul3A_36 = arith.muli %scan3A_29, %mul3A_35 : i32
        %get3A_37 = arith.index_cast %mul3A_36 : i32 to index
        %get3A_38 = tpu.vector_load %arg9[%get3A_37] {strides = array<i32>} : memref<6400xi32, #tpu.memory_space<vmem>>, vector<16xi32>,
        %sub3A_39 = vector.broadcast %mul3A_19 : i32 to vector<16xi32>
        %sub3A_40 = arith.subi %get3A_38, %sub3A_39 : vector<16xi32>
        %mul3A_41 = arith.constant 16 : i32
        %mul3A_42 = arith.muli %scan3A_29, %mul3A_41 : i32
        %get3A_43 = arith.index_cast %mul3A_42 : i32 to index
        %get3A_44 = tpu.vector_load %arg10[%get3A_43] {strides = array<i32>} : memref<6400xf32, #tpu.memory_space<vmem>>, vector<16xf32>,
        %gather3A = tpu.vector_load_idx %arg11[%sub3A_34] : memref<400xi32, #tpu.memory_space<vmem>>[vector<16xi32>], vector<16xi32>,
        %gather3A_45 = tpu.vector_load_idx %arg11[%sub3A_40] : memref<400xi32, #tpu.memory_space<vmem>>[vector<16xi32>], vector<16xi32>,
        %ge3A = arith.constant 0 : i32
        %ge3A_46 = vector.broadcast %ge3A : i32 to vector<16xi32>
        %ge3A_47 = arith.cmpi sge, %gather3A, %ge3A_46 : vector<16xi32>
        %ge3A_48 = arith.constant 0 : i32
        %ge3A_49 = vector.broadcast %ge3A_48 : i32 to vector<16xi32>
        %ge3A_50 = arith.cmpi sge, %gather3A_45, %ge3A_49 : vector<16xi32>
        %and3A = arith.andi %ge3A_47, %ge3A_50 : vector<16xi1>
        %mul3A_51 = arith.constant 320 : i32
        %mul3A_52 = vector.broadcast %mul3A_51 : i32 to vector<16xi32>
        %mul3A_53 = arith.muli %gather3A, %mul3A_52 : vector<16xi32>
        %add3A_54 = arith.addi %mul3A_53, %gather3A_45 : vector<16xi32>
        %jit3A = arith.constant 0 : i32
        %broadcast_in_dim3A_55 = vector.broadcast %jit3A : i32 to vector<16xi32>
        %select_n3A = arith.select %and3A, %add3A_54, %broadcast_in_dim3A_55 : vector<16xi1>, vector<16xi32>
        tpu.vector_store_idx %arg7[%select_n3A], %get3A_44 masked %and3A {add = true} : memref<102400xf32, #tpu.memory_space<vmem>>[vector<16xi32>], vector<16xf32>, vector<16xi1>
        %scan3A_56 = arith.constant 0 : i32
        %scan3A_57 = arith.constant 1 : i32
        %scan3A_58 = arith.addi %scan3A_29, %scan3A_57 : i32
        %mul3A_59 = arith.constant 16 : i32
        %mul3A_60 = arith.muli %scan3A_58, %mul3A_59 : i32
        %get3A_61 = arith.index_cast %mul3A_60 : i32 to index
        %get3A_62 = tpu.vector_load %arg8[%get3A_61] {strides = array<i32>} : memref<6400xi32, #tpu.memory_space<vmem>>, vector<16xi32>,
        %sub3A_63 = vector.broadcast %mul3A_19 : i32 to vector<16xi32>
        %sub3A_64 = arith.subi %get3A_62, %sub3A_63 : vector<16xi32>
        %mul3A_65 = arith.constant 16 : i32
        %mul3A_66 = arith.muli %scan3A_58, %mul3A_65 : i32
        %get3A_67 = arith.index_cast %mul3A_66 : i32 to index
        %get3A_68 = tpu.vector_load %arg9[%get3A_67] {strides = array<i32>} : memref<6400xi32, #tpu.memory_space<vmem>>, vector<16xi32>,
        %sub3A_69 = vector.broadcast %mul3A_19 : i32 to vector<16xi32>
        %sub3A_70 = arith.subi %get3A_68, %sub3A_69 : vector<16xi32>
        %mul3A_71 = arith.constant 16 : i32
        %mul3A_72 = arith.muli %scan3A_58, %mul3A_71 : i32
        %get3A_73 = arith.index_cast %mul3A_72 : i32 to index
        %get3A_74 = tpu.vector_load %arg10[%get3A_73] {strides = array<i32>} : memref<6400xf32, #tpu.memory_space<vmem>>, vector<16xf32>,
        %gather3A_75 = tpu.vector_load_idx %arg11[%sub3A_64] : memref<400xi32, #tpu.memory_space<vmem>>[vector<16xi32>], vector<16xi32>,
        %gather3A_76 = tpu.vector_load_idx %arg11[%sub3A_70] : memref<400xi32, #tpu.memory_space<vmem>>[vector<16xi32>], vector<16xi32>,
        %ge3A_77 = arith.constant 0 : i32
        %ge3A_78 = vector.broadcast %ge3A_77 : i32 to vector<16xi32>
        %ge3A_79 = arith.cmpi sge, %gather3A_75, %ge3A_78 : vector<16xi32>
        %ge3A_80 = arith.constant 0 : i32
        %ge3A_81 = vector.broadcast %ge3A_80 : i32 to vector<16xi32>
        %ge3A_82 = arith.cmpi sge, %gather3A_76, %ge3A_81 : vector<16xi32>
        %and3A_83 = arith.andi %ge3A_79, %ge3A_82 : vector<16xi1>
        %mul3A_84 = arith.constant 320 : i32
        %mul3A_85 = vector.broadcast %mul3A_84 : i32 to vector<16xi32>
        %mul3A_86 = arith.muli %gather3A_75, %mul3A_85 : vector<16xi32>
        %add3A_87 = arith.addi %mul3A_86, %gather3A_76 : vector<16xi32>
        %jit3A_88 = arith.constant 0 : i32
        %broadcast_in_dim3A_89 = vector.broadcast %jit3A_88 : i32 to vector<16xi32>
        %select_n3A_90 = arith.select %and3A_83, %add3A_87, %broadcast_in_dim3A_89 : vector<16xi1>, vector<16xi32>
        tpu.vector_store_idx %arg7[%select_n3A_90], %get3A_74 masked %and3A_83 {add = true} : memref<102400xf32, #tpu.memory_space<vmem>>[vector<16xi32>], vector<16xf32>, vector<16xi1>
        %scan3A_91 = arith.constant 0 : i32
        %scan3A_92 = arith.constant 2 : i32
        %scan3A_93 = arith.addi %scan3A_29, %scan3A_92 : i32
        %mul3A_94 = arith.constant 16 : i32
        %mul3A_95 = arith.muli %scan3A_93, %mul3A_94 : i32
        %get3A_96 = arith.index_cast %mul3A_95 : i32 to index
        %get3A_97 = tpu.vector_load %arg8[%get3A_96] {strides = array<i32>} : memref<6400xi32, #tpu.memory_space<vmem>>, vector<16xi32>,
        %sub3A_98 = vector.broadcast %mul3A_19 : i32 to vector<16xi32>
        %sub3A_99 = arith.subi %get3A_97, %sub3A_98 : vector<16xi32>
        %mul3A_100 = arith.constant 16 : i32
        %mul3A_101 = arith.muli %scan3A_93, %mul3A_100 : i32
        %get3A_102 = arith.index_cast %mul3A_101 : i32 to index
        %get3A_103 = tpu.vector_load %arg9[%get3A_102] {strides = array<i32>} : memref<6400xi32, #tpu.memory_space<vmem>>, vector<16xi32>,
        %sub3A_104 = vector.broadcast %mul3A_19 : i32 to vector<16xi32>
        %sub3A_105 = arith.subi %get3A_103, %sub3A_104 : vector<16xi32>
        %mul3A_106 = arith.constant 16 : i32
        %mul3A_107 = arith.muli %scan3A_93, %mul3A_106 : i32
        %get3A_108 = arith.index_cast %mul3A_107 : i32 to index
        %get3A_109 = tpu.vector_load %arg10[%get3A_108] {strides = array<i32>} : memref<6400xf32, #tpu.memory_space<vmem>>, vector<16xf32>,
        %gather3A_110 = tpu.vector_load_idx %arg11[%sub3A_99] : memref<400xi32, #tpu.memory_space<vmem>>[vector<16xi32>], vector<16xi32>,
        %gather3A_111 = tpu.vector_load_idx %arg11[%sub3A_105] : memref<400xi32, #tpu.memory_space<vmem>>[vector<16xi32>], vector<16xi32>,
        %ge3A_112 = arith.constant 0 : i32
        %ge3A_113 = vector.broadcast %ge3A_112 : i32 to vector<16xi32>
        %ge3A_114 = arith.cmpi sge, %gather3A_110, %ge3A_113 : vector<16xi32>
        %ge3A_115 = arith.constant 0 : i32
        %ge3A_116 = vector.broadcast %ge3A_115 : i32 to vector<16xi32>
        %ge3A_117 = arith.cmpi sge, %gather3A_111, %ge3A_116 : vector<16xi32>
        %and3A_118 = arith.andi %ge3A_114, %ge3A_117 : vector<16xi1>
        %mul3A_119 = arith.constant 320 : i32
        %mul3A_120 = vector.broadcast %mul3A_119 : i32 to vector<16xi32>
        %mul3A_121 = arith.muli %gather3A_110, %mul3A_120 : vector<16xi32>
        %add3A_122 = arith.addi %mul3A_121, %gather3A_111 : vector<16xi32>
        %jit3A_123 = arith.constant 0 : i32
        %broadcast_in_dim3A_124 = vector.broadcast %jit3A_123 : i32 to vector<16xi32>
        %select_n3A_125 = arith.select %and3A_118, %add3A_122, %broadcast_in_dim3A_124 : vector<16xi1>, vector<16xi32>
        tpu.vector_store_idx %arg7[%select_n3A_125], %get3A_109 masked %and3A_118 {add = true} : memref<102400xf32, #tpu.memory_space<vmem>>[vector<16xi32>], vector<16xf32>, vector<16xi1>
        %scan3A_126 = arith.constant 0 : i32
        %scan3A_127 = arith.constant 3 : i32
        %scan3A_128 = arith.addi %scan3A_29, %scan3A_127 : i32
        %mul3A_129 = arith.constant 16 : i32
        %mul3A_130 = arith.muli %scan3A_128, %mul3A_129 : i32
        %get3A_131 = arith.index_cast %mul3A_130 : i32 to index
        %get3A_132 = tpu.vector_load %arg8[%get3A_131] {strides = array<i32>} : memref<6400xi32, #tpu.memory_space<vmem>>, vector<16xi32>,
        %sub3A_133 = vector.broadcast %mul3A_19 : i32 to vector<16xi32>
        %sub3A_134 = arith.subi %get3A_132, %sub3A_133 : vector<16xi32>
        %mul3A_135 = arith.constant 16 : i32
        %mul3A_136 = arith.muli %scan3A_128, %mul3A_135 : i32
        %get3A_137 = arith.index_cast %mul3A_136 : i32 to index
        %get3A_138 = tpu.vector_load %arg9[%get3A_137] {strides = array<i32>} : memref<6400xi32, #tpu.memory_space<vmem>>, vector<16xi32>,
        %sub3A_139 = vector.broadcast %mul3A_19 : i32 to vector<16xi32>
        %sub3A_140 = arith.subi %get3A_138, %sub3A_139 : vector<16xi32>
        %mul3A_141 = arith.constant 16 : i32
        %mul3A_142 = arith.muli %scan3A_128, %mul3A_141 : i32
        %get3A_143 = arith.index_cast %mul3A_142 : i32 to index
        %get3A_144 = tpu.vector_load %arg10[%get3A_143] {strides = array<i32>} : memref<6400xf32, #tpu.memory_space<vmem>>, vector<16xf32>,
        %gather3A_145 = tpu.vector_load_idx %arg11[%sub3A_134] : memref<400xi32, #tpu.memory_space<vmem>>[vector<16xi32>], vector<16xi32>,
        %gather3A_146 = tpu.vector_load_idx %arg11[%sub3A_140] : memref<400xi32, #tpu.memory_space<vmem>>[vector<16xi32>], vector<16xi32>,
        %ge3A_147 = arith.constant 0 : i32
        %ge3A_148 = vector.broadcast %ge3A_147 : i32 to vector<16xi32>
        %ge3A_149 = arith.cmpi sge, %gather3A_145, %ge3A_148 : vector<16xi32>
        %ge3A_150 = arith.constant 0 : i32
        %ge3A_151 = vector.broadcast %ge3A_150 : i32 to vector<16xi32>
        %ge3A_152 = arith.cmpi sge, %gather3A_146, %ge3A_151 : vector<16xi32>
        %and3A_153 = arith.andi %ge3A_149, %ge3A_152 : vector<16xi1>
        %mul3A_154 = arith.constant 320 : i32
        %mul3A_155 = vector.broadcast %mul3A_154 : i32 to vector<16xi32>
        %mul3A_156 = arith.muli %gather3A_145, %mul3A_155 : vector<16xi32>
        %add3A_157 = arith.addi %mul3A_156, %gather3A_146 : vector<16xi32>
        %jit3A_158 = arith.constant 0 : i32
        %broadcast_in_dim3A_159 = vector.broadcast %jit3A_158 : i32 to vector<16xi32>
        %select_n3A_160 = arith.select %and3A_153, %add3A_157, %broadcast_in_dim3A_159 : vector<16xi1>, vector<16xi32>
        tpu.vector_store_idx %arg7[%select_n3A_160], %get3A_144 masked %and3A_153 {add = true} : memref<102400xf32, #tpu.memory_space<vmem>>[vector<16xi32>], vector<16xf32>, vector<16xi1>
        %scan3A_161 = arith.constant 0 : i32
        scf.yield %scan3A_161 : i32
      }
      %scan3A_26 = arith.constant 400 : i32
      %mul3A_27 = arith.constant 102400 : i32
      %mul3A_28 = arith.muli %add3A, %mul3A_27 : i32
      "tpu.region"() ({
        %run_scoped3A = tpu.sem_alloc : memref<!tpu.dma_semaphore, #tpu.memory_space<semaphore_mem>>
        %dma_start3A = tpu.memref_slice %arg6[%mul3A_28] : memref<2560000xf32, #tpu.memory_space<hbm>> -> memref<102400xf32, #tpu.memory_space<hbm>>
        %dma_start3A_29 = tpu.memref_slice %arg6[%mul3A_28] : memref<2560000xf32, #tpu.memory_space<hbm>> -> memref<102400xf32, #tpu.memory_space<hbm>>
        tpu.enqueue_dma source(%arg7 : memref<102400xf32, #tpu.memory_space<vmem>>) target(%dma_start3A_29 : memref<102400xf32, #tpu.memory_space<hbm>>) target_semaphore(%run_scoped3A : memref<!tpu.dma_semaphore, #tpu.memory_space<semaphore_mem>>)
        %dma_wait3A = tpu.memref_slice %arg6[%mul3A_28] : memref<2560000xf32, #tpu.memory_space<hbm>> -> memref<102400xf32, #tpu.memory_space<hbm>>
        %dma_wait3A_30 = tpu.memref_slice %arg6[%mul3A_28] : memref<2560000xf32, #tpu.memory_space<hbm>> -> memref<102400xf32, #tpu.memory_space<hbm>>
        tpu.wait_dma2 semaphore(%run_scoped3A : memref<!tpu.dma_semaphore, #tpu.memory_space<semaphore_mem>>) src(%arg7 : memref<102400xf32, #tpu.memory_space<vmem>>) dst(%dma_wait3A_30 : memref<102400xf32, #tpu.memory_space<hbm>>)
        tpu.yield
      }) : () -> ()
    } else {
    }
    return
  }
}

#map = affine_map<(d0, d1) -> (0)>
module attributes {stable_mosaic.version = 14 : i64} {
  func.func @k(%arg0: i32, %arg1: i32, %arg2: memref<160000xi32, #tpu.memory_space<hbm>>, %arg3: memref<160000xi32, #tpu.memory_space<hbm>>, %arg4: memref<20000xf32, #tpu.memory_space<hbm>>, %arg5: memref<6400xi32, #tpu.memory_space<vmem>>, %arg6: memref<6400xi32, #tpu.memory_space<vmem>>, %arg7: memref<800xf32, #tpu.memory_space<vmem>>) attributes {dimension_semantics = [#tpu.dimension_semantics<core_parallel>, #tpu.dimension_semantics<subcore_parallel>], iteration_bounds = array<i64: 2, 16>, scalar_prefetch = 0 : i64, scratch_operands = 3 : i64, tpu.core_type = #tpu.core_type<sc_vector_subcore>, window_params = [{transform_indices = #map}, {transform_indices = #map}, {transform_indices = #map}]} {
    %mul3A = arith.constant 2 : i32
    %mul3A_0 = arith.muli %arg1, %mul3A : i32
    %add3A = arith.addi %mul3A_0, %arg0 : i32
    %broadcast_in_dim3A = arith.constant 0.000000e+00 : f32
    %broadcast_in_dim3A_1 = vector.broadcast %broadcast_in_dim3A : f32 to vector<16xf32>
    %broadcast_in_dim3A_2 = arith.constant 1.000000e+00 : f32
    %broadcast_in_dim3A_3 = vector.broadcast %broadcast_in_dim3A_2 : f32 to vector<16xf32>
    %lt3A = arith.constant 25 : i32
    %lt3A_4 = arith.cmpi slt, %add3A, %lt3A : i32
    %convert_element_type3A = arith.extui %lt3A_4 : i1 to i32
    %cond3A = arith.constant 0 : i32
    %cond3A_5 = arith.cmpi ne, %convert_element_type3A, %cond3A : i32
    scf.if %cond3A_5 {
      %mul3A_6 = arith.constant 6400 : i32
      %mul3A_7 = arith.muli %add3A, %mul3A_6 : i32
      "tpu.region"() ({
        %run_scoped3A = tpu.sem_alloc : memref<!tpu.dma_semaphore, #tpu.memory_space<semaphore_mem>>
        %dma_start3A = tpu.memref_slice %arg2[%mul3A_7] : memref<160000xi32, #tpu.memory_space<hbm>> -> memref<6400xi32, #tpu.memory_space<hbm>>
        %dma_start3A_42 = tpu.memref_slice %arg2[%mul3A_7] : memref<160000xi32, #tpu.memory_space<hbm>> -> memref<6400xi32, #tpu.memory_space<hbm>>
        tpu.enqueue_dma source(%dma_start3A_42 : memref<6400xi32, #tpu.memory_space<hbm>>) target(%arg5 : memref<6400xi32, #tpu.memory_space<vmem>>) target_semaphore(%run_scoped3A : memref<!tpu.dma_semaphore, #tpu.memory_space<semaphore_mem>>)
        %dma_wait3A = tpu.memref_slice %arg2[%mul3A_7] : memref<160000xi32, #tpu.memory_space<hbm>> -> memref<6400xi32, #tpu.memory_space<hbm>>
        %dma_wait3A_43 = tpu.memref_slice %arg2[%mul3A_7] : memref<160000xi32, #tpu.memory_space<hbm>> -> memref<6400xi32, #tpu.memory_space<hbm>>
        tpu.wait_dma2 semaphore(%run_scoped3A : memref<!tpu.dma_semaphore, #tpu.memory_space<semaphore_mem>>) src(%dma_wait3A_43 : memref<6400xi32, #tpu.memory_space<hbm>>) dst(%arg5 : memref<6400xi32, #tpu.memory_space<vmem>>)
        tpu.yield
      }) : () -> ()
      %mul3A_8 = arith.constant 6400 : i32
      %mul3A_9 = arith.muli %add3A, %mul3A_8 : i32
      "tpu.region"() ({
        %run_scoped3A = tpu.sem_alloc : memref<!tpu.dma_semaphore, #tpu.memory_space<semaphore_mem>>
        %dma_start3A = tpu.memref_slice %arg3[%mul3A_9] : memref<160000xi32, #tpu.memory_space<hbm>> -> memref<6400xi32, #tpu.memory_space<hbm>>
        %dma_start3A_42 = tpu.memref_slice %arg3[%mul3A_9] : memref<160000xi32, #tpu.memory_space<hbm>> -> memref<6400xi32, #tpu.memory_space<hbm>>
        tpu.enqueue_dma source(%dma_start3A_42 : memref<6400xi32, #tpu.memory_space<hbm>>) target(%arg6 : memref<6400xi32, #tpu.memory_space<vmem>>) target_semaphore(%run_scoped3A : memref<!tpu.dma_semaphore, #tpu.memory_space<semaphore_mem>>)
        %dma_wait3A = tpu.memref_slice %arg3[%mul3A_9] : memref<160000xi32, #tpu.memory_space<hbm>> -> memref<6400xi32, #tpu.memory_space<hbm>>
        %dma_wait3A_43 = tpu.memref_slice %arg3[%mul3A_9] : memref<160000xi32, #tpu.memory_space<hbm>> -> memref<6400xi32, #tpu.memory_space<hbm>>
        tpu.wait_dma2 semaphore(%run_scoped3A : memref<!tpu.dma_semaphore, #tpu.memory_space<semaphore_mem>>) src(%dma_wait3A_43 : memref<6400xi32, #tpu.memory_space<hbm>>) dst(%arg6 : memref<6400xi32, #tpu.memory_space<vmem>>)
        tpu.yield
      }) : () -> ()
      %scan3A = arith.constant 0 : i32
      %scan3A_10 = arith.constant 0 : i32
      %scan3A_11 = arith.constant 48 : i32
      %scan3A_12 = arith.addi %scan3A_10, %scan3A_11 : i32
      %scan3A_13 = arith.constant 4 : i32
      %scan3A_14 = scf.for %scan3A_42 = %scan3A_10 to %scan3A_12 step %scan3A_13 iter_args(%scan3A_43 = %scan3A) -> (i32)  : i32 {
        %mul3A_44 = arith.constant 16 : i32
        %mul3A_45 = arith.muli %scan3A_42, %mul3A_44 : i32
        %swap3A_46 = arith.index_cast %mul3A_45 : i32 to index
        %swap3A_47 = tpu.vector_load %arg7[%swap3A_46] {strides = array<i32>} : memref<800xf32, #tpu.memory_space<vmem>>, vector<16xf32>,
        tpu.vector_store %arg7[%swap3A_46], %broadcast_in_dim3A_1 {strides = array<i32>} : memref<800xf32, #tpu.memory_space<vmem>>, vector<16xf32>,
        %scan3A_48 = arith.constant 0 : i32
        %scan3A_49 = arith.constant 1 : i32
        %scan3A_50 = arith.addi %scan3A_42, %scan3A_49 : i32
        %mul3A_51 = arith.constant 16 : i32
        %mul3A_52 = arith.muli %scan3A_50, %mul3A_51 : i32
        %swap3A_53 = arith.index_cast %mul3A_52 : i32 to index
        %swap3A_54 = tpu.vector_load %arg7[%swap3A_53] {strides = array<i32>} : memref<800xf32, #tpu.memory_space<vmem>>, vector<16xf32>,
        tpu.vector_store %arg7[%swap3A_53], %broadcast_in_dim3A_1 {strides = array<i32>} : memref<800xf32, #tpu.memory_space<vmem>>, vector<16xf32>,
        %scan3A_55 = arith.constant 0 : i32
        %scan3A_56 = arith.constant 2 : i32
        %scan3A_57 = arith.addi %scan3A_42, %scan3A_56 : i32
        %mul3A_58 = arith.constant 16 : i32
        %mul3A_59 = arith.muli %scan3A_57, %mul3A_58 : i32
        %swap3A_60 = arith.index_cast %mul3A_59 : i32 to index
        %swap3A_61 = tpu.vector_load %arg7[%swap3A_60] {strides = array<i32>} : memref<800xf32, #tpu.memory_space<vmem>>, vector<16xf32>,
        tpu.vector_store %arg7[%swap3A_60], %broadcast_in_dim3A_1 {strides = array<i32>} : memref<800xf32, #tpu.memory_space<vmem>>, vector<16xf32>,
        %scan3A_62 = arith.constant 0 : i32
        %scan3A_63 = arith.constant 3 : i32
        %scan3A_64 = arith.addi %scan3A_42, %scan3A_63 : i32
        %mul3A_65 = arith.constant 16 : i32
        %mul3A_66 = arith.muli %scan3A_64, %mul3A_65 : i32
        %swap3A_67 = arith.index_cast %mul3A_66 : i32 to index
        %swap3A_68 = tpu.vector_load %arg7[%swap3A_67] {strides = array<i32>} : memref<800xf32, #tpu.memory_space<vmem>>, vector<16xf32>,
        tpu.vector_store %arg7[%swap3A_67], %broadcast_in_dim3A_1 {strides = array<i32>} : memref<800xf32, #tpu.memory_space<vmem>>, vector<16xf32>,
        %scan3A_69 = arith.constant 0 : i32
        scf.yield %scan3A_69 : i32
      }
      %scan3A_15 = arith.constant 48 : i32
      %scan3A_16 = arith.addi %scan3A_10, %scan3A_15 : i32
      %mul3A_17 = arith.constant 16 : i32
      %mul3A_18 = arith.muli %scan3A_16, %mul3A_17 : i32
      %swap3A = arith.index_cast %mul3A_18 : i32 to index
      %swap3A_19 = tpu.vector_load %arg7[%swap3A] {strides = array<i32>} : memref<800xf32, #tpu.memory_space<vmem>>, vector<16xf32>,
      tpu.vector_store %arg7[%swap3A], %broadcast_in_dim3A_1 {strides = array<i32>} : memref<800xf32, #tpu.memory_space<vmem>>, vector<16xf32>,
      %scan3A_20 = arith.constant 0 : i32
      %scan3A_21 = arith.constant 49 : i32
      %scan3A_22 = arith.addi %scan3A_10, %scan3A_21 : i32
      %mul3A_23 = arith.constant 16 : i32
      %mul3A_24 = arith.muli %scan3A_22, %mul3A_23 : i32
      %swap3A_25 = arith.index_cast %mul3A_24 : i32 to index
      %swap3A_26 = tpu.vector_load %arg7[%swap3A_25] {strides = array<i32>} : memref<800xf32, #tpu.memory_space<vmem>>, vector<16xf32>,
      tpu.vector_store %arg7[%swap3A_25], %broadcast_in_dim3A_1 {strides = array<i32>} : memref<800xf32, #tpu.memory_space<vmem>>, vector<16xf32>,
      %scan3A_27 = arith.constant 0 : i32
      %scan3A_28 = arith.constant 50 : i32
      %mul3A_29 = arith.constant 400 : i32
      %mul3A_30 = arith.muli %add3A, %mul3A_29 : i32
      %scan3A_31 = arith.constant 0 : i32
      %scan3A_32 = arith.constant 0 : i32
      %scan3A_33 = arith.constant 400 : i32
      %scan3A_34 = arith.addi %scan3A_32, %scan3A_33 : i32
      %scan3A_35 = arith.constant 4 : i32
      %scan3A_36 = scf.for %scan3A_42 = %scan3A_32 to %scan3A_34 step %scan3A_35 iter_args(%scan3A_43 = %scan3A_31) -> (i32)  : i32 {
        %mul3A_44 = arith.constant 16 : i32
        %mul3A_45 = arith.muli %scan3A_42, %mul3A_44 : i32
        %get3A = arith.index_cast %mul3A_45 : i32 to index
        %get3A_46 = tpu.vector_load %arg5[%get3A] {strides = array<i32>} : memref<6400xi32, #tpu.memory_space<vmem>>, vector<16xi32>,
        %sub3A = vector.broadcast %mul3A_30 : i32 to vector<16xi32>
        %sub3A_47 = arith.subi %get3A_46, %sub3A : vector<16xi32>
        %mul3A_48 = arith.constant 16 : i32
        %mul3A_49 = arith.muli %scan3A_42, %mul3A_48 : i32
        %get3A_50 = arith.index_cast %mul3A_49 : i32 to index
        %get3A_51 = tpu.vector_load %arg6[%get3A_50] {strides = array<i32>} : memref<6400xi32, #tpu.memory_space<vmem>>, vector<16xi32>,
        %sub3A_52 = vector.broadcast %mul3A_30 : i32 to vector<16xi32>
        %sub3A_53 = arith.subi %get3A_51, %sub3A_52 : vector<16xi32>
        tpu.vector_store_idx %arg7[%sub3A_47], %broadcast_in_dim3A_3 {add = true} : memref<800xf32, #tpu.memory_space<vmem>>[vector<16xi32>], vector<16xf32>,
        %add3A_54 = arith.constant 400 : i32
        %add3A_55 = vector.broadcast %add3A_54 : i32 to vector<16xi32>
        %add3A_56 = arith.addi %sub3A_53, %add3A_55 : vector<16xi32>
        tpu.vector_store_idx %arg7[%add3A_56], %broadcast_in_dim3A_3 {add = true} : memref<800xf32, #tpu.memory_space<vmem>>[vector<16xi32>], vector<16xf32>,
        %scan3A_57 = arith.constant 0 : i32
        %scan3A_58 = arith.constant 1 : i32
        %scan3A_59 = arith.addi %scan3A_42, %scan3A_58 : i32
        %mul3A_60 = arith.constant 16 : i32
        %mul3A_61 = arith.muli %scan3A_59, %mul3A_60 : i32
        %get3A_62 = arith.index_cast %mul3A_61 : i32 to index
        %get3A_63 = tpu.vector_load %arg5[%get3A_62] {strides = array<i32>} : memref<6400xi32, #tpu.memory_space<vmem>>, vector<16xi32>,
        %sub3A_64 = vector.broadcast %mul3A_30 : i32 to vector<16xi32>
        %sub3A_65 = arith.subi %get3A_63, %sub3A_64 : vector<16xi32>
        %mul3A_66 = arith.constant 16 : i32
        %mul3A_67 = arith.muli %scan3A_59, %mul3A_66 : i32
        %get3A_68 = arith.index_cast %mul3A_67 : i32 to index
        %get3A_69 = tpu.vector_load %arg6[%get3A_68] {strides = array<i32>} : memref<6400xi32, #tpu.memory_space<vmem>>, vector<16xi32>,
        %sub3A_70 = vector.broadcast %mul3A_30 : i32 to vector<16xi32>
        %sub3A_71 = arith.subi %get3A_69, %sub3A_70 : vector<16xi32>
        tpu.vector_store_idx %arg7[%sub3A_65], %broadcast_in_dim3A_3 {add = true} : memref<800xf32, #tpu.memory_space<vmem>>[vector<16xi32>], vector<16xf32>,
        %add3A_72 = arith.constant 400 : i32
        %add3A_73 = vector.broadcast %add3A_72 : i32 to vector<16xi32>
        %add3A_74 = arith.addi %sub3A_71, %add3A_73 : vector<16xi32>
        tpu.vector_store_idx %arg7[%add3A_74], %broadcast_in_dim3A_3 {add = true} : memref<800xf32, #tpu.memory_space<vmem>>[vector<16xi32>], vector<16xf32>,
        %scan3A_75 = arith.constant 0 : i32
        %scan3A_76 = arith.constant 2 : i32
        %scan3A_77 = arith.addi %scan3A_42, %scan3A_76 : i32
        %mul3A_78 = arith.constant 16 : i32
        %mul3A_79 = arith.muli %scan3A_77, %mul3A_78 : i32
        %get3A_80 = arith.index_cast %mul3A_79 : i32 to index
        %get3A_81 = tpu.vector_load %arg5[%get3A_80] {strides = array<i32>} : memref<6400xi32, #tpu.memory_space<vmem>>, vector<16xi32>,
        %sub3A_82 = vector.broadcast %mul3A_30 : i32 to vector<16xi32>
        %sub3A_83 = arith.subi %get3A_81, %sub3A_82 : vector<16xi32>
        %mul3A_84 = arith.constant 16 : i32
        %mul3A_85 = arith.muli %scan3A_77, %mul3A_84 : i32
        %get3A_86 = arith.index_cast %mul3A_85 : i32 to index
        %get3A_87 = tpu.vector_load %arg6[%get3A_86] {strides = array<i32>} : memref<6400xi32, #tpu.memory_space<vmem>>, vector<16xi32>,
        %sub3A_88 = vector.broadcast %mul3A_30 : i32 to vector<16xi32>
        %sub3A_89 = arith.subi %get3A_87, %sub3A_88 : vector<16xi32>
        tpu.vector_store_idx %arg7[%sub3A_83], %broadcast_in_dim3A_3 {add = true} : memref<800xf32, #tpu.memory_space<vmem>>[vector<16xi32>], vector<16xf32>,
        %add3A_90 = arith.constant 400 : i32
        %add3A_91 = vector.broadcast %add3A_90 : i32 to vector<16xi32>
        %add3A_92 = arith.addi %sub3A_89, %add3A_91 : vector<16xi32>
        tpu.vector_store_idx %arg7[%add3A_92], %broadcast_in_dim3A_3 {add = true} : memref<800xf32, #tpu.memory_space<vmem>>[vector<16xi32>], vector<16xf32>,
        %scan3A_93 = arith.constant 0 : i32
        %scan3A_94 = arith.constant 3 : i32
        %scan3A_95 = arith.addi %scan3A_42, %scan3A_94 : i32
        %mul3A_96 = arith.constant 16 : i32
        %mul3A_97 = arith.muli %scan3A_95, %mul3A_96 : i32
        %get3A_98 = arith.index_cast %mul3A_97 : i32 to index
        %get3A_99 = tpu.vector_load %arg5[%get3A_98] {strides = array<i32>} : memref<6400xi32, #tpu.memory_space<vmem>>, vector<16xi32>,
        %sub3A_100 = vector.broadcast %mul3A_30 : i32 to vector<16xi32>
        %sub3A_101 = arith.subi %get3A_99, %sub3A_100 : vector<16xi32>
        %mul3A_102 = arith.constant 16 : i32
        %mul3A_103 = arith.muli %scan3A_95, %mul3A_102 : i32
        %get3A_104 = arith.index_cast %mul3A_103 : i32 to index
        %get3A_105 = tpu.vector_load %arg6[%get3A_104] {strides = array<i32>} : memref<6400xi32, #tpu.memory_space<vmem>>, vector<16xi32>,
        %sub3A_106 = vector.broadcast %mul3A_30 : i32 to vector<16xi32>
        %sub3A_107 = arith.subi %get3A_105, %sub3A_106 : vector<16xi32>
        tpu.vector_store_idx %arg7[%sub3A_101], %broadcast_in_dim3A_3 {add = true} : memref<800xf32, #tpu.memory_space<vmem>>[vector<16xi32>], vector<16xf32>,
        %add3A_108 = arith.constant 400 : i32
        %add3A_109 = vector.broadcast %add3A_108 : i32 to vector<16xi32>
        %add3A_110 = arith.addi %sub3A_107, %add3A_109 : vector<16xi32>
        tpu.vector_store_idx %arg7[%add3A_110], %broadcast_in_dim3A_3 {add = true} : memref<800xf32, #tpu.memory_space<vmem>>[vector<16xi32>], vector<16xf32>,
        %scan3A_111 = arith.constant 0 : i32
        scf.yield %scan3A_111 : i32
      }
      %scan3A_37 = arith.constant 400 : i32
      %mul3A_38 = arith.constant 2 : i32
      %mul3A_39 = arith.muli %add3A, %mul3A_38 : i32
      %mul3A_40 = arith.constant 400 : i32
      %mul3A_41 = arith.muli %mul3A_39, %mul3A_40 : i32
      "tpu.region"() ({
        %run_scoped3A = tpu.sem_alloc : memref<!tpu.dma_semaphore, #tpu.memory_space<semaphore_mem>>
        %dma_start3A = tpu.memref_slice %arg4[%mul3A_41] : memref<20000xf32, #tpu.memory_space<hbm>> -> memref<800xf32, #tpu.memory_space<hbm>>
        %dma_start3A_42 = tpu.memref_slice %arg4[%mul3A_41] : memref<20000xf32, #tpu.memory_space<hbm>> -> memref<800xf32, #tpu.memory_space<hbm>>
        tpu.enqueue_dma source(%arg7 : memref<800xf32, #tpu.memory_space<vmem>>) target(%dma_start3A_42 : memref<800xf32, #tpu.memory_space<hbm>>) target_semaphore(%run_scoped3A : memref<!tpu.dma_semaphore, #tpu.memory_space<semaphore_mem>>)
        %dma_wait3A = tpu.memref_slice %arg4[%mul3A_41] : memref<20000xf32, #tpu.memory_space<hbm>> -> memref<800xf32, #tpu.memory_space<hbm>>
        %dma_wait3A_43 = tpu.memref_slice %arg4[%mul3A_41] : memref<20000xf32, #tpu.memory_space<hbm>> -> memref<800xf32, #tpu.memory_space<hbm>>
        tpu.wait_dma2 semaphore(%run_scoped3A : memref<!tpu.dma_semaphore, #tpu.memory_space<semaphore_mem>>) src(%arg7 : memref<800xf32, #tpu.memory_space<vmem>>) dst(%dma_wait3A_43 : memref<800xf32, #tpu.memory_space<hbm>>)
        tpu.yield
      }) : () -> ()
    } else {
    }
    return
  }
}

#map = affine_map<(d0, d1) -> (0, 0)>
#map1 = affine_map<(d0, d1) -> (0)>
module attributes {stable_mosaic.version = 14 : i64} {
  func.func @k(%arg0: i32, %arg1: i32, %arg2: memref<10000x128xf32, #tpu.memory_space<hbm>>, %arg3: memref<160000xi32, #tpu.memory_space<hbm>>, %arg4: memref<160000x128xf32, #tpu.memory_space<hbm>>, %arg5: memref<5000xi32, #tpu.memory_space<vmem>>, %arg6: memref<200x128xf32, #tpu.memory_space<vmem>>, %arg7: memref<200x128xf32, #tpu.memory_space<vmem>>, %arg8: memref<!tpu.dma_semaphore, #tpu.memory_space<semaphore_mem>>, %arg9: memref<!tpu.dma_semaphore, #tpu.memory_space<semaphore_mem>>) attributes {dimension_semantics = [#tpu.dimension_semantics<core_parallel>, #tpu.dimension_semantics<subcore_parallel>], iteration_bounds = array<i64: 2, 16>, scalar_prefetch = 0 : i64, scratch_operands = 5 : i64, tpu.core_type = #tpu.core_type<sc_vector_subcore>, window_params = [{transform_indices = #map}, {transform_indices = #map1}, {transform_indices = #map}]} {
    %mul3A = arith.constant 2 : i32
    %mul3A_0 = arith.muli %arg1, %mul3A : i32
    %add3A = arith.addi %mul3A_0, %arg0 : i32
    %mul3A_1 = arith.constant 5000 : i32
    %mul3A_2 = arith.muli %add3A, %mul3A_1 : i32
    "tpu.region"() ({
      %run_scoped3A = tpu.sem_alloc : memref<!tpu.dma_semaphore, #tpu.memory_space<semaphore_mem>>
      %dma_start3A_301 = tpu.memref_slice %arg3[%mul3A_2] : memref<160000xi32, #tpu.memory_space<hbm>> -> memref<5000xi32, #tpu.memory_space<hbm>>
      %dma_start3A_302 = tpu.memref_slice %arg3[%mul3A_2] : memref<160000xi32, #tpu.memory_space<hbm>> -> memref<5000xi32, #tpu.memory_space<hbm>>
      tpu.enqueue_dma source(%dma_start3A_302 : memref<5000xi32, #tpu.memory_space<hbm>>) target(%arg5 : memref<5000xi32, #tpu.memory_space<vmem>>) target_semaphore(%run_scoped3A : memref<!tpu.dma_semaphore, #tpu.memory_space<semaphore_mem>>)
      %dma_wait3A_303 = tpu.memref_slice %arg3[%mul3A_2] : memref<160000xi32, #tpu.memory_space<hbm>> -> memref<5000xi32, #tpu.memory_space<hbm>>
      %dma_wait3A_304 = tpu.memref_slice %arg3[%mul3A_2] : memref<160000xi32, #tpu.memory_space<hbm>> -> memref<5000xi32, #tpu.memory_space<hbm>>
      tpu.wait_dma2 semaphore(%run_scoped3A : memref<!tpu.dma_semaphore, #tpu.memory_space<semaphore_mem>>) src(%dma_wait3A_304 : memref<5000xi32, #tpu.memory_space<hbm>>) dst(%arg5 : memref<5000xi32, #tpu.memory_space<vmem>>)
      tpu.yield
    }) : () -> ()
    %dma_start3A = arith.constant 0 : i32
    %dma_start3A_3 = tpu.memref_slice %arg5[%dma_start3A] : memref<5000xi32, #tpu.memory_space<vmem>> -> memref<200xi32, #tpu.memory_space<vmem>>
    %dma_start3A_4 = arith.constant 0 : i32
    %dma_start3A_5 = arith.constant 0 : i32
    %dma_start3A_6 = tpu.memref_slice %arg2[%dma_start3A_4, %dma_start3A_5] : memref<10000x128xf32, #tpu.memory_space<hbm>> -> memref<10000x128xf32, #tpu.memory_space<hbm>>
    tpu.enqueue_indirect_dma source(%dma_start3A_6 : memref<10000x128xf32, #tpu.memory_space<hbm>>) target(%arg6 : memref<200x128xf32, #tpu.memory_space<vmem>>) offsets(%dma_start3A_3 : memref<200xi32, #tpu.memory_space<vmem>>) semaphore(%arg8 : memref<!tpu.dma_semaphore, #tpu.memory_space<semaphore_mem>>)
    %dma_start3A_7 = arith.constant 200 : i32
    %dma_start3A_8 = tpu.memref_slice %arg5[%dma_start3A_7] : memref<5000xi32, #tpu.memory_space<vmem>> -> memref<200xi32, #tpu.memory_space<vmem>>
    %dma_start3A_9 = arith.constant 0 : i32
    %dma_start3A_10 = arith.constant 0 : i32
    %dma_start3A_11 = tpu.memref_slice %arg2[%dma_start3A_9, %dma_start3A_10] : memref<10000x128xf32, #tpu.memory_space<hbm>> -> memref<10000x128xf32, #tpu.memory_space<hbm>>
    tpu.enqueue_indirect_dma source(%dma_start3A_11 : memref<10000x128xf32, #tpu.memory_space<hbm>>) target(%arg7 : memref<200x128xf32, #tpu.memory_space<vmem>>) offsets(%dma_start3A_8 : memref<200xi32, #tpu.memory_space<vmem>>) semaphore(%arg9 : memref<!tpu.dma_semaphore, #tpu.memory_space<semaphore_mem>>)
    %dma_wait3A = arith.constant 0 : i32
    %dma_wait3A_12 = tpu.memref_slice %arg5[%dma_wait3A] : memref<5000xi32, #tpu.memory_space<vmem>> -> memref<200xi32, #tpu.memory_space<vmem>>
    %dma_wait3A_13 = arith.constant 0 : i32
    %dma_wait3A_14 = arith.constant 0 : i32
    %dma_wait3A_15 = tpu.memref_slice %arg2[%dma_wait3A_13, %dma_wait3A_14] : memref<10000x128xf32, #tpu.memory_space<hbm>> -> memref<10000x128xf32, #tpu.memory_space<hbm>>
    tpu.wait_indirect_dma semaphore(%arg8 : memref<!tpu.dma_semaphore, #tpu.memory_space<semaphore_mem>>) src(%dma_wait3A_15 : memref<10000x128xf32, #tpu.memory_space<hbm>>) dst(%arg6 : memref<200x128xf32, #tpu.memory_space<vmem>>)
    %add3A_16 = arith.constant 0 : i32
    %add3A_17 = arith.addi %mul3A_2, %add3A_16 : i32
    "tpu.region"() ({
      %run_scoped3A = tpu.sem_alloc : memref<!tpu.dma_semaphore, #tpu.memory_space<semaphore_mem>>
      %dma_start3A_301 = arith.constant 0 : i32
      %dma_start3A_302 = tpu.memref_slice %arg4[%add3A_17, %dma_start3A_301] : memref<160000x128xf32, #tpu.memory_space<hbm>> -> memref<200x128xf32, #tpu.memory_space<hbm>>
      %dma_start3A_303 = arith.constant 0 : i32
      %dma_start3A_304 = tpu.memref_slice %arg4[%add3A_17, %dma_start3A_303] : memref<160000x128xf32, #tpu.memory_space<hbm>> -> memref<200x128xf32, #tpu.memory_space<hbm>>
      tpu.enqueue_dma source(%arg6 : memref<200x128xf32, #tpu.memory_space<vmem>>) target(%dma_start3A_304 : memref<200x128xf32, #tpu.memory_space<hbm>>) target_semaphore(%run_scoped3A : memref<!tpu.dma_semaphore, #tpu.memory_space<semaphore_mem>>)
      %dma_wait3A_305 = arith.constant 0 : i32
      %dma_wait3A_306 = tpu.memref_slice %arg4[%add3A_17, %dma_wait3A_305] : memref<160000x128xf32, #tpu.memory_space<hbm>> -> memref<200x128xf32, #tpu.memory_space<hbm>>
      %dma_wait3A_307 = arith.constant 0 : i32
      %dma_wait3A_308 = tpu.memref_slice %arg4[%add3A_17, %dma_wait3A_307] : memref<160000x128xf32, #tpu.memory_space<hbm>> -> memref<200x128xf32, #tpu.memory_space<hbm>>
      tpu.wait_dma2 semaphore(%run_scoped3A : memref<!tpu.dma_semaphore, #tpu.memory_space<semaphore_mem>>) src(%arg6 : memref<200x128xf32, #tpu.memory_space<vmem>>) dst(%dma_wait3A_308 : memref<200x128xf32, #tpu.memory_space<hbm>>)
      tpu.yield
    }) : () -> ()
    %dma_start3A_18 = arith.constant 400 : i32
    %dma_start3A_19 = tpu.memref_slice %arg5[%dma_start3A_18] : memref<5000xi32, #tpu.memory_space<vmem>> -> memref<200xi32, #tpu.memory_space<vmem>>
    %dma_start3A_20 = arith.constant 0 : i32
    %dma_start3A_21 = arith.constant 0 : i32
    %dma_start3A_22 = tpu.memref_slice %arg2[%dma_start3A_20, %dma_start3A_21] : memref<10000x128xf32, #tpu.memory_space<hbm>> -> memref<10000x128xf32, #tpu.memory_space<hbm>>
    tpu.enqueue_indirect_dma source(%dma_start3A_22 : memref<10000x128xf32, #tpu.memory_space<hbm>>) target(%arg6 : memref<200x128xf32, #tpu.memory_space<vmem>>) offsets(%dma_start3A_19 : memref<200xi32, #tpu.memory_space<vmem>>) semaphore(%arg8 : memref<!tpu.dma_semaphore, #tpu.memory_space<semaphore_mem>>)
    %dma_wait3A_23 = arith.constant 200 : i32
    %dma_wait3A_24 = tpu.memref_slice %arg5[%dma_wait3A_23] : memref<5000xi32, #tpu.memory_space<vmem>> -> memref<200xi32, #tpu.memory_space<vmem>>
    %dma_wait3A_25 = arith.constant 0 : i32
    %dma_wait3A_26 = arith.constant 0 : i32
    %dma_wait3A_27 = tpu.memref_slice %arg2[%dma_wait3A_25, %dma_wait3A_26] : memref<10000x128xf32, #tpu.memory_space<hbm>> -> memref<10000x128xf32, #tpu.memory_space<hbm>>
    tpu.wait_indirect_dma semaphore(%arg9 : memref<!tpu.dma_semaphore, #tpu.memory_space<semaphore_mem>>) src(%dma_wait3A_27 : memref<10000x128xf32, #tpu.memory_space<hbm>>) dst(%arg7 : memref<200x128xf32, #tpu.memory_space<vmem>>)
    %add3A_28 = arith.constant 200 : i32
    %add3A_29 = arith.addi %mul3A_2, %add3A_28 : i32
    "tpu.region"() ({
      %run_scoped3A = tpu.sem_alloc : memref<!tpu.dma_semaphore, #tpu.memory_space<semaphore_mem>>
      %dma_start3A_301 = arith.constant 0 : i32
      %dma_start3A_302 = tpu.memref_slice %arg4[%add3A_29, %dma_start3A_301] : memref<160000x128xf32, #tpu.memory_space<hbm>> -> memref<200x128xf32, #tpu.memory_space<hbm>>
      %dma_start3A_303 = arith.constant 0 : i32
      %dma_start3A_304 = tpu.memref_slice %arg4[%add3A_29, %dma_start3A_303] : memref<160000x128xf32, #tpu.memory_space<hbm>> -> memref<200x128xf32, #tpu.memory_space<hbm>>
      tpu.enqueue_dma source(%arg7 : memref<200x128xf32, #tpu.memory_space<vmem>>) target(%dma_start3A_304 : memref<200x128xf32, #tpu.memory_space<hbm>>) target_semaphore(%run_scoped3A : memref<!tpu.dma_semaphore, #tpu.memory_space<semaphore_mem>>)
      %dma_wait3A_305 = arith.constant 0 : i32
      %dma_wait3A_306 = tpu.memref_slice %arg4[%add3A_29, %dma_wait3A_305] : memref<160000x128xf32, #tpu.memory_space<hbm>> -> memref<200x128xf32, #tpu.memory_space<hbm>>
      %dma_wait3A_307 = arith.constant 0 : i32
      %dma_wait3A_308 = tpu.memref_slice %arg4[%add3A_29, %dma_wait3A_307] : memref<160000x128xf32, #tpu.memory_space<hbm>> -> memref<200x128xf32, #tpu.memory_space<hbm>>
      tpu.wait_dma2 semaphore(%run_scoped3A : memref<!tpu.dma_semaphore, #tpu.memory_space<semaphore_mem>>) src(%arg7 : memref<200x128xf32, #tpu.memory_space<vmem>>) dst(%dma_wait3A_308 : memref<200x128xf32, #tpu.memory_space<hbm>>)
      tpu.yield
    }) : () -> ()
    %dma_start3A_30 = arith.constant 600 : i32
    %dma_start3A_31 = tpu.memref_slice %arg5[%dma_start3A_30] : memref<5000xi32, #tpu.memory_space<vmem>> -> memref<200xi32, #tpu.memory_space<vmem>>
    %dma_start3A_32 = arith.constant 0 : i32
    %dma_start3A_33 = arith.constant 0 : i32
    %dma_start3A_34 = tpu.memref_slice %arg2[%dma_start3A_32, %dma_start3A_33] : memref<10000x128xf32, #tpu.memory_space<hbm>> -> memref<10000x128xf32, #tpu.memory_space<hbm>>
    tpu.enqueue_indirect_dma source(%dma_start3A_34 : memref<10000x128xf32, #tpu.memory_space<hbm>>) target(%arg7 : memref<200x128xf32, #tpu.memory_space<vmem>>) offsets(%dma_start3A_31 : memref<200xi32, #tpu.memory_space<vmem>>) semaphore(%arg9 : memref<!tpu.dma_semaphore, #tpu.memory_space<semaphore_mem>>)
    %dma_wait3A_35 = arith.constant 400 : i32
    %dma_wait3A_36 = tpu.memref_slice %arg5[%dma_wait3A_35] : memref<5000xi32, #tpu.memory_space<vmem>> -> memref<200xi32, #tpu.memory_space<vmem>>
    %dma_wait3A_37 = arith.constant 0 : i32
    %dma_wait3A_38 = arith.constant 0 : i32
    %dma_wait3A_39 = tpu.memref_slice %arg2[%dma_wait3A_37, %dma_wait3A_38] : memref<10000x128xf32, #tpu.memory_space<hbm>> -> memref<10000x128xf32, #tpu.memory_space<hbm>>
    tpu.wait_indirect_dma semaphore(%arg8 : memref<!tpu.dma_semaphore, #tpu.memory_space<semaphore_mem>>) src(%dma_wait3A_39 : memref<10000x128xf32, #tpu.memory_space<hbm>>) dst(%arg6 : memref<200x128xf32, #tpu.memory_space<vmem>>)
    %add3A_40 = arith.constant 400 : i32
    %add3A_41 = arith.addi %mul3A_2, %add3A_40 : i32
    "tpu.region"() ({
      %run_scoped3A = tpu.sem_alloc : memref<!tpu.dma_semaphore, #tpu.memory_space<semaphore_mem>>
      %dma_start3A_301 = arith.constant 0 : i32
      %dma_start3A_302 = tpu.memref_slice %arg4[%add3A_41, %dma_start3A_301] : memref<160000x128xf32, #tpu.memory_space<hbm>> -> memref<200x128xf32, #tpu.memory_space<hbm>>
      %dma_start3A_303 = arith.constant 0 : i32
      %dma_start3A_304 = tpu.memref_slice %arg4[%add3A_41, %dma_start3A_303] : memref<160000x128xf32, #tpu.memory_space<hbm>> -> memref<200x128xf32, #tpu.memory_space<hbm>>
      tpu.enqueue_dma source(%arg6 : memref<200x128xf32, #tpu.memory_space<vmem>>) target(%dma_start3A_304 : memref<200x128xf32, #tpu.memory_space<hbm>>) target_semaphore(%run_scoped3A : memref<!tpu.dma_semaphore, #tpu.memory_space<semaphore_mem>>)
      %dma_wait3A_305 = arith.constant 0 : i32
      %dma_wait3A_306 = tpu.memref_slice %arg4[%add3A_41, %dma_wait3A_305] : memref<160000x128xf32, #tpu.memory_space<hbm>> -> memref<200x128xf32, #tpu.memory_space<hbm>>
      %dma_wait3A_307 = arith.constant 0 : i32
      %dma_wait3A_308 = tpu.memref_slice %arg4[%add3A_41, %dma_wait3A_307] : memref<160000x128xf32, #tpu.memory_space<hbm>> -> memref<200x128xf32, #tpu.memory_space<hbm>>
      tpu.wait_dma2 semaphore(%run_scoped3A : memref<!tpu.dma_semaphore, #tpu.memory_space<semaphore_mem>>) src(%arg6 : memref<200x128xf32, #tpu.memory_space<vmem>>) dst(%dma_wait3A_308 : memref<200x128xf32, #tpu.memory_space<hbm>>)
      tpu.yield
    }) : () -> ()
    %dma_start3A_42 = arith.constant 800 : i32
    %dma_start3A_43 = tpu.memref_slice %arg5[%dma_start3A_42] : memref<5000xi32, #tpu.memory_space<vmem>> -> memref<200xi32, #tpu.memory_space<vmem>>
    %dma_start3A_44 = arith.constant 0 : i32
    %dma_start3A_45 = arith.constant 0 : i32
    %dma_start3A_46 = tpu.memref_slice %arg2[%dma_start3A_44, %dma_start3A_45] : memref<10000x128xf32, #tpu.memory_space<hbm>> -> memref<10000x128xf32, #tpu.memory_space<hbm>>
    tpu.enqueue_indirect_dma source(%dma_start3A_46 : memref<10000x128xf32, #tpu.memory_space<hbm>>) target(%arg6 : memref<200x128xf32, #tpu.memory_space<vmem>>) offsets(%dma_start3A_43 : memref<200xi32, #tpu.memory_space<vmem>>) semaphore(%arg8 : memref<!tpu.dma_semaphore, #tpu.memory_space<semaphore_mem>>)
    %dma_wait3A_47 = arith.constant 600 : i32
    %dma_wait3A_48 = tpu.memref_slice %arg5[%dma_wait3A_47] : memref<5000xi32, #tpu.memory_space<vmem>> -> memref<200xi32, #tpu.memory_space<vmem>>
    %dma_wait3A_49 = arith.constant 0 : i32
    %dma_wait3A_50 = arith.constant 0 : i32
    %dma_wait3A_51 = tpu.memref_slice %arg2[%dma_wait3A_49, %dma_wait3A_50] : memref<10000x128xf32, #tpu.memory_space<hbm>> -> memref<10000x128xf32, #tpu.memory_space<hbm>>
    tpu.wait_indirect_dma semaphore(%arg9 : memref<!tpu.dma_semaphore, #tpu.memory_space<semaphore_mem>>) src(%dma_wait3A_51 : memref<10000x128xf32, #tpu.memory_space<hbm>>) dst(%arg7 : memref<200x128xf32, #tpu.memory_space<vmem>>)
    %add3A_52 = arith.constant 600 : i32
    %add3A_53 = arith.addi %mul3A_2, %add3A_52 : i32
    "tpu.region"() ({
      %run_scoped3A = tpu.sem_alloc : memref<!tpu.dma_semaphore, #tpu.memory_space<semaphore_mem>>
      %dma_start3A_301 = arith.constant 0 : i32
      %dma_start3A_302 = tpu.memref_slice %arg4[%add3A_53, %dma_start3A_301] : memref<160000x128xf32, #tpu.memory_space<hbm>> -> memref<200x128xf32, #tpu.memory_space<hbm>>
      %dma_start3A_303 = arith.constant 0 : i32
      %dma_start3A_304 = tpu.memref_slice %arg4[%add3A_53, %dma_start3A_303] : memref<160000x128xf32, #tpu.memory_space<hbm>> -> memref<200x128xf32, #tpu.memory_space<hbm>>
      tpu.enqueue_dma source(%arg7 : memref<200x128xf32, #tpu.memory_space<vmem>>) target(%dma_start3A_304 : memref<200x128xf32, #tpu.memory_space<hbm>>) target_semaphore(%run_scoped3A : memref<!tpu.dma_semaphore, #tpu.memory_space<semaphore_mem>>)
      %dma_wait3A_305 = arith.constant 0 : i32
      %dma_wait3A_306 = tpu.memref_slice %arg4[%add3A_53, %dma_wait3A_305] : memref<160000x128xf32, #tpu.memory_space<hbm>> -> memref<200x128xf32, #tpu.memory_space<hbm>>
      %dma_wait3A_307 = arith.constant 0 : i32
      %dma_wait3A_308 = tpu.memref_slice %arg4[%add3A_53, %dma_wait3A_307] : memref<160000x128xf32, #tpu.memory_space<hbm>> -> memref<200x128xf32, #tpu.memory_space<hbm>>
      tpu.wait_dma2 semaphore(%run_scoped3A : memref<!tpu.dma_semaphore, #tpu.memory_space<semaphore_mem>>) src(%arg7 : memref<200x128xf32, #tpu.memory_space<vmem>>) dst(%dma_wait3A_308 : memref<200x128xf32, #tpu.memory_space<hbm>>)
      tpu.yield
    }) : () -> ()
    %dma_start3A_54 = arith.constant 1000 : i32
    %dma_start3A_55 = tpu.memref_slice %arg5[%dma_start3A_54] : memref<5000xi32, #tpu.memory_space<vmem>> -> memref<200xi32, #tpu.memory_space<vmem>>
    %dma_start3A_56 = arith.constant 0 : i32
    %dma_start3A_57 = arith.constant 0 : i32
    %dma_start3A_58 = tpu.memref_slice %arg2[%dma_start3A_56, %dma_start3A_57] : memref<10000x128xf32, #tpu.memory_space<hbm>> -> memref<10000x128xf32, #tpu.memory_space<hbm>>
    tpu.enqueue_indirect_dma source(%dma_start3A_58 : memref<10000x128xf32, #tpu.memory_space<hbm>>) target(%arg7 : memref<200x128xf32, #tpu.memory_space<vmem>>) offsets(%dma_start3A_55 : memref<200xi32, #tpu.memory_space<vmem>>) semaphore(%arg9 : memref<!tpu.dma_semaphore, #tpu.memory_space<semaphore_mem>>)
    %dma_wait3A_59 = arith.constant 800 : i32
    %dma_wait3A_60 = tpu.memref_slice %arg5[%dma_wait3A_59] : memref<5000xi32, #tpu.memory_space<vmem>> -> memref<200xi32, #tpu.memory_space<vmem>>
    %dma_wait3A_61 = arith.constant 0 : i32
    %dma_wait3A_62 = arith.constant 0 : i32
    %dma_wait3A_63 = tpu.memref_slice %arg2[%dma_wait3A_61, %dma_wait3A_62] : memref<10000x128xf32, #tpu.memory_space<hbm>> -> memref<10000x128xf32, #tpu.memory_space<hbm>>
    tpu.wait_indirect_dma semaphore(%arg8 : memref<!tpu.dma_semaphore, #tpu.memory_space<semaphore_mem>>) src(%dma_wait3A_63 : memref<10000x128xf32, #tpu.memory_space<hbm>>) dst(%arg6 : memref<200x128xf32, #tpu.memory_space<vmem>>)
    %add3A_64 = arith.constant 800 : i32
    %add3A_65 = arith.addi %mul3A_2, %add3A_64 : i32
    "tpu.region"() ({
      %run_scoped3A = tpu.sem_alloc : memref<!tpu.dma_semaphore, #tpu.memory_space<semaphore_mem>>
      %dma_start3A_301 = arith.constant 0 : i32
      %dma_start3A_302 = tpu.memref_slice %arg4[%add3A_65, %dma_start3A_301] : memref<160000x128xf32, #tpu.memory_space<hbm>> -> memref<200x128xf32, #tpu.memory_space<hbm>>
      %dma_start3A_303 = arith.constant 0 : i32
      %dma_start3A_304 = tpu.memref_slice %arg4[%add3A_65, %dma_start3A_303] : memref<160000x128xf32, #tpu.memory_space<hbm>> -> memref<200x128xf32, #tpu.memory_space<hbm>>
      tpu.enqueue_dma source(%arg6 : memref<200x128xf32, #tpu.memory_space<vmem>>) target(%dma_start3A_304 : memref<200x128xf32, #tpu.memory_space<hbm>>) target_semaphore(%run_scoped3A : memref<!tpu.dma_semaphore, #tpu.memory_space<semaphore_mem>>)
      %dma_wait3A_305 = arith.constant 0 : i32
      %dma_wait3A_306 = tpu.memref_slice %arg4[%add3A_65, %dma_wait3A_305] : memref<160000x128xf32, #tpu.memory_space<hbm>> -> memref<200x128xf32, #tpu.memory_space<hbm>>
      %dma_wait3A_307 = arith.constant 0 : i32
      %dma_wait3A_308 = tpu.memref_slice %arg4[%add3A_65, %dma_wait3A_307] : memref<160000x128xf32, #tpu.memory_space<hbm>> -> memref<200x128xf32, #tpu.memory_space<hbm>>
      tpu.wait_dma2 semaphore(%run_scoped3A : memref<!tpu.dma_semaphore, #tpu.memory_space<semaphore_mem>>) src(%arg6 : memref<200x128xf32, #tpu.memory_space<vmem>>) dst(%dma_wait3A_308 : memref<200x128xf32, #tpu.memory_space<hbm>>)
      tpu.yield
    }) : () -> ()
    %dma_start3A_66 = arith.constant 1200 : i32
    %dma_start3A_67 = tpu.memref_slice %arg5[%dma_start3A_66] : memref<5000xi32, #tpu.memory_space<vmem>> -> memref<200xi32, #tpu.memory_space<vmem>>
    %dma_start3A_68 = arith.constant 0 : i32
    %dma_start3A_69 = arith.constant 0 : i32
    %dma_start3A_70 = tpu.memref_slice %arg2[%dma_start3A_68, %dma_start3A_69] : memref<10000x128xf32, #tpu.memory_space<hbm>> -> memref<10000x128xf32, #tpu.memory_space<hbm>>
    tpu.enqueue_indirect_dma source(%dma_start3A_70 : memref<10000x128xf32, #tpu.memory_space<hbm>>) target(%arg6 : memref<200x128xf32, #tpu.memory_space<vmem>>) offsets(%dma_start3A_67 : memref<200xi32, #tpu.memory_space<vmem>>) semaphore(%arg8 : memref<!tpu.dma_semaphore, #tpu.memory_space<semaphore_mem>>)
    %dma_wait3A_71 = arith.constant 1000 : i32
    %dma_wait3A_72 = tpu.memref_slice %arg5[%dma_wait3A_71] : memref<5000xi32, #tpu.memory_space<vmem>> -> memref<200xi32, #tpu.memory_space<vmem>>
    %dma_wait3A_73 = arith.constant 0 : i32
    %dma_wait3A_74 = arith.constant 0 : i32
    %dma_wait3A_75 = tpu.memref_slice %arg2[%dma_wait3A_73, %dma_wait3A_74] : memref<10000x128xf32, #tpu.memory_space<hbm>> -> memref<10000x128xf32, #tpu.memory_space<hbm>>
    tpu.wait_indirect_dma semaphore(%arg9 : memref<!tpu.dma_semaphore, #tpu.memory_space<semaphore_mem>>) src(%dma_wait3A_75 : memref<10000x128xf32, #tpu.memory_space<hbm>>) dst(%arg7 : memref<200x128xf32, #tpu.memory_space<vmem>>)
    %add3A_76 = arith.constant 1000 : i32
    %add3A_77 = arith.addi %mul3A_2, %add3A_76 : i32
    "tpu.region"() ({
      %run_scoped3A = tpu.sem_alloc : memref<!tpu.dma_semaphore, #tpu.memory_space<semaphore_mem>>
      %dma_start3A_301 = arith.constant 0 : i32
      %dma_start3A_302 = tpu.memref_slice %arg4[%add3A_77, %dma_start3A_301] : memref<160000x128xf32, #tpu.memory_space<hbm>> -> memref<200x128xf32, #tpu.memory_space<hbm>>
      %dma_start3A_303 = arith.constant 0 : i32
      %dma_start3A_304 = tpu.memref_slice %arg4[%add3A_77, %dma_start3A_303] : memref<160000x128xf32, #tpu.memory_space<hbm>> -> memref<200x128xf32, #tpu.memory_space<hbm>>
      tpu.enqueue_dma source(%arg7 : memref<200x128xf32, #tpu.memory_space<vmem>>) target(%dma_start3A_304 : memref<200x128xf32, #tpu.memory_space<hbm>>) target_semaphore(%run_scoped3A : memref<!tpu.dma_semaphore, #tpu.memory_space<semaphore_mem>>)
      %dma_wait3A_305 = arith.constant 0 : i32
      %dma_wait3A_306 = tpu.memref_slice %arg4[%add3A_77, %dma_wait3A_305] : memref<160000x128xf32, #tpu.memory_space<hbm>> -> memref<200x128xf32, #tpu.memory_space<hbm>>
      %dma_wait3A_307 = arith.constant 0 : i32
      %dma_wait3A_308 = tpu.memref_slice %arg4[%add3A_77, %dma_wait3A_307] : memref<160000x128xf32, #tpu.memory_space<hbm>> -> memref<200x128xf32, #tpu.memory_space<hbm>>
      tpu.wait_dma2 semaphore(%run_scoped3A : memref<!tpu.dma_semaphore, #tpu.memory_space<semaphore_mem>>) src(%arg7 : memref<200x128xf32, #tpu.memory_space<vmem>>) dst(%dma_wait3A_308 : memref<200x128xf32, #tpu.memory_space<hbm>>)
      tpu.yield
    }) : () -> ()
    %dma_start3A_78 = arith.constant 1400 : i32
    %dma_start3A_79 = tpu.memref_slice %arg5[%dma_start3A_78] : memref<5000xi32, #tpu.memory_space<vmem>> -> memref<200xi32, #tpu.memory_space<vmem>>
    %dma_start3A_80 = arith.constant 0 : i32
    %dma_start3A_81 = arith.constant 0 : i32
    %dma_start3A_82 = tpu.memref_slice %arg2[%dma_start3A_80, %dma_start3A_81] : memref<10000x128xf32, #tpu.memory_space<hbm>> -> memref<10000x128xf32, #tpu.memory_space<hbm>>
    tpu.enqueue_indirect_dma source(%dma_start3A_82 : memref<10000x128xf32, #tpu.memory_space<hbm>>) target(%arg7 : memref<200x128xf32, #tpu.memory_space<vmem>>) offsets(%dma_start3A_79 : memref<200xi32, #tpu.memory_space<vmem>>) semaphore(%arg9 : memref<!tpu.dma_semaphore, #tpu.memory_space<semaphore_mem>>)
    %dma_wait3A_83 = arith.constant 1200 : i32
    %dma_wait3A_84 = tpu.memref_slice %arg5[%dma_wait3A_83] : memref<5000xi32, #tpu.memory_space<vmem>> -> memref<200xi32, #tpu.memory_space<vmem>>
    %dma_wait3A_85 = arith.constant 0 : i32
    %dma_wait3A_86 = arith.constant 0 : i32
    %dma_wait3A_87 = tpu.memref_slice %arg2[%dma_wait3A_85, %dma_wait3A_86] : memref<10000x128xf32, #tpu.memory_space<hbm>> -> memref<10000x128xf32, #tpu.memory_space<hbm>>
    tpu.wait_indirect_dma semaphore(%arg8 : memref<!tpu.dma_semaphore, #tpu.memory_space<semaphore_mem>>) src(%dma_wait3A_87 : memref<10000x128xf32, #tpu.memory_space<hbm>>) dst(%arg6 : memref<200x128xf32, #tpu.memory_space<vmem>>)
    %add3A_88 = arith.constant 1200 : i32
    %add3A_89 = arith.addi %mul3A_2, %add3A_88 : i32
    "tpu.region"() ({
      %run_scoped3A = tpu.sem_alloc : memref<!tpu.dma_semaphore, #tpu.memory_space<semaphore_mem>>
      %dma_start3A_301 = arith.constant 0 : i32
      %dma_start3A_302 = tpu.memref_slice %arg4[%add3A_89, %dma_start3A_301] : memref<160000x128xf32, #tpu.memory_space<hbm>> -> memref<200x128xf32, #tpu.memory_space<hbm>>
      %dma_start3A_303 = arith.constant 0 : i32
      %dma_start3A_304 = tpu.memref_slice %arg4[%add3A_89, %dma_start3A_303] : memref<160000x128xf32, #tpu.memory_space<hbm>> -> memref<200x128xf32, #tpu.memory_space<hbm>>
      tpu.enqueue_dma source(%arg6 : memref<200x128xf32, #tpu.memory_space<vmem>>) target(%dma_start3A_304 : memref<200x128xf32, #tpu.memory_space<hbm>>) target_semaphore(%run_scoped3A : memref<!tpu.dma_semaphore, #tpu.memory_space<semaphore_mem>>)
      %dma_wait3A_305 = arith.constant 0 : i32
      %dma_wait3A_306 = tpu.memref_slice %arg4[%add3A_89, %dma_wait3A_305] : memref<160000x128xf32, #tpu.memory_space<hbm>> -> memref<200x128xf32, #tpu.memory_space<hbm>>
      %dma_wait3A_307 = arith.constant 0 : i32
      %dma_wait3A_308 = tpu.memref_slice %arg4[%add3A_89, %dma_wait3A_307] : memref<160000x128xf32, #tpu.memory_space<hbm>> -> memref<200x128xf32, #tpu.memory_space<hbm>>
      tpu.wait_dma2 semaphore(%run_scoped3A : memref<!tpu.dma_semaphore, #tpu.memory_space<semaphore_mem>>) src(%arg6 : memref<200x128xf32, #tpu.memory_space<vmem>>) dst(%dma_wait3A_308 : memref<200x128xf32, #tpu.memory_space<hbm>>)
      tpu.yield
    }) : () -> ()
    %dma_start3A_90 = arith.constant 1600 : i32
    %dma_start3A_91 = tpu.memref_slice %arg5[%dma_start3A_90] : memref<5000xi32, #tpu.memory_space<vmem>> -> memref<200xi32, #tpu.memory_space<vmem>>
    %dma_start3A_92 = arith.constant 0 : i32
    %dma_start3A_93 = arith.constant 0 : i32
    %dma_start3A_94 = tpu.memref_slice %arg2[%dma_start3A_92, %dma_start3A_93] : memref<10000x128xf32, #tpu.memory_space<hbm>> -> memref<10000x128xf32, #tpu.memory_space<hbm>>
    tpu.enqueue_indirect_dma source(%dma_start3A_94 : memref<10000x128xf32, #tpu.memory_space<hbm>>) target(%arg6 : memref<200x128xf32, #tpu.memory_space<vmem>>) offsets(%dma_start3A_91 : memref<200xi32, #tpu.memory_space<vmem>>) semaphore(%arg8 : memref<!tpu.dma_semaphore, #tpu.memory_space<semaphore_mem>>)
    %dma_wait3A_95 = arith.constant 1400 : i32
    %dma_wait3A_96 = tpu.memref_slice %arg5[%dma_wait3A_95] : memref<5000xi32, #tpu.memory_space<vmem>> -> memref<200xi32, #tpu.memory_space<vmem>>
    %dma_wait3A_97 = arith.constant 0 : i32
    %dma_wait3A_98 = arith.constant 0 : i32
    %dma_wait3A_99 = tpu.memref_slice %arg2[%dma_wait3A_97, %dma_wait3A_98] : memref<10000x128xf32, #tpu.memory_space<hbm>> -> memref<10000x128xf32, #tpu.memory_space<hbm>>
    tpu.wait_indirect_dma semaphore(%arg9 : memref<!tpu.dma_semaphore, #tpu.memory_space<semaphore_mem>>) src(%dma_wait3A_99 : memref<10000x128xf32, #tpu.memory_space<hbm>>) dst(%arg7 : memref<200x128xf32, #tpu.memory_space<vmem>>)
    %add3A_100 = arith.constant 1400 : i32
    %add3A_101 = arith.addi %mul3A_2, %add3A_100 : i32
    "tpu.region"() ({
      %run_scoped3A = tpu.sem_alloc : memref<!tpu.dma_semaphore, #tpu.memory_space<semaphore_mem>>
      %dma_start3A_301 = arith.constant 0 : i32
      %dma_start3A_302 = tpu.memref_slice %arg4[%add3A_101, %dma_start3A_301] : memref<160000x128xf32, #tpu.memory_space<hbm>> -> memref<200x128xf32, #tpu.memory_space<hbm>>
      %dma_start3A_303 = arith.constant 0 : i32
      %dma_start3A_304 = tpu.memref_slice %arg4[%add3A_101, %dma_start3A_303] : memref<160000x128xf32, #tpu.memory_space<hbm>> -> memref<200x128xf32, #tpu.memory_space<hbm>>
      tpu.enqueue_dma source(%arg7 : memref<200x128xf32, #tpu.memory_space<vmem>>) target(%dma_start3A_304 : memref<200x128xf32, #tpu.memory_space<hbm>>) target_semaphore(%run_scoped3A : memref<!tpu.dma_semaphore, #tpu.memory_space<semaphore_mem>>)
      %dma_wait3A_305 = arith.constant 0 : i32
      %dma_wait3A_306 = tpu.memref_slice %arg4[%add3A_101, %dma_wait3A_305] : memref<160000x128xf32, #tpu.memory_space<hbm>> -> memref<200x128xf32, #tpu.memory_space<hbm>>
      %dma_wait3A_307 = arith.constant 0 : i32
      %dma_wait3A_308 = tpu.memref_slice %arg4[%add3A_101, %dma_wait3A_307] : memref<160000x128xf32, #tpu.memory_space<hbm>> -> memref<200x128xf32, #tpu.memory_space<hbm>>
      tpu.wait_dma2 semaphore(%run_scoped3A : memref<!tpu.dma_semaphore, #tpu.memory_space<semaphore_mem>>) src(%arg7 : memref<200x128xf32, #tpu.memory_space<vmem>>) dst(%dma_wait3A_308 : memref<200x128xf32, #tpu.memory_space<hbm>>)
      tpu.yield
    }) : () -> ()
    %dma_start3A_102 = arith.constant 1800 : i32
    %dma_start3A_103 = tpu.memref_slice %arg5[%dma_start3A_102] : memref<5000xi32, #tpu.memory_space<vmem>> -> memref<200xi32, #tpu.memory_space<vmem>>
    %dma_start3A_104 = arith.constant 0 : i32
    %dma_start3A_105 = arith.constant 0 : i32
    %dma_start3A_106 = tpu.memref_slice %arg2[%dma_start3A_104, %dma_start3A_105] : memref<10000x128xf32, #tpu.memory_space<hbm>> -> memref<10000x128xf32, #tpu.memory_space<hbm>>
    tpu.enqueue_indirect_dma source(%dma_start3A_106 : memref<10000x128xf32, #tpu.memory_space<hbm>>) target(%arg7 : memref<200x128xf32, #tpu.memory_space<vmem>>) offsets(%dma_start3A_103 : memref<200xi32, #tpu.memory_space<vmem>>) semaphore(%arg9 : memref<!tpu.dma_semaphore, #tpu.memory_space<semaphore_mem>>)
    %dma_wait3A_107 = arith.constant 1600 : i32
    %dma_wait3A_108 = tpu.memref_slice %arg5[%dma_wait3A_107] : memref<5000xi32, #tpu.memory_space<vmem>> -> memref<200xi32, #tpu.memory_space<vmem>>
    %dma_wait3A_109 = arith.constant 0 : i32
    %dma_wait3A_110 = arith.constant 0 : i32
    %dma_wait3A_111 = tpu.memref_slice %arg2[%dma_wait3A_109, %dma_wait3A_110] : memref<10000x128xf32, #tpu.memory_space<hbm>> -> memref<10000x128xf32, #tpu.memory_space<hbm>>
    tpu.wait_indirect_dma semaphore(%arg8 : memref<!tpu.dma_semaphore, #tpu.memory_space<semaphore_mem>>) src(%dma_wait3A_111 : memref<10000x128xf32, #tpu.memory_space<hbm>>) dst(%arg6 : memref<200x128xf32, #tpu.memory_space<vmem>>)
    %add3A_112 = arith.constant 1600 : i32
    %add3A_113 = arith.addi %mul3A_2, %add3A_112 : i32
    "tpu.region"() ({
      %run_scoped3A = tpu.sem_alloc : memref<!tpu.dma_semaphore, #tpu.memory_space<semaphore_mem>>
      %dma_start3A_301 = arith.constant 0 : i32
      %dma_start3A_302 = tpu.memref_slice %arg4[%add3A_113, %dma_start3A_301] : memref<160000x128xf32, #tpu.memory_space<hbm>> -> memref<200x128xf32, #tpu.memory_space<hbm>>
      %dma_start3A_303 = arith.constant 0 : i32
      %dma_start3A_304 = tpu.memref_slice %arg4[%add3A_113, %dma_start3A_303] : memref<160000x128xf32, #tpu.memory_space<hbm>> -> memref<200x128xf32, #tpu.memory_space<hbm>>
      tpu.enqueue_dma source(%arg6 : memref<200x128xf32, #tpu.memory_space<vmem>>) target(%dma_start3A_304 : memref<200x128xf32, #tpu.memory_space<hbm>>) target_semaphore(%run_scoped3A : memref<!tpu.dma_semaphore, #tpu.memory_space<semaphore_mem>>)
      %dma_wait3A_305 = arith.constant 0 : i32
      %dma_wait3A_306 = tpu.memref_slice %arg4[%add3A_113, %dma_wait3A_305] : memref<160000x128xf32, #tpu.memory_space<hbm>> -> memref<200x128xf32, #tpu.memory_space<hbm>>
      %dma_wait3A_307 = arith.constant 0 : i32
      %dma_wait3A_308 = tpu.memref_slice %arg4[%add3A_113, %dma_wait3A_307] : memref<160000x128xf32, #tpu.memory_space<hbm>> -> memref<200x128xf32, #tpu.memory_space<hbm>>
      tpu.wait_dma2 semaphore(%run_scoped3A : memref<!tpu.dma_semaphore, #tpu.memory_space<semaphore_mem>>) src(%arg6 : memref<200x128xf32, #tpu.memory_space<vmem>>) dst(%dma_wait3A_308 : memref<200x128xf32, #tpu.memory_space<hbm>>)
      tpu.yield
    }) : () -> ()
    %dma_start3A_114 = arith.constant 2000 : i32
    %dma_start3A_115 = tpu.memref_slice %arg5[%dma_start3A_114] : memref<5000xi32, #tpu.memory_space<vmem>> -> memref<200xi32, #tpu.memory_space<vmem>>
    %dma_start3A_116 = arith.constant 0 : i32
    %dma_start3A_117 = arith.constant 0 : i32
    %dma_start3A_118 = tpu.memref_slice %arg2[%dma_start3A_116, %dma_start3A_117] : memref<10000x128xf32, #tpu.memory_space<hbm>> -> memref<10000x128xf32, #tpu.memory_space<hbm>>
    tpu.enqueue_indirect_dma source(%dma_start3A_118 : memref<10000x128xf32, #tpu.memory_space<hbm>>) target(%arg6 : memref<200x128xf32, #tpu.memory_space<vmem>>) offsets(%dma_start3A_115 : memref<200xi32, #tpu.memory_space<vmem>>) semaphore(%arg8 : memref<!tpu.dma_semaphore, #tpu.memory_space<semaphore_mem>>)
    %dma_wait3A_119 = arith.constant 1800 : i32
    %dma_wait3A_120 = tpu.memref_slice %arg5[%dma_wait3A_119] : memref<5000xi32, #tpu.memory_space<vmem>> -> memref<200xi32, #tpu.memory_space<vmem>>
    %dma_wait3A_121 = arith.constant 0 : i32
    %dma_wait3A_122 = arith.constant 0 : i32
    %dma_wait3A_123 = tpu.memref_slice %arg2[%dma_wait3A_121, %dma_wait3A_122] : memref<10000x128xf32, #tpu.memory_space<hbm>> -> memref<10000x128xf32, #tpu.memory_space<hbm>>
    tpu.wait_indirect_dma semaphore(%arg9 : memref<!tpu.dma_semaphore, #tpu.memory_space<semaphore_mem>>) src(%dma_wait3A_123 : memref<10000x128xf32, #tpu.memory_space<hbm>>) dst(%arg7 : memref<200x128xf32, #tpu.memory_space<vmem>>)
    %add3A_124 = arith.constant 1800 : i32
    %add3A_125 = arith.addi %mul3A_2, %add3A_124 : i32
    "tpu.region"() ({
      %run_scoped3A = tpu.sem_alloc : memref<!tpu.dma_semaphore, #tpu.memory_space<semaphore_mem>>
      %dma_start3A_301 = arith.constant 0 : i32
      %dma_start3A_302 = tpu.memref_slice %arg4[%add3A_125, %dma_start3A_301] : memref<160000x128xf32, #tpu.memory_space<hbm>> -> memref<200x128xf32, #tpu.memory_space<hbm>>
      %dma_start3A_303 = arith.constant 0 : i32
      %dma_start3A_304 = tpu.memref_slice %arg4[%add3A_125, %dma_start3A_303] : memref<160000x128xf32, #tpu.memory_space<hbm>> -> memref<200x128xf32, #tpu.memory_space<hbm>>
      tpu.enqueue_dma source(%arg7 : memref<200x128xf32, #tpu.memory_space<vmem>>) target(%dma_start3A_304 : memref<200x128xf32, #tpu.memory_space<hbm>>) target_semaphore(%run_scoped3A : memref<!tpu.dma_semaphore, #tpu.memory_space<semaphore_mem>>)
      %dma_wait3A_305 = arith.constant 0 : i32
      %dma_wait3A_306 = tpu.memref_slice %arg4[%add3A_125, %dma_wait3A_305] : memref<160000x128xf32, #tpu.memory_space<hbm>> -> memref<200x128xf32, #tpu.memory_space<hbm>>
      %dma_wait3A_307 = arith.constant 0 : i32
      %dma_wait3A_308 = tpu.memref_slice %arg4[%add3A_125, %dma_wait3A_307] : memref<160000x128xf32, #tpu.memory_space<hbm>> -> memref<200x128xf32, #tpu.memory_space<hbm>>
      tpu.wait_dma2 semaphore(%run_scoped3A : memref<!tpu.dma_semaphore, #tpu.memory_space<semaphore_mem>>) src(%arg7 : memref<200x128xf32, #tpu.memory_space<vmem>>) dst(%dma_wait3A_308 : memref<200x128xf32, #tpu.memory_space<hbm>>)
      tpu.yield
    }) : () -> ()
    %dma_start3A_126 = arith.constant 2200 : i32
    %dma_start3A_127 = tpu.memref_slice %arg5[%dma_start3A_126] : memref<5000xi32, #tpu.memory_space<vmem>> -> memref<200xi32, #tpu.memory_space<vmem>>
    %dma_start3A_128 = arith.constant 0 : i32
    %dma_start3A_129 = arith.constant 0 : i32
    %dma_start3A_130 = tpu.memref_slice %arg2[%dma_start3A_128, %dma_start3A_129] : memref<10000x128xf32, #tpu.memory_space<hbm>> -> memref<10000x128xf32, #tpu.memory_space<hbm>>
    tpu.enqueue_indirect_dma source(%dma_start3A_130 : memref<10000x128xf32, #tpu.memory_space<hbm>>) target(%arg7 : memref<200x128xf32, #tpu.memory_space<vmem>>) offsets(%dma_start3A_127 : memref<200xi32, #tpu.memory_space<vmem>>) semaphore(%arg9 : memref<!tpu.dma_semaphore, #tpu.memory_space<semaphore_mem>>)
    %dma_wait3A_131 = arith.constant 2000 : i32
    %dma_wait3A_132 = tpu.memref_slice %arg5[%dma_wait3A_131] : memref<5000xi32, #tpu.memory_space<vmem>> -> memref<200xi32, #tpu.memory_space<vmem>>
    %dma_wait3A_133 = arith.constant 0 : i32
    %dma_wait3A_134 = arith.constant 0 : i32
    %dma_wait3A_135 = tpu.memref_slice %arg2[%dma_wait3A_133, %dma_wait3A_134] : memref<10000x128xf32, #tpu.memory_space<hbm>> -> memref<10000x128xf32, #tpu.memory_space<hbm>>
    tpu.wait_indirect_dma semaphore(%arg8 : memref<!tpu.dma_semaphore, #tpu.memory_space<semaphore_mem>>) src(%dma_wait3A_135 : memref<10000x128xf32, #tpu.memory_space<hbm>>) dst(%arg6 : memref<200x128xf32, #tpu.memory_space<vmem>>)
    %add3A_136 = arith.constant 2000 : i32
    %add3A_137 = arith.addi %mul3A_2, %add3A_136 : i32
    "tpu.region"() ({
      %run_scoped3A = tpu.sem_alloc : memref<!tpu.dma_semaphore, #tpu.memory_space<semaphore_mem>>
      %dma_start3A_301 = arith.constant 0 : i32
      %dma_start3A_302 = tpu.memref_slice %arg4[%add3A_137, %dma_start3A_301] : memref<160000x128xf32, #tpu.memory_space<hbm>> -> memref<200x128xf32, #tpu.memory_space<hbm>>
      %dma_start3A_303 = arith.constant 0 : i32
      %dma_start3A_304 = tpu.memref_slice %arg4[%add3A_137, %dma_start3A_303] : memref<160000x128xf32, #tpu.memory_space<hbm>> -> memref<200x128xf32, #tpu.memory_space<hbm>>
      tpu.enqueue_dma source(%arg6 : memref<200x128xf32, #tpu.memory_space<vmem>>) target(%dma_start3A_304 : memref<200x128xf32, #tpu.memory_space<hbm>>) target_semaphore(%run_scoped3A : memref<!tpu.dma_semaphore, #tpu.memory_space<semaphore_mem>>)
      %dma_wait3A_305 = arith.constant 0 : i32
      %dma_wait3A_306 = tpu.memref_slice %arg4[%add3A_137, %dma_wait3A_305] : memref<160000x128xf32, #tpu.memory_space<hbm>> -> memref<200x128xf32, #tpu.memory_space<hbm>>
      %dma_wait3A_307 = arith.constant 0 : i32
      %dma_wait3A_308 = tpu.memref_slice %arg4[%add3A_137, %dma_wait3A_307] : memref<160000x128xf32, #tpu.memory_space<hbm>> -> memref<200x128xf32, #tpu.memory_space<hbm>>
      tpu.wait_dma2 semaphore(%run_scoped3A : memref<!tpu.dma_semaphore, #tpu.memory_space<semaphore_mem>>) src(%arg6 : memref<200x128xf32, #tpu.memory_space<vmem>>) dst(%dma_wait3A_308 : memref<200x128xf32, #tpu.memory_space<hbm>>)
      tpu.yield
    }) : () -> ()
    %dma_start3A_138 = arith.constant 2400 : i32
    %dma_start3A_139 = tpu.memref_slice %arg5[%dma_start3A_138] : memref<5000xi32, #tpu.memory_space<vmem>> -> memref<200xi32, #tpu.memory_space<vmem>>
    %dma_start3A_140 = arith.constant 0 : i32
    %dma_start3A_141 = arith.constant 0 : i32
    %dma_start3A_142 = tpu.memref_slice %arg2[%dma_start3A_140, %dma_start3A_141] : memref<10000x128xf32, #tpu.memory_space<hbm>> -> memref<10000x128xf32, #tpu.memory_space<hbm>>
    tpu.enqueue_indirect_dma source(%dma_start3A_142 : memref<10000x128xf32, #tpu.memory_space<hbm>>) target(%arg6 : memref<200x128xf32, #tpu.memory_space<vmem>>) offsets(%dma_start3A_139 : memref<200xi32, #tpu.memory_space<vmem>>) semaphore(%arg8 : memref<!tpu.dma_semaphore, #tpu.memory_space<semaphore_mem>>)
    %dma_wait3A_143 = arith.constant 2200 : i32
    %dma_wait3A_144 = tpu.memref_slice %arg5[%dma_wait3A_143] : memref<5000xi32, #tpu.memory_space<vmem>> -> memref<200xi32, #tpu.memory_space<vmem>>
    %dma_wait3A_145 = arith.constant 0 : i32
    %dma_wait3A_146 = arith.constant 0 : i32
    %dma_wait3A_147 = tpu.memref_slice %arg2[%dma_wait3A_145, %dma_wait3A_146] : memref<10000x128xf32, #tpu.memory_space<hbm>> -> memref<10000x128xf32, #tpu.memory_space<hbm>>
    tpu.wait_indirect_dma semaphore(%arg9 : memref<!tpu.dma_semaphore, #tpu.memory_space<semaphore_mem>>) src(%dma_wait3A_147 : memref<10000x128xf32, #tpu.memory_space<hbm>>) dst(%arg7 : memref<200x128xf32, #tpu.memory_space<vmem>>)
    %add3A_148 = arith.constant 2200 : i32
    %add3A_149 = arith.addi %mul3A_2, %add3A_148 : i32
    "tpu.region"() ({
      %run_scoped3A = tpu.sem_alloc : memref<!tpu.dma_semaphore, #tpu.memory_space<semaphore_mem>>
      %dma_start3A_301 = arith.constant 0 : i32
      %dma_start3A_302 = tpu.memref_slice %arg4[%add3A_149, %dma_start3A_301] : memref<160000x128xf32, #tpu.memory_space<hbm>> -> memref<200x128xf32, #tpu.memory_space<hbm>>
      %dma_start3A_303 = arith.constant 0 : i32
      %dma_start3A_304 = tpu.memref_slice %arg4[%add3A_149, %dma_start3A_303] : memref<160000x128xf32, #tpu.memory_space<hbm>> -> memref<200x128xf32, #tpu.memory_space<hbm>>
      tpu.enqueue_dma source(%arg7 : memref<200x128xf32, #tpu.memory_space<vmem>>) target(%dma_start3A_304 : memref<200x128xf32, #tpu.memory_space<hbm>>) target_semaphore(%run_scoped3A : memref<!tpu.dma_semaphore, #tpu.memory_space<semaphore_mem>>)
      %dma_wait3A_305 = arith.constant 0 : i32
      %dma_wait3A_306 = tpu.memref_slice %arg4[%add3A_149, %dma_wait3A_305] : memref<160000x128xf32, #tpu.memory_space<hbm>> -> memref<200x128xf32, #tpu.memory_space<hbm>>
      %dma_wait3A_307 = arith.constant 0 : i32
      %dma_wait3A_308 = tpu.memref_slice %arg4[%add3A_149, %dma_wait3A_307] : memref<160000x128xf32, #tpu.memory_space<hbm>> -> memref<200x128xf32, #tpu.memory_space<hbm>>
      tpu.wait_dma2 semaphore(%run_scoped3A : memref<!tpu.dma_semaphore, #tpu.memory_space<semaphore_mem>>) src(%arg7 : memref<200x128xf32, #tpu.memory_space<vmem>>) dst(%dma_wait3A_308 : memref<200x128xf32, #tpu.memory_space<hbm>>)
      tpu.yield
    }) : () -> ()
    %dma_start3A_150 = arith.constant 2600 : i32
    %dma_start3A_151 = tpu.memref_slice %arg5[%dma_start3A_150] : memref<5000xi32, #tpu.memory_space<vmem>> -> memref<200xi32, #tpu.memory_space<vmem>>
    %dma_start3A_152 = arith.constant 0 : i32
    %dma_start3A_153 = arith.constant 0 : i32
    %dma_start3A_154 = tpu.memref_slice %arg2[%dma_start3A_152, %dma_start3A_153] : memref<10000x128xf32, #tpu.memory_space<hbm>> -> memref<10000x128xf32, #tpu.memory_space<hbm>>
    tpu.enqueue_indirect_dma source(%dma_start3A_154 : memref<10000x128xf32, #tpu.memory_space<hbm>>) target(%arg7 : memref<200x128xf32, #tpu.memory_space<vmem>>) offsets(%dma_start3A_151 : memref<200xi32, #tpu.memory_space<vmem>>) semaphore(%arg9 : memref<!tpu.dma_semaphore, #tpu.memory_space<semaphore_mem>>)
    %dma_wait3A_155 = arith.constant 2400 : i32
    %dma_wait3A_156 = tpu.memref_slice %arg5[%dma_wait3A_155] : memref<5000xi32, #tpu.memory_space<vmem>> -> memref<200xi32, #tpu.memory_space<vmem>>
    %dma_wait3A_157 = arith.constant 0 : i32
    %dma_wait3A_158 = arith.constant 0 : i32
    %dma_wait3A_159 = tpu.memref_slice %arg2[%dma_wait3A_157, %dma_wait3A_158] : memref<10000x128xf32, #tpu.memory_space<hbm>> -> memref<10000x128xf32, #tpu.memory_space<hbm>>
    tpu.wait_indirect_dma semaphore(%arg8 : memref<!tpu.dma_semaphore, #tpu.memory_space<semaphore_mem>>) src(%dma_wait3A_159 : memref<10000x128xf32, #tpu.memory_space<hbm>>) dst(%arg6 : memref<200x128xf32, #tpu.memory_space<vmem>>)
    %add3A_160 = arith.constant 2400 : i32
    %add3A_161 = arith.addi %mul3A_2, %add3A_160 : i32
    "tpu.region"() ({
      %run_scoped3A = tpu.sem_alloc : memref<!tpu.dma_semaphore, #tpu.memory_space<semaphore_mem>>
      %dma_start3A_301 = arith.constant 0 : i32
      %dma_start3A_302 = tpu.memref_slice %arg4[%add3A_161, %dma_start3A_301] : memref<160000x128xf32, #tpu.memory_space<hbm>> -> memref<200x128xf32, #tpu.memory_space<hbm>>
      %dma_start3A_303 = arith.constant 0 : i32
      %dma_start3A_304 = tpu.memref_slice %arg4[%add3A_161, %dma_start3A_303] : memref<160000x128xf32, #tpu.memory_space<hbm>> -> memref<200x128xf32, #tpu.memory_space<hbm>>
      tpu.enqueue_dma source(%arg6 : memref<200x128xf32, #tpu.memory_space<vmem>>) target(%dma_start3A_304 : memref<200x128xf32, #tpu.memory_space<hbm>>) target_semaphore(%run_scoped3A : memref<!tpu.dma_semaphore, #tpu.memory_space<semaphore_mem>>)
      %dma_wait3A_305 = arith.constant 0 : i32
      %dma_wait3A_306 = tpu.memref_slice %arg4[%add3A_161, %dma_wait3A_305] : memref<160000x128xf32, #tpu.memory_space<hbm>> -> memref<200x128xf32, #tpu.memory_space<hbm>>
      %dma_wait3A_307 = arith.constant 0 : i32
      %dma_wait3A_308 = tpu.memref_slice %arg4[%add3A_161, %dma_wait3A_307] : memref<160000x128xf32, #tpu.memory_space<hbm>> -> memref<200x128xf32, #tpu.memory_space<hbm>>
      tpu.wait_dma2 semaphore(%run_scoped3A : memref<!tpu.dma_semaphore, #tpu.memory_space<semaphore_mem>>) src(%arg6 : memref<200x128xf32, #tpu.memory_space<vmem>>) dst(%dma_wait3A_308 : memref<200x128xf32, #tpu.memory_space<hbm>>)
      tpu.yield
    }) : () -> ()
    %dma_start3A_162 = arith.constant 2800 : i32
    %dma_start3A_163 = tpu.memref_slice %arg5[%dma_start3A_162] : memref<5000xi32, #tpu.memory_space<vmem>> -> memref<200xi32, #tpu.memory_space<vmem>>
    %dma_start3A_164 = arith.constant 0 : i32
    %dma_start3A_165 = arith.constant 0 : i32
    %dma_start3A_166 = tpu.memref_slice %arg2[%dma_start3A_164, %dma_start3A_165] : memref<10000x128xf32, #tpu.memory_space<hbm>> -> memref<10000x128xf32, #tpu.memory_space<hbm>>
    tpu.enqueue_indirect_dma source(%dma_start3A_166 : memref<10000x128xf32, #tpu.memory_space<hbm>>) target(%arg6 : memref<200x128xf32, #tpu.memory_space<vmem>>) offsets(%dma_start3A_163 : memref<200xi32, #tpu.memory_space<vmem>>) semaphore(%arg8 : memref<!tpu.dma_semaphore, #tpu.memory_space<semaphore_mem>>)
    %dma_wait3A_167 = arith.constant 2600 : i32
    %dma_wait3A_168 = tpu.memref_slice %arg5[%dma_wait3A_167] : memref<5000xi32, #tpu.memory_space<vmem>> -> memref<200xi32, #tpu.memory_space<vmem>>
    %dma_wait3A_169 = arith.constant 0 : i32
    %dma_wait3A_170 = arith.constant 0 : i32
    %dma_wait3A_171 = tpu.memref_slice %arg2[%dma_wait3A_169, %dma_wait3A_170] : memref<10000x128xf32, #tpu.memory_space<hbm>> -> memref<10000x128xf32, #tpu.memory_space<hbm>>
    tpu.wait_indirect_dma semaphore(%arg9 : memref<!tpu.dma_semaphore, #tpu.memory_space<semaphore_mem>>) src(%dma_wait3A_171 : memref<10000x128xf32, #tpu.memory_space<hbm>>) dst(%arg7 : memref<200x128xf32, #tpu.memory_space<vmem>>)
    %add3A_172 = arith.constant 2600 : i32
    %add3A_173 = arith.addi %mul3A_2, %add3A_172 : i32
    "tpu.region"() ({
      %run_scoped3A = tpu.sem_alloc : memref<!tpu.dma_semaphore, #tpu.memory_space<semaphore_mem>>
      %dma_start3A_301 = arith.constant 0 : i32
      %dma_start3A_302 = tpu.memref_slice %arg4[%add3A_173, %dma_start3A_301] : memref<160000x128xf32, #tpu.memory_space<hbm>> -> memref<200x128xf32, #tpu.memory_space<hbm>>
      %dma_start3A_303 = arith.constant 0 : i32
      %dma_start3A_304 = tpu.memref_slice %arg4[%add3A_173, %dma_start3A_303] : memref<160000x128xf32, #tpu.memory_space<hbm>> -> memref<200x128xf32, #tpu.memory_space<hbm>>
      tpu.enqueue_dma source(%arg7 : memref<200x128xf32, #tpu.memory_space<vmem>>) target(%dma_start3A_304 : memref<200x128xf32, #tpu.memory_space<hbm>>) target_semaphore(%run_scoped3A : memref<!tpu.dma_semaphore, #tpu.memory_space<semaphore_mem>>)
      %dma_wait3A_305 = arith.constant 0 : i32
      %dma_wait3A_306 = tpu.memref_slice %arg4[%add3A_173, %dma_wait3A_305] : memref<160000x128xf32, #tpu.memory_space<hbm>> -> memref<200x128xf32, #tpu.memory_space<hbm>>
      %dma_wait3A_307 = arith.constant 0 : i32
      %dma_wait3A_308 = tpu.memref_slice %arg4[%add3A_173, %dma_wait3A_307] : memref<160000x128xf32, #tpu.memory_space<hbm>> -> memref<200x128xf32, #tpu.memory_space<hbm>>
      tpu.wait_dma2 semaphore(%run_scoped3A : memref<!tpu.dma_semaphore, #tpu.memory_space<semaphore_mem>>) src(%arg7 : memref<200x128xf32, #tpu.memory_space<vmem>>) dst(%dma_wait3A_308 : memref<200x128xf32, #tpu.memory_space<hbm>>)
      tpu.yield
    }) : () -> ()
    %dma_start3A_174 = arith.constant 3000 : i32
    %dma_start3A_175 = tpu.memref_slice %arg5[%dma_start3A_174] : memref<5000xi32, #tpu.memory_space<vmem>> -> memref<200xi32, #tpu.memory_space<vmem>>
    %dma_start3A_176 = arith.constant 0 : i32
    %dma_start3A_177 = arith.constant 0 : i32
    %dma_start3A_178 = tpu.memref_slice %arg2[%dma_start3A_176, %dma_start3A_177] : memref<10000x128xf32, #tpu.memory_space<hbm>> -> memref<10000x128xf32, #tpu.memory_space<hbm>>
    tpu.enqueue_indirect_dma source(%dma_start3A_178 : memref<10000x128xf32, #tpu.memory_space<hbm>>) target(%arg7 : memref<200x128xf32, #tpu.memory_space<vmem>>) offsets(%dma_start3A_175 : memref<200xi32, #tpu.memory_space<vmem>>) semaphore(%arg9 : memref<!tpu.dma_semaphore, #tpu.memory_space<semaphore_mem>>)
    %dma_wait3A_179 = arith.constant 2800 : i32
    %dma_wait3A_180 = tpu.memref_slice %arg5[%dma_wait3A_179] : memref<5000xi32, #tpu.memory_space<vmem>> -> memref<200xi32, #tpu.memory_space<vmem>>
    %dma_wait3A_181 = arith.constant 0 : i32
    %dma_wait3A_182 = arith.constant 0 : i32
    %dma_wait3A_183 = tpu.memref_slice %arg2[%dma_wait3A_181, %dma_wait3A_182] : memref<10000x128xf32, #tpu.memory_space<hbm>> -> memref<10000x128xf32, #tpu.memory_space<hbm>>
    tpu.wait_indirect_dma semaphore(%arg8 : memref<!tpu.dma_semaphore, #tpu.memory_space<semaphore_mem>>) src(%dma_wait3A_183 : memref<10000x128xf32, #tpu.memory_space<hbm>>) dst(%arg6 : memref<200x128xf32, #tpu.memory_space<vmem>>)
    %add3A_184 = arith.constant 2800 : i32
    %add3A_185 = arith.addi %mul3A_2, %add3A_184 : i32
    "tpu.region"() ({
      %run_scoped3A = tpu.sem_alloc : memref<!tpu.dma_semaphore, #tpu.memory_space<semaphore_mem>>
      %dma_start3A_301 = arith.constant 0 : i32
      %dma_start3A_302 = tpu.memref_slice %arg4[%add3A_185, %dma_start3A_301] : memref<160000x128xf32, #tpu.memory_space<hbm>> -> memref<200x128xf32, #tpu.memory_space<hbm>>
      %dma_start3A_303 = arith.constant 0 : i32
      %dma_start3A_304 = tpu.memref_slice %arg4[%add3A_185, %dma_start3A_303] : memref<160000x128xf32, #tpu.memory_space<hbm>> -> memref<200x128xf32, #tpu.memory_space<hbm>>
      tpu.enqueue_dma source(%arg6 : memref<200x128xf32, #tpu.memory_space<vmem>>) target(%dma_start3A_304 : memref<200x128xf32, #tpu.memory_space<hbm>>) target_semaphore(%run_scoped3A : memref<!tpu.dma_semaphore, #tpu.memory_space<semaphore_mem>>)
      %dma_wait3A_305 = arith.constant 0 : i32
      %dma_wait3A_306 = tpu.memref_slice %arg4[%add3A_185, %dma_wait3A_305] : memref<160000x128xf32, #tpu.memory_space<hbm>> -> memref<200x128xf32, #tpu.memory_space<hbm>>
      %dma_wait3A_307 = arith.constant 0 : i32
      %dma_wait3A_308 = tpu.memref_slice %arg4[%add3A_185, %dma_wait3A_307] : memref<160000x128xf32, #tpu.memory_space<hbm>> -> memref<200x128xf32, #tpu.memory_space<hbm>>
      tpu.wait_dma2 semaphore(%run_scoped3A : memref<!tpu.dma_semaphore, #tpu.memory_space<semaphore_mem>>) src(%arg6 : memref<200x128xf32, #tpu.memory_space<vmem>>) dst(%dma_wait3A_308 : memref<200x128xf32, #tpu.memory_space<hbm>>)
      tpu.yield
    }) : () -> ()
    %dma_start3A_186 = arith.constant 3200 : i32
    %dma_start3A_187 = tpu.memref_slice %arg5[%dma_start3A_186] : memref<5000xi32, #tpu.memory_space<vmem>> -> memref<200xi32, #tpu.memory_space<vmem>>
    %dma_start3A_188 = arith.constant 0 : i32
    %dma_start3A_189 = arith.constant 0 : i32
    %dma_start3A_190 = tpu.memref_slice %arg2[%dma_start3A_188, %dma_start3A_189] : memref<10000x128xf32, #tpu.memory_space<hbm>> -> memref<10000x128xf32, #tpu.memory_space<hbm>>
    tpu.enqueue_indirect_dma source(%dma_start3A_190 : memref<10000x128xf32, #tpu.memory_space<hbm>>) target(%arg6 : memref<200x128xf32, #tpu.memory_space<vmem>>) offsets(%dma_start3A_187 : memref<200xi32, #tpu.memory_space<vmem>>) semaphore(%arg8 : memref<!tpu.dma_semaphore, #tpu.memory_space<semaphore_mem>>)
    %dma_wait3A_191 = arith.constant 3000 : i32
    %dma_wait3A_192 = tpu.memref_slice %arg5[%dma_wait3A_191] : memref<5000xi32, #tpu.memory_space<vmem>> -> memref<200xi32, #tpu.memory_space<vmem>>
    %dma_wait3A_193 = arith.constant 0 : i32
    %dma_wait3A_194 = arith.constant 0 : i32
    %dma_wait3A_195 = tpu.memref_slice %arg2[%dma_wait3A_193, %dma_wait3A_194] : memref<10000x128xf32, #tpu.memory_space<hbm>> -> memref<10000x128xf32, #tpu.memory_space<hbm>>
    tpu.wait_indirect_dma semaphore(%arg9 : memref<!tpu.dma_semaphore, #tpu.memory_space<semaphore_mem>>) src(%dma_wait3A_195 : memref<10000x128xf32, #tpu.memory_space<hbm>>) dst(%arg7 : memref<200x128xf32, #tpu.memory_space<vmem>>)
    %add3A_196 = arith.constant 3000 : i32
    %add3A_197 = arith.addi %mul3A_2, %add3A_196 : i32
    "tpu.region"() ({
      %run_scoped3A = tpu.sem_alloc : memref<!tpu.dma_semaphore, #tpu.memory_space<semaphore_mem>>
      %dma_start3A_301 = arith.constant 0 : i32
      %dma_start3A_302 = tpu.memref_slice %arg4[%add3A_197, %dma_start3A_301] : memref<160000x128xf32, #tpu.memory_space<hbm>> -> memref<200x128xf32, #tpu.memory_space<hbm>>
      %dma_start3A_303 = arith.constant 0 : i32
      %dma_start3A_304 = tpu.memref_slice %arg4[%add3A_197, %dma_start3A_303] : memref<160000x128xf32, #tpu.memory_space<hbm>> -> memref<200x128xf32, #tpu.memory_space<hbm>>
      tpu.enqueue_dma source(%arg7 : memref<200x128xf32, #tpu.memory_space<vmem>>) target(%dma_start3A_304 : memref<200x128xf32, #tpu.memory_space<hbm>>) target_semaphore(%run_scoped3A : memref<!tpu.dma_semaphore, #tpu.memory_space<semaphore_mem>>)
      %dma_wait3A_305 = arith.constant 0 : i32
      %dma_wait3A_306 = tpu.memref_slice %arg4[%add3A_197, %dma_wait3A_305] : memref<160000x128xf32, #tpu.memory_space<hbm>> -> memref<200x128xf32, #tpu.memory_space<hbm>>
      %dma_wait3A_307 = arith.constant 0 : i32
      %dma_wait3A_308 = tpu.memref_slice %arg4[%add3A_197, %dma_wait3A_307] : memref<160000x128xf32, #tpu.memory_space<hbm>> -> memref<200x128xf32, #tpu.memory_space<hbm>>
      tpu.wait_dma2 semaphore(%run_scoped3A : memref<!tpu.dma_semaphore, #tpu.memory_space<semaphore_mem>>) src(%arg7 : memref<200x128xf32, #tpu.memory_space<vmem>>) dst(%dma_wait3A_308 : memref<200x128xf32, #tpu.memory_space<hbm>>)
      tpu.yield
    }) : () -> ()
    %dma_start3A_198 = arith.constant 3400 : i32
    %dma_start3A_199 = tpu.memref_slice %arg5[%dma_start3A_198] : memref<5000xi32, #tpu.memory_space<vmem>> -> memref<200xi32, #tpu.memory_space<vmem>>
    %dma_start3A_200 = arith.constant 0 : i32
    %dma_start3A_201 = arith.constant 0 : i32
    %dma_start3A_202 = tpu.memref_slice %arg2[%dma_start3A_200, %dma_start3A_201] : memref<10000x128xf32, #tpu.memory_space<hbm>> -> memref<10000x128xf32, #tpu.memory_space<hbm>>
    tpu.enqueue_indirect_dma source(%dma_start3A_202 : memref<10000x128xf32, #tpu.memory_space<hbm>>) target(%arg7 : memref<200x128xf32, #tpu.memory_space<vmem>>) offsets(%dma_start3A_199 : memref<200xi32, #tpu.memory_space<vmem>>) semaphore(%arg9 : memref<!tpu.dma_semaphore, #tpu.memory_space<semaphore_mem>>)
    %dma_wait3A_203 = arith.constant 3200 : i32
    %dma_wait3A_204 = tpu.memref_slice %arg5[%dma_wait3A_203] : memref<5000xi32, #tpu.memory_space<vmem>> -> memref<200xi32, #tpu.memory_space<vmem>>
    %dma_wait3A_205 = arith.constant 0 : i32
    %dma_wait3A_206 = arith.constant 0 : i32
    %dma_wait3A_207 = tpu.memref_slice %arg2[%dma_wait3A_205, %dma_wait3A_206] : memref<10000x128xf32, #tpu.memory_space<hbm>> -> memref<10000x128xf32, #tpu.memory_space<hbm>>
    tpu.wait_indirect_dma semaphore(%arg8 : memref<!tpu.dma_semaphore, #tpu.memory_space<semaphore_mem>>) src(%dma_wait3A_207 : memref<10000x128xf32, #tpu.memory_space<hbm>>) dst(%arg6 : memref<200x128xf32, #tpu.memory_space<vmem>>)
    %add3A_208 = arith.constant 3200 : i32
    %add3A_209 = arith.addi %mul3A_2, %add3A_208 : i32
    "tpu.region"() ({
      %run_scoped3A = tpu.sem_alloc : memref<!tpu.dma_semaphore, #tpu.memory_space<semaphore_mem>>
      %dma_start3A_301 = arith.constant 0 : i32
      %dma_start3A_302 = tpu.memref_slice %arg4[%add3A_209, %dma_start3A_301] : memref<160000x128xf32, #tpu.memory_space<hbm>> -> memref<200x128xf32, #tpu.memory_space<hbm>>
      %dma_start3A_303 = arith.constant 0 : i32
      %dma_start3A_304 = tpu.memref_slice %arg4[%add3A_209, %dma_start3A_303] : memref<160000x128xf32, #tpu.memory_space<hbm>> -> memref<200x128xf32, #tpu.memory_space<hbm>>
      tpu.enqueue_dma source(%arg6 : memref<200x128xf32, #tpu.memory_space<vmem>>) target(%dma_start3A_304 : memref<200x128xf32, #tpu.memory_space<hbm>>) target_semaphore(%run_scoped3A : memref<!tpu.dma_semaphore, #tpu.memory_space<semaphore_mem>>)
      %dma_wait3A_305 = arith.constant 0 : i32
      %dma_wait3A_306 = tpu.memref_slice %arg4[%add3A_209, %dma_wait3A_305] : memref<160000x128xf32, #tpu.memory_space<hbm>> -> memref<200x128xf32, #tpu.memory_space<hbm>>
      %dma_wait3A_307 = arith.constant 0 : i32
      %dma_wait3A_308 = tpu.memref_slice %arg4[%add3A_209, %dma_wait3A_307] : memref<160000x128xf32, #tpu.memory_space<hbm>> -> memref<200x128xf32, #tpu.memory_space<hbm>>
      tpu.wait_dma2 semaphore(%run_scoped3A : memref<!tpu.dma_semaphore, #tpu.memory_space<semaphore_mem>>) src(%arg6 : memref<200x128xf32, #tpu.memory_space<vmem>>) dst(%dma_wait3A_308 : memref<200x128xf32, #tpu.memory_space<hbm>>)
      tpu.yield
    }) : () -> ()
    %dma_start3A_210 = arith.constant 3600 : i32
    %dma_start3A_211 = tpu.memref_slice %arg5[%dma_start3A_210] : memref<5000xi32, #tpu.memory_space<vmem>> -> memref<200xi32, #tpu.memory_space<vmem>>
    %dma_start3A_212 = arith.constant 0 : i32
    %dma_start3A_213 = arith.constant 0 : i32
    %dma_start3A_214 = tpu.memref_slice %arg2[%dma_start3A_212, %dma_start3A_213] : memref<10000x128xf32, #tpu.memory_space<hbm>> -> memref<10000x128xf32, #tpu.memory_space<hbm>>
    tpu.enqueue_indirect_dma source(%dma_start3A_214 : memref<10000x128xf32, #tpu.memory_space<hbm>>) target(%arg6 : memref<200x128xf32, #tpu.memory_space<vmem>>) offsets(%dma_start3A_211 : memref<200xi32, #tpu.memory_space<vmem>>) semaphore(%arg8 : memref<!tpu.dma_semaphore, #tpu.memory_space<semaphore_mem>>)
    %dma_wait3A_215 = arith.constant 3400 : i32
    %dma_wait3A_216 = tpu.memref_slice %arg5[%dma_wait3A_215] : memref<5000xi32, #tpu.memory_space<vmem>> -> memref<200xi32, #tpu.memory_space<vmem>>
    %dma_wait3A_217 = arith.constant 0 : i32
    %dma_wait3A_218 = arith.constant 0 : i32
    %dma_wait3A_219 = tpu.memref_slice %arg2[%dma_wait3A_217, %dma_wait3A_218] : memref<10000x128xf32, #tpu.memory_space<hbm>> -> memref<10000x128xf32, #tpu.memory_space<hbm>>
    tpu.wait_indirect_dma semaphore(%arg9 : memref<!tpu.dma_semaphore, #tpu.memory_space<semaphore_mem>>) src(%dma_wait3A_219 : memref<10000x128xf32, #tpu.memory_space<hbm>>) dst(%arg7 : memref<200x128xf32, #tpu.memory_space<vmem>>)
    %add3A_220 = arith.constant 3400 : i32
    %add3A_221 = arith.addi %mul3A_2, %add3A_220 : i32
    "tpu.region"() ({
      %run_scoped3A = tpu.sem_alloc : memref<!tpu.dma_semaphore, #tpu.memory_space<semaphore_mem>>
      %dma_start3A_301 = arith.constant 0 : i32
      %dma_start3A_302 = tpu.memref_slice %arg4[%add3A_221, %dma_start3A_301] : memref<160000x128xf32, #tpu.memory_space<hbm>> -> memref<200x128xf32, #tpu.memory_space<hbm>>
      %dma_start3A_303 = arith.constant 0 : i32
      %dma_start3A_304 = tpu.memref_slice %arg4[%add3A_221, %dma_start3A_303] : memref<160000x128xf32, #tpu.memory_space<hbm>> -> memref<200x128xf32, #tpu.memory_space<hbm>>
      tpu.enqueue_dma source(%arg7 : memref<200x128xf32, #tpu.memory_space<vmem>>) target(%dma_start3A_304 : memref<200x128xf32, #tpu.memory_space<hbm>>) target_semaphore(%run_scoped3A : memref<!tpu.dma_semaphore, #tpu.memory_space<semaphore_mem>>)
      %dma_wait3A_305 = arith.constant 0 : i32
      %dma_wait3A_306 = tpu.memref_slice %arg4[%add3A_221, %dma_wait3A_305] : memref<160000x128xf32, #tpu.memory_space<hbm>> -> memref<200x128xf32, #tpu.memory_space<hbm>>
      %dma_wait3A_307 = arith.constant 0 : i32
      %dma_wait3A_308 = tpu.memref_slice %arg4[%add3A_221, %dma_wait3A_307] : memref<160000x128xf32, #tpu.memory_space<hbm>> -> memref<200x128xf32, #tpu.memory_space<hbm>>
      tpu.wait_dma2 semaphore(%run_scoped3A : memref<!tpu.dma_semaphore, #tpu.memory_space<semaphore_mem>>) src(%arg7 : memref<200x128xf32, #tpu.memory_space<vmem>>) dst(%dma_wait3A_308 : memref<200x128xf32, #tpu.memory_space<hbm>>)
      tpu.yield
    }) : () -> ()
    %dma_start3A_222 = arith.constant 3800 : i32
    %dma_start3A_223 = tpu.memref_slice %arg5[%dma_start3A_222] : memref<5000xi32, #tpu.memory_space<vmem>> -> memref<200xi32, #tpu.memory_space<vmem>>
    %dma_start3A_224 = arith.constant 0 : i32
    %dma_start3A_225 = arith.constant 0 : i32
    %dma_start3A_226 = tpu.memref_slice %arg2[%dma_start3A_224, %dma_start3A_225] : memref<10000x128xf32, #tpu.memory_space<hbm>> -> memref<10000x128xf32, #tpu.memory_space<hbm>>
    tpu.enqueue_indirect_dma source(%dma_start3A_226 : memref<10000x128xf32, #tpu.memory_space<hbm>>) target(%arg7 : memref<200x128xf32, #tpu.memory_space<vmem>>) offsets(%dma_start3A_223 : memref<200xi32, #tpu.memory_space<vmem>>) semaphore(%arg9 : memref<!tpu.dma_semaphore, #tpu.memory_space<semaphore_mem>>)
    %dma_wait3A_227 = arith.constant 3600 : i32
    %dma_wait3A_228 = tpu.memref_slice %arg5[%dma_wait3A_227] : memref<5000xi32, #tpu.memory_space<vmem>> -> memref<200xi32, #tpu.memory_space<vmem>>
    %dma_wait3A_229 = arith.constant 0 : i32
    %dma_wait3A_230 = arith.constant 0 : i32
    %dma_wait3A_231 = tpu.memref_slice %arg2[%dma_wait3A_229, %dma_wait3A_230] : memref<10000x128xf32, #tpu.memory_space<hbm>> -> memref<10000x128xf32, #tpu.memory_space<hbm>>
    tpu.wait_indirect_dma semaphore(%arg8 : memref<!tpu.dma_semaphore, #tpu.memory_space<semaphore_mem>>) src(%dma_wait3A_231 : memref<10000x128xf32, #tpu.memory_space<hbm>>) dst(%arg6 : memref<200x128xf32, #tpu.memory_space<vmem>>)
    %add3A_232 = arith.constant 3600 : i32
    %add3A_233 = arith.addi %mul3A_2, %add3A_232 : i32
    "tpu.region"() ({
      %run_scoped3A = tpu.sem_alloc : memref<!tpu.dma_semaphore, #tpu.memory_space<semaphore_mem>>
      %dma_start3A_301 = arith.constant 0 : i32
      %dma_start3A_302 = tpu.memref_slice %arg4[%add3A_233, %dma_start3A_301] : memref<160000x128xf32, #tpu.memory_space<hbm>> -> memref<200x128xf32, #tpu.memory_space<hbm>>
      %dma_start3A_303 = arith.constant 0 : i32
      %dma_start3A_304 = tpu.memref_slice %arg4[%add3A_233, %dma_start3A_303] : memref<160000x128xf32, #tpu.memory_space<hbm>> -> memref<200x128xf32, #tpu.memory_space<hbm>>
      tpu.enqueue_dma source(%arg6 : memref<200x128xf32, #tpu.memory_space<vmem>>) target(%dma_start3A_304 : memref<200x128xf32, #tpu.memory_space<hbm>>) target_semaphore(%run_scoped3A : memref<!tpu.dma_semaphore, #tpu.memory_space<semaphore_mem>>)
      %dma_wait3A_305 = arith.constant 0 : i32
      %dma_wait3A_306 = tpu.memref_slice %arg4[%add3A_233, %dma_wait3A_305] : memref<160000x128xf32, #tpu.memory_space<hbm>> -> memref<200x128xf32, #tpu.memory_space<hbm>>
      %dma_wait3A_307 = arith.constant 0 : i32
      %dma_wait3A_308 = tpu.memref_slice %arg4[%add3A_233, %dma_wait3A_307] : memref<160000x128xf32, #tpu.memory_space<hbm>> -> memref<200x128xf32, #tpu.memory_space<hbm>>
      tpu.wait_dma2 semaphore(%run_scoped3A : memref<!tpu.dma_semaphore, #tpu.memory_space<semaphore_mem>>) src(%arg6 : memref<200x128xf32, #tpu.memory_space<vmem>>) dst(%dma_wait3A_308 : memref<200x128xf32, #tpu.memory_space<hbm>>)
      tpu.yield
    }) : () -> ()
    %dma_start3A_234 = arith.constant 4000 : i32
    %dma_start3A_235 = tpu.memref_slice %arg5[%dma_start3A_234] : memref<5000xi32, #tpu.memory_space<vmem>> -> memref<200xi32, #tpu.memory_space<vmem>>
    %dma_start3A_236 = arith.constant 0 : i32
    %dma_start3A_237 = arith.constant 0 : i32
    %dma_start3A_238 = tpu.memref_slice %arg2[%dma_start3A_236, %dma_start3A_237] : memref<10000x128xf32, #tpu.memory_space<hbm>> -> memref<10000x128xf32, #tpu.memory_space<hbm>>
    tpu.enqueue_indirect_dma source(%dma_start3A_238 : memref<10000x128xf32, #tpu.memory_space<hbm>>) target(%arg6 : memref<200x128xf32, #tpu.memory_space<vmem>>) offsets(%dma_start3A_235 : memref<200xi32, #tpu.memory_space<vmem>>) semaphore(%arg8 : memref<!tpu.dma_semaphore, #tpu.memory_space<semaphore_mem>>)
    %dma_wait3A_239 = arith.constant 3800 : i32
    %dma_wait3A_240 = tpu.memref_slice %arg5[%dma_wait3A_239] : memref<5000xi32, #tpu.memory_space<vmem>> -> memref<200xi32, #tpu.memory_space<vmem>>
    %dma_wait3A_241 = arith.constant 0 : i32
    %dma_wait3A_242 = arith.constant 0 : i32
    %dma_wait3A_243 = tpu.memref_slice %arg2[%dma_wait3A_241, %dma_wait3A_242] : memref<10000x128xf32, #tpu.memory_space<hbm>> -> memref<10000x128xf32, #tpu.memory_space<hbm>>
    tpu.wait_indirect_dma semaphore(%arg9 : memref<!tpu.dma_semaphore, #tpu.memory_space<semaphore_mem>>) src(%dma_wait3A_243 : memref<10000x128xf32, #tpu.memory_space<hbm>>) dst(%arg7 : memref<200x128xf32, #tpu.memory_space<vmem>>)
    %add3A_244 = arith.constant 3800 : i32
    %add3A_245 = arith.addi %mul3A_2, %add3A_244 : i32
    "tpu.region"() ({
      %run_scoped3A = tpu.sem_alloc : memref<!tpu.dma_semaphore, #tpu.memory_space<semaphore_mem>>
      %dma_start3A_301 = arith.constant 0 : i32
      %dma_start3A_302 = tpu.memref_slice %arg4[%add3A_245, %dma_start3A_301] : memref<160000x128xf32, #tpu.memory_space<hbm>> -> memref<200x128xf32, #tpu.memory_space<hbm>>
      %dma_start3A_303 = arith.constant 0 : i32
      %dma_start3A_304 = tpu.memref_slice %arg4[%add3A_245, %dma_start3A_303] : memref<160000x128xf32, #tpu.memory_space<hbm>> -> memref<200x128xf32, #tpu.memory_space<hbm>>
      tpu.enqueue_dma source(%arg7 : memref<200x128xf32, #tpu.memory_space<vmem>>) target(%dma_start3A_304 : memref<200x128xf32, #tpu.memory_space<hbm>>) target_semaphore(%run_scoped3A : memref<!tpu.dma_semaphore, #tpu.memory_space<semaphore_mem>>)
      %dma_wait3A_305 = arith.constant 0 : i32
      %dma_wait3A_306 = tpu.memref_slice %arg4[%add3A_245, %dma_wait3A_305] : memref<160000x128xf32, #tpu.memory_space<hbm>> -> memref<200x128xf32, #tpu.memory_space<hbm>>
      %dma_wait3A_307 = arith.constant 0 : i32
      %dma_wait3A_308 = tpu.memref_slice %arg4[%add3A_245, %dma_wait3A_307] : memref<160000x128xf32, #tpu.memory_space<hbm>> -> memref<200x128xf32, #tpu.memory_space<hbm>>
      tpu.wait_dma2 semaphore(%run_scoped3A : memref<!tpu.dma_semaphore, #tpu.memory_space<semaphore_mem>>) src(%arg7 : memref<200x128xf32, #tpu.memory_space<vmem>>) dst(%dma_wait3A_308 : memref<200x128xf32, #tpu.memory_space<hbm>>)
      tpu.yield
    }) : () -> ()
    %dma_start3A_246 = arith.constant 4200 : i32
    %dma_start3A_247 = tpu.memref_slice %arg5[%dma_start3A_246] : memref<5000xi32, #tpu.memory_space<vmem>> -> memref<200xi32, #tpu.memory_space<vmem>>
    %dma_start3A_248 = arith.constant 0 : i32
    %dma_start3A_249 = arith.constant 0 : i32
    %dma_start3A_250 = tpu.memref_slice %arg2[%dma_start3A_248, %dma_start3A_249] : memref<10000x128xf32, #tpu.memory_space<hbm>> -> memref<10000x128xf32, #tpu.memory_space<hbm>>
    tpu.enqueue_indirect_dma source(%dma_start3A_250 : memref<10000x128xf32, #tpu.memory_space<hbm>>) target(%arg7 : memref<200x128xf32, #tpu.memory_space<vmem>>) offsets(%dma_start3A_247 : memref<200xi32, #tpu.memory_space<vmem>>) semaphore(%arg9 : memref<!tpu.dma_semaphore, #tpu.memory_space<semaphore_mem>>)
    %dma_wait3A_251 = arith.constant 4000 : i32
    %dma_wait3A_252 = tpu.memref_slice %arg5[%dma_wait3A_251] : memref<5000xi32, #tpu.memory_space<vmem>> -> memref<200xi32, #tpu.memory_space<vmem>>
    %dma_wait3A_253 = arith.constant 0 : i32
    %dma_wait3A_254 = arith.constant 0 : i32
    %dma_wait3A_255 = tpu.memref_slice %arg2[%dma_wait3A_253, %dma_wait3A_254] : memref<10000x128xf32, #tpu.memory_space<hbm>> -> memref<10000x128xf32, #tpu.memory_space<hbm>>
    tpu.wait_indirect_dma semaphore(%arg8 : memref<!tpu.dma_semaphore, #tpu.memory_space<semaphore_mem>>) src(%dma_wait3A_255 : memref<10000x128xf32, #tpu.memory_space<hbm>>) dst(%arg6 : memref<200x128xf32, #tpu.memory_space<vmem>>)
    %add3A_256 = arith.constant 4000 : i32
    %add3A_257 = arith.addi %mul3A_2, %add3A_256 : i32
    "tpu.region"() ({
      %run_scoped3A = tpu.sem_alloc : memref<!tpu.dma_semaphore, #tpu.memory_space<semaphore_mem>>
      %dma_start3A_301 = arith.constant 0 : i32
      %dma_start3A_302 = tpu.memref_slice %arg4[%add3A_257, %dma_start3A_301] : memref<160000x128xf32, #tpu.memory_space<hbm>> -> memref<200x128xf32, #tpu.memory_space<hbm>>
      %dma_start3A_303 = arith.constant 0 : i32
      %dma_start3A_304 = tpu.memref_slice %arg4[%add3A_257, %dma_start3A_303] : memref<160000x128xf32, #tpu.memory_space<hbm>> -> memref<200x128xf32, #tpu.memory_space<hbm>>
      tpu.enqueue_dma source(%arg6 : memref<200x128xf32, #tpu.memory_space<vmem>>) target(%dma_start3A_304 : memref<200x128xf32, #tpu.memory_space<hbm>>) target_semaphore(%run_scoped3A : memref<!tpu.dma_semaphore, #tpu.memory_space<semaphore_mem>>)
      %dma_wait3A_305 = arith.constant 0 : i32
      %dma_wait3A_306 = tpu.memref_slice %arg4[%add3A_257, %dma_wait3A_305] : memref<160000x128xf32, #tpu.memory_space<hbm>> -> memref<200x128xf32, #tpu.memory_space<hbm>>
      %dma_wait3A_307 = arith.constant 0 : i32
      %dma_wait3A_308 = tpu.memref_slice %arg4[%add3A_257, %dma_wait3A_307] : memref<160000x128xf32, #tpu.memory_space<hbm>> -> memref<200x128xf32, #tpu.memory_space<hbm>>
      tpu.wait_dma2 semaphore(%run_scoped3A : memref<!tpu.dma_semaphore, #tpu.memory_space<semaphore_mem>>) src(%arg6 : memref<200x128xf32, #tpu.memory_space<vmem>>) dst(%dma_wait3A_308 : memref<200x128xf32, #tpu.memory_space<hbm>>)
      tpu.yield
    }) : () -> ()
    %dma_start3A_258 = arith.constant 4400 : i32
    %dma_start3A_259 = tpu.memref_slice %arg5[%dma_start3A_258] : memref<5000xi32, #tpu.memory_space<vmem>> -> memref<200xi32, #tpu.memory_space<vmem>>
    %dma_start3A_260 = arith.constant 0 : i32
    %dma_start3A_261 = arith.constant 0 : i32
    %dma_start3A_262 = tpu.memref_slice %arg2[%dma_start3A_260, %dma_start3A_261] : memref<10000x128xf32, #tpu.memory_space<hbm>> -> memref<10000x128xf32, #tpu.memory_space<hbm>>
    tpu.enqueue_indirect_dma source(%dma_start3A_262 : memref<10000x128xf32, #tpu.memory_space<hbm>>) target(%arg6 : memref<200x128xf32, #tpu.memory_space<vmem>>) offsets(%dma_start3A_259 : memref<200xi32, #tpu.memory_space<vmem>>) semaphore(%arg8 : memref<!tpu.dma_semaphore, #tpu.memory_space<semaphore_mem>>)
    %dma_wait3A_263 = arith.constant 4200 : i32
    %dma_wait3A_264 = tpu.memref_slice %arg5[%dma_wait3A_263] : memref<5000xi32, #tpu.memory_space<vmem>> -> memref<200xi32, #tpu.memory_space<vmem>>
    %dma_wait3A_265 = arith.constant 0 : i32
    %dma_wait3A_266 = arith.constant 0 : i32
    %dma_wait3A_267 = tpu.memref_slice %arg2[%dma_wait3A_265, %dma_wait3A_266] : memref<10000x128xf32, #tpu.memory_space<hbm>> -> memref<10000x128xf32, #tpu.memory_space<hbm>>
    tpu.wait_indirect_dma semaphore(%arg9 : memref<!tpu.dma_semaphore, #tpu.memory_space<semaphore_mem>>) src(%dma_wait3A_267 : memref<10000x128xf32, #tpu.memory_space<hbm>>) dst(%arg7 : memref<200x128xf32, #tpu.memory_space<vmem>>)
    %add3A_268 = arith.constant 4200 : i32
    %add3A_269 = arith.addi %mul3A_2, %add3A_268 : i32
    "tpu.region"() ({
      %run_scoped3A = tpu.sem_alloc : memref<!tpu.dma_semaphore, #tpu.memory_space<semaphore_mem>>
      %dma_start3A_301 = arith.constant 0 : i32
      %dma_start3A_302 = tpu.memref_slice %arg4[%add3A_269, %dma_start3A_301] : memref<160000x128xf32, #tpu.memory_space<hbm>> -> memref<200x128xf32, #tpu.memory_space<hbm>>
      %dma_start3A_303 = arith.constant 0 : i32
      %dma_start3A_304 = tpu.memref_slice %arg4[%add3A_269, %dma_start3A_303] : memref<160000x128xf32, #tpu.memory_space<hbm>> -> memref<200x128xf32, #tpu.memory_space<hbm>>
      tpu.enqueue_dma source(%arg7 : memref<200x128xf32, #tpu.memory_space<vmem>>) target(%dma_start3A_304 : memref<200x128xf32, #tpu.memory_space<hbm>>) target_semaphore(%run_scoped3A : memref<!tpu.dma_semaphore, #tpu.memory_space<semaphore_mem>>)
      %dma_wait3A_305 = arith.constant 0 : i32
      %dma_wait3A_306 = tpu.memref_slice %arg4[%add3A_269, %dma_wait3A_305] : memref<160000x128xf32, #tpu.memory_space<hbm>> -> memref<200x128xf32, #tpu.memory_space<hbm>>
      %dma_wait3A_307 = arith.constant 0 : i32
      %dma_wait3A_308 = tpu.memref_slice %arg4[%add3A_269, %dma_wait3A_307] : memref<160000x128xf32, #tpu.memory_space<hbm>> -> memref<200x128xf32, #tpu.memory_space<hbm>>
      tpu.wait_dma2 semaphore(%run_scoped3A : memref<!tpu.dma_semaphore, #tpu.memory_space<semaphore_mem>>) src(%arg7 : memref<200x128xf32, #tpu.memory_space<vmem>>) dst(%dma_wait3A_308 : memref<200x128xf32, #tpu.memory_space<hbm>>)
      tpu.yield
    }) : () -> ()
    %dma_start3A_270 = arith.constant 4600 : i32
    %dma_start3A_271 = tpu.memref_slice %arg5[%dma_start3A_270] : memref<5000xi32, #tpu.memory_space<vmem>> -> memref<200xi32, #tpu.memory_space<vmem>>
    %dma_start3A_272 = arith.constant 0 : i32
    %dma_start3A_273 = arith.constant 0 : i32
    %dma_start3A_274 = tpu.memref_slice %arg2[%dma_start3A_272, %dma_start3A_273] : memref<10000x128xf32, #tpu.memory_space<hbm>> -> memref<10000x128xf32, #tpu.memory_space<hbm>>
    tpu.enqueue_indirect_dma source(%dma_start3A_274 : memref<10000x128xf32, #tpu.memory_space<hbm>>) target(%arg7 : memref<200x128xf32, #tpu.memory_space<vmem>>) offsets(%dma_start3A_271 : memref<200xi32, #tpu.memory_space<vmem>>) semaphore(%arg9 : memref<!tpu.dma_semaphore, #tpu.memory_space<semaphore_mem>>)
    %dma_wait3A_275 = arith.constant 4400 : i32
    %dma_wait3A_276 = tpu.memref_slice %arg5[%dma_wait3A_275] : memref<5000xi32, #tpu.memory_space<vmem>> -> memref<200xi32, #tpu.memory_space<vmem>>
    %dma_wait3A_277 = arith.constant 0 : i32
    %dma_wait3A_278 = arith.constant 0 : i32
    %dma_wait3A_279 = tpu.memref_slice %arg2[%dma_wait3A_277, %dma_wait3A_278] : memref<10000x128xf32, #tpu.memory_space<hbm>> -> memref<10000x128xf32, #tpu.memory_space<hbm>>
    tpu.wait_indirect_dma semaphore(%arg8 : memref<!tpu.dma_semaphore, #tpu.memory_space<semaphore_mem>>) src(%dma_wait3A_279 : memref<10000x128xf32, #tpu.memory_space<hbm>>) dst(%arg6 : memref<200x128xf32, #tpu.memory_space<vmem>>)
    %add3A_280 = arith.constant 4400 : i32
    %add3A_281 = arith.addi %mul3A_2, %add3A_280 : i32
    "tpu.region"() ({
      %run_scoped3A = tpu.sem_alloc : memref<!tpu.dma_semaphore, #tpu.memory_space<semaphore_mem>>
      %dma_start3A_301 = arith.constant 0 : i32
      %dma_start3A_302 = tpu.memref_slice %arg4[%add3A_281, %dma_start3A_301] : memref<160000x128xf32, #tpu.memory_space<hbm>> -> memref<200x128xf32, #tpu.memory_space<hbm>>
      %dma_start3A_303 = arith.constant 0 : i32
      %dma_start3A_304 = tpu.memref_slice %arg4[%add3A_281, %dma_start3A_303] : memref<160000x128xf32, #tpu.memory_space<hbm>> -> memref<200x128xf32, #tpu.memory_space<hbm>>
      tpu.enqueue_dma source(%arg6 : memref<200x128xf32, #tpu.memory_space<vmem>>) target(%dma_start3A_304 : memref<200x128xf32, #tpu.memory_space<hbm>>) target_semaphore(%run_scoped3A : memref<!tpu.dma_semaphore, #tpu.memory_space<semaphore_mem>>)
      %dma_wait3A_305 = arith.constant 0 : i32
      %dma_wait3A_306 = tpu.memref_slice %arg4[%add3A_281, %dma_wait3A_305] : memref<160000x128xf32, #tpu.memory_space<hbm>> -> memref<200x128xf32, #tpu.memory_space<hbm>>
      %dma_wait3A_307 = arith.constant 0 : i32
      %dma_wait3A_308 = tpu.memref_slice %arg4[%add3A_281, %dma_wait3A_307] : memref<160000x128xf32, #tpu.memory_space<hbm>> -> memref<200x128xf32, #tpu.memory_space<hbm>>
      tpu.wait_dma2 semaphore(%run_scoped3A : memref<!tpu.dma_semaphore, #tpu.memory_space<semaphore_mem>>) src(%arg6 : memref<200x128xf32, #tpu.memory_space<vmem>>) dst(%dma_wait3A_308 : memref<200x128xf32, #tpu.memory_space<hbm>>)
      tpu.yield
    }) : () -> ()
    %dma_start3A_282 = arith.constant 4800 : i32
    %dma_start3A_283 = tpu.memref_slice %arg5[%dma_start3A_282] : memref<5000xi32, #tpu.memory_space<vmem>> -> memref<200xi32, #tpu.memory_space<vmem>>
    %dma_start3A_284 = arith.constant 0 : i32
    %dma_start3A_285 = arith.constant 0 : i32
    %dma_start3A_286 = tpu.memref_slice %arg2[%dma_start3A_284, %dma_start3A_285] : memref<10000x128xf32, #tpu.memory_space<hbm>> -> memref<10000x128xf32, #tpu.memory_space<hbm>>
    tpu.enqueue_indirect_dma source(%dma_start3A_286 : memref<10000x128xf32, #tpu.memory_space<hbm>>) target(%arg6 : memref<200x128xf32, #tpu.memory_space<vmem>>) offsets(%dma_start3A_283 : memref<200xi32, #tpu.memory_space<vmem>>) semaphore(%arg8 : memref<!tpu.dma_semaphore, #tpu.memory_space<semaphore_mem>>)
    %dma_wait3A_287 = arith.constant 4600 : i32
    %dma_wait3A_288 = tpu.memref_slice %arg5[%dma_wait3A_287] : memref<5000xi32, #tpu.memory_space<vmem>> -> memref<200xi32, #tpu.memory_space<vmem>>
    %dma_wait3A_289 = arith.constant 0 : i32
    %dma_wait3A_290 = arith.constant 0 : i32
    %dma_wait3A_291 = tpu.memref_slice %arg2[%dma_wait3A_289, %dma_wait3A_290] : memref<10000x128xf32, #tpu.memory_space<hbm>> -> memref<10000x128xf32, #tpu.memory_space<hbm>>
    tpu.wait_indirect_dma semaphore(%arg9 : memref<!tpu.dma_semaphore, #tpu.memory_space<semaphore_mem>>) src(%dma_wait3A_291 : memref<10000x128xf32, #tpu.memory_space<hbm>>) dst(%arg7 : memref<200x128xf32, #tpu.memory_space<vmem>>)
    %add3A_292 = arith.constant 4600 : i32
    %add3A_293 = arith.addi %mul3A_2, %add3A_292 : i32
    "tpu.region"() ({
      %run_scoped3A = tpu.sem_alloc : memref<!tpu.dma_semaphore, #tpu.memory_space<semaphore_mem>>
      %dma_start3A_301 = arith.constant 0 : i32
      %dma_start3A_302 = tpu.memref_slice %arg4[%add3A_293, %dma_start3A_301] : memref<160000x128xf32, #tpu.memory_space<hbm>> -> memref<200x128xf32, #tpu.memory_space<hbm>>
      %dma_start3A_303 = arith.constant 0 : i32
      %dma_start3A_304 = tpu.memref_slice %arg4[%add3A_293, %dma_start3A_303] : memref<160000x128xf32, #tpu.memory_space<hbm>> -> memref<200x128xf32, #tpu.memory_space<hbm>>
      tpu.enqueue_dma source(%arg7 : memref<200x128xf32, #tpu.memory_space<vmem>>) target(%dma_start3A_304 : memref<200x128xf32, #tpu.memory_space<hbm>>) target_semaphore(%run_scoped3A : memref<!tpu.dma_semaphore, #tpu.memory_space<semaphore_mem>>)
      %dma_wait3A_305 = arith.constant 0 : i32
      %dma_wait3A_306 = tpu.memref_slice %arg4[%add3A_293, %dma_wait3A_305] : memref<160000x128xf32, #tpu.memory_space<hbm>> -> memref<200x128xf32, #tpu.memory_space<hbm>>
      %dma_wait3A_307 = arith.constant 0 : i32
      %dma_wait3A_308 = tpu.memref_slice %arg4[%add3A_293, %dma_wait3A_307] : memref<160000x128xf32, #tpu.memory_space<hbm>> -> memref<200x128xf32, #tpu.memory_space<hbm>>
      tpu.wait_dma2 semaphore(%run_scoped3A : memref<!tpu.dma_semaphore, #tpu.memory_space<semaphore_mem>>) src(%arg7 : memref<200x128xf32, #tpu.memory_space<vmem>>) dst(%dma_wait3A_308 : memref<200x128xf32, #tpu.memory_space<hbm>>)
      tpu.yield
    }) : () -> ()
    %dma_wait3A_294 = arith.constant 4800 : i32
    %dma_wait3A_295 = tpu.memref_slice %arg5[%dma_wait3A_294] : memref<5000xi32, #tpu.memory_space<vmem>> -> memref<200xi32, #tpu.memory_space<vmem>>
    %dma_wait3A_296 = arith.constant 0 : i32
    %dma_wait3A_297 = arith.constant 0 : i32
    %dma_wait3A_298 = tpu.memref_slice %arg2[%dma_wait3A_296, %dma_wait3A_297] : memref<10000x128xf32, #tpu.memory_space<hbm>> -> memref<10000x128xf32, #tpu.memory_space<hbm>>
    tpu.wait_indirect_dma semaphore(%arg8 : memref<!tpu.dma_semaphore, #tpu.memory_space<semaphore_mem>>) src(%dma_wait3A_298 : memref<10000x128xf32, #tpu.memory_space<hbm>>) dst(%arg6 : memref<200x128xf32, #tpu.memory_space<vmem>>)
    %add3A_299 = arith.constant 4800 : i32
    %add3A_300 = arith.addi %mul3A_2, %add3A_299 : i32
    "tpu.region"() ({
      %run_scoped3A = tpu.sem_alloc : memref<!tpu.dma_semaphore, #tpu.memory_space<semaphore_mem>>
      %dma_start3A_301 = arith.constant 0 : i32
      %dma_start3A_302 = tpu.memref_slice %arg4[%add3A_300, %dma_start3A_301] : memref<160000x128xf32, #tpu.memory_space<hbm>> -> memref<200x128xf32, #tpu.memory_space<hbm>>
      %dma_start3A_303 = arith.constant 0 : i32
      %dma_start3A_304 = tpu.memref_slice %arg4[%add3A_300, %dma_start3A_303] : memref<160000x128xf32, #tpu.memory_space<hbm>> -> memref<200x128xf32, #tpu.memory_space<hbm>>
      tpu.enqueue_dma source(%arg6 : memref<200x128xf32, #tpu.memory_space<vmem>>) target(%dma_start3A_304 : memref<200x128xf32, #tpu.memory_space<hbm>>) target_semaphore(%run_scoped3A : memref<!tpu.dma_semaphore, #tpu.memory_space<semaphore_mem>>)
      %dma_wait3A_305 = arith.constant 0 : i32
      %dma_wait3A_306 = tpu.memref_slice %arg4[%add3A_300, %dma_wait3A_305] : memref<160000x128xf32, #tpu.memory_space<hbm>> -> memref<200x128xf32, #tpu.memory_space<hbm>>
      %dma_wait3A_307 = arith.constant 0 : i32
      %dma_wait3A_308 = tpu.memref_slice %arg4[%add3A_300, %dma_wait3A_307] : memref<160000x128xf32, #tpu.memory_space<hbm>> -> memref<200x128xf32, #tpu.memory_space<hbm>>
      tpu.wait_dma2 semaphore(%run_scoped3A : memref<!tpu.dma_semaphore, #tpu.memory_space<semaphore_mem>>) src(%arg6 : memref<200x128xf32, #tpu.memory_space<vmem>>) dst(%dma_wait3A_308 : memref<200x128xf32, #tpu.memory_space<hbm>>)
      tpu.yield
    }) : () -> ()
    return
  }
}

module attributes {stable_mosaic.version = 14 : i64} {
  func.func @body(%arg0: i32, %arg1: memref<1x400x1xf32, #tpu.memory_space<vmem>>, %arg2: memref<1x1x400xf32, #tpu.memory_space<vmem>>, %arg3: memref<1x400x128xf32, #tpu.memory_space<vmem>>, %arg4: memref<2x128xf32, #tpu.memory_space<vmem>>, %arg5: memref<1x320x128xf32, #tpu.memory_space<vmem>>, %arg6: memref<1x320x1xi32, #tpu.memory_space<vmem>>, %arg7: memref<1x1x400xi32, #tpu.memory_space<vmem>>, %arg8: memref<1x320x2xf32, #tpu.memory_space<vmem>>) attributes {dimension_semantics = [#tpu.dimension_semantics<arbitrary>], iteration_bounds = array<i64: 25>, scalar_prefetch = 0 : i64, scratch_operands = 0 : i64, tpu.core_type = #tpu.core_type<tc>, window_params = [{transform_indices = @transform_0, window_bounds = array<i64: 1, 400, 1>}, {transform_indices = @transform_1, window_bounds = array<i64: 1, 1, 400>}, {transform_indices = @transform_2, window_bounds = array<i64: 1, 400, 128>}, {pipeline_mode = #tpu.pipeline_mode<synchronous>, transform_indices = @transform_3, window_bounds = array<i64: 2, 128>}, {transform_indices = @transform_4, window_bounds = array<i64: 1, 320, 128>}, {transform_indices = @transform_5, window_bounds = array<i64: 1, 320, 1>}, {transform_indices = @transform_6, window_bounds = array<i64: 1, 1, 400>}, {transform_indices = @transform_7, window_bounds = array<i64: 1, 320, 2>}]} {
    %get3A = arith.constant 0 : index
    %get3A_0 = arith.constant 0 : index
    %get3A_1 = arith.constant 0 : index
    %get3A_2 = vector.load %arg3[%get3A, %get3A_0, %get3A_1] : memref<1x400x128xf32, #tpu.memory_space<vmem>>, vector<1x400x128xf32>
    %get3A_3 = vector.shape_cast %get3A_2 : vector<1x400x128xf32> to vector<400x128xf32>
    %get3A_4 = arith.constant 0 : index
    %get3A_5 = arith.constant 0 : index
    %get3A_6 = arith.constant 0 : index
    %get3A_7 = vector.load %arg1[%get3A_4, %get3A_5, %get3A_6] : memref<1x400x1xf32, #tpu.memory_space<vmem>>, vector<1x400x1xf32>
    %get3A_8 = vector.shape_cast %get3A_7 : vector<1x400x1xf32> to vector<400x1xf32>
    %get3A_9 = arith.constant 0 : index
    %get3A_10 = arith.constant 0 : index
    %get3A_11 = arith.constant 0 : index
    %get3A_12 = vector.load %arg2[%get3A_9, %get3A_10, %get3A_11] : memref<1x1x400xf32, #tpu.memory_space<vmem>>, vector<1x1x400xf32>
    %get3A_13 = vector.shape_cast %get3A_12 : vector<1x1x400xf32> to vector<1x400xf32>
    %iota3A = tpu.iota {dimensions = array<i32: 0>} : vector<400x400xi32>
    %iota3A_14 = tpu.iota {dimensions = array<i32: 1>} : vector<400x400xi32>
    %gt3A = vector.broadcast %get3A_8 : vector<400x1xf32> to vector<400x400xf32>
    %gt3A_15 = vector.broadcast %get3A_13 : vector<1x400xf32> to vector<400x400xf32>
    %gt3A_16 = arith.cmpf ogt, %gt3A, %gt3A_15 : vector<400x400xf32>
    %eq3A = vector.broadcast %get3A_8 : vector<400x1xf32> to vector<400x400xf32>
    %eq3A_17 = vector.broadcast %get3A_13 : vector<1x400xf32> to vector<400x400xf32>
    %eq3A_18 = arith.cmpf oeq, %eq3A, %eq3A_17 : vector<400x400xf32>
    %lt3A = arith.cmpi slt, %iota3A, %iota3A_14 : vector<400x400xi32>
    %and3A = arith.andi %eq3A_18, %lt3A : vector<400x400xi1>
    %or3A = arith.ori %gt3A_16, %and3A : vector<400x400xi1>
    %jit3A = arith.constant 1.000000e+00 : f32
    %jit3A_19 = arith.constant 0.000000e+00 : f32
    %broadcast_in_dim3A = vector.broadcast %jit3A : f32 to vector<400x400xf32>
    %broadcast_in_dim3A_20 = vector.broadcast %jit3A_19 : f32 to vector<400x400xf32>
    %select_n3A = arith.select %or3A, %broadcast_in_dim3A, %broadcast_in_dim3A_20 : vector<400x400xi1>, vector<400x400xf32>
    %broadcast_in_dim3A_21 = arith.constant 1.000000e+00 : f32
    %broadcast_in_dim3A_22 = vector.broadcast %broadcast_in_dim3A_21 : f32 to vector<400x1xf32>
    %dot_general3A = arith.constant dense<0.000000e+00> : vector<1x400xf32>
    %dot_general3A_23 = tpu.matmul %broadcast_in_dim3A_22, %select_n3A, %dot_general3A {dimension_numbers = #tpu.dot_dimension_numbers<[0], [0], [1], [1], [0, 1, 1, 1], [], []>, precision = #tpu.contract_precision<fp32>, transpose_lhs_hint = false} : vector<400x1xf32>, vector<400x400xf32>, vector<1x400xf32> -> vector<1x400xf32>
    %convert_element_type3A = arith.fptosi %dot_general3A_23 : vector<1x400xf32> to vector<1x400xi32>
    %lt3A_24 = arith.constant 320 : i32
    %lt3A_25 = vector.broadcast %lt3A_24 : i32 to vector<1x400xi32>
    %lt3A_26 = arith.cmpi slt, %convert_element_type3A, %lt3A_25 : vector<1x400xi32>
    %jit3A_27 = arith.constant -1 : i32
    %broadcast_in_dim3A_28 = vector.broadcast %jit3A_27 : i32 to vector<1x400xi32>
    %select_n3A_29 = arith.select %lt3A_26, %convert_element_type3A, %broadcast_in_dim3A_28 : vector<1x400xi1>, vector<1x400xi32>
    %swap3A = arith.constant 0 : index
    %swap3A_30 = arith.constant 0 : index
    %swap3A_31 = arith.constant 0 : index
    %swap3A_32 = vector.load %arg7[%swap3A, %swap3A_30, %swap3A_31] : memref<1x1x400xi32, #tpu.memory_space<vmem>>, vector<1x1x400xi32>
    %swap3A_33 = vector.shape_cast %swap3A_32 : vector<1x1x400xi32> to vector<1x400xi32>
    %swap3A_34 = vector.shape_cast %select_n3A_29 : vector<1x400xi32> to vector<1x1x400xi32>
    tpu.vector_store %arg7[%swap3A, %swap3A_30, %swap3A_31], %swap3A_34 {strides = array<i32>} : memref<1x1x400xi32, #tpu.memory_space<vmem>>, vector<1x1x400xi32>,
    %iota3A_35 = tpu.iota {dimensions = array<i32: 0>} : vector<320x400xi32>
    %eq3A_36 = vector.broadcast %convert_element_type3A : vector<1x400xi32> to vector<320x400xi32>
    %eq3A_37 = arith.cmpi eq, %eq3A_36, %iota3A_35 : vector<320x400xi32>
    %jit3A_38 = arith.constant 1.000000e+00 : f32
    %jit3A_39 = arith.constant 0.000000e+00 : f32
    %broadcast_in_dim3A_40 = vector.broadcast %jit3A_38 : f32 to vector<320x400xf32>
    %broadcast_in_dim3A_41 = vector.broadcast %jit3A_39 : f32 to vector<320x400xf32>
    %select_n3A_42 = arith.select %eq3A_37, %broadcast_in_dim3A_40, %broadcast_in_dim3A_41 : vector<320x400xi1>, vector<320x400xf32>
    %iota3A_43 = tpu.iota {dimensions = array<i32: 0>} : vector<400x1xi32>
    %convert_element_type3A_44 = arith.sitofp %iota3A_43 : vector<400x1xi32> to vector<400x1xf32>
    %get3A_45 = arith.constant 0 : index
    %get3A_46 = arith.constant 0 : index
    %get3A_47 = vector.load %arg4[%get3A_45, %get3A_46] : memref<2x128xf32, #tpu.memory_space<vmem>>, vector<2x128xf32>
    %dot_general3A_48 = arith.constant dense<0.000000e+00> : vector<400x2xf32>
    %dot_general3A_49 = tpu.matmul %get3A_3, %get3A_47, %dot_general3A_48 {dimension_numbers = #tpu.dot_dimension_numbers<[1], [1], [0], [0], [0, 0, 1, 0], [], []>, precision = #tpu.contract_precision<fp32>, transpose_lhs_hint = false} : vector<400x128xf32>, vector<2x128xf32>, vector<400x2xf32> -> vector<400x2xf32>
    %concatenate3A = tpu.concatenate %convert_element_type3A_44, %dot_general3A_49 in 1 : vector<400x1xf32>, vector<400x2xf32> -> vector<400x3xf32>
    %dot_general3A_50 = arith.constant dense<0.000000e+00> : vector<320x3xf32>
    %dot_general3A_51 = tpu.matmul %select_n3A_42, %concatenate3A, %dot_general3A_50 {dimension_numbers = #tpu.dot_dimension_numbers<[1], [0], [0], [1], [0, 0, 1, 1], [], []>, precision = #tpu.contract_precision<fp32>, transpose_lhs_hint = false} : vector<320x400xf32>, vector<400x3xf32>, vector<320x3xf32> -> vector<320x3xf32>
    %slice3A = vector.extract_strided_slice %dot_general3A_51 {offsets = [0, 0], sizes = [320, 1], strides = [1, 1]} : vector<320x3xf32> to vector<320x1xf32>
    %convert_element_type3A_52 = arith.fptosi %slice3A : vector<320x1xf32> to vector<320x1xi32>
    %mul3A = arith.constant 400 : i32
    %mul3A_53 = arith.muli %arg0, %mul3A : i32
    %add3A = vector.broadcast %mul3A_53 : i32 to vector<320x1xi32>
    %add3A_54 = arith.addi %convert_element_type3A_52, %add3A : vector<320x1xi32>
    %swap3A_55 = arith.constant 0 : index
    %swap3A_56 = arith.constant 0 : index
    %swap3A_57 = arith.constant 0 : index
    %swap3A_58 = vector.load %arg6[%swap3A_55, %swap3A_56, %swap3A_57] : memref<1x320x1xi32, #tpu.memory_space<vmem>>, vector<1x320x1xi32>
    %swap3A_59 = vector.shape_cast %swap3A_58 : vector<1x320x1xi32> to vector<320x1xi32>
    %swap3A_60 = vector.shape_cast %add3A_54 : vector<320x1xi32> to vector<1x320x1xi32>
    tpu.vector_store %arg6[%swap3A_55, %swap3A_56, %swap3A_57], %swap3A_60 {strides = array<i32>} : memref<1x320x1xi32, #tpu.memory_space<vmem>>, vector<1x320x1xi32>,
    %slice3A_61 = vector.extract_strided_slice %dot_general3A_51 {offsets = [0, 1], sizes = [320, 2], strides = [1, 1]} : vector<320x3xf32> to vector<320x2xf32>
    %swap3A_62 = arith.constant 0 : index
    %swap3A_63 = arith.constant 0 : index
    %swap3A_64 = arith.constant 0 : index
    %swap3A_65 = vector.load %arg8[%swap3A_62, %swap3A_63, %swap3A_64] : memref<1x320x2xf32, #tpu.memory_space<vmem>>, vector<1x320x2xf32>
    %swap3A_66 = vector.shape_cast %swap3A_65 : vector<1x320x2xf32> to vector<320x2xf32>
    %swap3A_67 = vector.shape_cast %slice3A_61 : vector<320x2xf32> to vector<1x320x2xf32>
    tpu.vector_store %arg8[%swap3A_62, %swap3A_63, %swap3A_64], %swap3A_67 {strides = array<i32>} : memref<1x320x2xf32, #tpu.memory_space<vmem>>, vector<1x320x2xf32>,
    %dot_general3A_68 = arith.constant dense<0.000000e+00> : vector<320x128xf32>
    %dot_general3A_69 = tpu.matmul %select_n3A_42, %get3A_3, %dot_general3A_68 {dimension_numbers = #tpu.dot_dimension_numbers<[1], [0], [0], [1], [0, 0, 1, 1], [], []>, precision = #tpu.contract_precision<fp32>, transpose_lhs_hint = false} : vector<320x400xf32>, vector<400x128xf32>, vector<320x128xf32> -> vector<320x128xf32>
    %swap3A_70 = arith.constant 0 : index
    %swap3A_71 = arith.constant 0 : index
    %swap3A_72 = arith.constant 0 : index
    %swap3A_73 = vector.load %arg5[%swap3A_70, %swap3A_71, %swap3A_72] : memref<1x320x128xf32, #tpu.memory_space<vmem>>, vector<1x320x128xf32>
    %swap3A_74 = vector.shape_cast %swap3A_73 : vector<1x320x128xf32> to vector<320x128xf32>
    %swap3A_75 = vector.shape_cast %dot_general3A_69 : vector<320x128xf32> to vector<1x320x128xf32>
    tpu.vector_store %arg5[%swap3A_70, %swap3A_71, %swap3A_72], %swap3A_75 {strides = array<i32>} : memref<1x320x128xf32, #tpu.memory_space<vmem>>, vector<1x320x128xf32>,
    return
  }
  func.func @transform_0(%arg0: i32) -> (i32, i32, i32) {
    %c0_i32 = arith.constant 0 : i32
    %c0_i32_0 = arith.constant 0 : i32
    %c0_i32_1 = arith.constant 0 : i32
    return %arg0, %c0_i32, %c0_i32_0 : i32, i32, i32
  }
  func.func @transform_1(%arg0: i32) -> (i32, i32, i32) {
    %c0_i32 = arith.constant 0 : i32
    %c0_i32_0 = arith.constant 0 : i32
    %c0_i32_1 = arith.constant 0 : i32
    return %arg0, %c0_i32, %c0_i32_0 : i32, i32, i32
  }
  func.func @transform_2(%arg0: i32) -> (i32, i32, i32) {
    %c0_i32 = arith.constant 0 : i32
    %c0_i32_0 = arith.constant 0 : i32
    %c0_i32_1 = arith.constant 0 : i32
    return %arg0, %c0_i32, %c0_i32_0 : i32, i32, i32
  }
  func.func @transform_3(%arg0: i32) -> (i32, i32) {
    %c0_i32 = arith.constant 0 : i32
    %c0_i32_0 = arith.constant 0 : i32
    %c0_i32_1 = arith.constant 0 : i32
    return %c0_i32, %c0_i32_0 : i32, i32
  }
  func.func @transform_4(%arg0: i32) -> (i32, i32, i32) {
    %c0_i32 = arith.constant 0 : i32
    %c0_i32_0 = arith.constant 0 : i32
    %c0_i32_1 = arith.constant 0 : i32
    return %arg0, %c0_i32, %c0_i32_0 : i32, i32, i32
  }
  func.func @transform_5(%arg0: i32) -> (i32, i32, i32) {
    %c0_i32 = arith.constant 0 : i32
    %c0_i32_0 = arith.constant 0 : i32
    %c0_i32_1 = arith.constant 0 : i32
    return %arg0, %c0_i32, %c0_i32_0 : i32, i32, i32
  }
  func.func @transform_6(%arg0: i32) -> (i32, i32, i32) {
    %c0_i32 = arith.constant 0 : i32
    %c0_i32_0 = arith.constant 0 : i32
    %c0_i32_1 = arith.constant 0 : i32
    return %arg0, %c0_i32, %c0_i32_0 : i32, i32, i32
  }
  func.func @transform_7(%arg0: i32) -> (i32, i32, i32) {
    %c0_i32 = arith.constant 0 : i32
    %c0_i32_0 = arith.constant 0 : i32
    %c0_i32_1 = arith.constant 0 : i32
    return %arg0, %c0_i32, %c0_i32_0 : i32, i32, i32
  }
}

module attributes {stable_mosaic.version = 14 : i64} {
  func.func @body(%arg0: i32, %arg1: memref<1x320x1xf32, #tpu.memory_space<vmem>>, %arg2: memref<1x1x320xf32, #tpu.memory_space<vmem>>, %arg3: memref<1x320x320xf32, #tpu.memory_space<vmem>>, %arg4: memref<1x320x320xf32, #tpu.memory_space<vmem>>, %arg5: memref<1x320x320xi32, #tpu.memory_space<vmem>>, %arg6: memref<1x320x320xi32, #tpu.memory_space<vmem>>) attributes {dimension_semantics = [#tpu.dimension_semantics<arbitrary>], iteration_bounds = array<i64: 25>, scalar_prefetch = 0 : i64, scratch_operands = 0 : i64, tpu.core_type = #tpu.core_type<tc>, window_params = [{transform_indices = @transform_0, window_bounds = array<i64: 1, 320, 1>}, {transform_indices = @transform_1, window_bounds = array<i64: 1, 1, 320>}, {transform_indices = @transform_2, window_bounds = array<i64: 1, 320, 320>}, {transform_indices = @transform_3, window_bounds = array<i64: 1, 320, 320>}, {transform_indices = @transform_4, window_bounds = array<i64: 1, 320, 320>}, {transform_indices = @transform_5, window_bounds = array<i64: 1, 320, 320>}]} {
    %get3A = arith.constant 0 : index
    %get3A_0 = arith.constant 0 : index
    %get3A_1 = arith.constant 0 : index
    %get3A_2 = vector.load %arg1[%get3A, %get3A_0, %get3A_1] : memref<1x320x1xf32, #tpu.memory_space<vmem>>, vector<1x320x1xf32>
    %get3A_3 = vector.shape_cast %get3A_2 : vector<1x320x1xf32> to vector<320x1xf32>
    %get3A_4 = arith.constant 0 : index
    %get3A_5 = arith.constant 0 : index
    %get3A_6 = arith.constant 0 : index
    %get3A_7 = vector.load %arg2[%get3A_4, %get3A_5, %get3A_6] : memref<1x1x320xf32, #tpu.memory_space<vmem>>, vector<1x1x320xf32>
    %get3A_8 = vector.shape_cast %get3A_7 : vector<1x1x320xf32> to vector<1x320xf32>
    %add3A = vector.broadcast %get3A_3 : vector<320x1xf32> to vector<320x320xf32>
    %add3A_9 = vector.broadcast %get3A_8 : vector<1x320xf32> to vector<320x320xf32>
    %add3A_10 = arith.addf %add3A, %add3A_9 : vector<320x320xf32>
    %ge3A = arith.constant 0.000000e+00 : f32
    %ge3A_11 = vector.broadcast %ge3A : f32 to vector<320x320xf32>
    %ge3A_12 = arith.cmpf oge, %add3A_10, %ge3A_11 : vector<320x320xf32>
    %mul3A = arith.constant 2.000000e-01 : f32
    %mul3A_13 = vector.broadcast %mul3A : f32 to vector<320x320xf32>
    %mul3A_14 = arith.mulf %mul3A_13, %add3A_10 : vector<320x320xf32>
    %select_n3A = arith.select %ge3A_12, %add3A_10, %mul3A_14 : vector<320x320xi1>, vector<320x320xf32>
    %get3A_15 = arith.constant 0 : index
    %get3A_16 = arith.constant 0 : index
    %get3A_17 = arith.constant 0 : index
    %get3A_18 = vector.load %arg3[%get3A_15, %get3A_16, %get3A_17] : memref<1x320x320xf32, #tpu.memory_space<vmem>>, vector<1x320x320xf32>
    %get3A_19 = vector.shape_cast %get3A_18 : vector<1x320x320xf32> to vector<320x320xf32>
    %add3A_20 = arith.addf %select_n3A, %get3A_19 : vector<320x320xf32>
    %reduce_max3A = arith.constant dense<0xFF800000> : vector<320xf32>
    %reduce_max3A_21 = vector.multi_reduction <maximumf>, %add3A_20, %reduce_max3A [0] : vector<320x320xf32> to vector<320xf32>
    %broadcast_in_dim3A = vector.shape_cast %reduce_max3A_21 : vector<320xf32> to vector<1x320xf32>
    %sub3A = vector.broadcast %broadcast_in_dim3A : vector<1x320xf32> to vector<320x320xf32>
    %sub3A_22 = arith.subf %add3A_20, %sub3A : vector<320x320xf32>
    %exp3A = math.exp %sub3A_22 : vector<320x320xf32>
    %reduce_sum3A = arith.constant dense<0.000000e+00> : vector<320xf32>
    %reduce_sum3A_23 = vector.multi_reduction <add>, %exp3A, %reduce_sum3A [0] : vector<320x320xf32> to vector<320xf32>
    %broadcast_in_dim3A_24 = vector.shape_cast %reduce_sum3A_23 : vector<320xf32> to vector<1x320xf32>
    %div3A = vector.broadcast %broadcast_in_dim3A_24 : vector<1x320xf32> to vector<320x320xf32>
    %div3A_25 = arith.divf %exp3A, %div3A : vector<320x320xf32>
    %swap3A = arith.constant 0 : index
    %swap3A_26 = arith.constant 0 : index
    %swap3A_27 = arith.constant 0 : index
    %swap3A_28 = vector.load %arg4[%swap3A, %swap3A_26, %swap3A_27] : memref<1x320x320xf32, #tpu.memory_space<vmem>>, vector<1x320x320xf32>
    %swap3A_29 = vector.shape_cast %swap3A_28 : vector<1x320x320xf32> to vector<320x320xf32>
    %swap3A_30 = vector.shape_cast %div3A_25 : vector<320x320xf32> to vector<1x320x320xf32>
    tpu.vector_store %arg4[%swap3A, %swap3A_26, %swap3A_27], %swap3A_30 {strides = array<i32>} : memref<1x320x320xf32, #tpu.memory_space<vmem>>, vector<1x320x320xf32>,
    %iota3A = tpu.iota {dimensions = array<i32: 0>} : vector<320x320xi32>
    %iota3A_31 = tpu.iota {dimensions = array<i32: 1>} : vector<320x320xi32>
    %mul3A_32 = arith.constant 320 : i32
    %mul3A_33 = arith.muli %arg0, %mul3A_32 : i32
    %add3A_34 = vector.broadcast %mul3A_33 : i32 to vector<320x320xi32>
    %add3A_35 = arith.addi %add3A_34, %iota3A : vector<320x320xi32>
    %swap3A_36 = arith.constant 0 : index
    %swap3A_37 = arith.constant 0 : index
    %swap3A_38 = arith.constant 0 : index
    %swap3A_39 = vector.load %arg5[%swap3A_36, %swap3A_37, %swap3A_38] : memref<1x320x320xi32, #tpu.memory_space<vmem>>, vector<1x320x320xi32>
    %swap3A_40 = vector.shape_cast %swap3A_39 : vector<1x320x320xi32> to vector<320x320xi32>
    %swap3A_41 = vector.shape_cast %add3A_35 : vector<320x320xi32> to vector<1x320x320xi32>
    tpu.vector_store %arg5[%swap3A_36, %swap3A_37, %swap3A_38], %swap3A_41 {strides = array<i32>} : memref<1x320x320xi32, #tpu.memory_space<vmem>>, vector<1x320x320xi32>,
    %mul3A_42 = arith.constant 320 : i32
    %mul3A_43 = arith.muli %arg0, %mul3A_42 : i32
    %add3A_44 = vector.broadcast %mul3A_43 : i32 to vector<320x320xi32>
    %add3A_45 = arith.addi %add3A_44, %iota3A_31 : vector<320x320xi32>
    %swap3A_46 = arith.constant 0 : index
    %swap3A_47 = arith.constant 0 : index
    %swap3A_48 = arith.constant 0 : index
    %swap3A_49 = vector.load %arg6[%swap3A_46, %swap3A_47, %swap3A_48] : memref<1x320x320xi32, #tpu.memory_space<vmem>>, vector<1x320x320xi32>
    %swap3A_50 = vector.shape_cast %swap3A_49 : vector<1x320x320xi32> to vector<320x320xi32>
    %swap3A_51 = vector.shape_cast %add3A_45 : vector<320x320xi32> to vector<1x320x320xi32>
    tpu.vector_store %arg6[%swap3A_46, %swap3A_47, %swap3A_48], %swap3A_51 {strides = array<i32>} : memref<1x320x320xi32, #tpu.memory_space<vmem>>, vector<1x320x320xi32>,
    return
  }
  func.func @transform_0(%arg0: i32) -> (i32, i32, i32) {
    %c0_i32 = arith.constant 0 : i32
    %c0_i32_0 = arith.constant 0 : i32
    %c0_i32_1 = arith.constant 0 : i32
    return %arg0, %c0_i32, %c0_i32_0 : i32, i32, i32
  }
  func.func @transform_1(%arg0: i32) -> (i32, i32, i32) {
    %c0_i32 = arith.constant 0 : i32
    %c0_i32_0 = arith.constant 0 : i32
    %c0_i32_1 = arith.constant 0 : i32
    return %arg0, %c0_i32, %c0_i32_0 : i32, i32, i32
  }
  func.func @transform_2(%arg0: i32) -> (i32, i32, i32) {
    %c0_i32 = arith.constant 0 : i32
    %c0_i32_0 = arith.constant 0 : i32
    %c0_i32_1 = arith.constant 0 : i32
    return %arg0, %c0_i32, %c0_i32_0 : i32, i32, i32
  }
  func.func @transform_3(%arg0: i32) -> (i32, i32, i32) {
    %c0_i32 = arith.constant 0 : i32
    %c0_i32_0 = arith.constant 0 : i32
    %c0_i32_1 = arith.constant 0 : i32
    return %arg0, %c0_i32, %c0_i32_0 : i32, i32, i32
  }
  func.func @transform_4(%arg0: i32) -> (i32, i32, i32) {
    %c0_i32 = arith.constant 0 : i32
    %c0_i32_0 = arith.constant 0 : i32
    %c0_i32_1 = arith.constant 0 : i32
    return %arg0, %c0_i32, %c0_i32_0 : i32, i32, i32
  }
  func.func @transform_5(%arg0: i32) -> (i32, i32, i32) {
    %c0_i32 = arith.constant 0 : i32
    %c0_i32_0 = arith.constant 0 : i32
    %c0_i32_1 = arith.constant 0 : i32
    return %arg0, %c0_i32, %c0_i32_0 : i32, i32, i32
  }
}

</mosaic_0001>

<sc_bundles>
// kernel: kernel.10.cloned.1.call-start
scs
__scs_entry_jumppad:
0x0: {  	(pc) =	sbr.rel $0x88, $3  }
0x1: {  	(tag) =	ssettag $0x0;
	lr =	simm.s32 $0x1  }
0x2: {  	[smem:$0x3F9D] =	sst lr;
	_ =	strace $0xD0000000  }
0x3: {  	_ = 	snop  }
0x4: {  	_ = 	snop  }
0x5: {  	_ = 	snop  }
0x6: {  	_ = 	snop  }
0x7: {  	_ = 	snop  }
__scs_overlays_trampoline_lowered:
0x8: {  	[smem:$0x3FAC] =	sst s0  }
0x9: {  	[smem:$0x3FAD] =	sst s1  }
0xa: {  	[smem:$0x3FAE] =	sst s2  }
0xb: {  	[smem:$0x3FAF] =	sst s3  }
0xc: {  	[smem:$0x3FB0] =	sst s4  }
0xd: {  	[smem:$0x3FB1] =	sst s5  }
0xe: {  	[smem:$0x3FB2] =	sst s6  }
0xf: {  	[smem:$0x3FB3] =	sst s7  }
0x10: {  	[smem:$0x3FB4] =	sst s8  }
0x11: {  	[smem:$0x3FB5] =	sst s9;
	s0 =	simm.s32 @!p0 $0x0  }
0x12: {  	s1 =	sld [smem:$0x3F9B];
	s0 =	simm.s32 @p0 $0x1  }
0x13: {  	[smem:$0x3FB6] =	sst s0;
	s0 =	simm.s32 @!p1 $0x0  }
0x14: {  	s2 =	sld [smem:$0x3F9A];
	s0 =	simm.s32 @p1 $0x1  }
0x15: {  	[smem:$0x3FB7] =	sst s0;
	s0 =	simm.s32 @!p2 $0x0  }
0x16: {  	s3 =	sld [smem:$0x3FDB];
	s0 =	simm.s32 @p2 $0x1  }
0x17: {  	s4 =	simm.s32 $0x1BF5;
	[smem:$0x3FB9] =	sst s0  }
0x18: {  	s0 =	sld [smem:$0x3F9C];
	_ =	swait.ge [sflag:s4], $0x0  }
0x19: {  	s7 =	sld [smem:$0x3F9D]  }
0x1a: {  	s8 =	sadd.s32 $0xFFFFE003, lr  }
0x1b: {  	s9 =	sadd.s32 $0xFFFFFEF7, lr;
	s5 =	simm.s32 $0xFFFFFFFF;
	p2 =	slt.u32 s8, $0xFFFFF086  }
0x1c: {  	p1 =	slt.u32 s9, $0xF7A;
	s5 =	simm.s32 @!p2 $0x0  }
0x1d: {  	s5 =	simm.s32 @p1 $0x1;
	p0 =	seq.s32 s7, s2  }
0x1e: {  	s7 =	smul.u32 @!p0 $0xF7A, s2;
	p2 =	seq.s32 @!p0 s5, $0x0  }
0x1f: {  	s9 =	smul.u32 $0xF7A, s1;
	s8 =	simm.s32 @!p0 $0x1BF5;
	p2 =	por !p2, p0  }
0x20: {  	[sflag:s8] =	ssyncset.s32 @!p0 $0xFFFFF086;
	s6 =	sadd.s32 @!p0 s3, s7;
	s7 =	simm.s32 @!p0 $0x108  }
0x21: {  	s3 =	sadd.s32 s3, s9;
	s6 =	sadd.s32 @!p0 $0x88, s6;
	s7 =	simm.s32 @p2 $0x1082  }
0x22: {  	[simem:s7], [sflag:s8] =	dma.local @!p0 [hbm:s6], $0xF7A  }
0x23: {  	s9 =	sor.u32 $0xD0000000, s2;
	s6 =	simm.s32 $0x108;
	_ =	swait.ge @!p0 [sflag:s8], $0x0  }
0x24: {  	s3 =	sadd.s32 $0x88, s3;
	s6 =	simm.s32 @!p1 $0x1082;
	[sflag:s4] =	ssyncset.s32 $0xFFFFF086  }
0x25: {  	[simem:s6], [sflag:s4] =	dma.local [hbm:s3], $0xF7A  }
0x26: {  	[smem:$0x3F9D] =	sst s1;
	(tag) =	ssettag s2;
	_ =	strace s9  }
0x27: {  	s1 =	sld [smem:$0x3FAD]  }
0x28: {  	s2 =	sld [smem:$0x3FAE]  }
0x29: {  	s4 =	sld [smem:$0x3FB0]  }
0x2a: {  	p0 =	seq.s32 s5, $0x0;
	s5 =	sld [smem:$0x3FB1]  }
0x2b: {  	s6 =	sld [smem:$0x3FB2]  }
0x2c: {  	s7 =	sld [smem:$0x3FB3]  }
0x2d: {  	s3 =	simm.s32 $0x108;
	s8 =	sld [smem:$0x3FB4]  }
0x2e: {  	s3 =	simm.s32 @!p0 $0x1082;
	s9 =	sld [smem:$0x3FB5]  }
0x2f: {  	lr =	sadd.s32 s0, s3;
	s0 =	sld [smem:$0x3FAC]  }
0x30: {  	s3 =	sld [smem:$0x3FAF]  }
0x31: {  	[smem:$0x3FB8] =	sst s10  }
0x32: {  	s10 =	sld [smem:$0x3FB6];
	_ =	sdelay $0x3  }
0x33: {  	p0 =	seq.s32 s10, $0x1;
	s10 =	sld [smem:$0x3FB8];
	_ =	sdelay $0x3  }
0x34: {  	[smem:$0x3FB8] =	sst s10  }
0x35: {  	s10 =	sld [smem:$0x3FB7];
	_ =	sdelay $0x3  }
0x36: {  	p1 =	seq.s32 s10, $0x1;
	s10 =	sld [smem:$0x3FB8];
	_ =	sdelay $0x3  }
0x37: {  	[smem:$0x3FB8] =	sst s10  }
0x38: {  	s10 =	sld [smem:$0x3FB9]  }
0x39: {  	_ = 	snop;
	(pc) =	sbr.ind lr, $3  }
0x3a: {  	_ = 	snop  }
0x3b: {  	_ = 	snop  }
0x3c: {  	p2 =	seq.s32 s10, $0x1;
	s10 =	sld [smem:$0x3FB8]  }
0x3d: {  	_ =	shalt  }
0x3e: {  	_ =	shalt  }
0x3f: {  	_ =	shalt  }
0x40: {  	_ =	shalt  }
0x41: {  	_ =	shalt  }
0x42: {  	_ =	shalt  }
0x43: {  	_ =	shalt  }
0x44: {  	_ =	shalt  }
0x45: {  	_ =	shalt  }
0x46: {  	_ =	shalt  }
0x47: {  	_ =	shalt  }
0x48: {  	_ =	shalt  }
0x49: {  	_ =	shalt  }
0x4a: {  	_ =	shalt  }
0x4b: {  	_ =	shalt  }
0x4c: {  	_ =	shalt  }
0x4d: {  	_ =	shalt  }
0x4e: {  	_ =	shalt  }
0x4f: {  	_ =	shalt  }
0x50: {  	_ =	shalt  }
0x51: {  	_ =	shalt  }
0x52: {  	_ =	shalt  }
0x53: {  	_ =	shalt  }
0x54: {  	_ =	shalt  }
0x55: {  	_ =	shalt  }
0x56: {  	_ =	shalt  }
0x57: {  	_ =	shalt  }
0x58: {  	_ =	shalt  }
0x59: {  	_ =	shalt  }
0x5a: {  	_ =	shalt  }
0x5b: {  	_ =	shalt  }
0x5c: {  	_ =	shalt  }
0x5d: {  	_ =	shalt  }
0x5e: {  	_ =	shalt  }
0x5f: {  	_ =	shalt  }
0x60: {  	_ =	shalt  }
0x61: {  	_ =	shalt  }
0x62: {  	_ =	shalt  }
0x63: {  	_ =	shalt  }
0x64: {  	_ =	shalt  }
0x65: {  	_ =	shalt  }
0x66: {  	_ =	shalt  }
0x67: {  	_ =	shalt  }
0x68: {  	_ =	shalt  }
0x69: {  	_ =	shalt  }
0x6a: {  	_ =	shalt  }
0x6b: {  	_ =	shalt  }
0x6c: {  	_ =	shalt  }
0x6d: {  	_ =	shalt  }
0x6e: {  	_ =	shalt  }
0x6f: {  	_ =	shalt  }
0x70: {  	_ =	shalt  }
0x71: {  	_ =	shalt  }
0x72: {  	_ =	shalt  }
0x73: {  	_ =	shalt  }
0x74: {  	_ =	shalt  }
0x75: {  	_ =	shalt  }
0x76: {  	_ =	shalt  }
0x77: {  	_ =	shalt  }
0x78: {  	_ =	shalt  }
0x79: {  	_ =	shalt  }
0x7a: {  	_ =	shalt  }
0x7b: {  	_ =	shalt  }
0x7c: {  	_ =	shalt  }
0x7d: {  	_ =	shalt  }
0x7e: {  	_ =	shalt  }
0x7f: {  	_ =	shalt  }
0x80: {  	_ =	shalt  }
0x81: {  	_ =	shalt  }
0x82: {  	_ =	shalt  }
0x83: {  	_ =	shalt  }
0x84: {  	_ =	shalt  }
0x85: {  	_ =	shalt  }
0x86: {  	_ =	shalt  }
0x87: {  	_ =	shalt  }
.Lfunc_end0:
.L_simem_size_0:
called_computation.2_lowered:
.L_overlay_start_0:
0x88: {  	s2 =	sld [smem:$0x3FD9]  }
0x89: {  	s3 =	sld [smem:$0x3FFE];
	_ =	sdelay $0x1  }
0x8a: {  	s1 =	srdreg.scid  }
0x8b: {  	s0 =	sand.u32 $0x1, s1  }
0x8c: {  	s14 =	sshll.u32 s0, $0xA;
	s2 =	sadd.s32 s3, s2  }
0x8d: {  	s2 =	sadd.s32 s2, s14  }
0x8e: {  	[smem:$0x3FC4] =	sst s2  }
0x8f: {  	_ = 	snop  }
0x90: {  	s2 =	sld [smem:$0x3FD0];
	_ =	sdelay $0x2  }
0x91: {  	s15 =	simm.s32 $0xA;
	s4 =	simm.s32 $0x10  }
0x92: {  	[smem:s4], [sflag:s15] =	dma.local [hbm:s2], $0x1  }
0x93: {  	_ =	swait.eq [sflag:s15], $0x1  }
0x94: {  	[sflag:s15] =	ssyncset.done $0x0  }
0x95: {  	[sflag:s15] =	ssyncadd.s32 $0xFFFFFFFF  }
0x96: {  	s16 =	sld [smem:$0x14];
	(tm) =	ssettm $0x1  }
0x97: {  	s17 =	sld [smem:$0x3FFB];
	_ =	sdelay $0x3  }
0x98: {  	_ =	strace s17  }
0x99: {  	s3 =	sld [smem:$0x3FFC];
	_ =	sdelay $0x3  }
0x9a: {  	_ =	strace s3  }
0x9b: {  	s3 =	sld [smem:$0x3FFD];
	_ =	sdelay $0x3  }
0x9c: {  	_ =	strace s3  }
0x9d: {  	_ =	strace $0x8FFFFFFF  }
0x9e: {  	s18 =	sld [smem:$0x3FDB];
	_ =	sdelay $0x1  }
0x9f: {  	s19 =	simm.s32 $_scs_section_size  }
0xa0: {  	s5 =	simm.s32 $_size__tile_overlayer_lowered;
	s6 =	simm.s32 $_tile_overlayer_lowered  }
0xa1: {  	s22 =	simm.s32 $0x1BFF;
	s21 =	sshll.u32 s6, $0x1;
	s3 =	sadd.s32 s19, s18  }
0xa2: {  	s7 =	simm.s32 $0x0;
	s20 =	sshll.u32 s5, $0x1;
	s5 =	sadd.s32 s21, s3  }
0xa3: {  	[timem:s7], [sflag:s22] =	dma.local [hbm:s5], s20  }
0xa4: {  	_ =	swait.ge [sflag:s22], s20  }
0xa5: {  	s4 =	ssub.s32 $0x0, s20;
	[sflag:s22] =	ssyncset.done $0x0  }
0xa6: {  	[sflag:s22] =	ssyncadd.s32 s4;
	_ =	sdelay $0x1  }
0xa7: {  	s23 =	simm.s32 $0x1B8B  }
0xa8: {  	_ =	swait.ge [sflag:s23], $0x1  }
0xa9: {  	[sflag:s23] =	ssyncset.done $0x0  }
0xaa: {  	s25 =	simm.s32 $0x1B8E;
	s24 =	sld [smem:$0x3FFE];
	[sflag:s23] =	ssyncadd.s32 $0xFFFFFFFF  }
0xab: {  	s26 =	simm.s32 $execute0_lowered;
	[smem:$0x3FD2] =	sst s25  }
0xac: {  	s5 =	sshll.u32 s26, $0x1;
	_ =	strace $0x80000049;
	[dreg:$0x1] =	wrdreg $0xFFFFFFFF  }
0xad: {  	s28 =	simm.s32 $_size_execute0_lowered;
	s3 =	sadd.s32 s3, s5;
	[dreg:$0x0] =	wrdreg $0x0  }
0xae: {  	s5 =	sshll.u32 s28, $0x1;
	[dreg:$0x2] =	wrdreg s3  }
0xaf: {  	[dreg:$0x3] =	wrdreg s5  }
0xb0: {  	[dreg:$0x4] =	wrdreg $0xC0  }
0xb1: {  	_ =	task [dreg:s7], $0x5FFFF  }
0xb2: {  	[dreg:$0x1] =	wrdreg $0xFFFFFFFF  }
0xb3: {  	[dreg:$0x0] =	wrdreg $0x60  }
0xb4: {  	[dreg:$0x2] =	wrdreg s16  }
0xb5: {  	[dreg:$0x3] =	wrdreg s24  }
0xb6: {  	[dreg:$0x4] =	wrdreg $0x9  }
0xb7: {  	_ =	task.clear_ibuf [dreg:s7], $0x5FFFF;
	_ =	strace $0x90000049  }
0xb8: {  	s29 =	simm.s32 $0x9;
	_ =	strace $0x8000004B  }
0xb9: {  	_ =	swait.ge [sflag:s29], $0x1  }
0xba: {  	[sflag:s29] =	ssyncadd.s32 $0xFFFFFFFF  }
0xbb: {  	_ =	strace $0x9000004B  }
0xbc: {  	_ =	sfence  }
0xbd: {  	s30 =	sld [smem:$0x0];
	_ =	sdelay $0x2  }
0xbe: {  	s31 =	sshll.u32 s1, $0xD;
	s1 =	sshrl.u32 s1, $0x2  }
0xbf: {  	s3 =	sand.u32 $0x4000, s31;
	s1 =	sadd.s32 s1, s30  }
0xc0: {  	s0 =	sor.u32 s3, s0;
	s1 =	sshll.u32 s1, $0x11  }
0xc1: {  	s0 =	sor.u32 s1, s0  }
0xc2: {  	s0 =	sadd.s32 $0x8F2B, s0  }
0xc3: {  	[sflag:s0] =	ssyncadd.remote.s32 $0x1  }
0xc4: {  	_ =	sfence.sel $0xFFFF  }
0xc5: {  	[dreg:$0x0] =	wrdreg $0xFFFFFFFF;
	(pc) =	sbr.abs _section_cstart, $3  }
0xc6: {  	[dreg:$0x1] =	wrdreg $0xFFFFFFFF  }
0xc7: {  	_ =	task.clear_ibuf [dreg:s7], $0x2FFFF;
	_ =	strace $0x9FFFFFFF  }
0xc8: {  	(tm) =	ssettm $0x7FFFFFFF  }
0xc9: {  	_ =	shalt  }
tec
execute0_lowered:
.L_overlay_start_1:
0x0: {  	(tag) =	ssettag $0x1  }
0x1: {  	s0 =	srdreg.scid;
	s1 =	stileid.u32  }
0x2: {  	s0 =	sand.u32 $0x1, s0;
	s1 =	sshll.u32 s1, $0x1  }
0x3: {  	s1 =	sor.u32 s0, s1  }
0x4: {  	s3 =	rddreg [dreg:$0x0];
	s5 =	smul.u32 $0x271, s1  }
0x5: {  	s4 =	rddreg [dreg:$0x1];
	s2 =	simm.s32 $0x0;
	s6 =	smul.u32 $0x9C400, s1  }
0x6: {  	[smem:$0x7FF] =	sst s2;
	s7 =	sadd.s32 $0x5800, s4;
	s1 =	smul.u32 $0x13880, s1  }
0x7: {  	_ =	strace $0x8000004A;
	s4 =	sadd.s32 s4, s5;
	s21 =	sshrl.u32 s6, $0x3  }
0x8: {  	s1 =	sadd.s32 s7, s1;
	[dreg:$0x3] =	wrdreg s4;
	s4 =	sadd.s32 s7, s21  }
0x9: {  	[dreg:$0x4] =	wrdreg s1;
	s22 =	sadd.s32 $0xC80, s4  }
0xa: {  	s23 =	sadd.s32 $0x1900, s4;
	[dreg:$0x5] =	wrdreg s22  }
0xb: {  	s24 =	sadd.s32 $0x2580, s4;
	[dreg:$0x6] =	wrdreg s23  }
0xc: {  	s25 =	sadd.s32 $0x3200, s4;
	[dreg:$0x7] =	wrdreg s24  }
0xd: {  	s26 =	sadd.s32 $0x3E80, s4;
	[dreg:$0x8] =	wrdreg s25  }
0xe: {  	s5 =	sadd.s32 $0x4B00, s4;
	[dreg:$0x9] =	wrdreg s26  }
0xf: {  	s6 =	sadd.s32 $0x5780, s4;
	[dreg:$0xa] =	wrdreg s5  }
0x10: {  	s7 =	sadd.s32 $0x6400, s4;
	[dreg:$0xb] =	wrdreg s6  }
0x11: {  	s8 =	sadd.s32 $0x7080, s4;
	[dreg:$0xc] =	wrdreg s7  }
0x12: {  	s9 =	sadd.s32 $0x7D00, s4;
	[dreg:$0xd] =	wrdreg s8  }
0x13: {  	s10 =	sadd.s32 $0x8980, s4;
	[dreg:$0xe] =	wrdreg s9  }
0x14: {  	s11 =	sadd.s32 $0x9600, s4;
	[dreg:$0xf] =	wrdreg s10  }
0x15: {  	s12 =	sadd.s32 $0xA280, s4;
	[dreg:$0x10] =	wrdreg s11  }
0x16: {  	s13 =	sadd.s32 $0xAF00, s4;
	[dreg:$0x11] =	wrdreg s12  }
0x17: {  	s14 =	sadd.s32 $0xBB80, s4;
	[dreg:$0x12] =	wrdreg s13  }
0x18: {  	s15 =	sadd.s32 $0xC800, s4;
	[dreg:$0x13] =	wrdreg s14  }
0x19: {  	s31 =	simm.s32 $0x320;
	s16 =	sadd.s32 $0xD480, s4;
	[dreg:$0x14] =	wrdreg s15  }
0x1a: {  	s30 =	simm.s32 $0x3E8;
	s17 =	sadd.s32 $0xE100, s4;
	[dreg:$0x15] =	wrdreg s16  }
0x1b: {  	s29 =	simm.s32 $0x4B0;
	s18 =	sadd.s32 $0xED80, s4;
	[dreg:$0x16] =	wrdreg s17  }
0x1c: {  	s28 =	simm.s32 $0x578;
	s19 =	sadd.s32 $0xFA00, s4;
	[dreg:$0x17] =	wrdreg s18  }
0x1d: {  	p0 =	por $0x0, $0x0;
	s20 =	sadd.s32 $0x10680, s4;
	[dreg:$0x18] =	wrdreg s19  }
0x1e: {  	s0 =	ssub.s32 $0x2, s0;
	s21 =	sadd.s32 $0x11300, s4;
	[dreg:$0x19] =	wrdreg s20  }
0x1f: {  	[dreg:$0x1a] =	wrdreg s21;
	s22 =	sadd.s32 $0x11F80, s4;
	s23 =	sshrl.u32 s0, $0x1  }
0x20: {  	s24 =	sadd.s32 $0x12C00, s4;
	s4 =	simm.s32 $0x3;
	s8 =	simm.s32 $0xC8  }
0x21: {  	s5 =	simm.s32 $0x1400;
	s7 =	simm.s32 $0x7800;
	s25 =	simm.s32 $0x190  }
0x22: {  	s6 =	simm.s32 $0x1;
	s26 =	simm.s32 $0x258;
	s9 =	simm.s32 $0x2  }
0x23: {  	s21 =	simm.s32 $0xA28;
	s20 =	simm.s32 $0xAF0;
	s19 =	simm.s32 $0xBB8  }
0x24: {  	s18 =	simm.s32 $0xC80;
	s17 =	simm.s32 $0xD48;
	s0 =	ssub.s32 s0, s23  }
0x25: {  	s16 =	simm.s32 $0xE10;
	s15 =	simm.s32 $0xED8;
	s0 =	smax.u32 s0, $0x1  }
0x26: {  	s14 =	simm.s32 $0xFA0;
	[dreg:$0x1b] =	wrdreg s22;
	p1 =	sne.s32 s0, $0x1  }
.Ltmp0:
0x27: {  	s13 =	simm.s32 $0x1068;
	[dreg:$0x1c] =	wrdreg s24;
	(pc) =	sbr.rel @!p1 .LBB2_3-.Ltmp0, $4  }
0x28: {  	s12 =	simm.s32 $0x1130;
	s11 =	simm.s32 $0x11F8;
	[dreg:$0x1d] =	wrdreg s25  }
0x29: {  	s10 =	simm.s32 $0x12C0;
	[dreg:$0x1e] =	wrdreg s26;
	s26 =	simm.s32 $0x640  }
0x2a: {  	s25 =	simm.s32 $0x708;
	s24 =	simm.s32 $0x7D0;
	s23 =	simm.s32 $0x898  }
0x2b: {  	s22 =	simm.s32 $0x960;
	s1 =	sadd.s32 $0xFFFFFFFF, s0;
	s0 =	rddreg [dreg:$0x3]  }
0x2c: {  	[tilespmem:s2], [sflag:$0x3] =	stream.linear.gather [hbm4b:s0+s2], $0x1388, $0x38;
	[tilespmem:$0xDC00] =	vst v63  }
0x2d: {  	_ =	swait.ge [sflag:s4], $0x1388  }
0x2e: {  	[sflag:s4] =	ssyncset.done $0x0  }
0x2f: {  	[sflag:s4] =	ssyncadd.s32 $0xFFFFEC78  }
0x30: {  	[tilespmem:s5], [sflag:$0x1] =	stream.indirect.gather [hbm4b:s3+s8], $0x80, s2, s8, $0xb8;
	[tilespmem:$0xDC00] =	vst v63  }
0x31: {  	_ = 	snop  }
0x32: {  	[tilespmem:s7], [sflag:$0x2] =	stream.indirect.gather [hbm4b:s3+s8], $0x80, s8, s8, $0xb8;
	[tilespmem:$0xDC00] =	vst v63  }
0x33: {  	_ =	swait.ge [sflag:s6], $0x6400  }
0x34: {  	[sflag:s6] =	ssyncset.done $0x0  }
0x35: {  	s0 =	rddreg [dreg:$0x4];
	[sflag:s6] =	ssyncadd.s32 $0xFFFF9C00  }
0x36: {  	[hbm4b:s0+s2] =	stream.linear.scatter [tilespmem:s5], [sflag:$0x3], $0x6400, $0x38;
	[tilespmem:$0xDC00] =	vst v63  }
0x37: {  	_ =	swait.ge [sflag:s4], $0x6400  }
0x38: {  	[sflag:s4] =	ssyncset.done $0x0  }
0x39: {  	s0 =	rddreg [dreg:$0x1d];
	[sflag:s4] =	ssyncadd.s32 $0xFFFF9C00  }
0x3a: {  	[tilespmem:s5], [sflag:$0x1] =	stream.indirect.gather [hbm4b:s3+s8], $0x80, s0, s8, $0xb8;
	[tilespmem:$0xDC00] =	vst v63  }
0x3b: {  	_ =	swait.ge [sflag:s9], $0x6400  }
0x3c: {  	[sflag:s9] =	ssyncset.done $0x0  }
0x3d: {  	s0 =	rddreg [dreg:$0x5];
	[sflag:s9] =	ssyncadd.s32 $0xFFFF9C00  }
0x3e: {  	[hbm4b:s0+s2] =	stream.linear.scatter [tilespmem:s7], [sflag:$0x3], $0x6400, $0x38;
	[tilespmem:$0xDC00] =	vst v63  }
0x3f: {  	_ =	swait.ge [sflag:s4], $0x6400  }
0x40: {  	[sflag:s4] =	ssyncset.done $0x0  }
0x41: {  	s0 =	rddreg [dreg:$0x1e];
	[sflag:s4] =	ssyncadd.s32 $0xFFFF9C00  }
0x42: {  	[tilespmem:s7], [sflag:$0x2] =	stream.indirect.gather [hbm4b:s3+s8], $0x80, s0, s8, $0xb8;
	[tilespmem:$0xDC00] =	vst v63  }
0x43: {  	_ =	swait.ge [sflag:s6], $0x6400  }
0x44: {  	[sflag:s6] =	ssyncset.done $0x0  }
0x45: {  	s0 =	rddreg [dreg:$0x6];
	[sflag:s6] =	ssyncadd.s32 $0xFFFF9C00  }
0x46: {  	[hbm4b:s0+s2] =	stream.linear.scatter [tilespmem:s5], [sflag:$0x3], $0x6400, $0x38;
	[tilespmem:$0xDC00] =	vst v63  }
0x47: {  	_ =	swait.ge [sflag:s4], $0x6400  }
0x48: {  	[sflag:s4] =	ssyncset.done $0x0  }
0x49: {  	[sflag:s4] =	ssyncadd.s32 $0xFFFF9C00  }
0x4a: {  	[tilespmem:s5], [sflag:$0x1] =	stream.indirect.gather [hbm4b:s3+s8], $0x80, s31, s8, $0xb8;
	[tilespmem:$0xDC00] =	vst v63  }
0x4b: {  	_ =	swait.ge [sflag:s9], $0x6400  }
0x4c: {  	[sflag:s9] =	ssyncset.done $0x0  }
0x4d: {  	s0 =	rddreg [dreg:$0x7];
	[sflag:s9] =	ssyncadd.s32 $0xFFFF9C00  }
0x4e: {  	[hbm4b:s0+s2] =	stream.linear.scatter [tilespmem:s7], [sflag:$0x3], $0x6400, $0x38;
	[tilespmem:$0xDC00] =	vst v63  }
0x4f: {  	_ =	swait.ge [sflag:s4], $0x6400  }
0x50: {  	[sflag:s4] =	ssyncset.done $0x0  }
0x51: {  	[sflag:s4] =	ssyncadd.s32 $0xFFFF9C00  }
0x52: {  	[tilespmem:s7], [sflag:$0x2] =	stream.indirect.gather [hbm4b:s3+s8], $0x80, s30, s8, $0xb8;
	[tilespmem:$0xDC00] =	vst v63  }
0x53: {  	_ =	swait.ge [sflag:s6], $0x6400  }
0x54: {  	[sflag:s6] =	ssyncset.done $0x0  }
0x55: {  	s0 =	rddreg [dreg:$0x8];
	[sflag:s6] =	ssyncadd.s32 $0xFFFF9C00  }
0x56: {  	[hbm4b:s0+s2] =	stream.linear.scatter [tilespmem:s5], [sflag:$0x3], $0x6400, $0x38;
	[tilespmem:$0xDC00] =	vst v63  }
0x57: {  	_ =	swait.ge [sflag:s4], $0x6400  }
0x58: {  	[sflag:s4] =	ssyncset.done $0x0  }
0x59: {  	[sflag:s4] =	ssyncadd.s32 $0xFFFF9C00  }
0x5a: {  	[tilespmem:s5], [sflag:$0x1] =	stream.indirect.gather [hbm4b:s3+s8], $0x80, s29, s8, $0xb8;
	[tilespmem:$0xDC00] =	vst v63  }
0x5b: {  	_ =	swait.ge [sflag:s9], $0x6400  }
0x5c: {  	[sflag:s9] =	ssyncset.done $0x0  }
0x5d: {  	s0 =	rddreg [dreg:$0x9];
	[sflag:s9] =	ssyncadd.s32 $0xFFFF9C00  }
0x5e: {  	[hbm4b:s0+s2] =	stream.linear.scatter [tilespmem:s7], [sflag:$0x3], $0x6400, $0x38;
	[tilespmem:$0xDC00] =	vst v63  }
0x5f: {  	_ =	swait.ge [sflag:s4], $0x6400  }
0x60: {  	[sflag:s4] =	ssyncset.done $0x0  }
0x61: {  	[sflag:s4] =	ssyncadd.s32 $0xFFFF9C00  }
0x62: {  	[tilespmem:s7], [sflag:$0x2] =	stream.indirect.gather [hbm4b:s3+s8], $0x80, s28, s8, $0xb8;
	[tilespmem:$0xDC00] =	vst v63  }
0x63: {  	_ =	swait.ge [sflag:s6], $0x6400  }
0x64: {  	[sflag:s6] =	ssyncset.done $0x0  }
0x65: {  	s0 =	rddreg [dreg:$0xa];
	[sflag:s6] =	ssyncadd.s32 $0xFFFF9C00  }
0x66: {  	[hbm4b:s0+s2] =	stream.linear.scatter [tilespmem:s5], [sflag:$0x3], $0x6400, $0x38;
	[tilespmem:$0xDC00] =	vst v63  }
0x67: {  	_ =	swait.ge [sflag:s4], $0x6400  }
0x68: {  	[sflag:s4] =	ssyncset.done $0x0  }
0x69: {  	[sflag:s4] =	ssyncadd.s32 $0xFFFF9C00  }
0x6a: {  	[tilespmem:s5], [sflag:$0x1] =	stream.indirect.gather [hbm4b:s3+s8], $0x80, s26, s8, $0xb8;
	[tilespmem:$0xDC00] =	vst v63  }
0x6b: {  	_ =	swait.ge [sflag:s9], $0x6400  }
0x6c: {  	[sflag:s9] =	ssyncset.done $0x0  }
0x6d: {  	s0 =	rddreg [dreg:$0xb];
	[sflag:s9] =	ssyncadd.s32 $0xFFFF9C00  }
0x6e: {  	[hbm4b:s0+s2] =	stream.linear.scatter [tilespmem:s7], [sflag:$0x3], $0x6400, $0x38;
	[tilespmem:$0xDC00] =	vst v63  }
0x6f: {  	_ =	swait.ge [sflag:s4], $0x6400  }
0x70: {  	[sflag:s4] =	ssyncset.done $0x0  }
0x71: {  	[sflag:s4] =	ssyncadd.s32 $0xFFFF9C00  }
0x72: {  	[tilespmem:s7], [sflag:$0x2] =	stream.indirect.gather [hbm4b:s3+s8], $0x80, s25, s8, $0xb8;
	[tilespmem:$0xDC00] =	vst v63  }
0x73: {  	_ =	swait.ge [sflag:s6], $0x6400  }
0x74: {  	[sflag:s6] =	ssyncset.done $0x0  }
0x75: {  	s0 =	rddreg [dreg:$0xc];
	[sflag:s6] =	ssyncadd.s32 $0xFFFF9C00  }
0x76: {  	[hbm4b:s0+s2] =	stream.linear.scatter [tilespmem:s5], [sflag:$0x3], $0x6400, $0x38;
	[tilespmem:$0xDC00] =	vst v63  }
0x77: {  	_ =	swait.ge [sflag:s4], $0x6400  }
0x78: {  	[sflag:s4] =	ssyncset.done $0x0  }
0x79: {  	[sflag:s4] =	ssyncadd.s32 $0xFFFF9C00  }
0x7a: {  	[tilespmem:s5], [sflag:$0x1] =	stream.indirect.gather [hbm4b:s3+s8], $0x80, s24, s8, $0xb8;
	[tilespmem:$0xDC00] =	vst v63  }
0x7b: {  	_ =	swait.ge [sflag:s9], $0x6400  }
0x7c: {  	[sflag:s9] =	ssyncset.done $0x0  }
0x7d: {  	s0 =	rddreg [dreg:$0xd];
	[sflag:s9] =	ssyncadd.s32 $0xFFFF9C00  }
0x7e: {  	[hbm4b:s0+s2] =	stream.linear.scatter [tilespmem:s7], [sflag:$0x3], $0x6400, $0x38;
	[tilespmem:$0xDC00] =	vst v63  }
0x7f: {  	_ =	swait.ge [sflag:s4], $0x6400  }
0x80: {  	[sflag:s4] =	ssyncset.done $0x0  }
0x81: {  	[sflag:s4] =	ssyncadd.s32 $0xFFFF9C00  }
0x82: {  	[tilespmem:s7], [sflag:$0x2] =	stream.indirect.gather [hbm4b:s3+s8], $0x80, s23, s8, $0xb8;
	[tilespmem:$0xDC00] =	vst v63  }
0x83: {  	_ =	swait.ge [sflag:s6], $0x6400  }
0x84: {  	[sflag:s6] =	ssyncset.done $0x0  }
0x85: {  	s0 =	rddreg [dreg:$0xe];
	[sflag:s6] =	ssyncadd.s32 $0xFFFF9C00  }
0x86: {  	[hbm4b:s0+s2] =	stream.linear.scatter [tilespmem:s5], [sflag:$0x3], $0x6400, $0x38;
	[tilespmem:$0xDC00] =	vst v63  }
0x87: {  	_ =	swait.ge [sflag:s4], $0x6400  }
0x88: {  	[sflag:s4] =	ssyncset.done $0x0  }
0x89: {  	[sflag:s4] =	ssyncadd.s32 $0xFFFF9C00  }
0x8a: {  	[tilespmem:s5], [sflag:$0x1] =	stream.indirect.gather [hbm4b:s3+s8], $0x80, s22, s8, $0xb8;
	[tilespmem:$0xDC00] =	vst v63  }
0x8b: {  	_ =	swait.ge [sflag:s9], $0x6400  }
0x8c: {  	[sflag:s9] =	ssyncset.done $0x0  }
0x8d: {  	s0 =	rddreg [dreg:$0xf];
	[sflag:s9] =	ssyncadd.s32 $0xFFFF9C00  }
0x8e: {  	[hbm4b:s0+s2] =	stream.linear.scatter [tilespmem:s7], [sflag:$0x3], $0x6400, $0x38;
	[tilespmem:$0xDC00] =	vst v63  }
0x8f: {  	_ =	swait.ge [sflag:s4], $0x6400  }
0x90: {  	[sflag:s4] =	ssyncset.done $0x0  }
0x91: {  	[sflag:s4] =	ssyncadd.s32 $0xFFFF9C00  }
0x92: {  	[tilespmem:s7], [sflag:$0x2] =	stream.indirect.gather [hbm4b:s3+s8], $0x80, s21, s8, $0xb8;
	[tilespmem:$0xDC00] =	vst v63  }
0x93: {  	_ =	swait.ge [sflag:s6], $0x6400  }
0x94: {  	[sflag:s6] =	ssyncset.done $0x0  }
0x95: {  	s0 =	rddreg [dreg:$0x10];
	[sflag:s6] =	ssyncadd.s32 $0xFFFF9C00  }
0x96: {  	[hbm4b:s0+s2] =	stream.linear.scatter [tilespmem:s5], [sflag:$0x3], $0x6400, $0x38;
	[tilespmem:$0xDC00] =	vst v63  }
0x97: {  	_ =	swait.ge [sflag:s4], $0x6400  }
0x98: {  	[sflag:s4] =	ssyncset.done $0x0  }
0x99: {  	[sflag:s4] =	ssyncadd.s32 $0xFFFF9C00  }
0x9a: {  	[tilespmem:s5], [sflag:$0x1] =	stream.indirect.gather [hbm4b:s3+s8], $0x80, s20, s8, $0xb8;
	[tilespmem:$0xDC00] =	vst v63  }
0x9b: {  	_ =	swait.ge [sflag:s9], $0x6400  }
0x9c: {  	[sflag:s9] =	ssyncset.done $0x0  }
0x9d: {  	s0 =	rddreg [dreg:$0x11];
	[sflag:s9] =	ssyncadd.s32 $0xFFFF9C00  }
0x9e: {  	[hbm4b:s0+s2] =	stream.linear.scatter [tilespmem:s7], [sflag:$0x3], $0x6400, $0x38;
	[tilespmem:$0xDC00] =	vst v63  }
0x9f: {  	_ =	swait.ge [sflag:s4], $0x6400  }
0xa0: {  	[sflag:s4] =	ssyncset.done $0x0  }
0xa1: {  	[sflag:s4] =	ssyncadd.s32 $0xFFFF9C00  }
0xa2: {  	[tilespmem:s7], [sflag:$0x2] =	stream.indirect.gather [hbm4b:s3+s8], $0x80, s19, s8, $0xb8;
	[tilespmem:$0xDC00] =	vst v63  }
0xa3: {  	_ =	swait.ge [sflag:s6], $0x6400  }
0xa4: {  	[sflag:s6] =	ssyncset.done $0x0  }
0xa5: {  	s0 =	rddreg [dreg:$0x12];
	[sflag:s6] =	ssyncadd.s32 $0xFFFF9C00  }
0xa6: {  	[hbm4b:s0+s2] =	stream.linear.scatter [tilespmem:s5], [sflag:$0x3], $0x6400, $0x38;
	[tilespmem:$0xDC00] =	vst v63  }
0xa7: {  	_ =	swait.ge [sflag:s4], $0x6400  }
0xa8: {  	[sflag:s4] =	ssyncset.done $0x0  }
0xa9: {  	[sflag:s4] =	ssyncadd.s32 $0xFFFF9C00  }
0xaa: {  	[tilespmem:s5], [sflag:$0x1] =	stream.indirect.gather [hbm4b:s3+s8], $0x80, s18, s8, $0xb8;
	[tilespmem:$0xDC00] =	vst v63  }
0xab: {  	_ =	swait.ge [sflag:s9], $0x6400  }
0xac: {  	[sflag:s9] =	ssyncset.done $0x0  }
0xad: {  	s0 =	rddreg [dreg:$0x13];
	[sflag:s9] =	ssyncadd.s32 $0xFFFF9C00  }
0xae: {  	[hbm4b:s0+s2] =	stream.linear.scatter [tilespmem:s7], [sflag:$0x3], $0x6400, $0x38;
	[tilespmem:$0xDC00] =	vst v63  }
0xaf: {  	_ =	swait.ge [sflag:s4], $0x6400  }
0xb0: {  	[sflag:s4] =	ssyncset.done $0x0  }
0xb1: {  	[sflag:s4] =	ssyncadd.s32 $0xFFFF9C00  }
0xb2: {  	[tilespmem:s7], [sflag:$0x2] =	stream.indirect.gather [hbm4b:s3+s8], $0x80, s17, s8, $0xb8;
	[tilespmem:$0xDC00] =	vst v63  }
0xb3: {  	_ =	swait.ge [sflag:s6], $0x6400  }
0xb4: {  	[sflag:s6] =	ssyncset.done $0x0  }
0xb5: {  	s0 =	rddreg [dreg:$0x14];
	[sflag:s6] =	ssyncadd.s32 $0xFFFF9C00  }
0xb6: {  	[hbm4b:s0+s2] =	stream.linear.scatter [tilespmem:s5], [sflag:$0x3], $0x6400, $0x38;
	[tilespmem:$0xDC00] =	vst v63  }
0xb7: {  	_ =	swait.ge [sflag:s4], $0x6400  }
0xb8: {  	[sflag:s4] =	ssyncset.done $0x0  }
0xb9: {  	[sflag:s4] =	ssyncadd.s32 $0xFFFF9C00  }
0xba: {  	[tilespmem:s5], [sflag:$0x1] =	stream.indirect.gather [hbm4b:s3+s8], $0x80, s16, s8, $0xb8;
	[tilespmem:$0xDC00] =	vst v63  }
0xbb: {  	_ =	swait.ge [sflag:s9], $0x6400  }
0xbc: {  	[sflag:s9] =	ssyncset.done $0x0  }
0xbd: {  	s0 =	rddreg [dreg:$0x15];
	[sflag:s9] =	ssyncadd.s32 $0xFFFF9C00  }
0xbe: {  	[hbm4b:s0+s2] =	stream.linear.scatter [tilespmem:s7], [sflag:$0x3], $0x6400, $0x38;
	[tilespmem:$0xDC00] =	vst v63  }
0xbf: {  	_ =	swait.ge [sflag:s4], $0x6400  }
0xc0: {  	[sflag:s4] =	ssyncset.done $0x0  }
0xc1: {  	[sflag:s4] =	ssyncadd.s32 $0xFFFF9C00  }
0xc2: {  	[tilespmem:s7], [sflag:$0x2] =	stream.indirect.gather [hbm4b:s3+s8], $0x80, s15, s8, $0xb8;
	[tilespmem:$0xDC00] =	vst v63  }
0xc3: {  	_ =	swait.ge [sflag:s6], $0x6400  }
0xc4: {  	[sflag:s6] =	ssyncset.done $0x0  }
0xc5: {  	s0 =	rddreg [dreg:$0x16];
	[sflag:s6] =	ssyncadd.s32 $0xFFFF9C00  }
0xc6: {  	[hbm4b:s0+s2] =	stream.linear.scatter [tilespmem:s5], [sflag:$0x3], $0x6400, $0x38;
	[tilespmem:$0xDC00] =	vst v63  }
0xc7: {  	_ =	swait.ge [sflag:s4], $0x6400  }
0xc8: {  	[sflag:s4] =	ssyncset.done $0x0  }
0xc9: {  	[sflag:s4] =	ssyncadd.s32 $0xFFFF9C00  }
0xca: {  	[tilespmem:s5], [sflag:$0x1] =	stream.indirect.gather [hbm4b:s3+s8], $0x80, s14, s8, $0xb8;
	[tilespmem:$0xDC00] =	vst v63  }
0xcb: {  	_ =	swait.ge [sflag:s9], $0x6400  }
0xcc: {  	[sflag:s9] =	ssyncset.done $0x0  }
0xcd: {  	s0 =	rddreg [dreg:$0x17];
	[sflag:s9] =	ssyncadd.s32 $0xFFFF9C00  }
0xce: {  	[hbm4b:s0+s2] =	stream.linear.scatter [tilespmem:s7], [sflag:$0x3], $0x6400, $0x38;
	[tilespmem:$0xDC00] =	vst v63  }
0xcf: {  	_ =	swait.ge [sflag:s4], $0x6400  }
0xd0: {  	[sflag:s4] =	ssyncset.done $0x0  }
0xd1: {  	[sflag:s4] =	ssyncadd.s32 $0xFFFF9C00  }
0xd2: {  	[tilespmem:s7], [sflag:$0x2] =	stream.indirect.gather [hbm4b:s3+s8], $0x80, s13, s8, $0xb8;
	[tilespmem:$0xDC00] =	vst v63  }
0xd3: {  	_ =	swait.ge [sflag:s6], $0x6400  }
0xd4: {  	[sflag:s6] =	ssyncset.done $0x0  }
0xd5: {  	s0 =	rddreg [dreg:$0x18];
	[sflag:s6] =	ssyncadd.s32 $0xFFFF9C00  }
0xd6: {  	[hbm4b:s0+s2] =	stream.linear.scatter [tilespmem:s5], [sflag:$0x3], $0x6400, $0x38;
	[tilespmem:$0xDC00] =	vst v63  }
0xd7: {  	_ =	swait.ge [sflag:s4], $0x6400  }
0xd8: {  	[sflag:s4] =	ssyncset.done $0x0  }
0xd9: {  	[sflag:s4] =	ssyncadd.s32 $0xFFFF9C00  }
0xda: {  	[tilespmem:s5], [sflag:$0x1] =	stream.indirect.gather [hbm4b:s3+s8], $0x80, s12, s8, $0xb8;
	[tilespmem:$0xDC00] =	vst v63  }
0xdb: {  	_ =	swait.ge [sflag:s9], $0x6400  }
0xdc: {  	[sflag:s9] =	ssyncset.done $0x0  }
0xdd: {  	s0 =	rddreg [dreg:$0x19];
	[sflag:s9] =	ssyncadd.s32 $0xFFFF9C00  }
0xde: {  	[hbm4b:s0+s2] =	stream.linear.scatter [tilespmem:s7], [sflag:$0x3], $0x6400, $0x38;
	[tilespmem:$0xDC00] =	vst v63  }
0xdf: {  	_ =	swait.ge [sflag:s4], $0x6400  }
0xe0: {  	[sflag:s4] =	ssyncset.done $0x0  }
0xe1: {  	[sflag:s4] =	ssyncadd.s32 $0xFFFF9C00  }
0xe2: {  	[tilespmem:s7], [sflag:$0x2] =	stream.indirect.gather [hbm4b:s3+s8], $0x80, s11, s8, $0xb8;
	[tilespmem:$0xDC00] =	vst v63  }
0xe3: {  	_ =	swait.ge [sflag:s6], $0x6400  }
0xe4: {  	[sflag:s6] =	ssyncset.done $0x0  }
0xe5: {  	s0 =	rddreg [dreg:$0x1a];
	[sflag:s6] =	ssyncadd.s32 $0xFFFF9C00  }
0xe6: {  	[hbm4b:s0+s2] =	stream.linear.scatter [tilespmem:s5], [sflag:$0x3], $0x6400, $0x38;
	[tilespmem:$0xDC00] =	vst v63  }
0xe7: {  	_ =	swait.ge [sflag:s4], $0x6400  }
0xe8: {  	[sflag:s4] =	ssyncset.done $0x0  }
0xe9: {  	[sflag:s4] =	ssyncadd.s32 $0xFFFF9C00  }
0xea: {  	[tilespmem:s5], [sflag:$0x1] =	stream.indirect.gather [hbm4b:s3+s8], $0x80, s10, s8, $0xb8;
	[tilespmem:$0xDC00] =	vst v63  }
0xeb: {  	_ =	swait.ge [sflag:s9], $0x6400  }
0xec: {  	[sflag:s9] =	ssyncset.done $0x0  }
0xed: {  	s0 =	rddreg [dreg:$0x1b];
	[sflag:s9] =	ssyncadd.s32 $0xFFFF9C00  }
0xee: {  	[hbm4b:s0+s2] =	stream.linear.scatter [tilespmem:s7], [sflag:$0x3], $0x6400, $0x38;
	[tilespmem:$0xDC00] =	vst v63  }
0xef: {  	_ =	swait.ge [sflag:s4], $0x6400  }
0xf0: {  	[sflag:s4] =	ssyncset.done $0x0  }
0xf1: {  	[sflag:s4] =	ssyncadd.s32 $0xFFFF9C00  }
0xf2: {  	p1 =	sne.s32 s1, $0x1;
	_ =	swait.ge [sflag:s6], $0x6400  }
.Ltmp1:
0xf3: {  	[sflag:s6] =	ssyncset.done $0x0;
	(pc) =	sbr.rel @!p1 .LBB2_3-.Ltmp1, $4  }
0xf4: {  	s0 =	rddreg [dreg:$0x1c];
	[sflag:s6] =	ssyncadd.s32 $0xFFFF9C00  }
0xf5: {  	[hbm4b:s0+s2] =	stream.linear.scatter [tilespmem:s5], [sflag:$0x3], $0x6400, $0x38;
	[tilespmem:$0xDC00] =	vst v63  }
0xf6: {  	s1 =	sadd.s32 $0xFFFFFFFF, s1;
	_ =	swait.ge [sflag:s4], $0x6400  }
0xf7: {  	p0 =	por $0x1, $0x1;
	s0 =	rddreg [dreg:$0x3];
	[sflag:s4] =	ssyncset.done $0x0  }
.LBB2_2:
0xf8: {  	[sflag:s4] =	ssyncadd.s32 $0xFFFF9C00  }
0xf9: {  	[tilespmem:s2], [sflag:$0x3] =	stream.linear.gather [hbm4b:s0+s2], $0x1388, $0x38;
	[tilespmem:$0xDC00] =	vst v63  }
0xfa: {  	_ =	swait.ge [sflag:s4], $0x1388  }
0xfb: {  	[sflag:s4] =	ssyncset.done $0x0  }
0xfc: {  	[sflag:s4] =	ssyncadd.s32 $0xFFFFEC78  }
0xfd: {  	[tilespmem:s5], [sflag:$0x1] =	stream.indirect.gather [hbm4b:s3+s8], $0x80, s2, s8, $0xb8;
	[tilespmem:$0xDC00] =	vst v63  }
0xfe: {  	_ = 	snop  }
0xff: {  	[tilespmem:s7], [sflag:$0x2] =	stream.indirect.gather [hbm4b:s3+s8], $0x80, s8, s8, $0xb8;
	[tilespmem:$0xDC00] =	vst v63  }
0x100: {  	_ =	swait.ge [sflag:s6], $0x6400  }
0x101: {  	[sflag:s6] =	ssyncset.done $0x0  }
0x102: {  	s0 =	rddreg [dreg:$0x4];
	[sflag:s6] =	ssyncadd.s32 $0xFFFF9C00  }
0x103: {  	[hbm4b:s0+s2] =	stream.linear.scatter [tilespmem:s5], [sflag:$0x3], $0x6400, $0x38;
	[tilespmem:$0xDC00] =	vst v63  }
0x104: {  	_ =	swait.ge [sflag:s4], $0x6400  }
0x105: {  	[sflag:s4] =	ssyncset.done $0x0  }
0x106: {  	s0 =	rddreg [dreg:$0x1d];
	[sflag:s4] =	ssyncadd.s32 $0xFFFF9C00  }
0x107: {  	[tilespmem:s5], [sflag:$0x1] =	stream.indirect.gather [hbm4b:s3+s8], $0x80, s0, s8, $0xb8;
	[tilespmem:$0xDC00] =	vst v63  }
0x108: {  	_ =	swait.ge [sflag:s9], $0x6400  }
0x109: {  	[sflag:s9] =	ssyncset.done $0x0  }
0x10a: {  	s0 =	rddreg [dreg:$0x5];
	[sflag:s9] =	ssyncadd.s32 $0xFFFF9C00  }
0x10b: {  	[hbm4b:s0+s2] =	stream.linear.scatter [tilespmem:s7], [sflag:$0x3], $0x6400, $0x38;
	[tilespmem:$0xDC00] =	vst v63  }
0x10c: {  	_ =	swait.ge [sflag:s4], $0x6400  }
0x10d: {  	[sflag:s4] =	ssyncset.done $0x0  }
0x10e: {  	s0 =	rddreg [dreg:$0x1e];
	[sflag:s4] =	ssyncadd.s32 $0xFFFF9C00  }
0x10f: {  	[tilespmem:s7], [sflag:$0x2] =	stream.indirect.gather [hbm4b:s3+s8], $0x80, s0, s8, $0xb8;
	[tilespmem:$0xDC00] =	vst v63  }
0x110: {  	_ =	swait.ge [sflag:s6], $0x6400  }
0x111: {  	[sflag:s6] =	ssyncset.done $0x0  }
0x112: {  	s0 =	rddreg [dreg:$0x6];
	[sflag:s6] =	ssyncadd.s32 $0xFFFF9C00  }
0x113: {  	[hbm4b:s0+s2] =	stream.linear.scatter [tilespmem:s5], [sflag:$0x3], $0x6400, $0x38;
	[tilespmem:$0xDC00] =	vst v63  }
0x114: {  	_ =	swait.ge [sflag:s4], $0x6400  }
0x115: {  	[sflag:s4] =	ssyncset.done $0x0  }
0x116: {  	[sflag:s4] =	ssyncadd.s32 $0xFFFF9C00  }
0x117: {  	[tilespmem:s5], [sflag:$0x1] =	stream.indirect.gather [hbm4b:s3+s8], $0x80, s31, s8, $0xb8;
	[tilespmem:$0xDC00] =	vst v63  }
0x118: {  	_ =	swait.ge [sflag:s9], $0x6400  }
0x119: {  	[sflag:s9] =	ssyncset.done $0x0  }
0x11a: {  	s0 =	rddreg [dreg:$0x7];
	[sflag:s9] =	ssyncadd.s32 $0xFFFF9C00  }
0x11b: {  	[hbm4b:s0+s2] =	stream.linear.scatter [tilespmem:s7], [sflag:$0x3], $0x6400, $0x38;
	[tilespmem:$0xDC00] =	vst v63  }
0x11c: {  	_ =	swait.ge [sflag:s4], $0x6400  }
0x11d: {  	[sflag:s4] =	ssyncset.done $0x0  }
0x11e: {  	[sflag:s4] =	ssyncadd.s32 $0xFFFF9C00  }
0x11f: {  	[tilespmem:s7], [sflag:$0x2] =	stream.indirect.gather [hbm4b:s3+s8], $0x80, s30, s8, $0xb8;
	[tilespmem:$0xDC00] =	vst v63  }
0x120: {  	_ =	swait.ge [sflag:s6], $0x6400  }
0x121: {  	[sflag:s6] =	ssyncset.done $0x0  }
0x122: {  	s0 =	rddreg [dreg:$0x8];
	[sflag:s6] =	ssyncadd.s32 $0xFFFF9C00  }
0x123: {  	[hbm4b:s0+s2] =	stream.linear.scatter [tilespmem:s5], [sflag:$0x3], $0x6400, $0x38;
	[tilespmem:$0xDC00] =	vst v63  }
0x124: {  	_ =	swait.ge [sflag:s4], $0x6400  }
0x125: {  	[sflag:s4] =	ssyncset.done $0x0  }
0x126: {  	[sflag:s4] =	ssyncadd.s32 $0xFFFF9C00  }
0x127: {  	[tilespmem:s5], [sflag:$0x1] =	stream.indirect.gather [hbm4b:s3+s8], $0x80, s29, s8, $0xb8;
	[tilespmem:$0xDC00] =	vst v63  }
0x128: {  	_ =	swait.ge [sflag:s9], $0x6400  }
0x129: {  	[sflag:s9] =	ssyncset.done $0x0  }
0x12a: {  	s0 =	rddreg [dreg:$0x9];
	[sflag:s9] =	ssyncadd.s32 $0xFFFF9C00  }
0x12b: {  	[hbm4b:s0+s2] =	stream.linear.scatter [tilespmem:s7], [sflag:$0x3], $0x6400, $0x38;
	[tilespmem:$0xDC00] =	vst v63  }
0x12c: {  	_ =	swait.ge [sflag:s4], $0x6400  }
0x12d: {  	[sflag:s4] =	ssyncset.done $0x0  }
0x12e: {  	[sflag:s4] =	ssyncadd.s32 $0xFFFF9C00  }
0x12f: {  	[tilespmem:s7], [sflag:$0x2] =	stream.indirect.gather [hbm4b:s3+s8], $0x80, s28, s8, $0xb8;
	[tilespmem:$0xDC00] =	vst v63  }
0x130: {  	_ =	swait.ge [sflag:s6], $0x6400  }
0x131: {  	[sflag:s6] =	ssyncset.done $0x0  }
0x132: {  	s0 =	rddreg [dreg:$0xa];
	[sflag:s6] =	ssyncadd.s32 $0xFFFF9C00  }
0x133: {  	[hbm4b:s0+s2] =	stream.linear.scatter [tilespmem:s5], [sflag:$0x3], $0x6400, $0x38;
	[tilespmem:$0xDC00] =	vst v63  }
0x134: {  	_ =	swait.ge [sflag:s4], $0x6400  }
0x135: {  	[sflag:s4] =	ssyncset.done $0x0  }
0x136: {  	[sflag:s4] =	ssyncadd.s32 $0xFFFF9C00  }
0x137: {  	[tilespmem:s5], [sflag:$0x1] =	stream.indirect.gather [hbm4b:s3+s8], $0x80, s26, s8, $0xb8;
	[tilespmem:$0xDC00] =	vst v63  }
0x138: {  	_ =	swait.ge [sflag:s9], $0x6400  }
0x139: {  	[sflag:s9] =	ssyncset.done $0x0  }
0x13a: {  	s0 =	rddreg [dreg:$0xb];
	[sflag:s9] =	ssyncadd.s32 $0xFFFF9C00  }
0x13b: {  	[hbm4b:s0+s2] =	stream.linear.scatter [tilespmem:s7], [sflag:$0x3], $0x6400, $0x38;
	[tilespmem:$0xDC00] =	vst v63  }
0x13c: {  	_ =	swait.ge [sflag:s4], $0x6400  }
0x13d: {  	[sflag:s4] =	ssyncset.done $0x0  }
0x13e: {  	[sflag:s4] =	ssyncadd.s32 $0xFFFF9C00  }
0x13f: {  	[tilespmem:s7], [sflag:$0x2] =	stream.indirect.gather [hbm4b:s3+s8], $0x80, s25, s8, $0xb8;
	[tilespmem:$0xDC00] =	vst v63  }
0x140: {  	_ =	swait.ge [sflag:s6], $0x6400  }
0x141: {  	[sflag:s6] =	ssyncset.done $0x0  }
0x142: {  	s0 =	rddreg [dreg:$0xc];
	[sflag:s6] =	ssyncadd.s32 $0xFFFF9C00  }
0x143: {  	[hbm4b:s0+s2] =	stream.linear.scatter [tilespmem:s5], [sflag:$0x3], $0x6400, $0x38;
	[tilespmem:$0xDC00] =	vst v63  }
0x144: {  	_ =	swait.ge [sflag:s4], $0x6400  }
0x145: {  	[sflag:s4] =	ssyncset.done $0x0  }
0x146: {  	[sflag:s4] =	ssyncadd.s32 $0xFFFF9C00  }
0x147: {  	[tilespmem:s5], [sflag:$0x1] =	stream.indirect.gather [hbm4b:s3+s8], $0x80, s24, s8, $0xb8;
	[tilespmem:$0xDC00] =	vst v63  }
0x148: {  	_ =	swait.ge [sflag:s9], $0x6400  }
0x149: {  	[sflag:s9] =	ssyncset.done $0x0  }
0x14a: {  	s0 =	rddreg [dreg:$0xd];
	[sflag:s9] =	ssyncadd.s32 $0xFFFF9C00  }
0x14b: {  	[hbm4b:s0+s2] =	stream.linear.scatter [tilespmem:s7], [sflag:$0x3], $0x6400, $0x38;
	[tilespmem:$0xDC00] =	vst v63  }
0x14c: {  	_ =	swait.ge [sflag:s4], $0x6400  }
0x14d: {  	[sflag:s4] =	ssyncset.done $0x0  }
0x14e: {  	[sflag:s4] =	ssyncadd.s32 $0xFFFF9C00  }
0x14f: {  	[tilespmem:s7], [sflag:$0x2] =	stream.indirect.gather [hbm4b:s3+s8], $0x80, s23, s8, $0xb8;
	[tilespmem:$0xDC00] =	vst v63  }
0x150: {  	_ =	swait.ge [sflag:s6], $0x6400  }
0x151: {  	[sflag:s6] =	ssyncset.done $0x0  }
0x152: {  	s0 =	rddreg [dreg:$0xe];
	[sflag:s6] =	ssyncadd.s32 $0xFFFF9C00  }
0x153: {  	[hbm4b:s0+s2] =	stream.linear.scatter [tilespmem:s5], [sflag:$0x3], $0x6400, $0x38;
	[tilespmem:$0xDC00] =	vst v63  }
0x154: {  	_ =	swait.ge [sflag:s4], $0x6400  }
0x155: {  	[sflag:s4] =	ssyncset.done $0x0  }
0x156: {  	[sflag:s4] =	ssyncadd.s32 $0xFFFF9C00  }
0x157: {  	[tilespmem:s5], [sflag:$0x1] =	stream.indirect.gather [hbm4b:s3+s8], $0x80, s22, s8, $0xb8;
	[tilespmem:$0xDC00] =	vst v63  }
0x158: {  	_ =	swait.ge [sflag:s9], $0x6400  }
0x159: {  	[sflag:s9] =	ssyncset.done $0x0  }
0x15a: {  	s0 =	rddreg [dreg:$0xf];
	[sflag:s9] =	ssyncadd.s32 $0xFFFF9C00  }
0x15b: {  	[hbm4b:s0+s2] =	stream.linear.scatter [tilespmem:s7], [sflag:$0x3], $0x6400, $0x38;
	[tilespmem:$0xDC00] =	vst v63  }
0x15c: {  	_ =	swait.ge [sflag:s4], $0x6400  }
0x15d: {  	[sflag:s4] =	ssyncset.done $0x0  }
0x15e: {  	[sflag:s4] =	ssyncadd.s32 $0xFFFF9C00  }
0x15f: {  	[tilespmem:s7], [sflag:$0x2] =	stream.indirect.gather [hbm4b:s3+s8], $0x80, s21, s8, $0xb8;
	[tilespmem:$0xDC00] =	vst v63  }
0x160: {  	_ =	swait.ge [sflag:s6], $0x6400  }
0x161: {  	[sflag:s6] =	ssyncset.done $0x0  }
0x162: {  	s0 =	rddreg [dreg:$0x10];
	[sflag:s6] =	ssyncadd.s32 $0xFFFF9C00  }
0x163: {  	[hbm4b:s0+s2] =	stream.linear.scatter [tilespmem:s5], [sflag:$0x3], $0x6400, $0x38;
	[tilespmem:$0xDC00] =	vst v63  }
0x164: {  	_ =	swait.ge [sflag:s4], $0x6400  }
0x165: {  	[sflag:s4] =	ssyncset.done $0x0  }
0x166: {  	[sflag:s4] =	ssyncadd.s32 $0xFFFF9C00  }
0x167: {  	[tilespmem:s5], [sflag:$0x1] =	stream.indirect.gather [hbm4b:s3+s8], $0x80, s20, s8, $0xb8;
	[tilespmem:$0xDC00] =	vst v63  }
0x168: {  	_ =	swait.ge [sflag:s9], $0x6400  }
0x169: {  	[sflag:s9] =	ssyncset.done $0x0  }
0x16a: {  	s0 =	rddreg [dreg:$0x11];
	[sflag:s9] =	ssyncadd.s32 $0xFFFF9C00  }
0x16b: {  	[hbm4b:s0+s2] =	stream.linear.scatter [tilespmem:s7], [sflag:$0x3], $0x6400, $0x38;
	[tilespmem:$0xDC00] =	vst v63  }
0x16c: {  	_ =	swait.ge [sflag:s4], $0x6400  }
0x16d: {  	[sflag:s4] =	ssyncset.done $0x0  }
0x16e: {  	[sflag:s4] =	ssyncadd.s32 $0xFFFF9C00  }
0x16f: {  	[tilespmem:s7], [sflag:$0x2] =	stream.indirect.gather [hbm4b:s3+s8], $0x80, s19, s8, $0xb8;
	[tilespmem:$0xDC00] =	vst v63  }
0x170: {  	_ =	swait.ge [sflag:s6], $0x6400  }
0x171: {  	[sflag:s6] =	ssyncset.done $0x0  }
0x172: {  	s0 =	rddreg [dreg:$0x12];
	[sflag:s6] =	ssyncadd.s32 $0xFFFF9C00  }
0x173: {  	[hbm4b:s0+s2] =	stream.linear.scatter [tilespmem:s5], [sflag:$0x3], $0x6400, $0x38;
	[tilespmem:$0xDC00] =	vst v63  }
0x174: {  	_ =	swait.ge [sflag:s4], $0x6400  }
0x175: {  	[sflag:s4] =	ssyncset.done $0x0  }
0x176: {  	[sflag:s4] =	ssyncadd.s32 $0xFFFF9C00  }
0x177: {  	[tilespmem:s5], [sflag:$0x1] =	stream.indirect.gather [hbm4b:s3+s8], $0x80, s18, s8, $0xb8;
	[tilespmem:$0xDC00] =	vst v63  }
0x178: {  	_ =	swait.ge [sflag:s9], $0x6400  }
0x179: {  	[sflag:s9] =	ssyncset.done $0x0  }
0x17a: {  	s0 =	rddreg [dreg:$0x13];
	[sflag:s9] =	ssyncadd.s32 $0xFFFF9C00  }
0x17b: {  	[hbm4b:s0+s2] =	stream.linear.scatter [tilespmem:s7], [sflag:$0x3], $0x6400, $0x38;
	[tilespmem:$0xDC00] =	vst v63  }
0x17c: {  	_ =	swait.ge [sflag:s4], $0x6400  }
0x17d: {  	[sflag:s4] =	ssyncset.done $0x0  }
0x17e: {  	[sflag:s4] =	ssyncadd.s32 $0xFFFF9C00  }
0x17f: {  	[tilespmem:s7], [sflag:$0x2] =	stream.indirect.gather [hbm4b:s3+s8], $0x80, s17, s8, $0xb8;
	[tilespmem:$0xDC00] =	vst v63  }
0x180: {  	_ =	swait.ge [sflag:s6], $0x6400  }
0x181: {  	[sflag:s6] =	ssyncset.done $0x0  }
0x182: {  	s0 =	rddreg [dreg:$0x14];
	[sflag:s6] =	ssyncadd.s32 $0xFFFF9C00  }
0x183: {  	[hbm4b:s0+s2] =	stream.linear.scatter [tilespmem:s5], [sflag:$0x3], $0x6400, $0x38;
	[tilespmem:$0xDC00] =	vst v63  }
0x184: {  	_ =	swait.ge [sflag:s4], $0x6400  }
0x185: {  	[sflag:s4] =	ssyncset.done $0x0  }
0x186: {  	[sflag:s4] =	ssyncadd.s32 $0xFFFF9C00  }
0x187: {  	[tilespmem:s5], [sflag:$0x1] =	stream.indirect.gather [hbm4b:s3+s8], $0x80, s16, s8, $0xb8;
	[tilespmem:$0xDC00] =	vst v63  }
0x188: {  	_ =	swait.ge [sflag:s9], $0x6400  }
0x189: {  	[sflag:s9] =	ssyncset.done $0x0  }
0x18a: {  	s0 =	rddreg [dreg:$0x15];
	[sflag:s9] =	ssyncadd.s32 $0xFFFF9C00  }
0x18b: {  	[hbm4b:s0+s2] =	stream.linear.scatter [tilespmem:s7], [sflag:$0x3], $0x6400, $0x38;
	[tilespmem:$0xDC00] =	vst v63  }
0x18c: {  	_ =	swait.ge [sflag:s4], $0x6400  }
0x18d: {  	[sflag:s4] =	ssyncset.done $0x0  }
0x18e: {  	[sflag:s4] =	ssyncadd.s32 $0xFFFF9C00  }
0x18f: {  	[tilespmem:s7], [sflag:$0x2] =	stream.indirect.gather [hbm4b:s3+s8], $0x80, s15, s8, $0xb8;
	[tilespmem:$0xDC00] =	vst v63  }
0x190: {  	_ =	swait.ge [sflag:s6], $0x6400  }
0x191: {  	[sflag:s6] =	ssyncset.done $0x0  }
0x192: {  	s0 =	rddreg [dreg:$0x16];
	[sflag:s6] =	ssyncadd.s32 $0xFFFF9C00  }
0x193: {  	[hbm4b:s0+s2] =	stream.linear.scatter [tilespmem:s5], [sflag:$0x3], $0x6400, $0x38;
	[tilespmem:$0xDC00] =	vst v63  }
0x194: {  	_ =	swait.ge [sflag:s4], $0x6400  }
0x195: {  	[sflag:s4] =	ssyncset.done $0x0  }
0x196: {  	[sflag:s4] =	ssyncadd.s32 $0xFFFF9C00  }
0x197: {  	[tilespmem:s5], [sflag:$0x1] =	stream.indirect.gather [hbm4b:s3+s8], $0x80, s14, s8, $0xb8;
	[tilespmem:$0xDC00] =	vst v63  }
0x198: {  	_ =	swait.ge [sflag:s9], $0x6400  }
0x199: {  	[sflag:s9] =	ssyncset.done $0x0  }
0x19a: {  	s0 =	rddreg [dreg:$0x17];
	[sflag:s9] =	ssyncadd.s32 $0xFFFF9C00  }
0x19b: {  	[hbm4b:s0+s2] =	stream.linear.scatter [tilespmem:s7], [sflag:$0x3], $0x6400, $0x38;
	[tilespmem:$0xDC00] =	vst v63  }
0x19c: {  	_ =	swait.ge [sflag:s4], $0x6400  }
0x19d: {  	[sflag:s4] =	ssyncset.done $0x0  }
0x19e: {  	[sflag:s4] =	ssyncadd.s32 $0xFFFF9C00  }
0x19f: {  	[tilespmem:s7], [sflag:$0x2] =	stream.indirect.gather [hbm4b:s3+s8], $0x80, s13, s8, $0xb8;
	[tilespmem:$0xDC00] =	vst v63  }
0x1a0: {  	_ =	swait.ge [sflag:s6], $0x6400  }
0x1a1: {  	[sflag:s6] =	ssyncset.done $0x0  }
0x1a2: {  	s0 =	rddreg [dreg:$0x18];
	[sflag:s6] =	ssyncadd.s32 $0xFFFF9C00  }
0x1a3: {  	[hbm4b:s0+s2] =	stream.linear.scatter [tilespmem:s5], [sflag:$0x3], $0x6400, $0x38;
	[tilespmem:$0xDC00] =	vst v63  }
0x1a4: {  	_ =	swait.ge [sflag:s4], $0x6400  }
0x1a5: {  	[sflag:s4] =	ssyncset.done $0x0  }
0x1a6: {  	[sflag:s4] =	ssyncadd.s32 $0xFFFF9C00  }
0x1a7: {  	[tilespmem:s5], [sflag:$0x1] =	stream.indirect.gather [hbm4b:s3+s8], $0x80, s12, s8, $0xb8;
	[tilespmem:$0xDC00] =	vst v63  }
0x1a8: {  	_ =	swait.ge [sflag:s9], $0x6400  }
0x1a9: {  	[sflag:s9] =	ssyncset.done $0x0  }
0x1aa: {  	s0 =	rddreg [dreg:$0x19];
	[sflag:s9] =	ssyncadd.s32 $0xFFFF9C00  }
0x1ab: {  	[hbm4b:s0+s2] =	stream.linear.scatter [tilespmem:s7], [sflag:$0x3], $0x6400, $0x38;
	[tilespmem:$0xDC00] =	vst v63  }
0x1ac: {  	_ =	swait.ge [sflag:s4], $0x6400  }
0x1ad: {  	[sflag:s4] =	ssyncset.done $0x0  }
0x1ae: {  	[sflag:s4] =	ssyncadd.s32 $0xFFFF9C00  }
0x1af: {  	[tilespmem:s7], [sflag:$0x2] =	stream.indirect.gather [hbm4b:s3+s8], $0x80, s11, s8, $0xb8;
	[tilespmem:$0xDC00] =	vst v63  }
0x1b0: {  	_ =	swait.ge [sflag:s6], $0x6400  }
0x1b1: {  	[sflag:s6] =	ssyncset.done $0x0  }
0x1b2: {  	s0 =	rddreg [dreg:$0x1a];
	[sflag:s6] =	ssyncadd.s32 $0xFFFF9C00  }
0x1b3: {  	[hbm4b:s0+s2] =	stream.linear.scatter [tilespmem:s5], [sflag:$0x3], $0x6400, $0x38;
	[tilespmem:$0xDC00] =	vst v63  }
0x1b4: {  	_ =	swait.ge [sflag:s4], $0x6400  }
0x1b5: {  	[sflag:s4] =	ssyncset.done $0x0  }
0x1b6: {  	[sflag:s4] =	ssyncadd.s32 $0xFFFF9C00  }
0x1b7: {  	[tilespmem:s5], [sflag:$0x1] =	stream.indirect.gather [hbm4b:s3+s8], $0x80, s10, s8, $0xb8;
	[tilespmem:$0xDC00] =	vst v63  }
0x1b8: {  	_ =	swait.ge [sflag:s9], $0x6400  }
0x1b9: {  	[sflag:s9] =	ssyncset.done $0x0  }
0x1ba: {  	s0 =	rddreg [dreg:$0x1b];
	[sflag:s9] =	ssyncadd.s32 $0xFFFF9C00  }
0x1bb: {  	[hbm4b:s0+s2] =	stream.linear.scatter [tilespmem:s7], [sflag:$0x3], $0x6400, $0x38;
	[tilespmem:$0xDC00] =	vst v63  }
0x1bc: {  	_ =	swait.ge [sflag:s4], $0x6400  }
0x1bd: {  	[sflag:s4] =	ssyncset.done $0x0  }
0x1be: {  	[sflag:s4] =	ssyncadd.s32 $0xFFFF9C00  }
0x1bf: {  	p1 =	sne.s32 s1, $0x1;
	_ =	swait.ge [sflag:s6], $0x6400  }
.Ltmp2:
0x1c0: {  	[sflag:s6] =	ssyncset.done $0x0;
	(pc) =	sbr.rel @p1 .LBB2_2-.Ltmp2, $4  }
0x1c1: {  	s0 =	rddreg [dreg:$0x1c];
	[sflag:s6] =	ssyncadd.s32 $0xFFFF9C00  }
0x1c2: {  	[hbm4b:s0+s2] =	stream.linear.scatter [tilespmem:s5], [sflag:$0x3], $0x6400, $0x38;
	[tilespmem:$0xDC00] =	vst v63  }
0x1c3: {  	_ =	swait.ge [sflag:s4], $0x6400  }
0x1c4: {  	s1 =	sadd.s32 $0xFFFFFFFF, s1;
	s0 =	rddreg [dreg:$0x3];
	[sflag:s4] =	ssyncset.done $0x0  }
.LBB2_3:
0x1c5: {  	[sflag:s4] =	ssyncadd.s32 @p0 $0xFFFF9C00  }
0x1c6: {  	[tilespmem:s2], [sflag:$0x3] =	stream.linear.gather [hbm4b:s0+s2], $0x1388, $0x38;
	[tilespmem:$0xDC00] =	vst v63  }
0x1c7: {  	_ =	swait.ge [sflag:s4], $0x1388  }
0x1c8: {  	[sflag:s4] =	ssyncset.done $0x0  }
0x1c9: {  	[sflag:s4] =	ssyncadd.s32 $0xFFFFEC78  }
0x1ca: {  	[tilespmem:s5], [sflag:$0x1] =	stream.indirect.gather [hbm4b:s3+s8], $0x80, s2, s8, $0xb8;
	[tilespmem:$0xDC00] =	vst v63  }
0x1cb: {  	_ = 	snop  }
0x1cc: {  	[tilespmem:s7], [sflag:$0x2] =	stream.indirect.gather [hbm4b:s3+s8], $0x80, s8, s8, $0xb8;
	[tilespmem:$0xDC00] =	vst v63  }
0x1cd: {  	_ =	swait.ge [sflag:s6], $0x6400  }
0x1ce: {  	[sflag:s6] =	ssyncset.done $0x0  }
0x1cf: {  	s1 =	rddreg [dreg:$0x4];
	[sflag:s6] =	ssyncadd.s32 $0xFFFF9C00  }
0x1d0: {  	[hbm4b:s1+s2] =	stream.linear.scatter [tilespmem:s5], [sflag:$0x3], $0x6400, $0x38;
	[tilespmem:$0xDC00] =	vst v63  }
0x1d1: {  	_ =	swait.ge [sflag:s4], $0x6400  }
0x1d2: {  	[sflag:s4] =	ssyncset.done $0x0  }
0x1d3: {  	s1 =	rddreg [dreg:$0x1d];
	[sflag:s4] =	ssyncadd.s32 $0xFFFF9C00  }
0x1d4: {  	[tilespmem:s5], [sflag:$0x1] =	stream.indirect.gather [hbm4b:s3+s8], $0x80, s1, s8, $0xb8;
	[tilespmem:$0xDC00] =	vst v63  }
0x1d5: {  	_ =	swait.ge [sflag:s9], $0x6400  }
0x1d6: {  	[sflag:s9] =	ssyncset.done $0x0  }
0x1d7: {  	s1 =	rddreg [dreg:$0x5];
	[sflag:s9] =	ssyncadd.s32 $0xFFFF9C00  }
0x1d8: {  	[hbm4b:s1+s2] =	stream.linear.scatter [tilespmem:s7], [sflag:$0x3], $0x6400, $0x38;
	[tilespmem:$0xDC00] =	vst v63  }
0x1d9: {  	_ =	swait.ge [sflag:s4], $0x6400  }
0x1da: {  	[sflag:s4] =	ssyncset.done $0x0  }
0x1db: {  	s1 =	rddreg [dreg:$0x1e];
	[sflag:s4] =	ssyncadd.s32 $0xFFFF9C00  }
0x1dc: {  	[tilespmem:s7], [sflag:$0x2] =	stream.indirect.gather [hbm4b:s3+s8], $0x80, s1, s8, $0xb8;
	[tilespmem:$0xDC00] =	vst v63  }
0x1dd: {  	_ =	swait.ge [sflag:s6], $0x6400  }
0x1de: {  	[sflag:s6] =	ssyncset.done $0x0  }
0x1df: {  	s1 =	rddreg [dreg:$0x6];
	[sflag:s6] =	ssyncadd.s32 $0xFFFF9C00  }
0x1e0: {  	[hbm4b:s1+s2] =	stream.linear.scatter [tilespmem:s5], [sflag:$0x3], $0x6400, $0x38;
	[tilespmem:$0xDC00] =	vst v63  }
0x1e1: {  	_ =	swait.ge [sflag:s4], $0x6400  }
0x1e2: {  	[sflag:s4] =	ssyncset.done $0x0  }
0x1e3: {  	[sflag:s4] =	ssyncadd.s32 $0xFFFF9C00  }
0x1e4: {  	[tilespmem:s5], [sflag:$0x1] =	stream.indirect.gather [hbm4b:s3+s8], $0x80, s31, s8, $0xb8;
	[tilespmem:$0xDC00] =	vst v63  }
0x1e5: {  	_ =	swait.ge [sflag:s9], $0x6400  }
0x1e6: {  	[sflag:s9] =	ssyncset.done $0x0  }
0x1e7: {  	s31 =	rddreg [dreg:$0x7];
	[sflag:s9] =	ssyncadd.s32 $0xFFFF9C00  }
0x1e8: {  	[hbm4b:s31+s2] =	stream.linear.scatter [tilespmem:s7], [sflag:$0x3], $0x6400, $0x38;
	[tilespmem:$0xDC00] =	vst v63  }
0x1e9: {  	_ =	swait.ge [sflag:s4], $0x6400  }
0x1ea: {  	[sflag:s4] =	ssyncset.done $0x0  }
0x1eb: {  	[sflag:s4] =	ssyncadd.s32 $0xFFFF9C00  }
0x1ec: {  	[tilespmem:s7], [sflag:$0x2] =	stream.indirect.gather [hbm4b:s3+s8], $0x80, s30, s8, $0xb8;
	[tilespmem:$0xDC00] =	vst v63  }
0x1ed: {  	_ =	swait.ge [sflag:s6], $0x6400  }
0x1ee: {  	[sflag:s6] =	ssyncset.done $0x0  }
0x1ef: {  	s1 =	rddreg [dreg:$0x8];
	[sflag:s6] =	ssyncadd.s32 $0xFFFF9C00  }
0x1f0: {  	[hbm4b:s1+s2] =	stream.linear.scatter [tilespmem:s5], [sflag:$0x3], $0x6400, $0x38;
	[tilespmem:$0xDC00] =	vst v63  }
0x1f1: {  	_ =	swait.ge [sflag:s4], $0x6400  }
0x1f2: {  	[sflag:s4] =	ssyncset.done $0x0  }
0x1f3: {  	[sflag:s4] =	ssyncadd.s32 $0xFFFF9C00  }
0x1f4: {  	[tilespmem:s5], [sflag:$0x1] =	stream.indirect.gather [hbm4b:s3+s8], $0x80, s29, s8, $0xb8;
	[tilespmem:$0xDC00] =	vst v63  }
0x1f5: {  	_ =	swait.ge [sflag:s9], $0x6400  }
0x1f6: {  	[sflag:s9] =	ssyncset.done $0x0  }
0x1f7: {  	s30 =	rddreg [dreg:$0x9];
	[sflag:s9] =	ssyncadd.s32 $0xFFFF9C00  }
0x1f8: {  	[hbm4b:s30+s2] =	stream.linear.scatter [tilespmem:s7], [sflag:$0x3], $0x6400, $0x38;
	[tilespmem:$0xDC00] =	vst v63  }
0x1f9: {  	_ =	swait.ge [sflag:s4], $0x6400  }
0x1fa: {  	[sflag:s4] =	ssyncset.done $0x0  }
0x1fb: {  	[sflag:s4] =	ssyncadd.s32 $0xFFFF9C00  }
0x1fc: {  	[tilespmem:s7], [sflag:$0x2] =	stream.indirect.gather [hbm4b:s3+s8], $0x80, s28, s8, $0xb8;
	[tilespmem:$0xDC00] =	vst v63  }
0x1fd: {  	_ =	swait.ge [sflag:s6], $0x6400  }
0x1fe: {  	[sflag:s6] =	ssyncset.done $0x0  }
0x1ff: {  	s31 =	rddreg [dreg:$0xa];
	[sflag:s6] =	ssyncadd.s32 $0xFFFF9C00  }
0x200: {  	[hbm4b:s31+s2] =	stream.linear.scatter [tilespmem:s5], [sflag:$0x3], $0x6400, $0x38;
	[tilespmem:$0xDC00] =	vst v63  }
0x201: {  	_ =	swait.ge [sflag:s4], $0x6400  }
0x202: {  	[sflag:s4] =	ssyncset.done $0x0  }
0x203: {  	[sflag:s4] =	ssyncadd.s32 $0xFFFF9C00  }
0x204: {  	[tilespmem:s5], [sflag:$0x1] =	stream.indirect.gather [hbm4b:s3+s8], $0x80, s26, s8, $0xb8;
	[tilespmem:$0xDC00] =	vst v63  }
0x205: {  	_ =	swait.ge [sflag:s9], $0x6400  }
0x206: {  	[sflag:s9] =	ssyncset.done $0x0  }
0x207: {  	s1 =	rddreg [dreg:$0xb];
	[sflag:s9] =	ssyncadd.s32 $0xFFFF9C00  }
0x208: {  	[hbm4b:s1+s2] =	stream.linear.scatter [tilespmem:s7], [sflag:$0x3], $0x6400, $0x38;
	[tilespmem:$0xDC00] =	vst v63  }
0x209: {  	_ =	swait.ge [sflag:s4], $0x6400  }
0x20a: {  	[sflag:s4] =	ssyncset.done $0x0  }
0x20b: {  	[sflag:s4] =	ssyncadd.s32 $0xFFFF9C00  }
0x20c: {  	[tilespmem:s7], [sflag:$0x2] =	stream.indirect.gather [hbm4b:s3+s8], $0x80, s25, s8, $0xb8;
	[tilespmem:$0xDC00] =	vst v63  }
0x20d: {  	_ =	swait.ge [sflag:s6], $0x6400  }
0x20e: {  	[sflag:s6] =	ssyncset.done $0x0  }
0x20f: {  	s26 =	rddreg [dreg:$0xc];
	[sflag:s6] =	ssyncadd.s32 $0xFFFF9C00  }
0x210: {  	[hbm4b:s26+s2] =	stream.linear.scatter [tilespmem:s5], [sflag:$0x3], $0x6400, $0x38;
	[tilespmem:$0xDC00] =	vst v63  }
0x211: {  	_ =	swait.ge [sflag:s4], $0x6400  }
0x212: {  	[sflag:s4] =	ssyncset.done $0x0  }
0x213: {  	[sflag:s4] =	ssyncadd.s32 $0xFFFF9C00  }
0x214: {  	[tilespmem:s5], [sflag:$0x1] =	stream.indirect.gather [hbm4b:s3+s8], $0x80, s24, s8, $0xb8;
	[tilespmem:$0xDC00] =	vst v63  }
0x215: {  	_ =	swait.ge [sflag:s9], $0x6400  }
0x216: {  	[sflag:s9] =	ssyncset.done $0x0  }
0x217: {  	s28 =	rddreg [dreg:$0xd];
	[sflag:s9] =	ssyncadd.s32 $0xFFFF9C00  }
0x218: {  	[hbm4b:s28+s2] =	stream.linear.scatter [tilespmem:s7], [sflag:$0x3], $0x6400, $0x38;
	[tilespmem:$0xDC00] =	vst v63  }
0x219: {  	_ =	swait.ge [sflag:s4], $0x6400  }
0x21a: {  	[sflag:s4] =	ssyncset.done $0x0  }
0x21b: {  	[sflag:s4] =	ssyncadd.s32 $0xFFFF9C00  }
0x21c: {  	[tilespmem:s7], [sflag:$0x2] =	stream.indirect.gather [hbm4b:s3+s8], $0x80, s23, s8, $0xb8;
	[tilespmem:$0xDC00] =	vst v63  }
0x21d: {  	_ =	swait.ge [sflag:s6], $0x6400  }
0x21e: {  	[sflag:s6] =	ssyncset.done $0x0  }
0x21f: {  	s29 =	rddreg [dreg:$0xe];
	[sflag:s6] =	ssyncadd.s32 $0xFFFF9C00  }
0x220: {  	[hbm4b:s29+s2] =	stream.linear.scatter [tilespmem:s5], [sflag:$0x3], $0x6400, $0x38;
	[tilespmem:$0xDC00] =	vst v63  }
0x221: {  	_ =	swait.ge [sflag:s4], $0x6400  }
0x222: {  	[sflag:s4] =	ssyncset.done $0x0  }
0x223: {  	[sflag:s4] =	ssyncadd.s32 $0xFFFF9C00  }
0x224: {  	[tilespmem:s5], [sflag:$0x1] =	stream.indirect.gather [hbm4b:s3+s8], $0x80, s22, s8, $0xb8;
	[tilespmem:$0xDC00] =	vst v63  }
0x225: {  	_ =	swait.ge [sflag:s9], $0x6400  }
0x226: {  	[sflag:s9] =	ssyncset.done $0x0  }
0x227: {  	s30 =	rddreg [dreg:$0xf];
	[sflag:s9] =	ssyncadd.s32 $0xFFFF9C00  }
0x228: {  	[hbm4b:s30+s2] =	stream.linear.scatter [tilespmem:s7], [sflag:$0x3], $0x6400, $0x38;
	[tilespmem:$0xDC00] =	vst v63  }
0x229: {  	_ =	swait.ge [sflag:s4], $0x6400  }
0x22a: {  	[sflag:s4] =	ssyncset.done $0x0  }
0x22b: {  	[sflag:s4] =	ssyncadd.s32 $0xFFFF9C00  }
0x22c: {  	[tilespmem:s7], [sflag:$0x2] =	stream.indirect.gather [hbm4b:s3+s8], $0x80, s21, s8, $0xb8;
	[tilespmem:$0xDC00] =	vst v63  }
0x22d: {  	_ =	swait.ge [sflag:s6], $0x6400  }
0x22e: {  	[sflag:s6] =	ssyncset.done $0x0  }
0x22f: {  	s31 =	rddreg [dreg:$0x10];
	[sflag:s6] =	ssyncadd.s32 $0xFFFF9C00  }
0x230: {  	[hbm4b:s31+s2] =	stream.linear.scatter [tilespmem:s5], [sflag:$0x3], $0x6400, $0x38;
	[tilespmem:$0xDC00] =	vst v63  }
0x231: {  	_ =	swait.ge [sflag:s4], $0x6400  }
0x232: {  	[sflag:s4] =	ssyncset.done $0x0  }
0x233: {  	[sflag:s4] =	ssyncadd.s32 $0xFFFF9C00  }
0x234: {  	[tilespmem:s5], [sflag:$0x1] =	stream.indirect.gather [hbm4b:s3+s8], $0x80, s20, s8, $0xb8;
	[tilespmem:$0xDC00] =	vst v63  }
0x235: {  	_ =	swait.ge [sflag:s9], $0x6400  }
0x236: {  	[sflag:s9] =	ssyncset.done $0x0  }
0x237: {  	s1 =	rddreg [dreg:$0x11];
	[sflag:s9] =	ssyncadd.s32 $0xFFFF9C00  }
0x238: {  	[hbm4b:s1+s2] =	stream.linear.scatter [tilespmem:s7], [sflag:$0x3], $0x6400, $0x38;
	[tilespmem:$0xDC00] =	vst v63  }
0x239: {  	_ =	swait.ge [sflag:s4], $0x6400  }
0x23a: {  	[sflag:s4] =	ssyncset.done $0x0  }
0x23b: {  	[sflag:s4] =	ssyncadd.s32 $0xFFFF9C00  }
0x23c: {  	[tilespmem:s7], [sflag:$0x2] =	stream.indirect.gather [hbm4b:s3+s8], $0x80, s19, s8, $0xb8;
	[tilespmem:$0xDC00] =	vst v63  }
0x23d: {  	_ =	swait.ge [sflag:s6], $0x6400  }
0x23e: {  	[sflag:s6] =	ssyncset.done $0x0  }
0x23f: {  	s19 =	rddreg [dreg:$0x12];
	[sflag:s6] =	ssyncadd.s32 $0xFFFF9C00  }
0x240: {  	[hbm4b:s19+s2] =	stream.linear.scatter [tilespmem:s5], [sflag:$0x3], $0x6400, $0x38;
	[tilespmem:$0xDC00] =	vst v63  }
0x241: {  	_ =	swait.ge [sflag:s4], $0x6400  }
0x242: {  	[sflag:s4] =	ssyncset.done $0x0  }
0x243: {  	[sflag:s4] =	ssyncadd.s32 $0xFFFF9C00  }
0x244: {  	[tilespmem:s5], [sflag:$0x1] =	stream.indirect.gather [hbm4b:s3+s8], $0x80, s18, s8, $0xb8;
	[tilespmem:$0xDC00] =	vst v63  }
0x245: {  	_ =	swait.ge [sflag:s9], $0x6400  }
0x246: {  	[sflag:s9] =	ssyncset.done $0x0  }
0x247: {  	s20 =	rddreg [dreg:$0x13];
	[sflag:s9] =	ssyncadd.s32 $0xFFFF9C00  }
0x248: {  	[hbm4b:s20+s2] =	stream.linear.scatter [tilespmem:s7], [sflag:$0x3], $0x6400, $0x38;
	[tilespmem:$0xDC00] =	vst v63  }
0x249: {  	_ =	swait.ge [sflag:s4], $0x6400  }
0x24a: {  	[sflag:s4] =	ssyncset.done $0x0  }
0x24b: {  	[sflag:s4] =	ssyncadd.s32 $0xFFFF9C00  }
0x24c: {  	[tilespmem:s7], [sflag:$0x2] =	stream.indirect.gather [hbm4b:s3+s8], $0x80, s17, s8, $0xb8;
	[tilespmem:$0xDC00] =	vst v63  }
0x24d: {  	_ =	swait.ge [sflag:s6], $0x6400  }
0x24e: {  	[sflag:s6] =	ssyncset.done $0x0  }
0x24f: {  	s21 =	rddreg [dreg:$0x14];
	[sflag:s6] =	ssyncadd.s32 $0xFFFF9C00  }
0x250: {  	[hbm4b:s21+s2] =	stream.linear.scatter [tilespmem:s5], [sflag:$0x3], $0x6400, $0x38;
	[tilespmem:$0xDC00] =	vst v63  }
0x251: {  	_ =	swait.ge [sflag:s4], $0x6400  }
0x252: {  	[sflag:s4] =	ssyncset.done $0x0  }
0x253: {  	[sflag:s4] =	ssyncadd.s32 $0xFFFF9C00  }
0x254: {  	[tilespmem:s5], [sflag:$0x1] =	stream.indirect.gather [hbm4b:s3+s8], $0x80, s16, s8, $0xb8;
	[tilespmem:$0xDC00] =	vst v63  }
0x255: {  	_ =	swait.ge [sflag:s9], $0x6400  }
0x256: {  	[sflag:s9] =	ssyncset.done $0x0  }
0x257: {  	s22 =	rddreg [dreg:$0x15];
	[sflag:s9] =	ssyncadd.s32 $0xFFFF9C00  }
0x258: {  	[hbm4b:s22+s2] =	stream.linear.scatter [tilespmem:s7], [sflag:$0x3], $0x6400, $0x38;
	[tilespmem:$0xDC00] =	vst v63  }
0x259: {  	_ =	swait.ge [sflag:s4], $0x6400  }
0x25a: {  	[sflag:s4] =	ssyncset.done $0x0  }
0x25b: {  	[sflag:s4] =	ssyncadd.s32 $0xFFFF9C00  }
0x25c: {  	[tilespmem:s7], [sflag:$0x2] =	stream.indirect.gather [hbm4b:s3+s8], $0x80, s15, s8, $0xb8;
	[tilespmem:$0xDC00] =	vst v63  }
0x25d: {  	_ =	swait.ge [sflag:s6], $0x6400  }
0x25e: {  	[sflag:s6] =	ssyncset.done $0x0  }
0x25f: {  	s23 =	rddreg [dreg:$0x16];
	[sflag:s6] =	ssyncadd.s32 $0xFFFF9C00  }
0x260: {  	[hbm4b:s23+s2] =	stream.linear.scatter [tilespmem:s5], [sflag:$0x3], $0x6400, $0x38;
	[tilespmem:$0xDC00] =	vst v63  }
0x261: {  	_ =	swait.ge [sflag:s4], $0x6400  }
0x262: {  	[sflag:s4] =	ssyncset.done $0x0  }
0x263: {  	[sflag:s4] =	ssyncadd.s32 $0xFFFF9C00  }
0x264: {  	[tilespmem:s5], [sflag:$0x1] =	stream.indirect.gather [hbm4b:s3+s8], $0x80, s14, s8, $0xb8;
	[tilespmem:$0xDC00] =	vst v63  }
0x265: {  	_ =	swait.ge [sflag:s9], $0x6400  }
0x266: {  	[sflag:s9] =	ssyncset.done $0x0  }
0x267: {  	s24 =	rddreg [dreg:$0x17];
	[sflag:s9] =	ssyncadd.s32 $0xFFFF9C00  }
0x268: {  	[hbm4b:s24+s2] =	stream.linear.scatter [tilespmem:s7], [sflag:$0x3], $0x6400, $0x38;
	[tilespmem:$0xDC00] =	vst v63  }
0x269: {  	_ =	swait.ge [sflag:s4], $0x6400  }
0x26a: {  	[sflag:s4] =	ssyncset.done $0x0  }
0x26b: {  	[sflag:s4] =	ssyncadd.s32 $0xFFFF9C00  }
0x26c: {  	[tilespmem:s7], [sflag:$0x2] =	stream.indirect.gather [hbm4b:s3+s8], $0x80, s13, s8, $0xb8;
	[tilespmem:$0xDC00] =	vst v63  }
0x26d: {  	_ =	swait.ge [sflag:s6], $0x6400  }
0x26e: {  	[sflag:s6] =	ssyncset.done $0x0  }
0x26f: {  	s25 =	rddreg [dreg:$0x18];
	[sflag:s6] =	ssyncadd.s32 $0xFFFF9C00  }
0x270: {  	[hbm4b:s25+s2] =	stream.linear.scatter [tilespmem:s5], [sflag:$0x3], $0x6400, $0x38;
	[tilespmem:$0xDC00] =	vst v63  }
0x271: {  	_ =	swait.ge [sflag:s4], $0x6400  }
0x272: {  	[sflag:s4] =	ssyncset.done $0x0  }
0x273: {  	[sflag:s4] =	ssyncadd.s32 $0xFFFF9C00  }
0x274: {  	[tilespmem:s5], [sflag:$0x1] =	stream.indirect.gather [hbm4b:s3+s8], $0x80, s12, s8, $0xb8;
	[tilespmem:$0xDC00] =	vst v63  }
0x275: {  	_ =	swait.ge [sflag:s9], $0x6400  }
0x276: {  	[sflag:s9] =	ssyncset.done $0x0  }
0x277: {  	s26 =	rddreg [dreg:$0x19];
	[sflag:s9] =	ssyncadd.s32 $0xFFFF9C00  }
0x278: {  	[hbm4b:s26+s2] =	stream.linear.scatter [tilespmem:s7], [sflag:$0x3], $0x6400, $0x38;
	[tilespmem:$0xDC00] =	vst v63  }
0x279: {  	_ =	swait.ge [sflag:s4], $0x6400  }
0x27a: {  	[sflag:s4] =	ssyncset.done $0x0  }
0x27b: {  	[sflag:s4] =	ssyncadd.s32 $0xFFFF9C00  }
0x27c: {  	[tilespmem:s7], [sflag:$0x2] =	stream.indirect.gather [hbm4b:s3+s8], $0x80, s11, s8, $0xb8;
	[tilespmem:$0xDC00] =	vst v63  }
0x27d: {  	_ =	swait.ge [sflag:s6], $0x6400  }
0x27e: {  	[sflag:s6] =	ssyncset.done $0x0  }
0x27f: {  	s28 =	rddreg [dreg:$0x1a];
	[sflag:s6] =	ssyncadd.s32 $0xFFFF9C00  }
0x280: {  	[hbm4b:s28+s2] =	stream.linear.scatter [tilespmem:s5], [sflag:$0x3], $0x6400, $0x38;
	[tilespmem:$0xDC00] =	vst v63  }
0x281: {  	_ =	swait.ge [sflag:s4], $0x6400  }
0x282: {  	[sflag:s4] =	ssyncset.done $0x0  }
0x283: {  	[sflag:s4] =	ssyncadd.s32 $0xFFFF9C00  }
0x284: {  	[tilespmem:s5], [sflag:$0x1] =	stream.indirect.gather [hbm4b:s3+s8], $0x80, s10, s8, $0xb8;
	[tilespmem:$0xDC00] =	vst v63  }
0x285: {  	_ =	swait.ge [sflag:s9], $0x6400  }
0x286: {  	[sflag:s9] =	ssyncset.done $0x0  }
0x287: {  	s29 =	rddreg [dreg:$0x1b];
	[sflag:s9] =	ssyncadd.s32 $0xFFFF9C00  }
0x288: {  	[hbm4b:s29+s2] =	stream.linear.scatter [tilespmem:s7], [sflag:$0x3], $0x6400, $0x38;
	[tilespmem:$0xDC00] =	vst v63  }
0x289: {  	_ =	swait.ge [sflag:s4], $0x6400  }
0x28a: {  	[sflag:s4] =	ssyncset.done $0x0  }
0x28b: {  	[sflag:s4] =	ssyncadd.s32 $0xFFFF9C00  }
0x28c: {  	_ =	swait.ge [sflag:s6], $0x6400  }
0x28d: {  	[sflag:s6] =	ssyncset.done $0x0  }
0x28e: {  	s30 =	rddreg [dreg:$0x1c];
	[sflag:s6] =	ssyncadd.s32 $0xFFFF9C00  }
0x28f: {  	[hbm4b:s30+s2] =	stream.linear.scatter [tilespmem:s5], [sflag:$0x3], $0x6400, $0x38;
	[tilespmem:$0xDC00] =	vst v63  }
0x290: {  	_ =	swait.ge [sflag:s4], $0x6400  }
0x291: {  	[sflag:s4] =	ssyncset.done $0x0  }
0x292: {  	[sflag:s4] =	ssyncadd.s32 $0xFFFF9C00  }
0x293: {  	_ =	sfence.sel $0x180000  }
0x294: {  	[bflag:$0x0] =	sbarrier.arrive $0xFFFF  }
0x295: {  	_ =	strace $0x9000004A  }
0x296: {  	s31 =	stileid.u32;
	[bflag:$0x2] =	sbarrier.arrive $0xFFFF  }
0x297: {  	p0 =	sne.s32 s31, $0x0;
	s0 =	rddreg [dreg:$0x2]  }
0x298: {  	s0 =	sadd.s32 @!p0 $0x100000, s0  }
0x299: {  	[sflag:s0] =	ssyncadd.tile.s32 @!p0 $0x1;
	_ =	shalt  }
.Lfunc_end2:
_tile_overlayer_lowered:
.L_overlay_start_2:
0x29a: {  	(tag) =	ssettag $0x2  }
0x29b: {  	s0 =	rddreg [dreg:$0x0];
	s2 =	stileid.u32  }
0x29c: {  	s1 =	rddreg [dreg:$0x1];
	p0 =	sne.s32 s2, $0x0  }
0x29d: {  	s3 =	rddreg [dreg:$0x2];
	[bflag:$0x3] =	sbarrier.arrive $0xFFFF;
	s2 =	simm.s32 @!p0 $0x1C03  }
0x29e: {  	[timem:s3], [sflag:s2] =	dma.local @!p0 [hbm:s0], s1  }
0x29f: {  	s0 =	simm.s32 @!p0 $0x3  }
0x2a0: {  	_ =	swait.ge @!p0 [sflag:s0], s1  }
0x2a1: {  	s1 =	ssub.s32 @!p0 $0x0, s1;
	[sflag:s0] =	ssyncset.done @!p0 $0x0  }
0x2a2: {  	[sflag:s0] =	ssyncadd.s32 @!p0 s1  }
0x2a3: {  	[bflag:$0x3] =	sbarrier.arrive $0xFFFF  }
0x2a4: {  	_ =	shalt  }

// kernel: kernel.13.cloned.1.call-start
scs
__scs_entry_jumppad:
0x0: {  	(pc) =	sbr.rel $0x88, $3  }
0x1: {  	(tag) =	ssettag $0x0;
	lr =	simm.s32 $0x1  }
0x2: {  	[smem:$0x3F9D] =	sst lr;
	_ =	strace $0xD0000000  }
0x3: {  	_ = 	snop  }
0x4: {  	_ = 	snop  }
0x5: {  	_ = 	snop  }
0x6: {  	_ = 	snop  }
0x7: {  	_ = 	snop  }
__scs_overlays_trampoline_lowered:
0x8: {  	[smem:$0x3FAC] =	sst s0  }
0x9: {  	[smem:$0x3FAD] =	sst s1  }
0xa: {  	[smem:$0x3FAE] =	sst s2  }
0xb: {  	[smem:$0x3FAF] =	sst s3  }
0xc: {  	[smem:$0x3FB0] =	sst s4  }
0xd: {  	[smem:$0x3FB1] =	sst s5  }
0xe: {  	[smem:$0x3FB2] =	sst s6  }
0xf: {  	[smem:$0x3FB3] =	sst s7  }
0x10: {  	[smem:$0x3FB4] =	sst s8  }
0x11: {  	[smem:$0x3FB5] =	sst s9;
	s0 =	simm.s32 @!p0 $0x0  }
0x12: {  	s1 =	sld [smem:$0x3F9B];
	s0 =	simm.s32 @p0 $0x1  }
0x13: {  	[smem:$0x3FB6] =	sst s0;
	s0 =	simm.s32 @!p1 $0x0  }
0x14: {  	s2 =	sld [smem:$0x3F9A];
	s0 =	simm.s32 @p1 $0x1  }
0x15: {  	[smem:$0x3FB7] =	sst s0;
	s0 =	simm.s32 @!p2 $0x0  }
0x16: {  	s3 =	sld [smem:$0x3FDB];
	s0 =	simm.s32 @p2 $0x1  }
0x17: {  	s4 =	simm.s32 $0x1BF5;
	[smem:$0x3FB9] =	sst s0  }
0x18: {  	s0 =	sld [smem:$0x3F9C];
	_ =	swait.ge [sflag:s4], $0x0  }
0x19: {  	s7 =	sld [smem:$0x3F9D]  }
0x1a: {  	s8 =	sadd.s32 $0xFFFFE003, lr  }
0x1b: {  	s9 =	sadd.s32 $0xFFFFFEF7, lr;
	s5 =	simm.s32 $0xFFFFFFFF;
	p2 =	slt.u32 s8, $0xFFFFF086  }
0x1c: {  	p1 =	slt.u32 s9, $0xF7A;
	s5 =	simm.s32 @!p2 $0x0  }
0x1d: {  	s5 =	simm.s32 @p1 $0x1;
	p0 =	seq.s32 s7, s2  }
0x1e: {  	s7 =	smul.u32 @!p0 $0xF7A, s2;
	p2 =	seq.s32 @!p0 s5, $0x0  }
0x1f: {  	s9 =	smul.u32 $0xF7A, s1;
	s8 =	simm.s32 @!p0 $0x1BF5;
	p2 =	por !p2, p0  }
0x20: {  	[sflag:s8] =	ssyncset.s32 @!p0 $0xFFFFF086;
	s6 =	sadd.s32 @!p0 s3, s7;
	s7 =	simm.s32 @!p0 $0x108  }
0x21: {  	s3 =	sadd.s32 s3, s9;
	s6 =	sadd.s32 @!p0 $0x88, s6;
	s7 =	simm.s32 @p2 $0x1082  }
0x22: {  	[simem:s7], [sflag:s8] =	dma.local @!p0 [hbm:s6], $0xF7A  }
0x23: {  	s9 =	sor.u32 $0xD0000000, s2;
	s6 =	simm.s32 $0x108;
	_ =	swait.ge @!p0 [sflag:s8], $0x0  }
0x24: {  	s3 =	sadd.s32 $0x88, s3;
	s6 =	simm.s32 @!p1 $0x1082;
	[sflag:s4] =	ssyncset.s32 $0xFFFFF086  }
0x25: {  	[simem:s6], [sflag:s4] =	dma.local [hbm:s3], $0xF7A  }
0x26: {  	[smem:$0x3F9D] =	sst s1;
	(tag) =	ssettag s2;
	_ =	strace s9  }
0x27: {  	s1 =	sld [smem:$0x3FAD]  }
0x28: {  	s2 =	sld [smem:$0x3FAE]  }
0x29: {  	s4 =	sld [smem:$0x3FB0]  }
0x2a: {  	p0 =	seq.s32 s5, $0x0;
	s5 =	sld [smem:$0x3FB1]  }
0x2b: {  	s6 =	sld [smem:$0x3FB2]  }
0x2c: {  	s7 =	sld [smem:$0x3FB3]  }
0x2d: {  	s3 =	simm.s32 $0x108;
	s8 =	sld [smem:$0x3FB4]  }
0x2e: {  	s3 =	simm.s32 @!p0 $0x1082;
	s9 =	sld [smem:$0x3FB5]  }
0x2f: {  	lr =	sadd.s32 s0, s3;
	s0 =	sld [smem:$0x3FAC]  }
0x30: {  	s3 =	sld [smem:$0x3FAF]  }
0x31: {  	[smem:$0x3FB8] =	sst s10  }
0x32: {  	s10 =	sld [smem:$0x3FB6];
	_ =	sdelay $0x3  }
0x33: {  	p0 =	seq.s32 s10, $0x1;
	s10 =	sld [smem:$0x3FB8];
	_ =	sdelay $0x3  }
0x34: {  	[smem:$0x3FB8] =	sst s10  }
0x35: {  	s10 =	sld [smem:$0x3FB7];
	_ =	sdelay $0x3  }
0x36: {  	p1 =	seq.s32 s10, $0x1;
	s10 =	sld [smem:$0x3FB8];
	_ =	sdelay $0x3  }
0x37: {  	[smem:$0x3FB8] =	sst s10  }
0x38: {  	s10 =	sld [smem:$0x3FB9]  }
0x39: {  	_ = 	snop;
	(pc) =	sbr.ind lr, $3  }
0x3a: {  	_ = 	snop  }
0x3b: {  	_ = 	snop  }
0x3c: {  	p2 =	seq.s32 s10, $0x1;
	s10 =	sld [smem:$0x3FB8]  }
0x3d: {  	_ =	shalt  }
0x3e: {  	_ =	shalt  }
0x3f: {  	_ =	shalt  }
0x40: {  	_ =	shalt  }
0x41: {  	_ =	shalt  }
0x42: {  	_ =	shalt  }
0x43: {  	_ =	shalt  }
0x44: {  	_ =	shalt  }
0x45: {  	_ =	shalt  }
0x46: {  	_ =	shalt  }
0x47: {  	_ =	shalt  }
0x48: {  	_ =	shalt  }
0x49: {  	_ =	shalt  }
0x4a: {  	_ =	shalt  }
0x4b: {  	_ =	shalt  }
0x4c: {  	_ =	shalt  }
0x4d: {  	_ =	shalt  }
0x4e: {  	_ =	shalt  }
0x4f: {  	_ =	shalt  }
0x50: {  	_ =	shalt  }
0x51: {  	_ =	shalt  }
0x52: {  	_ =	shalt  }
0x53: {  	_ =	shalt  }
0x54: {  	_ =	shalt  }
0x55: {  	_ =	shalt  }
0x56: {  	_ =	shalt  }
0x57: {  	_ =	shalt  }
0x58: {  	_ =	shalt  }
0x59: {  	_ =	shalt  }
0x5a: {  	_ =	shalt  }
0x5b: {  	_ =	shalt  }
0x5c: {  	_ =	shalt  }
0x5d: {  	_ =	shalt  }
0x5e: {  	_ =	shalt  }
0x5f: {  	_ =	shalt  }
0x60: {  	_ =	shalt  }
0x61: {  	_ =	shalt  }
0x62: {  	_ =	shalt  }
0x63: {  	_ =	shalt  }
0x64: {  	_ =	shalt  }
0x65: {  	_ =	shalt  }
0x66: {  	_ =	shalt  }
0x67: {  	_ =	shalt  }
0x68: {  	_ =	shalt  }
0x69: {  	_ =	shalt  }
0x6a: {  	_ =	shalt  }
0x6b: {  	_ =	shalt  }
0x6c: {  	_ =	shalt  }
0x6d: {  	_ =	shalt  }
0x6e: {  	_ =	shalt  }
0x6f: {  	_ =	shalt  }
0x70: {  	_ =	shalt  }
0x71: {  	_ =	shalt  }
0x72: {  	_ =	shalt  }
0x73: {  	_ =	shalt  }
0x74: {  	_ =	shalt  }
0x75: {  	_ =	shalt  }
0x76: {  	_ =	shalt  }
0x77: {  	_ =	shalt  }
0x78: {  	_ =	shalt  }
0x79: {  	_ =	shalt  }
0x7a: {  	_ =	shalt  }
0x7b: {  	_ =	shalt  }
0x7c: {  	_ =	shalt  }
0x7d: {  	_ =	shalt  }
0x7e: {  	_ =	shalt  }
0x7f: {  	_ =	shalt  }
0x80: {  	_ =	shalt  }
0x81: {  	_ =	shalt  }
0x82: {  	_ =	shalt  }
0x83: {  	_ =	shalt  }
0x84: {  	_ =	shalt  }
0x85: {  	_ =	shalt  }
0x86: {  	_ =	shalt  }
0x87: {  	_ =	shalt  }
.Lfunc_end0:
.L_simem_size_0:
called_computation.3_lowered:
.L_overlay_start_0:
0x88: {  	s2 =	sld [smem:$0x3FD9]  }
0x89: {  	s3 =	sld [smem:$0x3FFE];
	_ =	sdelay $0x1  }
0x8a: {  	s1 =	srdreg.scid  }
0x8b: {  	s0 =	sand.u32 $0x1, s1  }
0x8c: {  	s14 =	sshll.u32 s0, $0xA;
	s2 =	sadd.s32 s3, s2  }
0x8d: {  	s2 =	sadd.s32 s2, s14  }
0x8e: {  	[smem:$0x3FC4] =	sst s2  }
0x8f: {  	_ = 	snop  }
0x90: {  	s2 =	sld [smem:$0x3FD0];
	_ =	sdelay $0x2  }
0x91: {  	s4 =	simm.s32 $0xA;
	s5 =	simm.s32 $0x10;
	s15 =	sld [smem:$0x3FC7]  }
0x92: {  	[smem:s5], [sflag:s4] =	dma.local [hbm:s2], $0x1  }
0x93: {  	_ =	swait.eq [sflag:s4], $0x1  }
0x94: {  	s16 =	sld [smem:$0x11];
	[sflag:s4] =	ssyncset.done $0x0  }
0x95: {  	s17 =	sld [smem:$0x13];
	[sflag:s4] =	ssyncadd.s32 $0xFFFFFFFF  }
0x96: {  	s18 =	sld [smem:$0x14];
	(tm) =	ssettm $0x1  }
0x97: {  	s6 =	sld [smem:$0x3FFB];
	_ =	sdelay $0x3  }
0x98: {  	_ =	strace s6  }
0x99: {  	s6 =	sld [smem:$0x3FFC];
	_ =	sdelay $0x3  }
0x9a: {  	_ =	strace s6  }
0x9b: {  	s6 =	sld [smem:$0x3FFD];
	_ =	sdelay $0x3  }
0x9c: {  	_ =	strace s6  }
0x9d: {  	_ =	strace $0x8FFFFFFF  }
0x9e: {  	s19 =	sld [smem:$0x3FDB];
	_ =	sdelay $0x1  }
0x9f: {  	s7 =	simm.s32 $_scs_section_size  }
0xa0: {  	s8 =	simm.s32 $_size__tile_overlayer_lowered;
	s9 =	simm.s32 $_tile_overlayer_lowered  }
0xa1: {  	s22 =	simm.s32 $0x1BFF;
	s21 =	sshll.u32 s9, $0x1;
	s6 =	sadd.s32 s7, s19  }
0xa2: {  	s10 =	simm.s32 $0x0;
	s20 =	sshll.u32 s8, $0x1;
	s8 =	sadd.s32 s21, s6  }
0xa3: {  	[timem:s10], [sflag:s22] =	dma.local [hbm:s8], s20  }
0xa4: {  	_ =	swait.ge [sflag:s22], s20  }
0xa5: {  	s7 =	ssub.s32 $0x0, s20;
	[sflag:s22] =	ssyncset.done $0x0  }
0xa6: {  	[sflag:s22] =	ssyncadd.s32 s7;
	_ =	sdelay $0x1  }
0xa7: {  	s23 =	simm.s32 $0x1B8B  }
0xa8: {  	_ =	swait.ge [sflag:s23], $0x1  }
0xa9: {  	[sflag:s23] =	ssyncset.done $0x0  }
0xaa: {  	s25 =	simm.s32 $0x1B8E;
	s24 =	sld [smem:$0x3FFE];
	[sflag:s23] =	ssyncadd.s32 $0xFFFFFFFF  }
0xab: {  	s26 =	simm.s32 $execute0_lowered;
	[smem:$0x3FD2] =	sst s25  }
0xac: {  	s8 =	sshll.u32 s26, $0x1;
	_ =	strace $0x8000004F;
	[dreg:$0x1] =	wrdreg $0xFFFFFFFF  }
0xad: {  	s28 =	simm.s32 $_size_execute0_lowered;
	s6 =	sadd.s32 s6, s8;
	[dreg:$0x0] =	wrdreg $0x0  }
0xae: {  	s8 =	sshll.u32 s28, $0x1;
	[dreg:$0x2] =	wrdreg s6  }
0xaf: {  	[dreg:$0x3] =	wrdreg s8  }
0xb0: {  	[dreg:$0x4] =	wrdreg $0xC0  }
0xb1: {  	_ =	task [dreg:s10], $0x5FFFF  }
0xb2: {  	[dreg:$0x1] =	wrdreg $0xFFFFFFFF  }
0xb3: {  	[dreg:$0x0] =	wrdreg $0x60  }
0xb4: {  	[dreg:$0x2] =	wrdreg s24  }
0xb5: {  	[dreg:$0x3] =	wrdreg s16  }
0xb6: {  	[dreg:$0x4] =	wrdreg s15  }
0xb7: {  	[dreg:$0x5] =	wrdreg s17  }
0xb8: {  	[dreg:$0x6] =	wrdreg s18  }
0xb9: {  	[dreg:$0x7] =	wrdreg $0x9  }
0xba: {  	_ =	task.clear_ibuf [dreg:s10], $0x8FFFF;
	_ =	strace $0x9000004F  }
0xbb: {  	s29 =	simm.s32 $0x9;
	_ =	strace $0x80000051  }
0xbc: {  	_ =	swait.ge [sflag:s29], $0x1  }
0xbd: {  	[sflag:s29] =	ssyncadd.s32 $0xFFFFFFFF  }
0xbe: {  	_ =	strace $0x90000051  }
0xbf: {  	_ =	sfence  }
0xc0: {  	s30 =	sld [smem:$0x0];
	_ =	sdelay $0x2  }
0xc1: {  	s31 =	sshll.u32 s1, $0xD;
	s1 =	sshrl.u32 s1, $0x2  }
0xc2: {  	s3 =	sand.u32 $0x4000, s31;
	s1 =	sadd.s32 s1, s30  }
0xc3: {  	s0 =	sor.u32 s3, s0;
	s1 =	sshll.u32 s1, $0x11  }
0xc4: {  	s0 =	sor.u32 s1, s0  }
0xc5: {  	s0 =	sadd.s32 $0x8F2B, s0  }
0xc6: {  	[sflag:s0] =	ssyncadd.remote.s32 $0x1  }
0xc7: {  	_ =	sfence.sel $0xFFFF  }
0xc8: {  	[dreg:$0x0] =	wrdreg $0xFFFFFFFF;
	(pc) =	sbr.abs _section_cstart, $3  }
0xc9: {  	[dreg:$0x1] =	wrdreg $0xFFFFFFFF  }
0xca: {  	_ =	task.clear_ibuf [dreg:s10], $0x2FFFF;
	_ =	strace $0x9FFFFFFF  }
0xcb: {  	(tm) =	ssettm $0x7FFFFFFF  }
tec
execute0_lowered:
.L_overlay_start_1:
0x0: {  	(tag) =	ssettag $0x1  }
0x1: {  	s1 =	srdreg.scid;
	s0 =	stileid.u32  }
0x2: {  	s8 =	sand.u32 $0x1, s1;
	s9 =	sshll.u32 s0, $0x1  }
0x3: {  	s7 =	rddreg [dreg:$0x0];
	s9 =	sor.u32 s8, s9  }
0x4: {  	s3 =	rddreg [dreg:$0x1];
	p0 =	sgt.u32 s9, $0x18  }
.Ltmp0:
0x5: {  	s4 =	rddreg [dreg:$0x2];
	(pc) =	sbr.rel @p0 .LBB2_7-.Ltmp0, $4  }
0x6: {  	s5 =	rddreg [dreg:$0x3]  }
0x7: {  	s6 =	rddreg [dreg:$0x4];
	s2 =	simm.s32 $0x0  }
0x8: {  	[smem:$0x7FF] =	sst s2  }
0x9: {  	s1 =	rddreg [dreg:$0x5];
	_ =	strace $0x80000050  }
0xa: {  	s10 =	smul.u32 $0x320, s9  }
0xb: {  	s12 =	smul.u32 $0x190, s9  }
0xc: {  	s8 =	ssub.s32 $0x2, s8;
	s31 =	smul.u32 $0x3200, s9  }
0xd: {  	s9 =	simm.s32 $0x19000;
	s14 =	simm.s32 $0x0;
	s13 =	sshrl.u32 s8, $0x1  }
0xe: {  	s3 =	sadd.s32 s3, s10;
	s11 =	sshrl.u32 s12, $0x3;
	s4 =	sadd.s32 s4, s10  }
0xf: {  	s8 =	ssub.s32 s8, s13;
	s6 =	sadd.s32 s6, s31;
	s7 =	sadd.s32 s7, s10  }
0x10: {  	s10 =	simm.s32 $0x1;
	v0 =	vmov s12;
	s12 =	simm.s32 $0x1C200;
	s13 =	simm.s32 $0x1DB00  }
0x11: {  	v1 =	vimm.f32 $0.0e+00;
	s5 =	sadd.s32 s5, s11;
	s8 =	smax.u32 s8, $0x1;
	s11 =	simm.s32 $0x1A900  }
.LBB2_2:
0x12: {  	[tilespmem:s9], [sflag:$0x1] =	stream.linear.gather [hbm4b:s7+s2], $0x1900, $0x38;
	[tilespmem:$0x1DD00] =	vst v63  }
0x13: {  	_ =	swait.ge [sflag:s10], $0x1900  }
0x14: {  	[sflag:s10] =	ssyncset.done $0x0  }
0x15: {  	[sflag:s10] =	ssyncadd.s32 $0xFFFFE700  }
0x16: {  	[tilespmem:s11], [sflag:$0x1] =	stream.linear.gather [hbm4b:s3+s2], $0x1900, $0x38;
	[tilespmem:$0x1DD00] =	vst v63  }
0x17: {  	_ =	swait.ge [sflag:s10], $0x1900  }
0x18: {  	[sflag:s10] =	ssyncset.done $0x0  }
0x19: {  	[sflag:s10] =	ssyncadd.s32 $0xFFFFE700  }
0x1a: {  	[tilespmem:s12], [sflag:$0x1] =	stream.linear.gather [hbm4b:s4+s2], $0x1900, $0x38;
	[tilespmem:$0x1DD00] =	vst v63  }
0x1b: {  	_ =	swait.ge [sflag:s10], $0x1900  }
0x1c: {  	[sflag:s10] =	ssyncset.done $0x0  }
0x1d: {  	[sflag:s10] =	ssyncadd.s32 $0xFFFFE700  }
0x1e: {  	[tilespmem:s13], [sflag:$0x1] =	stream.linear.gather [hbm4b:s5+s2], $0x190, $0x38;
	[tilespmem:$0x1DD00] =	vst v63  }
0x1f: {  	_ =	swait.ge [sflag:s10], $0x190  }
0x20: {  	[sflag:s10] =	ssyncset.done $0x0  }
0x21: {  	s19 =	simm.s32 $0x40;
	[sflag:s10] =	ssyncadd.s32 $0xFFFFFE70  }
0x22: {  	[tilespmem:s19+$0xFFFFFFC0] =	vst v1  }
0x23: {  	[tilespmem:s19+$0x30] =	vst v1  }
0x24: {  	[tilespmem:s19+$0x20] =	vst v1  }
0x25: {  	[tilespmem:s19+$0x10] =	vst v1  }
0x26: {  	[tilespmem:s19+$0x0] =	vst v1  }
0x27: {  	s20 =	simm.s32 $0x0;
	[tilespmem:s19+$0xFFFFFFF0] =	vst v1  }
0x28: {  	s15 =	simm.s32 $0x1C220;
	s16 =	simm.s32 $0x1A920;
	s17 =	simm.s32 $0x19020;
	[tilespmem:s19+$0xFFFFFFE0] =	vst v1  }
.LBB2_3:
0x29: {  	s20 =	sadd.s32 $0x8, s20;
	[tilespmem:s19+$0xFFFFFFD0] =	vst v1;
	s19 =	sadd.s32 $0x80, s19;
	s18 =	simm.s32 $0xFFFFFFFC  }
0x2a: {  	[tilespmem:s19+$0xFFFFFFC0] =	vst v1;
	p0 =	slt.u32 s20, $0x18F8  }
0x2b: {  	[tilespmem:s19+$0x30] =	vst v1  }
.Ltmp1:
0x2c: {  	[tilespmem:s19+$0x20] =	vst v1;
	(pc) =	sbr.rel @p0 .LBB2_3-.Ltmp1, $4  }
0x2d: {  	[tilespmem:s19+$0x10] =	vst v1  }
0x2e: {  	[tilespmem:s19+$0x0] =	vst v1  }
0x2f: {  	[tilespmem:s19+$0xFFFFFFF0] =	vst v1  }
0x30: {  	[tilespmem:s19+$0xFFFFFFE0] =	vst v1  }
0x31: {  	[tilespmem:s19+$0xFFFFFFD0] =	vst v1  }
.LBB2_5:
0x32: {  	v2 =	vld [tilespmem:s17+$0xFFFFFFE0]  }
0x33: {  	v3 =	vld [tilespmem:s16+$0xFFFFFFE0];
	_ =	sdelay $0x3  }
0x34: {  	v2 =	vsub.s32 v2, v0  }
0x35: {  	v3 =	vsub.s32 v3, v0;
	_ =	sdelay $0x3  }
0x36: {  	v2 =	vld.idx.msk [tilespmem:v2+s13+$0x0], $0xffff  }
0x37: {  	v3 =	vld.idx.msk [tilespmem:v3+s13+$0x0], $0xffff;
	_ =	sdelay $0x3  }
0x38: {  	v4 =	vmul.u32 $0x140, v2  }
0x39: {  	v2 =	vor.u32 v2, v3  }
0x3a: {  	vm0 =	vgt.s32 v2, $0xFFFFFFFF;
	v2 =	vadd.s32 v3, v4  }
0x3b: {  	v3 =	vld [tilespmem:s15+$0xFFFFFFE0];
	v2 =	vnsel vm0, $0x0, v2;
	_ =	sdelay $0x4  }
0x3c: {  	[tilespmem:v2+s2+$0x0] =	vst.idx.add.f32.msk vm0, v3  }
0x3d: {  	v2 =	vld [tilespmem:s17+$0xFFFFFFF0]  }
0x3e: {  	v3 =	vld [tilespmem:s16+$0xFFFFFFF0];
	_ =	sdelay $0x3  }
0x3f: {  	v2 =	vsub.s32 v2, v0  }
0x40: {  	v3 =	vsub.s32 v3, v0;
	_ =	sdelay $0x3  }
0x41: {  	v2 =	vld.idx.msk [tilespmem:v2+s13+$0x0], $0xffff  }
0x42: {  	v3 =	vld.idx.msk [tilespmem:v3+s13+$0x0], $0xffff;
	_ =	sdelay $0x3  }
0x43: {  	v61 =	vmul.u32 $0x140, v2  }
0x44: {  	v2 =	vor.u32 v2, v3  }
0x45: {  	vm13 =	vgt.s32 v2, $0xFFFFFFFF;
	v2 =	vadd.s32 v3, v61  }
0x46: {  	v3 =	vld [tilespmem:s15+$0xFFFFFFF0];
	v2 =	vnsel vm13, $0x0, v2;
	_ =	sdelay $0x4  }
0x47: {  	[tilespmem:v2+s2+$0x0] =	vst.idx.add.f32.msk vm13, v3  }
0x48: {  	v2 =	vld [tilespmem:s17+$0x0]  }
0x49: {  	v3 =	vld [tilespmem:s16+$0x0];
	_ =	sdelay $0x3  }
0x4a: {  	v2 =	vsub.s32 v2, v0  }
0x4b: {  	v3 =	vsub.s32 v3, v0;
	_ =	sdelay $0x3  }
0x4c: {  	v2 =	vld.idx.msk [tilespmem:v2+s13+$0x0], $0xffff  }
0x4d: {  	v3 =	vld.idx.msk [tilespmem:v3+s13+$0x0], $0xffff;
	_ =	sdelay $0x3  }
0x4e: {  	v62 =	vmul.u32 $0x140, v2  }
0x4f: {  	v2 =	vor.u32 v2, v3  }
0x50: {  	vm14 =	vgt.s32 v2, $0xFFFFFFFF;
	v2 =	vadd.s32 v3, v62  }
0x51: {  	v3 =	vld [tilespmem:s15+$0x0];
	v2 =	vnsel vm14, $0x0, v2;
	_ =	sdelay $0x4  }
0x52: {  	[tilespmem:v2+s2+$0x0] =	vst.idx.add.f32.msk vm14, v3  }
0x53: {  	v2 =	vld [tilespmem:s17+$0x10]  }
0x54: {  	v3 =	vld [tilespmem:s16+$0x10];
	_ =	sdelay $0x3  }
0x55: {  	v2 =	vsub.s32 v2, v0  }
0x56: {  	v3 =	vsub.s32 v3, v0;
	_ =	sdelay $0x3  }
0x57: {  	v2 =	vld.idx.msk [tilespmem:v2+s13+$0x0], $0xffff  }
0x58: {  	v3 =	vld.idx.msk [tilespmem:v3+s13+$0x0], $0xffff;
	_ =	sdelay $0x3  }
0x59: {  	v63 =	vmul.u32 $0x140, v2  }
0x5a: {  	v2 =	vor.u32 v2, v3  }
0x5b: {  	s18 =	sadd.s32 $0x4, s18;
	vm15 =	vgt.s32 v2, $0xFFFFFFFF;
	v2 =	vadd.s32 v3, v63  }
0x5c: {  	p0 =	slt.u32 s18, $0x18C;
	v3 =	vld [tilespmem:s15+$0x10];
	v2 =	vnsel vm15, $0x0, v2  }
.Ltmp2:
0x5d: {  	_ = 	snop;
	(pc) =	sbr.rel @p0 .LBB2_5-.Ltmp2, $2  }
0x5e: {  	_ =	sdelay $0x2  }
0x5f: {  	s16 =	sadd.s32 $0x40, s16;
	s17 =	sadd.s32 $0x40, s17;
	s15 =	sadd.s32 $0x40, s15;
	[tilespmem:v2+s2+$0x0] =	vst.idx.add.f32.msk vm15, v3  }
0x60: {  	s14 =	sadd.s32 $0x1, s14  }
0x61: {  	p0 =	sne.s32 s14, s8  }
.Ltmp3:
0x62: {  	_ = 	snop;
	(pc) =	sbr.rel @p0 .LBB2_2-.Ltmp3, $4  }
0x63: {  	[hbm4b:s6+s2] =	stream.linear.scatter [tilespmem:s2], [sflag:$0x1], $0x19000, $0x38;
	[tilespmem:$0x1DD00] =	vst v63  }
0x64: {  	_ =	swait.ge [sflag:s10], $0x19000  }
0x65: {  	[sflag:s10] =	ssyncset.done $0x0  }
0x66: {  	[sflag:s10] =	ssyncadd.s32 $0xFFFE7000  }
.LBB2_7:
0x67: {  	_ =	sfence.sel $0x180000  }
0x68: {  	[bflag:$0x0] =	sbarrier.arrive $0xFFFF  }
0x69: {  	p0 =	sne.s32 s0, $0x0;
	_ =	strace $0x90000050  }
0x6a: {  	s0 =	sadd.s32 @!p0 $0x100000, s1;
	[bflag:$0x2] =	sbarrier.arrive $0xFFFF  }
0x6b: {  	[sflag:s0] =	ssyncadd.tile.s32 @!p0 $0x1;
	_ =	shalt  }
.Lfunc_end2:
_tile_overlayer_lowered:
.L_overlay_start_2:
0x6c: {  	(tag) =	ssettag $0x2  }
0x6d: {  	s0 =	rddreg [dreg:$0x0];
	s2 =	stileid.u32  }
0x6e: {  	s1 =	rddreg [dreg:$0x1];
	p0 =	sne.s32 s2, $0x0  }
0x6f: {  	s3 =	rddreg [dreg:$0x2];
	[bflag:$0x3] =	sbarrier.arrive $0xFFFF;
	s2 =	simm.s32 @!p0 $0x1C01  }
0x70: {  	[timem:s3], [sflag:s2] =	dma.local @!p0 [hbm:s0], s1  }
0x71: {  	s0 =	simm.s32 @!p0 $0x1  }
0x72: {  	_ =	swait.ge @!p0 [sflag:s0], s1  }
0x73: {  	s1 =	ssub.s32 @!p0 $0x0, s1;
	[sflag:s0] =	ssyncset.done @!p0 $0x0  }
0x74: {  	[sflag:s0] =	ssyncadd.s32 @!p0 s1  }
0x75: {  	[bflag:$0x3] =	sbarrier.arrive $0xFFFF  }
0x76: {  	_ =	shalt  }

// kernel: kernel.7.cloned.1.call-start
scs
__scs_entry_jumppad:
0x0: {  	(pc) =	sbr.rel $0x88, $3  }
0x1: {  	(tag) =	ssettag $0x0;
	lr =	simm.s32 $0x1  }
0x2: {  	[smem:$0x3F9D] =	sst lr;
	_ =	strace $0xD0000000  }
0x3: {  	_ = 	snop  }
0x4: {  	_ = 	snop  }
0x5: {  	_ = 	snop  }
0x6: {  	_ = 	snop  }
0x7: {  	_ = 	snop  }
__scs_overlays_trampoline_lowered:
0x8: {  	[smem:$0x3FAC] =	sst s0  }
0x9: {  	[smem:$0x3FAD] =	sst s1  }
0xa: {  	[smem:$0x3FAE] =	sst s2  }
0xb: {  	[smem:$0x3FAF] =	sst s3  }
0xc: {  	[smem:$0x3FB0] =	sst s4  }
0xd: {  	[smem:$0x3FB1] =	sst s5  }
0xe: {  	[smem:$0x3FB2] =	sst s6  }
0xf: {  	[smem:$0x3FB3] =	sst s7  }
0x10: {  	[smem:$0x3FB4] =	sst s8  }
0x11: {  	[smem:$0x3FB5] =	sst s9;
	s0 =	simm.s32 @!p0 $0x0  }
0x12: {  	s1 =	sld [smem:$0x3F9B];
	s0 =	simm.s32 @p0 $0x1  }
0x13: {  	[smem:$0x3FB6] =	sst s0;
	s0 =	simm.s32 @!p1 $0x0  }
0x14: {  	s2 =	sld [smem:$0x3F9A];
	s0 =	simm.s32 @p1 $0x1  }
0x15: {  	[smem:$0x3FB7] =	sst s0;
	s0 =	simm.s32 @!p2 $0x0  }
0x16: {  	s3 =	sld [smem:$0x3FDB];
	s0 =	simm.s32 @p2 $0x1  }
0x17: {  	s4 =	simm.s32 $0x1BF5;
	[smem:$0x3FB9] =	sst s0  }
0x18: {  	s0 =	sld [smem:$0x3F9C];
	_ =	swait.ge [sflag:s4], $0x0  }
0x19: {  	s7 =	sld [smem:$0x3F9D]  }
0x1a: {  	s8 =	sadd.s32 $0xFFFFE003, lr  }
0x1b: {  	s9 =	sadd.s32 $0xFFFFFEF7, lr;
	s5 =	simm.s32 $0xFFFFFFFF;
	p2 =	slt.u32 s8, $0xFFFFF086  }
0x1c: {  	p1 =	slt.u32 s9, $0xF7A;
	s5 =	simm.s32 @!p2 $0x0  }
0x1d: {  	s5 =	simm.s32 @p1 $0x1;
	p0 =	seq.s32 s7, s2  }
0x1e: {  	s7 =	smul.u32 @!p0 $0xF7A, s2;
	p2 =	seq.s32 @!p0 s5, $0x0  }
0x1f: {  	s9 =	smul.u32 $0xF7A, s1;
	s8 =	simm.s32 @!p0 $0x1BF5;
	p2 =	por !p2, p0  }
0x20: {  	[sflag:s8] =	ssyncset.s32 @!p0 $0xFFFFF086;
	s6 =	sadd.s32 @!p0 s3, s7;
	s7 =	simm.s32 @!p0 $0x108  }
0x21: {  	s3 =	sadd.s32 s3, s9;
	s6 =	sadd.s32 @!p0 $0x88, s6;
	s7 =	simm.s32 @p2 $0x1082  }
0x22: {  	[simem:s7], [sflag:s8] =	dma.local @!p0 [hbm:s6], $0xF7A  }
0x23: {  	s9 =	sor.u32 $0xD0000000, s2;
	s6 =	simm.s32 $0x108;
	_ =	swait.ge @!p0 [sflag:s8], $0x0  }
0x24: {  	s3 =	sadd.s32 $0x88, s3;
	s6 =	simm.s32 @!p1 $0x1082;
	[sflag:s4] =	ssyncset.s32 $0xFFFFF086  }
0x25: {  	[simem:s6], [sflag:s4] =	dma.local [hbm:s3], $0xF7A  }
0x26: {  	[smem:$0x3F9D] =	sst s1;
	(tag) =	ssettag s2;
	_ =	strace s9  }
0x27: {  	s1 =	sld [smem:$0x3FAD]  }
0x28: {  	s2 =	sld [smem:$0x3FAE]  }
0x29: {  	s4 =	sld [smem:$0x3FB0]  }
0x2a: {  	p0 =	seq.s32 s5, $0x0;
	s5 =	sld [smem:$0x3FB1]  }
0x2b: {  	s6 =	sld [smem:$0x3FB2]  }
0x2c: {  	s7 =	sld [smem:$0x3FB3]  }
0x2d: {  	s3 =	simm.s32 $0x108;
	s8 =	sld [smem:$0x3FB4]  }
0x2e: {  	s3 =	simm.s32 @!p0 $0x1082;
	s9 =	sld [smem:$0x3FB5]  }
0x2f: {  	lr =	sadd.s32 s0, s3;
	s0 =	sld [smem:$0x3FAC]  }
0x30: {  	s3 =	sld [smem:$0x3FAF]  }
0x31: {  	[smem:$0x3FB8] =	sst s10  }
0x32: {  	s10 =	sld [smem:$0x3FB6];
	_ =	sdelay $0x3  }
0x33: {  	p0 =	seq.s32 s10, $0x1;
	s10 =	sld [smem:$0x3FB8];
	_ =	sdelay $0x3  }
0x34: {  	[smem:$0x3FB8] =	sst s10  }
0x35: {  	s10 =	sld [smem:$0x3FB7];
	_ =	sdelay $0x3  }
0x36: {  	p1 =	seq.s32 s10, $0x1;
	s10 =	sld [smem:$0x3FB8];
	_ =	sdelay $0x3  }
0x37: {  	[smem:$0x3FB8] =	sst s10  }
0x38: {  	s10 =	sld [smem:$0x3FB9]  }
0x39: {  	_ = 	snop;
	(pc) =	sbr.ind lr, $3  }
0x3a: {  	_ = 	snop  }
0x3b: {  	_ = 	snop  }
0x3c: {  	p2 =	seq.s32 s10, $0x1;
	s10 =	sld [smem:$0x3FB8]  }
0x3d: {  	_ =	shalt  }
0x3e: {  	_ =	shalt  }
0x3f: {  	_ =	shalt  }
0x40: {  	_ =	shalt  }
0x41: {  	_ =	shalt  }
0x42: {  	_ =	shalt  }
0x43: {  	_ =	shalt  }
0x44: {  	_ =	shalt  }
0x45: {  	_ =	shalt  }
0x46: {  	_ =	shalt  }
0x47: {  	_ =	shalt  }
0x48: {  	_ =	shalt  }
0x49: {  	_ =	shalt  }
0x4a: {  	_ =	shalt  }
0x4b: {  	_ =	shalt  }
0x4c: {  	_ =	shalt  }
0x4d: {  	_ =	shalt  }
0x4e: {  	_ =	shalt  }
0x4f: {  	_ =	shalt  }
0x50: {  	_ =	shalt  }
0x51: {  	_ =	shalt  }
0x52: {  	_ =	shalt  }
0x53: {  	_ =	shalt  }
0x54: {  	_ =	shalt  }
0x55: {  	_ =	shalt  }
0x56: {  	_ =	shalt  }
0x57: {  	_ =	shalt  }
0x58: {  	_ =	shalt  }
0x59: {  	_ =	shalt  }
0x5a: {  	_ =	shalt  }
0x5b: {  	_ =	shalt  }
0x5c: {  	_ =	shalt  }
0x5d: {  	_ =	shalt  }
0x5e: {  	_ =	shalt  }
0x5f: {  	_ =	shalt  }
0x60: {  	_ =	shalt  }
0x61: {  	_ =	shalt  }
0x62: {  	_ =	shalt  }
0x63: {  	_ =	shalt  }
0x64: {  	_ =	shalt  }
0x65: {  	_ =	shalt  }
0x66: {  	_ =	shalt  }
0x67: {  	_ =	shalt  }
0x68: {  	_ =	shalt  }
0x69: {  	_ =	shalt  }
0x6a: {  	_ =	shalt  }
0x6b: {  	_ =	shalt  }
0x6c: {  	_ =	shalt  }
0x6d: {  	_ =	shalt  }
0x6e: {  	_ =	shalt  }
0x6f: {  	_ =	shalt  }
0x70: {  	_ =	shalt  }
0x71: {  	_ =	shalt  }
0x72: {  	_ =	shalt  }
0x73: {  	_ =	shalt  }
0x74: {  	_ =	shalt  }
0x75: {  	_ =	shalt  }
0x76: {  	_ =	shalt  }
0x77: {  	_ =	shalt  }
0x78: {  	_ =	shalt  }
0x79: {  	_ =	shalt  }
0x7a: {  	_ =	shalt  }
0x7b: {  	_ =	shalt  }
0x7c: {  	_ =	shalt  }
0x7d: {  	_ =	shalt  }
0x7e: {  	_ =	shalt  }
0x7f: {  	_ =	shalt  }
0x80: {  	_ =	shalt  }
0x81: {  	_ =	shalt  }
0x82: {  	_ =	shalt  }
0x83: {  	_ =	shalt  }
0x84: {  	_ =	shalt  }
0x85: {  	_ =	shalt  }
0x86: {  	_ =	shalt  }
0x87: {  	_ =	shalt  }
.Lfunc_end0:
.L_simem_size_0:
called_computation.1_lowered:
.L_overlay_start_0:
0x88: {  	s2 =	sld [smem:$0x3FD9]  }
0x89: {  	s3 =	sld [smem:$0x3FFE];
	_ =	sdelay $0x1  }
0x8a: {  	s1 =	srdreg.scid  }
0x8b: {  	s0 =	sand.u32 $0x1, s1  }
0x8c: {  	s14 =	sshll.u32 s0, $0xA;
	s2 =	sadd.s32 s3, s2  }
0x8d: {  	s2 =	sadd.s32 s2, s14  }
0x8e: {  	[smem:$0x3FC4] =	sst s2  }
0x8f: {  	_ = 	snop  }
0x90: {  	s2 =	sld [smem:$0x3FD0];
	_ =	sdelay $0x2  }
0x91: {  	s15 =	simm.s32 $0xA;
	s4 =	simm.s32 $0x10  }
0x92: {  	[smem:s4], [sflag:s15] =	dma.local [hbm:s2], $0x1  }
0x93: {  	_ =	swait.eq [sflag:s15], $0x1  }
0x94: {  	[sflag:s15] =	ssyncset.done $0x0  }
0x95: {  	s16 =	sld [smem:$0x10];
	[sflag:s15] =	ssyncadd.s32 $0xFFFFFFFF  }
0x96: {  	s17 =	sld [smem:$0x11];
	(tm) =	ssettm $0x1  }
0x97: {  	s18 =	sld [smem:$0x3FFB];
	_ =	sdelay $0x3  }
0x98: {  	_ =	strace s18  }
0x99: {  	s4 =	sld [smem:$0x3FFC];
	_ =	sdelay $0x3  }
0x9a: {  	_ =	strace s4  }
0x9b: {  	s4 =	sld [smem:$0x3FFD];
	_ =	sdelay $0x3  }
0x9c: {  	_ =	strace s4  }
0x9d: {  	_ =	strace $0x8FFFFFFF  }
0x9e: {  	s19 =	sld [smem:$0x3FDB];
	_ =	sdelay $0x1  }
0x9f: {  	s5 =	simm.s32 $_scs_section_size  }
0xa0: {  	s6 =	simm.s32 $_size__tile_overlayer_lowered;
	s7 =	simm.s32 $_tile_overlayer_lowered  }
0xa1: {  	s22 =	simm.s32 $0x1BFF;
	s21 =	sshll.u32 s7, $0x1;
	s4 =	sadd.s32 s5, s19  }
0xa2: {  	s8 =	simm.s32 $0x0;
	s20 =	sshll.u32 s6, $0x1;
	s6 =	sadd.s32 s21, s4  }
0xa3: {  	[timem:s8], [sflag:s22] =	dma.local [hbm:s6], s20  }
0xa4: {  	_ =	swait.ge [sflag:s22], s20  }
0xa5: {  	s5 =	ssub.s32 $0x0, s20;
	[sflag:s22] =	ssyncset.done $0x0  }
0xa6: {  	[sflag:s22] =	ssyncadd.s32 s5;
	_ =	sdelay $0x1  }
0xa7: {  	s23 =	simm.s32 $0x1B8B  }
0xa8: {  	_ =	swait.ge [sflag:s23], $0x1  }
0xa9: {  	[sflag:s23] =	ssyncset.done $0x0  }
0xaa: {  	s25 =	simm.s32 $0x1B8E;
	s24 =	sld [smem:$0x3FFE];
	[sflag:s23] =	ssyncadd.s32 $0xFFFFFFFF  }
0xab: {  	s26 =	simm.s32 $execute0_lowered;
	[smem:$0x3FD2] =	sst s25  }
0xac: {  	s6 =	sshll.u32 s26, $0x1;
	_ =	strace $0x80000046;
	[dreg:$0x1] =	wrdreg $0xFFFFFFFF  }
0xad: {  	s28 =	simm.s32 $_size_execute0_lowered;
	s4 =	sadd.s32 s4, s6;
	[dreg:$0x0] =	wrdreg $0x0  }
0xae: {  	s6 =	sshll.u32 s28, $0x1;
	[dreg:$0x2] =	wrdreg s4  }
0xaf: {  	[dreg:$0x3] =	wrdreg s6  }
0xb0: {  	[dreg:$0x4] =	wrdreg $0xC0  }
0xb1: {  	_ =	task [dreg:s8], $0x5FFFF  }
0xb2: {  	[dreg:$0x1] =	wrdreg $0xFFFFFFFF  }
0xb3: {  	[dreg:$0x0] =	wrdreg $0x60  }
0xb4: {  	[dreg:$0x2] =	wrdreg s24  }
0xb5: {  	[dreg:$0x3] =	wrdreg s17  }
0xb6: {  	[dreg:$0x4] =	wrdreg s16  }
0xb7: {  	[dreg:$0x5] =	wrdreg $0x9  }
0xb8: {  	_ =	task.clear_ibuf [dreg:s8], $0x6FFFF;
	_ =	strace $0x90000046  }
0xb9: {  	s29 =	simm.s32 $0x9;
	_ =	strace $0x80000048  }
0xba: {  	_ =	swait.ge [sflag:s29], $0x1  }
0xbb: {  	[sflag:s29] =	ssyncadd.s32 $0xFFFFFFFF  }
0xbc: {  	_ =	strace $0x90000048  }
0xbd: {  	_ =	sfence  }
0xbe: {  	s30 =	sld [smem:$0x0];
	_ =	sdelay $0x2  }
0xbf: {  	s31 =	sshll.u32 s1, $0xD;
	s1 =	sshrl.u32 s1, $0x2  }
0xc0: {  	s3 =	sand.u32 $0x4000, s31;
	s1 =	sadd.s32 s1, s30  }
0xc1: {  	s0 =	sor.u32 s3, s0;
	s1 =	sshll.u32 s1, $0x11  }
0xc2: {  	s0 =	sor.u32 s1, s0  }
0xc3: {  	s0 =	sadd.s32 $0x8F2B, s0  }
0xc4: {  	[sflag:s0] =	ssyncadd.remote.s32 $0x1  }
0xc5: {  	_ =	sfence.sel $0xFFFF  }
0xc6: {  	[dreg:$0x0] =	wrdreg $0xFFFFFFFF;
	(pc) =	sbr.abs _section_cstart, $3  }
0xc7: {  	[dreg:$0x1] =	wrdreg $0xFFFFFFFF  }
0xc8: {  	_ =	task.clear_ibuf [dreg:s8], $0x2FFFF;
	_ =	strace $0x9FFFFFFF  }
0xc9: {  	(tm) =	ssettm $0x7FFFFFFF  }
tec
execute0_lowered:
.L_overlay_start_1:
0x0: {  	(tag) =	ssettag $0x1  }
0x1: {  	s1 =	srdreg.scid;
	s0 =	stileid.u32  }
0x2: {  	s6 =	sand.u32 $0x1, s1;
	s7 =	sshll.u32 s0, $0x1  }
0x3: {  	s7 =	sor.u32 s6, s7  }
0x4: {  	p0 =	sgt.u32 s7, $0x18  }
.Ltmp0:
0x5: {  	s5 =	rddreg [dreg:$0x0];
	(pc) =	sbr.rel @p0 .LBB2_5-.Ltmp0, $4  }
0x6: {  	s3 =	rddreg [dreg:$0x1]  }
0x7: {  	s4 =	rddreg [dreg:$0x2];
	s2 =	simm.s32 $0x0  }
0x8: {  	[smem:$0x7FF] =	sst s2  }
0x9: {  	s1 =	rddreg [dreg:$0x3];
	_ =	strace $0x80000047  }
0xa: {  	s8 =	smul.u32 $0x320, s7  }
0xb: {  	s9 =	smul.u32 $0x64, s7  }
0xc: {  	s6 =	ssub.s32 $0x2, s6;
	s31 =	smul.u32 $0x190, s7;
	s7 =	simm.s32 $0x1  }
0xd: {  	s10 =	sshrl.u32 s6, $0x1;
	s3 =	sadd.s32 s3, s8;
	s4 =	sadd.s32 s4, s9  }
0xe: {  	s6 =	ssub.s32 s6, s10;
	v0 =	vmov s31;
	s5 =	sadd.s32 s5, s8;
	s8 =	simm.s32 $0x1900  }
0xf: {  	v2 =	vimm.f32 $0.0e+00;
	v3 =	vimm.f32 $1.000000000e+00;
	s9 =	simm.s32 $0x3200;
	s10 =	simm.s32 $0x0;
	s6 =	smax.u32 s6, $0x1;
	v1 =	vsub.s32 $0x190, v0  }
.LBB2_2:
0x10: {  	[tilespmem:s2], [sflag:$0x1] =	stream.linear.gather [hbm4b:s5+s2], $0x1900, $0x38;
	[tilespmem:$0x3580] =	vst v63  }
0x11: {  	_ =	swait.ge [sflag:s7], $0x1900  }
0x12: {  	[sflag:s7] =	ssyncset.done $0x0  }
0x13: {  	[sflag:s7] =	ssyncadd.s32 $0xFFFFE700  }
0x14: {  	[tilespmem:s8], [sflag:$0x1] =	stream.linear.gather [hbm4b:s3+s2], $0x1900, $0x38;
	[tilespmem:$0x3580] =	vst v63  }
0x15: {  	_ =	swait.ge [sflag:s7], $0x1900  }
0x16: {  	[sflag:s7] =	ssyncset.done $0x0  }
0x17: {  	[sflag:s7] =	ssyncadd.s32 $0xFFFFE700  }
0x18: {  	[tilespmem:$0x3200] =	vst v2  }
0x19: {  	[tilespmem:$0x3210] =	vst v2  }
0x1a: {  	[tilespmem:$0x3220] =	vst v2  }
0x1b: {  	[tilespmem:$0x3230] =	vst v2  }
0x1c: {  	[tilespmem:$0x3240] =	vst v2  }
0x1d: {  	[tilespmem:$0x3250] =	vst v2  }
0x1e: {  	[tilespmem:$0x3260] =	vst v2  }
0x1f: {  	[tilespmem:$0x3270] =	vst v2  }
0x20: {  	[tilespmem:$0x3280] =	vst v2  }
0x21: {  	[tilespmem:$0x3290] =	vst v2  }
0x22: {  	[tilespmem:$0x32A0] =	vst v2  }
0x23: {  	[tilespmem:$0x32B0] =	vst v2  }
0x24: {  	[tilespmem:$0x32C0] =	vst v2  }
0x25: {  	[tilespmem:$0x32D0] =	vst v2  }
0x26: {  	[tilespmem:$0x32E0] =	vst v2  }
0x27: {  	[tilespmem:$0x32F0] =	vst v2  }
0x28: {  	[tilespmem:$0x3300] =	vst v2  }
0x29: {  	[tilespmem:$0x3310] =	vst v2  }
0x2a: {  	[tilespmem:$0x3320] =	vst v2  }
0x2b: {  	[tilespmem:$0x3330] =	vst v2  }
0x2c: {  	[tilespmem:$0x3340] =	vst v2  }
0x2d: {  	[tilespmem:$0x3350] =	vst v2  }
0x2e: {  	[tilespmem:$0x3360] =	vst v2  }
0x2f: {  	[tilespmem:$0x3370] =	vst v2  }
0x30: {  	[tilespmem:$0x3380] =	vst v2  }
0x31: {  	[tilespmem:$0x3390] =	vst v2  }
0x32: {  	[tilespmem:$0x33A0] =	vst v2  }
0x33: {  	[tilespmem:$0x33B0] =	vst v2  }
0x34: {  	[tilespmem:$0x33C0] =	vst v2  }
0x35: {  	[tilespmem:$0x33D0] =	vst v2  }
0x36: {  	[tilespmem:$0x33E0] =	vst v2  }
0x37: {  	[tilespmem:$0x33F0] =	vst v2  }
0x38: {  	[tilespmem:$0x3400] =	vst v2  }
0x39: {  	[tilespmem:$0x3410] =	vst v2  }
0x3a: {  	[tilespmem:$0x3420] =	vst v2  }
0x3b: {  	[tilespmem:$0x3430] =	vst v2  }
0x3c: {  	[tilespmem:$0x3440] =	vst v2  }
0x3d: {  	[tilespmem:$0x3450] =	vst v2  }
0x3e: {  	[tilespmem:$0x3460] =	vst v2  }
0x3f: {  	[tilespmem:$0x3470] =	vst v2  }
0x40: {  	[tilespmem:$0x3480] =	vst v2  }
0x41: {  	[tilespmem:$0x3490] =	vst v2  }
0x42: {  	[tilespmem:$0x34A0] =	vst v2  }
0x43: {  	[tilespmem:$0x34B0] =	vst v2  }
0x44: {  	[tilespmem:$0x34C0] =	vst v2  }
0x45: {  	[tilespmem:$0x34D0] =	vst v2  }
0x46: {  	[tilespmem:$0x34E0] =	vst v2  }
0x47: {  	[tilespmem:$0x34F0] =	vst v2  }
0x48: {  	[tilespmem:$0x3500] =	vst v2  }
0x49: {  	s11 =	simm.s32 $0xFFFFFFFC;
	s12 =	simm.s32 $0x1920;
	s13 =	simm.s32 $0x20;
	[tilespmem:$0x3510] =	vst v2  }
.LBB2_3:
0x4a: {  	v4 =	vld [tilespmem:s13+$0xFFFFFFE0]  }
0x4b: {  	v5 =	vld [tilespmem:s12+$0xFFFFFFE0];
	_ =	sdelay $0x3  }
0x4c: {  	v4 =	vsub.s32 v4, v0  }
0x4d: {  	v5 =	vadd.s32 v1, v5;
	_ =	sdelay $0x3  }
0x4e: {  	[tilespmem:v4+s9+$0x0] =	vst.idx.add.f32.msk $0xffff, v3  }
0x4f: {  	[tilespmem:v5+s9+$0x0] =	vst.idx.add.f32.msk $0xffff, v3  }
0x50: {  	v4 =	vld [tilespmem:s13+$0xFFFFFFF0]  }
0x51: {  	v5 =	vld [tilespmem:s12+$0xFFFFFFF0];
	_ =	sdelay $0x3  }
0x52: {  	v4 =	vsub.s32 v4, v0  }
0x53: {  	v5 =	vadd.s32 v1, v5;
	_ =	sdelay $0x3  }
0x54: {  	[tilespmem:v4+s9+$0x0] =	vst.idx.add.f32.msk $0xffff, v3  }
0x55: {  	[tilespmem:v5+s9+$0x0] =	vst.idx.add.f32.msk $0xffff, v3  }
0x56: {  	v4 =	vld [tilespmem:s13+$0x0]  }
0x57: {  	v5 =	vld [tilespmem:s12+$0x0];
	_ =	sdelay $0x3  }
0x58: {  	v4 =	vsub.s32 v4, v0  }
0x59: {  	v5 =	vadd.s32 v1, v5;
	_ =	sdelay $0x3  }
0x5a: {  	[tilespmem:v4+s9+$0x0] =	vst.idx.add.f32.msk $0xffff, v3  }
0x5b: {  	[tilespmem:v5+s9+$0x0] =	vst.idx.add.f32.msk $0xffff, v3  }
0x5c: {  	v4 =	vld [tilespmem:s13+$0x10]  }
0x5d: {  	v5 =	vld [tilespmem:s12+$0x10];
	_ =	sdelay $0x3  }
0x5e: {  	s11 =	sadd.s32 $0x4, s11;
	v4 =	vsub.s32 v4, v0  }
0x5f: {  	p0 =	slt.u32 s11, $0x18C;
	v5 =	vadd.s32 v1, v5  }
.Ltmp1:
0x60: {  	_ = 	snop;
	(pc) =	sbr.rel @p0 .LBB2_3-.Ltmp1, $3  }
0x61: {  	_ =	sdelay $0x1  }
0x62: {  	[tilespmem:v4+s9+$0x0] =	vst.idx.add.f32.msk $0xffff, v3  }
0x63: {  	s12 =	sadd.s32 $0x40, s12;
	s13 =	sadd.s32 $0x40, s13;
	[tilespmem:v5+s9+$0x0] =	vst.idx.add.f32.msk $0xffff, v3  }
0x64: {  	s10 =	sadd.s32 $0x1, s10  }
0x65: {  	p0 =	sne.s32 s10, s6  }
.Ltmp2:
0x66: {  	_ = 	snop;
	(pc) =	sbr.rel @p0 .LBB2_2-.Ltmp2, $4  }
0x67: {  	[hbm4b:s4+s2] =	stream.linear.scatter [tilespmem:s9], [sflag:$0x1], $0x320, $0x38;
	[tilespmem:$0x3580] =	vst v63  }
0x68: {  	_ =	swait.ge [sflag:s7], $0x320  }
0x69: {  	[sflag:s7] =	ssyncset.done $0x0  }
0x6a: {  	[sflag:s7] =	ssyncadd.s32 $0xFFFFFCE0  }
.LBB2_5:
0x6b: {  	_ =	sfence.sel $0x180000  }
0x6c: {  	[bflag:$0x0] =	sbarrier.arrive $0xFFFF  }
0x6d: {  	p0 =	sne.s32 s0, $0x0;
	_ =	strace $0x90000047  }
0x6e: {  	s0 =	sadd.s32 @!p0 $0x100000, s1;
	[bflag:$0x2] =	sbarrier.arrive $0xFFFF  }
0x6f: {  	[sflag:s0] =	ssyncadd.tile.s32 @!p0 $0x1;
	_ =	shalt  }
.Lfunc_end2:
_tile_overlayer_lowered:
.L_overlay_start_2:
0x70: {  	(tag) =	ssettag $0x2  }
0x71: {  	s0 =	rddreg [dreg:$0x0];
	s2 =	stileid.u32  }
0x72: {  	s1 =	rddreg [dreg:$0x1];
	p0 =	sne.s32 s2, $0x0  }
0x73: {  	s3 =	rddreg [dreg:$0x2];
	[bflag:$0x3] =	sbarrier.arrive $0xFFFF;
	s2 =	simm.s32 @!p0 $0x1C01  }
0x74: {  	[timem:s3], [sflag:s2] =	dma.local @!p0 [hbm:s0], s1  }
0x75: {  	s0 =	simm.s32 @!p0 $0x1  }
0x76: {  	_ =	swait.ge @!p0 [sflag:s0], s1  }
0x77: {  	s1 =	ssub.s32 @!p0 $0x0, s1;
	[sflag:s0] =	ssyncset.done @!p0 $0x0  }
0x78: {  	[sflag:s0] =	ssyncadd.s32 @!p0 s1  }
0x79: {  	[bflag:$0x3] =	sbarrier.arrive $0xFFFF  }
0x7a: {  	_ =	shalt  }

// kernel: scatter_offload_async_start
scs
__scs_entry_jumppad:
0x0: {  	(pc) =	sbr.rel $0x88, $3  }
0x1: {  	(tag) =	ssettag $0x0;
	lr =	simm.s32 $0x1  }
0x2: {  	[smem:$0x3F9D] =	sst lr;
	_ =	strace $0xD0000000  }
0x3: {  	_ = 	snop  }
0x4: {  	_ = 	snop  }
0x5: {  	_ = 	snop  }
0x6: {  	_ = 	snop  }
0x7: {  	_ = 	snop  }
__scs_overlays_trampoline_lowered:
0x8: {  	[smem:$0x3FAC] =	sst s0  }
0x9: {  	[smem:$0x3FAD] =	sst s1  }
0xa: {  	[smem:$0x3FAE] =	sst s2  }
0xb: {  	[smem:$0x3FAF] =	sst s3  }
0xc: {  	[smem:$0x3FB0] =	sst s4  }
0xd: {  	[smem:$0x3FB1] =	sst s5  }
0xe: {  	[smem:$0x3FB2] =	sst s6  }
0xf: {  	[smem:$0x3FB3] =	sst s7  }
0x10: {  	[smem:$0x3FB4] =	sst s8  }
0x11: {  	[smem:$0x3FB5] =	sst s9;
	s0 =	simm.s32 @!p0 $0x0  }
0x12: {  	s1 =	sld [smem:$0x3F9B];
	s0 =	simm.s32 @p0 $0x1  }
0x13: {  	[smem:$0x3FB6] =	sst s0;
	s0 =	simm.s32 @!p1 $0x0  }
0x14: {  	s2 =	sld [smem:$0x3F9A];
	s0 =	simm.s32 @p1 $0x1  }
0x15: {  	[smem:$0x3FB7] =	sst s0;
	s0 =	simm.s32 @!p2 $0x0  }
0x16: {  	s3 =	sld [smem:$0x3FDB];
	s0 =	simm.s32 @p2 $0x1  }
0x17: {  	s4 =	simm.s32 $0x1BF5;
	[smem:$0x3FB9] =	sst s0  }
0x18: {  	s0 =	sld [smem:$0x3F9C];
	_ =	swait.ge [sflag:s4], $0x0  }
0x19: {  	s7 =	sld [smem:$0x3F9D]  }
0x1a: {  	s8 =	sadd.s32 $0xFFFFE003, lr  }
0x1b: {  	s9 =	sadd.s32 $0xFFFFFEF7, lr;
	s5 =	simm.s32 $0xFFFFFFFF;
	p2 =	slt.u32 s8, $0xFFFFF086  }
0x1c: {  	p1 =	slt.u32 s9, $0xF7A;
	s5 =	simm.s32 @!p2 $0x0  }
0x1d: {  	s5 =	simm.s32 @p1 $0x1;
	p0 =	seq.s32 s7, s2  }
0x1e: {  	s7 =	smul.u32 @!p0 $0xF7A, s2;
	p2 =	seq.s32 @!p0 s5, $0x0  }
0x1f: {  	s9 =	smul.u32 $0xF7A, s1;
	s8 =	simm.s32 @!p0 $0x1BF5;
	p2 =	por !p2, p0  }
0x20: {  	[sflag:s8] =	ssyncset.s32 @!p0 $0xFFFFF086;
	s6 =	sadd.s32 @!p0 s3, s7;
	s7 =	simm.s32 @!p0 $0x108  }
0x21: {  	s3 =	sadd.s32 s3, s9;
	s6 =	sadd.s32 @!p0 $0x88, s6;
	s7 =	simm.s32 @p2 $0x1082  }
0x22: {  	[simem:s7], [sflag:s8] =	dma.local @!p0 [hbm:s6], $0xF7A  }
0x23: {  	s9 =	sor.u32 $0xD0000000, s2;
	s6 =	simm.s32 $0x108;
	_ =	swait.ge @!p0 [sflag:s8], $0x0  }
0x24: {  	s3 =	sadd.s32 $0x88, s3;
	s6 =	simm.s32 @!p1 $0x1082;
	[sflag:s4] =	ssyncset.s32 $0xFFFFF086  }
0x25: {  	[simem:s6], [sflag:s4] =	dma.local [hbm:s3], $0xF7A  }
0x26: {  	[smem:$0x3F9D] =	sst s1;
	(tag) =	ssettag s2;
	_ =	strace s9  }
0x27: {  	s1 =	sld [smem:$0x3FAD]  }
0x28: {  	s2 =	sld [smem:$0x3FAE]  }
0x29: {  	s4 =	sld [smem:$0x3FB0]  }
0x2a: {  	p0 =	seq.s32 s5, $0x0;
	s5 =	sld [smem:$0x3FB1]  }
0x2b: {  	s6 =	sld [smem:$0x3FB2]  }
0x2c: {  	s7 =	sld [smem:$0x3FB3]  }
0x2d: {  	s3 =	simm.s32 $0x108;
	s8 =	sld [smem:$0x3FB4]  }
0x2e: {  	s3 =	simm.s32 @!p0 $0x1082;
	s9 =	sld [smem:$0x3FB5]  }
0x2f: {  	lr =	sadd.s32 s0, s3;
	s0 =	sld [smem:$0x3FAC]  }
0x30: {  	s3 =	sld [smem:$0x3FAF]  }
0x31: {  	[smem:$0x3FB8] =	sst s10  }
0x32: {  	s10 =	sld [smem:$0x3FB6];
	_ =	sdelay $0x3  }
0x33: {  	p0 =	seq.s32 s10, $0x1;
	s10 =	sld [smem:$0x3FB8];
	_ =	sdelay $0x3  }
0x34: {  	[smem:$0x3FB8] =	sst s10  }
0x35: {  	s10 =	sld [smem:$0x3FB7];
	_ =	sdelay $0x3  }
0x36: {  	p1 =	seq.s32 s10, $0x1;
	s10 =	sld [smem:$0x3FB8];
	_ =	sdelay $0x3  }
0x37: {  	[smem:$0x3FB8] =	sst s10  }
0x38: {  	s10 =	sld [smem:$0x3FB9]  }
0x39: {  	_ = 	snop;
	(pc) =	sbr.ind lr, $3  }
0x3a: {  	_ = 	snop  }
0x3b: {  	_ = 	snop  }
0x3c: {  	p2 =	seq.s32 s10, $0x1;
	s10 =	sld [smem:$0x3FB8]  }
0x3d: {  	_ =	shalt  }
0x3e: {  	_ =	shalt  }
0x3f: {  	_ =	shalt  }
0x40: {  	_ =	shalt  }
0x41: {  	_ =	shalt  }
0x42: {  	_ =	shalt  }
0x43: {  	_ =	shalt  }
0x44: {  	_ =	shalt  }
0x45: {  	_ =	shalt  }
0x46: {  	_ =	shalt  }
0x47: {  	_ =	shalt  }
0x48: {  	_ =	shalt  }
0x49: {  	_ =	shalt  }
0x4a: {  	_ =	shalt  }
0x4b: {  	_ =	shalt  }
0x4c: {  	_ =	shalt  }
0x4d: {  	_ =	shalt  }
0x4e: {  	_ =	shalt  }
0x4f: {  	_ =	shalt  }
0x50: {  	_ =	shalt  }
0x51: {  	_ =	shalt  }
0x52: {  	_ =	shalt  }
0x53: {  	_ =	shalt  }
0x54: {  	_ =	shalt  }
0x55: {  	_ =	shalt  }
0x56: {  	_ =	shalt  }
0x57: {  	_ =	shalt  }
0x58: {  	_ =	shalt  }
0x59: {  	_ =	shalt  }
0x5a: {  	_ =	shalt  }
0x5b: {  	_ =	shalt  }
0x5c: {  	_ =	shalt  }
0x5d: {  	_ =	shalt  }
0x5e: {  	_ =	shalt  }
0x5f: {  	_ =	shalt  }
0x60: {  	_ =	shalt  }
0x61: {  	_ =	shalt  }
0x62: {  	_ =	shalt  }
0x63: {  	_ =	shalt  }
0x64: {  	_ =	shalt  }
0x65: {  	_ =	shalt  }
0x66: {  	_ =	shalt  }
0x67: {  	_ =	shalt  }
0x68: {  	_ =	shalt  }
0x69: {  	_ =	shalt  }
0x6a: {  	_ =	shalt  }
0x6b: {  	_ =	shalt  }
0x6c: {  	_ =	shalt  }
0x6d: {  	_ =	shalt  }
0x6e: {  	_ =	shalt  }
0x6f: {  	_ =	shalt  }
0x70: {  	_ =	shalt  }
0x71: {  	_ =	shalt  }
0x72: {  	_ =	shalt  }
0x73: {  	_ =	shalt  }
0x74: {  	_ =	shalt  }
0x75: {  	_ =	shalt  }
0x76: {  	_ =	shalt  }
0x77: {  	_ =	shalt  }
0x78: {  	_ =	shalt  }
0x79: {  	_ =	shalt  }
0x7a: {  	_ =	shalt  }
0x7b: {  	_ =	shalt  }
0x7c: {  	_ =	shalt  }
0x7d: {  	_ =	shalt  }
0x7e: {  	_ =	shalt  }
0x7f: {  	_ =	shalt  }
0x80: {  	_ =	shalt  }
0x81: {  	_ =	shalt  }
0x82: {  	_ =	shalt  }
0x83: {  	_ =	shalt  }
0x84: {  	_ =	shalt  }
0x85: {  	_ =	shalt  }
0x86: {  	_ =	shalt  }
0x87: {  	_ =	shalt  }
.Lfunc_end0:
.L_simem_size_0:
called_computation_lowered:
.L_overlay_start_0:
0x88: {  	s2 =	sld [smem:$0x3FD9]  }
0x89: {  	s3 =	sld [smem:$0x3FFE];
	_ =	sdelay $0x1  }
0x8a: {  	s1 =	srdreg.scid  }
0x8b: {  	s0 =	sand.u32 $0x1, s1  }
0x8c: {  	s13 =	sshll.u32 s0, $0xA;
	s2 =	sadd.s32 s3, s2  }
0x8d: {  	s2 =	sadd.s32 s2, s13  }
0x8e: {  	[smem:$0x3FC4] =	sst s2  }
0x8f: {  	_ = 	snop  }
0x90: {  	s2 =	sld [smem:$0x3FD0];
	_ =	sdelay $0x2  }
0x91: {  	s14 =	simm.s32 $0xA;
	s4 =	simm.s32 $0x10  }
0x92: {  	[smem:s4], [sflag:s14] =	dma.local [hbm:s2], $0x1  }
0x93: {  	_ =	swait.eq [sflag:s14], $0x1  }
0x94: {  	s15 =	sld [smem:$0x10];
	[sflag:s14] =	ssyncset.done $0x0  }
0x95: {  	s16 =	sld [smem:$0x13];
	[sflag:s14] =	ssyncadd.s32 $0xFFFFFFFF  }
0x96: {  	s17 =	sld [smem:$0x14];
	(tm) =	ssettm $0x1  }
0x97: {  	s5 =	sld [smem:$0x3FFB];
	_ =	sdelay $0x3  }
0x98: {  	_ =	strace s5  }
0x99: {  	s5 =	sld [smem:$0x3FFC];
	_ =	sdelay $0x3  }
0x9a: {  	_ =	strace s5  }
0x9b: {  	s5 =	sld [smem:$0x3FFD];
	_ =	sdelay $0x3  }
0x9c: {  	_ =	strace s5  }
0x9d: {  	_ =	strace $0x8FFFFFFF  }
0x9e: {  	s18 =	sld [smem:$0x3FDB];
	_ =	sdelay $0x1  }
0x9f: {  	s6 =	simm.s32 $_scs_section_size  }
0xa0: {  	s7 =	simm.s32 $_size__tile_overlayer_lowered;
	s8 =	simm.s32 $_tile_overlayer_lowered  }
0xa1: {  	s21 =	simm.s32 $0x1BFF;
	s20 =	sshll.u32 s8, $0x1;
	s5 =	sadd.s32 s6, s18  }
0xa2: {  	s9 =	simm.s32 $0x0;
	s19 =	sshll.u32 s7, $0x1;
	s7 =	sadd.s32 s20, s5  }
0xa3: {  	[timem:s9], [sflag:s21] =	dma.local [hbm:s7], s19  }
0xa4: {  	_ =	swait.ge [sflag:s21], s19  }
0xa5: {  	s6 =	ssub.s32 $0x0, s19;
	[sflag:s21] =	ssyncset.done $0x0  }
0xa6: {  	[sflag:s21] =	ssyncadd.s32 s6;
	_ =	sdelay $0x1  }
0xa7: {  	s22 =	simm.s32 $0x1B8B  }
0xa8: {  	_ =	swait.ge [sflag:s22], $0x1  }
0xa9: {  	[sflag:s22] =	ssyncset.done $0x0  }
0xaa: {  	s23 =	sld [smem:$0x3FFE];
	[sflag:s22] =	ssyncadd.s32 $0xFFFFFFFF  }
0xab: {  	s25 =	simm.s32 $0x1B8E;
	s24 =	sld [smem:$0x0]  }
0xac: {  	s26 =	simm.s32 $execute0_lowered;
	[smem:$0x3FD2] =	sst s25  }
0xad: {  	s8 =	sshll.u32 s26, $0x1;
	_ =	strace $0x8000004C;
	[dreg:$0x1] =	wrdreg $0xFFFFFFFF  }
0xae: {  	s28 =	simm.s32 $_size_execute0_lowered;
	s5 =	sadd.s32 s5, s8;
	[dreg:$0x0] =	wrdreg $0x0  }
0xaf: {  	s8 =	sshll.u32 s28, $0x1;
	[dreg:$0x2] =	wrdreg s5  }
0xb0: {  	[dreg:$0x3] =	wrdreg s8  }
0xb1: {  	[dreg:$0x4] =	wrdreg $0xC0  }
0xb2: {  	_ =	task [dreg:s9], $0x5FFFF  }
0xb3: {  	[dreg:$0x1] =	wrdreg $0xFFFFFFFF  }
0xb4: {  	[dreg:$0x0] =	wrdreg $0x60  }
0xb5: {  	[dreg:$0x2] =	wrdreg s17  }
0xb6: {  	[dreg:$0x3] =	wrdreg s15  }
0xb7: {  	[dreg:$0x4] =	wrdreg s23  }
0xb8: {  	[dreg:$0x5] =	wrdreg s16  }
0xb9: {  	[dreg:$0x6] =	wrdreg s1  }
0xba: {  	[dreg:$0x7] =	wrdreg s24  }
0xbb: {  	[dreg:$0x8] =	wrdreg $0x9  }
0xbc: {  	_ =	task.clear_ibuf [dreg:s9], $0x9FFFF;
	_ =	strace $0x9000004C  }
0xbd: {  	s29 =	simm.s32 $0x9;
	_ =	strace $0x8000004E  }
0xbe: {  	_ =	swait.ge [sflag:s29], $0x1  }
0xbf: {  	[sflag:s29] =	ssyncadd.s32 $0xFFFFFFFF  }
0xc0: {  	_ =	strace $0x9000004E  }
0xc1: {  	_ =	sfence  }
0xc2: {  	s30 =	sld [smem:$0x0];
	_ =	sdelay $0x2  }
0xc3: {  	s31 =	sshll.u32 s1, $0xD;
	s1 =	sshrl.u32 s1, $0x2  }
0xc4: {  	s3 =	sand.u32 $0x4000, s31;
	s1 =	sadd.s32 s1, s30  }
0xc5: {  	s0 =	sor.u32 s3, s0;
	s1 =	sshll.u32 s1, $0x11  }
0xc6: {  	s0 =	sor.u32 s1, s0  }
0xc7: {  	s0 =	sadd.s32 $0x8F2B, s0  }
0xc8: {  	[sflag:s0] =	ssyncadd.remote.s32 $0x1  }
0xc9: {  	_ =	sfence.sel $0xFFFF  }
0xca: {  	[dreg:$0x0] =	wrdreg $0xFFFFFFFF;
	(pc) =	sbr.abs _section_cstart, $3  }
0xcb: {  	[dreg:$0x1] =	wrdreg $0xFFFFFFFF  }
0xcc: {  	_ =	task.clear_ibuf [dreg:s9], $0x2FFFF;
	_ =	strace $0x9FFFFFFF  }
0xcd: {  	(tm) =	ssettm $0x7FFFFFFF  }
tec
execute0_lowered:
.L_overlay_start_1:
0x0: {  	(tag) =	ssettag $0x1  }
0x1: {  	s1 =	rddreg [dreg:$0x0]  }
0x2: {  	s15 =	rddreg [dreg:$0x1]  }
0x3: {  	s2 =	rddreg [dreg:$0x2]  }
0x4: {  	s14 =	rddreg [dreg:$0x3]  }
0x5: {  	s3 =	rddreg [dreg:$0x4];
	_ =	strace $0x8000004D;
	s0 =	simm.s32 $0x1  }
0x6: {  	v0 =	vimm.s32 $0x0;
	[sflag:s0] =	ssyncpa.u1 $0x0;
	s0 =	simm.s32 $0x108  }
0x7: {  	[tilespmem:s0+$0x70] =	vst v0  }
0x8: {  	[tilespmem:s0+$0x60] =	vst v0  }
0x9: {  	[tilespmem:s0+$0x50] =	vst v0  }
0xa: {  	[tilespmem:s0+$0x40] =	vst v0  }
0xb: {  	[tilespmem:s0+$0x30] =	vst v0  }
0xc: {  	[tilespmem:s0+$0x20] =	vst v0  }
0xd: {  	s6 =	sadd.s32 $0x276800, s2;
	s5 =	sand.u32 $0x1, s3;
	s3 =	simm.s32 $0x40;
	[tilespmem:s0+$0x10] =	vst v0  }
.LBB2_1:
0xe: {  	s3 =	sadd.s32 $0x40, s3;
	[tilespmem:s0+$0x0] =	vst v0;
	s0 =	sadd.s32 $0x80, s0  }
0xf: {  	p0 =	slt.u32 s3, $0x3C40;
	[tilespmem:s0+$0x70] =	vst v0  }
0x10: {  	[tilespmem:s0+$0x60] =	vst v0  }
.Ltmp0:
0x11: {  	[tilespmem:s0+$0x50] =	vst v0;
	(pc) =	sbr.rel @p0 .LBB2_1-.Ltmp0, $4  }
0x12: {  	[tilespmem:s0+$0x40] =	vst v0  }
0x13: {  	[tilespmem:s0+$0x30] =	vst v0  }
0x14: {  	[tilespmem:s0+$0x20] =	vst v0  }
0x15: {  	[tilespmem:s0+$0x10] =	vst v0  }
0x16: {  	s9 =	stileid.u32  }
0x17: {  	s2 =	smul.u32 $0x14, s9  }
0x18: {  	s3 =	smin.u32 s9, $0xE  }
0x19: {  	s2 =	sadd.s32 s3, s2  }
0x1a: {  	p0 =	slt.u32 s9, $0xE;
	s7 =	smul.u32 $0xF0, s2;
	s2 =	simm.s32 $0x13B0  }
0x1b: {  	s2 =	simm.s32 @!p0 $0x12C0  }
0x1c: {  	s2 =	sadd.s32 s2, s7  }
0x1d: {  	s8 =	smin.u32 s2, $0x13880  }
0x1e: {  	s2 =	ssub.s32 s8, s7  }
0x1f: {  	p0 =	sgt.s32 s2, $0x0  }
0x20: {  	s29 =	simm.s32 $0x2;
	s10 =	simm.s32 $0x9;
	s2 =	simm.s32 @!p0 $0x0  }
0x21: {  	s4 =	simm.s32 $0xA;
	s11 =	simm.s32 $0xB;
	s28 =	smulhi.u32 $0x88888889, s2  }
0x22: {  	[dreg:$0x7] =	wrdreg s5;
	s31 =	smul.u32 $0x2710, s5;
	s12 =	simm.s32 $0x1  }
0x23: {  	s22 =	simm.s32 $0x0;
	s18 =	simm.s32 $0xC;
	s30 =	sshrl.u32 s28, $0x7  }
0x24: {  	s20 =	simm.s32 $0x0;
	s21 =	simm.s32 $0x0;
	s3 =	smul.u32 $0xF0, s30  }
.Ltmp1:
0x25: {  	[tilespmem:s0+$0x0] =	vst v0;
	v0 =	vimm.s32 $0xFFFFFFFF;
	[sflag:s29] =	ssyncpa.u1 $0x0;
	s16 =	sshll.u32 s9, $0x8;
	(pc) =	sbr.rel .LBB2_3-.Ltmp1, $4  }
0x26: {  	[tilespmem:$0xF208] =	vst v0;
	[sflag:s10] =	ssyncpa.u1 $0x0;
	p0 =	sne.s32 s2, s3;
	s2 =	simm.s32 $0x1  }
0x27: {  	s14 =	sadd.s32 s31, s14;
	[sflag:s4] =	ssyncpa.u1 $0x0;
	s2 =	simm.s32 @!p0 $0x0  }
0x28: {  	s15 =	sadd.s32 s31, s15;
	[sflag:s11] =	ssyncpa.u1 $0x0;
	s13 =	sadd.s32 s2, s30  }
0x29: {  	v0 =	vlaneseq.u32;
	s19 =	smov.u32 s7;
	p0 =	por $0x0, $0x0;
	s17 =	sadd.s32 $0x1, s13  }
.LBB2_18:
0x2a: {  	s0 =	sshrl.u32 s31, $0x2  }
.LBB2_20:
0x2b: {  	_ =	swait.ge [sflag:s18], s0  }
0x2c: {  	s31 =	ssub.s32 $0x0, s0;
	v1 =	vmov s24;
	vm0 =	veq.s32 v0, $0x0;
	[sflag:s18] =	ssyncset.done $0x0  }
0x2d: {  	vm15 =	veq.s32 v0, $0x2;
	v1 =	vsel vm0, s30, v1;
	[sflag:s18] =	ssyncadd.s32 s31  }
0x2e: {  	v1 =	vsel vm15, s22, v1;
	[sflag:s18] =	ssyncpa.u1 $0x1  }
0x2f: {  	[tilespmem:$0xF208] =	vst v1  }
.LBB2_21:
0x30: {  	s0 =	sadd.s32 $0xF0, s19  }
0x31: {  	s2 =	smov.u32 s7;
	p1 =	slt.s32 s0, s8  }
0x32: {  	s2 =	smov.u32 @p1 s0;
	p1 =	sne.s32 s21, s17  }
.Ltmp2:
0x33: {  	_ = 	snop;
	(pc) =	sbr.rel @!p1 .LBB2_22-.Ltmp2, $3  }
0x34: {  	_ =	sdelay $0x1  }
0x35: {  	s22 =	smov.u32 s20;
	s31 =	sadd.s32 $0x1, s21;
	s20 =	smov.u32 s19  }
0x36: {  	p0 =	por !p0, !p0;
	s21 =	smov.u32 s31;
	s19 =	smov.u32 s2  }
.LBB2_3:
0x37: {  	p1 =	sge.u32 s21, s13  }
0x38: {  	s0 =	smulhi.u32 @!p1 $0xAAAAAAAB, s21  }
0x39: {  	s2 =	smov.u32 s19;
	p2 =	sgt.s32 @!p1 s19, $0x13790  }
0x3a: {  	s3 =	sshra.s32 @!p1 s19, $0x1F;
	p2 =	por !p2, p1;
	s0 =	sshrl.u32 @!p1 s0, $0x1  }
0x3b: {  	s3 =	sand.u32 @!p1 s3, s19;
	s2 =	simm.s32 @p2 $0x13790;
	s0 =	smul.u32 @!p1 $0x3, s0  }
0x3c: {  	s2 =	ssub.s32 @!p1 s2, s3  }
0x3d: {  	s2 =	sadd.s32 @!p1 $0xFFFEC870, s2;
	s0 =	ssub.s32 @!p1 s21, s0  }
0x3e: {  	s3 =	sshll.u32 @!p1 s2, $0x2;
	p2 =	sgt.s32 @!p1 s2, $0xEF;
	s0 =	smul.u32 @!p1 $0x3C0, s0  }
0x3f: {  	s4 =	sand.u32 @!p1 $0x7, s19;
	s2 =	ssub.s32 @!p1 $0x3C0, s3;
	p2 =	por !p2, p1  }
0x40: {  	s3 =	sshrl.u32 @!p1 s19, $0x3;
	s2 =	sshrl.u32 @!p1 s2, $0x2;
	s0 =	sshrl.u32 @!p1 s0, $0x2  }
0x41: {  	s3 =	sadd.s32 @!p1 s3, s14;
	s2 =	simm.s32 @!p2 $0x0;
	s0 =	sadd.s32 @!p1 $0x10248, s0  }
0x42: {  	[tilespmem:s0], [sflag:$0xA] =	stream.linear.gather @!p1 [hbm4b:s3+s4], s2, $0x38;
	[tilespmem:$0x1F6F8] =	vst v63  }
0x43: {  	s0 =	sadd.s32 $0xFFFFFFFF, s21  }
0x44: {  	p1 =	sge.u32 s0, s13  }
0x45: {  	p2 =	sgt.s32 @!p1 s20, $0x13790  }
0x46: {  	s2 =	smov.u32 s20;
	s3 =	sshra.s32 @!p1 s20, $0x1F;
	p2 =	por !p2, p1  }
0x47: {  	s3 =	sand.u32 @!p1 s3, s20;
	s2 =	simm.s32 @p2 $0x13790  }
0x48: {  	s2 =	ssub.s32 @!p1 s2, s3  }
0x49: {  	s2 =	sadd.s32 @!p1 $0xFFFEC870, s2  }
0x4a: {  	s4 =	sand.u32 @!p1 $0x1, s0;
	s3 =	sshll.u32 @!p1 s2, $0x2  }
0x4b: {  	p2 =	sgt.s32 @!p1 s2, $0xEF;
	s2 =	ssub.s32 @!p1 $0x3C0, s3;
	s3 =	smulhi.u32 @!p1 $0xAAAAAAAB, s0  }
0x4c: {  	s23 =	smul.u32 @!p1 $0x3C0, s4;
	p2 =	por !p2, p1;
	s2 =	sshrl.u32 @!p1 s2, $0x2  }
0x4d: {  	s5 =	simm.s32 @!p1 $0xA;
	s2 =	simm.s32 @!p2 $0x0;
	s3 =	sshrl.u32 @!p1 s3, $0x1  }
0x4e: {  	s23 =	sshrl.u32 @!p1 s23, $0x2;
	_ =	swait.ge @!p1 [sflag:s5], s2;
	s3 =	smul.u32 @!p1 $0x3, s3  }
0x4f: {  	s23 =	sadd.s32 @!p1 $0x10518, s23;
	s24 =	ssub.s32 @!p1 $0x0, s2;
	[sflag:s5] =	ssyncset.done @!p1 $0x0  }
0x50: {  	[sflag:s5] =	ssyncadd.s32 @!p1 s24;
	s5 =	sshrl.u32 @!p1 s20, $0x3;
	s0 =	ssub.s32 @!p1 s0, s3  }
0x51: {  	s24 =	sand.u32 @!p1 $0x7, s20;
	s5 =	sadd.s32 @!p1 s5, s15;
	s0 =	smul.u32 @!p1 $0x3C0, s0  }
0x52: {  	[tilespmem:s23], [sflag:$0xB] =	stream.linear.gather @!p1 [hbm4b:s5+s24], s2, $0x38;
	[tilespmem:$0x1F6F8] =	vst v63  }
0x53: {  	s3 =	ssub.s32 @!p1 $0x13880, s20;
	s2 =	smul.u32 @!p1 $0x1E000, s4  }
0x54: {  	p2 =	slt.s32 @!p1 s3, $0xF0  }
0x55: {  	p2 =	por !p2, p1;
	s0 =	sshrl.u32 @!p1 s0, $0x2;
	s2 =	sshrl.u32 @!p1 s2, $0x2  }
0x56: {  	s3 =	simm.s32 @p2 $0xF0;
	s0 =	sadd.s32 @!p1 $0x10248, s0;
	s2 =	sor.u32 @!p1 $0x106F8, s2  }
0x57: {  	[tilespmem:s2], [sflag:$0x9] =	stream.indirect.gather @!p1 [hbm4b:s6+s3], $0x80, s0, s3, $0xb8;
	[tilespmem:$0x1F6F8] =	vst v63  }
0x58: {  	p1 =	slt.u32 s21, $0x2  }
.Ltmp3:
0x59: {  	_ = 	snop;
	(pc) =	sbr.rel @p1 .LBB2_21-.Ltmp3, $1  }
0x5a: {  	_ =	sdelay $0x3  }
0x5b: {  	p1 =	sgt.s32 s22, $0x13790  }
0x5c: {  	s0 =	smov.u32 s22;
	s2 =	sshra.s32 s22, $0x1F;
	s3 =	ssub.s32 $0x13880, s22  }
0x5d: {  	s0 =	simm.s32 @!p1 $0x13790;
	s2 =	sand.u32 s2, s22;
	p1 =	slt.s32 s3, $0xF0  }
0x5e: {  	s0 =	ssub.s32 s0, s2;
	s3 =	simm.s32 @!p1 $0xF0  }
0x5f: {  	s0 =	sadd.s32 $0xFFFEC870, s0;
	s25 =	sshll.u32 s3, $0x7  }
0x60: {  	s26 =	sshll.u32 s0, $0x2;
	s2 =	sand.u32 $0x3FFFFF80, s25  }
0x61: {  	p1 =	sgt.s32 s0, $0xEF;
	s29 =	ssub.s32 $0x3C0, s26;
	_ =	swait.ge [sflag:s10], s2  }
0x62: {  	s2 =	ssub.s32 $0x0, s2;
	[sflag:s10] =	ssyncset.done $0x0;
	s0 =	sshrl.u32 s29, $0x2  }
0x63: {  	[sflag:s10] =	ssyncadd.s32 s2;
	s0 =	simm.s32 @p1 $0x0  }
0x64: {  	_ =	swait.ge [sflag:s11], s0  }
0x65: {  	s0 =	ssub.s32 $0x0, s0;
	[sflag:s11] =	ssyncset.done $0x0  }
0x66: {  	[sflag:s11] =	ssyncadd.s32 s0  }
0x67: {  	v1 =	vld [tilespmem:$0xF208];
	_ =	sdelay $0x4  }
0x68: {  	(v2sf) =	vpush v1, $0x0  }
0x69: {  	(v2sf) =	vpush v1, $0x1  }
0x6a: {  	(v2sf) =	vpush v1, $0x2;
	_ =	sdelay $0x3  }
0x6b: {  	s0 =	sadd.s32 $0xF0, s22  }
0x6c: {  	s2 =	ssub.s32 $0x27100, s22;
	p1 =	slt.s32 s8, s0  }
0x6d: {  	s0 =	smov.u32 @p1 s8;
	p1 =	sgt.s32 s2, $0x0  }
0x6e: {  	s26 =	ssub.s32 s0, s22;
	s2 =	simm.s32 @!p1 $0x0  }
0x6f: {  	p1 =	slt.s32 s2, s26  }
0x70: {  	s26 =	smov.u32 @p1 s2  }
0x71: {  	s25 =	simm.s32 $0x1;
	p1 =	slt.s32 s26, $0x1  }
.Ltmp4:
0x72: {  	s25 =	simm.s32 @!p0 $0x0;
	(pc) =	sbr.rel @p1 .LBB2_8-.Ltmp4, $4  }
0x73: {  	s31 =	smul.u32 $0x3C0, s25  }
0x74: {  	s28 =	spop (v2sf)  }
0x75: {  	s0 =	sshrl.u32 s31, $0x2;
	s30 =	spop (v2sf)  }
0x76: {  	s23 =	sadd.s32 $0x10518, s0;
	s22 =	spop (v2sf)  }
0x77: {  	s0 =	smin.u32 s26, $0x10  }
0x78: {  	v1 =	vmov s0  }
0x79: {  	p2 =	sgt.s32 s26, $0x10;
	vm1 =	vgt.u32 v1, v0  }
.Ltmp5:
0x7a: {  	_ = 	snop;
	(pc) =	sbr.rel @!p2 .LBB2_7-.Ltmp5, $2  }
0x7b: {  	_ =	sdelay $0x2  }
0x7c: {  	s4 =	simm.s32 $0x10;
	s24 =	sadd.s32 $0xFFFFFFF0, s26;
	s0 =	smov.u32 s23;
	vm0 =	vmmov vm1  }
.LBB2_6:
0x7d: {  	s2 =	smin.u32 s24, $0x10;
	s4 =	sadd.s32 $0x10, s4;
	v1 =	vld.msk [tilespmem:s0+$0x0 ss:$0x1], vm1  }
0x7e: {  	v2 =	vmov s2;
	p2 =	slt.s32 s4, s26  }
0x7f: {  	vm1 =	vgt.u32 v2, v0  }
.Ltmp6:
0x80: {  	(pc) =	sbr.rel @p2 .LBB2_6-.Ltmp6, $3  }
0x81: {  	_ =	sdelay $0x1  }
0x82: {  	v1 =	vshll.u32 v1, $0x4  }
0x83: {  	s24 =	sadd.s32 $0xFFFFFFF0, s24;
	[tilespmem:s0+$0x0] =	vst.msk vm0, v1;
	s0 =	sadd.s32 $0x10, s0;
	vm0 =	vmmov vm1  }
.LBB2_7:
0x84: {  	_ =	sdelay $0x4  }
0x85: {  	v1 =	vld.msk [tilespmem:s0+$0x0 ss:$0x1], vm1;
	_ =	sdelay $0x4  }
0x86: {  	v1 =	vshll.u32 v1, $0x4  }
0x87: {  	[tilespmem:s0+$0x0] =	vst.msk vm0, v1  }
.LBB2_8:
0x88: {  	s0 =	sand.u32 $0x1, s21  }
0x89: {  	s0 =	smul.u32 $0xF0, s0  }
0x8a: {  	p2 =	sne.s32 s30, $0xFFFFFFFF  }
0x8b: {  	v1 =	vld.msk @!p2 [tilespmem:s0+$0x10518], $0x1;
	_ =	sdelay $0x4  }
0x8c: {  	(v2sf) =	vpush @!p2 v1, $0x0;
	_ =	sdelay $0xc  }
.Ltmp7:
0x8d: {  	_ = 	snop;
	(pc) =	sbr.rel @p1 .LBB2_19-.Ltmp7, $4  }
0x8e: {  	_ = 	snop  }
0x8f: {  	s29 =	spop @!p2 (v2sf)  }
0x90: {  	s22 =	simm.s32 @!p2 $0x0;
	s24 =	smov.u32 s29  }
0x91: {  	[sflag:s18] =	ssyncpa.u1 $0x0;
	s29 =	smov.u32 @p2 s28;
	s24 =	smov.u32 @p2 s30  }
0x92: {  	v1 =	vld.msk [tilespmem:s23+$0x0], $0x1;
	_ =	sdelay $0x4  }
0x93: {  	(v2sf) =	vpush v1, $0x0;
	_ =	sdelay $0xe  }
0x94: {  	s2 =	smul.u32 $0x1E000, s25;
	s0 =	spop (v2sf)  }
0x95: {  	s26 =	ssub.s32 $0x0, s26;
	p1 =	seq.s32 s29, s0  }
0x96: {  	s30 =	sadd.s32 $0x1, s26;
	s2 =	sshrl.u32 s2, $0x2;
	p2 =	sgt.s32 @!p1 s29, $0x0  }
0x97: {  	s25 =	sor.u32 $0x10738, s2;
	s2 =	smov.u32 s29;
	p2 =	por !p2, p1  }
0x98: {  	s2 =	simm.s32 @p2 $0x0;
	p2 =	seq.s32 s30, $0x0  }
.Ltmp8:
0x99: {  	_ = 	snop;
	(pc) =	sbr.rel @p2 .LBB2_11-.Ltmp8, $4  }
0x9a: {  	_ = 	snop  }
0x9b: {  	s28 =	simm.s32 $0x0;
	s31 =	sadd.s32 $0x1, s23;
	s2 =	smin.u32 @!p1 s2, $0x270F0  }
0x9c: {  	s4 =	simm.s32 @!p1 $0x1;
	s5 =	simm.s32 @!p1 $0x7988;
	s3 =	sand.u32 @!p1 $0x3FFF8, s2  }
0x9d: {  	s4 =	smov.u32 @p1 s28;
	s2 =	sand.u32 @!p1 $0x7, s2;
	s3 =	sadd.s32 @!p1 s1, s3  }
.LBB2_10:
0x9e: {  	s9 =	smov.u32 s4  }
0x9f: {  	[tilespmem:s5], [sflag:$0x2] =	stream.linear.gather @!p1 [hbm4b:s3+s2], $0x80, $0x38;
	[tilespmem:$0x1F6F8] =	vst v63  }
0xa0: {  	s30 =	sadd.s32 $0x1, s30;
	s2 =	smov.u32 s0;
	v1 =	vld.msk [tilespmem:s31+$0x0], $0x1  }
0xa1: {  	p2 =	seq.s32 s30, $0x0;
	_ =	sdelay $0x3  }
0xa2: {  	(v2sf) =	vpush v1, $0x0;
	_ =	sdelay $0xe  }
0xa3: {  	s0 =	spop (v2sf)  }
0xa4: {  	p1 =	seq.s32 s2, s0  }
0xa5: {  	p3 =	sgt.s32 @!p1 s2, $0x0;
	s3 =	sshll.u32 @!p1 s4, $0x9;
	s4 =	sadd.s32 @!p1 $0x1, s4  }
.Ltmp9:
0xa6: {  	p3 =	por !p3, p1;
	s3 =	sshra.s32 @!p1 s3, $0x2;
	(pc) =	sbr.rel @!p2 .LBB2_10-.Ltmp9, $4  }
0xa7: {  	s4 =	smov.u32 @p1 s9;
	s2 =	simm.s32 @p3 $0x0;
	s5 =	sadd.s32 @!p1 $0x7988, s3  }
0xa8: {  	s2 =	smin.u32 @!p1 s2, $0x270F0  }
0xa9: {  	s3 =	sand.u32 @!p1 $0x3FFF8, s2;
	s2 =	sand.u32 @!p1 $0x7, s2  }
0xaa: {  	s31 =	sadd.s32 $0x1, s31;
	s3 =	sadd.s32 @!p1 s1, s3  }
.LBB2_11:
0xab: {  	[tilespmem:s5], [sflag:$0x2] =	stream.linear.gather @!p1 [hbm4b:s3+s2], $0x80, $0x38;
	[tilespmem:$0x1F6F8] =	vst v63  }
.Ltmp10:
0xac: {  	s0 =	sshll.u32 s4, $0x7;
	(pc) =	sbr.rel .LBB2_12-.Ltmp10, $4  }
0xad: {  	s30 =	simm.s32 $0x2;
	s0 =	sand.u32 $0x3FFFFF80, s0  }
0xae: {  	_ =	swait.ge [sflag:s30], s0  }
0xaf: {  	s0 =	ssub.s32 $0x0, s0;
	[sflag:s30] =	ssyncset.done $0x0  }
0xb0: {  	s31 =	simm.s32 $0x0;
	[sflag:s30] =	ssyncadd.s32 s0  }
.LBB2_13:
0xb1: {  	v1 =	vld [tilespmem:s25+$0xFFFFFFC0];
	_ =	sdelay $0x3  }
0xb2: {  	s0 =	sshra.s32 s0, $0x2  }
0xb3: {  	[tilespmem:s0+$0x108] =	vst.add.f32.msk $0xffff, v1  }
0xb4: {  	v1 =	vld [tilespmem:s25+$0xFFFFFFD0];
	_ =	sdelay $0x4  }
0xb5: {  	[tilespmem:s0+$0x118] =	vst.add.f32.msk $0xffff, v1  }
0xb6: {  	v1 =	vld [tilespmem:s25+$0xFFFFFFE0];
	_ =	sdelay $0x4  }
0xb7: {  	[tilespmem:s0+$0x128] =	vst.add.f32.msk $0xffff, v1  }
0xb8: {  	v1 =	vld [tilespmem:s25+$0xFFFFFFF0];
	_ =	sdelay $0x4  }
0xb9: {  	[tilespmem:s0+$0x138] =	vst.add.f32.msk $0xffff, v1  }
0xba: {  	v1 =	vld [tilespmem:s25+$0x0];
	_ =	sdelay $0x4  }
0xbb: {  	[tilespmem:s0+$0x148] =	vst.add.f32.msk $0xffff, v1  }
0xbc: {  	v1 =	vld [tilespmem:s25+$0x10];
	_ =	sdelay $0x4  }
0xbd: {  	[tilespmem:s0+$0x158] =	vst.add.f32.msk $0xffff, v1  }
0xbe: {  	v1 =	vld [tilespmem:s25+$0x20];
	_ =	sdelay $0x4  }
0xbf: {  	[tilespmem:s0+$0x168] =	vst.add.f32.msk $0xffff, v1  }
0xc0: {  	v1 =	vld [tilespmem:s25+$0x30];
	_ =	sdelay $0x4  }
0xc1: {  	[tilespmem:s0+$0x178] =	vst.add.f32.msk $0xffff, v1  }
.LBB2_17:
0xc2: {  	s26 =	sadd.s32 $0x1, s26  }
0xc3: {  	p1 =	seq.s32 s26, $0x0  }
.Ltmp11:
0xc4: {  	_ = 	snop;
	(pc) =	sbr.rel @p1 .LBB2_18-.Ltmp11, $2  }
0xc5: {  	_ =	sdelay $0x2  }
0xc6: {  	s23 =	sadd.s32 $0x1, s23;
	s25 =	sadd.s32 $0x80, s25;
	s29 =	smov.u32 s30  }
.LBB2_12:
0xc7: {  	v1 =	vld.msk [tilespmem:s23+$0x0], $0x1;
	_ =	sdelay $0x4  }
0xc8: {  	(v2sf) =	vpush v1, $0x0;
	_ =	sdelay $0xe  }
0xc9: {  	s30 =	spop (v2sf)  }
0xca: {  	p1 =	sne.s32 s29, s30  }
.Ltmp12:
0xcb: {  	_ = 	snop;
	(pc) =	sbr.rel @!p1 .LBB2_13-.Ltmp12, $2  }
0xcc: {  	_ =	sdelay $0x2  }
0xcd: {  	s0 =	sshll.u32 s22, $0x9  }
0xce: {  	p1 =	seq.s32 s29, s24  }
.Ltmp13:
0xcf: {  	_ = 	snop;
	(pc) =	sbr.rel @!p1 .LBB2_15-.Ltmp13, $1  }
0xd0: {  	_ =	sdelay $0x3  }
0xd1: {  	s0 =	sshra.s32 s0, $0x2  }
.Ltmp14:
0xd2: {  	s0 =	sadd.s32 $0x108, s0;
	(pc) =	sbr.rel .LBB2_16-.Ltmp14, $4  }
0xd3: {  	[spmem:s16] =	stream.linear.scatter [tilespmem:s0], [sflag:$0x1], $0x80, $0x38;
	[tilespmem:$0x1F6F8] =	vst v63  }
0xd4: {  	_ =	swait.ge [sflag:s12], $0x80  }
0xd5: {  	[sflag:s12] =	ssyncset.done $0x0  }
0xd6: {  	[sflag:s12] =	ssyncadd.s32 $0xFFFFFF80  }
.LBB2_15:
0xd7: {  	s2 =	sshll.u32 s28, $0x9  }
0xd8: {  	s2 =	sshra.s32 s2, $0x2  }
0xd9: {  	v1 =	vld [tilespmem:s2+$0x7988];
	_ =	sdelay $0x3  }
0xda: {  	s0 =	sshra.s32 s0, $0x2  }
0xdb: {  	[tilespmem:s0+$0x108] =	vst.add.f32.msk $0xffff, v1  }
0xdc: {  	v1 =	vld [tilespmem:s2+$0x7998];
	_ =	sdelay $0x4  }
0xdd: {  	[tilespmem:s0+$0x118] =	vst.add.f32.msk $0xffff, v1  }
0xde: {  	v1 =	vld [tilespmem:s2+$0x79A8];
	_ =	sdelay $0x4  }
0xdf: {  	[tilespmem:s0+$0x128] =	vst.add.f32.msk $0xffff, v1  }
0xe0: {  	v1 =	vld [tilespmem:s2+$0x79B8];
	_ =	sdelay $0x4  }
0xe1: {  	[tilespmem:s0+$0x138] =	vst.add.f32.msk $0xffff, v1  }
0xe2: {  	v1 =	vld [tilespmem:s2+$0x79C8];
	_ =	sdelay $0x4  }
0xe3: {  	[tilespmem:s0+$0x148] =	vst.add.f32.msk $0xffff, v1  }
0xe4: {  	v1 =	vld [tilespmem:s2+$0x79D8];
	_ =	sdelay $0x4  }
0xe5: {  	[tilespmem:s0+$0x158] =	vst.add.f32.msk $0xffff, v1  }
0xe6: {  	v1 =	vld [tilespmem:s2+$0x79E8];
	_ =	sdelay $0x4  }
0xe7: {  	[tilespmem:s0+$0x168] =	vst.add.f32.msk $0xffff, v1  }
0xe8: {  	v1 =	vld [tilespmem:s2+$0x79F8];
	_ =	sdelay $0x2  }
0xe9: {  	p1 =	sgt.u32 s29, $0x270F0  }
0xea: {  	s2 =	sand.u32 @!p1 $0x3FFF8, s29  }
0xeb: {  	s3 =	sadd.s32 $0x108, s0;
	[tilespmem:s0+$0x178] =	vst.add.f32.msk $0xffff, v1;
	s0 =	sadd.s32 @!p1 s1, s2;
	s2 =	sand.u32 @!p1 $0x7, s29  }
0xec: {  	[hbm4b:s0+s2] =	stream.linear.scatter @!p1 [tilespmem:s3], [sflag:$0xC], $0x80, $0x38;
	[tilespmem:$0x1F6F8] =	vst v63  }
0xed: {  	s0 =	simm.s32 $0x0  }
0xee: {  	s0 =	simm.s32 @!p1 $0x200  }
0xef: {  	s31 =	sadd.s32 s0, s31  }
.LBB2_16:
0xf0: {  	s0 =	sadd.s32 $0x1, s22  }
0xf1: {  	s2 =	smulhi.u32 $0x88888889, s0;
	_ =	sdelay $0x1  }
0xf2: {  	v1 =	vld [tilespmem:s25+$0xFFFFFFC0];
	s2 =	sshrl.u32 s2, $0x7  }
0xf3: {  	s2 =	smul.u32 $0xF0, s2;
	_ =	sdelay $0x1  }
0xf4: {  	s22 =	ssub.s32 s0, s2  }
0xf5: {  	s0 =	sshll.u32 s22, $0x7  }
0xf6: {  	[tilespmem:s0+$0x108] =	vst v1  }
0xf7: {  	v1 =	vld [tilespmem:s25+$0xFFFFFFD0];
	_ =	sdelay $0x4  }
0xf8: {  	[tilespmem:s0+$0x118] =	vst v1  }
0xf9: {  	v1 =	vld [tilespmem:s25+$0xFFFFFFE0];
	_ =	sdelay $0x4  }
0xfa: {  	[tilespmem:s0+$0x128] =	vst v1  }
0xfb: {  	v1 =	vld [tilespmem:s25+$0xFFFFFFF0];
	_ =	sdelay $0x4  }
0xfc: {  	[tilespmem:s0+$0x138] =	vst v1  }
0xfd: {  	v1 =	vld [tilespmem:s25+$0x0];
	_ =	sdelay $0x4  }
0xfe: {  	[tilespmem:s0+$0x148] =	vst v1  }
0xff: {  	v1 =	vld [tilespmem:s25+$0x10];
	_ =	sdelay $0x4  }
0x100: {  	[tilespmem:s0+$0x158] =	vst v1  }
0x101: {  	v1 =	vld [tilespmem:s25+$0x20];
	_ =	sdelay $0x4  }
0x102: {  	[tilespmem:s0+$0x168] =	vst v1  }
0x103: {  	v1 =	vld [tilespmem:s25+$0x30]  }
.Ltmp15:
0x104: {  	_ = 	snop;
	(pc) =	sbr.rel .LBB2_17-.Ltmp15, $2  }
0x105: {  	_ =	sdelay $0x2  }
0x106: {  	s28 =	sadd.s32 $0x1, s28;
	[tilespmem:s0+$0x178] =	vst v1  }
.LBB2_19:
.Ltmp16:
0x107: {  	(pc) =	sbr.rel .LBB2_20-.Ltmp16, $4  }
0x108: {  	_ = 	snop  }
0x109: {  	s0 =	simm.s32 $0x2  }
0x10a: {  	_ =	swait.ge [sflag:s0], $0x0  }
0x10b: {  	s30 =	smov.u32 s29;
	[sflag:s0] =	ssyncset.done $0x0;
	s0 =	simm.s32 $0x0  }
.LBB2_22:
0x10c: {  	_ =	sfence.sel $0x180000  }
0x10d: {  	s0 =	simm.s32 $0x9;
	[bflag:$0x0] =	sbarrier.arrive $0xFFFF  }
0x10e: {  	s24 =	simm.s32 $0xA;
	[sflag:s0] =	ssyncpa.u1 $0x1  }
0x10f: {  	s25 =	simm.s32 $0xB;
	[sflag:s24] =	ssyncpa.u1 $0x1  }
0x110: {  	s26 =	simm.s32 $0x2;
	[sflag:s25] =	ssyncpa.u1 $0x1  }
0x111: {  	[sflag:s26] =	ssyncpa.u1 $0x1  }
0x112: {  	v0 =	vld [tilespmem:$0xF208];
	_ =	sdelay $0x4  }
0x113: {  	(v2sf) =	vpush v0, $0x0  }
0x114: {  	(v2sf) =	vpush v0, $0x1;
	_ =	sdelay $0x1  }
0x115: {  	(v2sf) =	vpush v0, $0x2;
	_ =	sdelay $0xb  }
0x116: {  	s0 =	spop (v2sf)  }
0x117: {  	s2 =	spop (v2sf)  }
0x118: {  	s3 =	smov.u32 s0;
	p0 =	sne.s32 s0, s2  }
0x119: {  	s4 =	spop (v2sf);
	s3 =	simm.s32 @!p0 $0xFFFFFFFF  }
0x11a: {  	v2 =	vimm.s32 $0x1;
	v3 =	vlaneseq.u32;
	p0 =	seq.s32 s4, $0xFFFFFFFF;
	v1 =	vmov s3  }
0x11b: {  	s16 =	stileid.u32;
	v0 =	vperm.xlane v0, v2;
	p1 =	sne.s32 @!p0 s0, s2;
	v1 =	vperm.xlane v1, v3  }
0x11c: {  	vm0 =	vcmask $0x3F04;
	s6 =	simm.s32 $0xF208;
	s0 =	simm.s32 @!p0 $0x1;
	p1 =	por !p1, p0  }
0x11d: {  	s3 =	sshll.u32 s16, $0x1;
	s2 =	sshll.u32 @!p0 s4, $0x9;
	s0 =	simm.s32 @p1 $0x0;
	v0 =	vsel vm0, v1, v0  }
0x11e: {  	s5 =	sor.u32 $0x1000, s3;
	s2 =	sshra.s32 @!p0 s2, $0x2;
	s0 =	sor.u32 @!p0 s0, s3;
	[tilespmem:$0xF208] =	vst v0  }
0x11f: {  	[spmem:s5] =	stream.linear.scatter [tilespmem:s6], [sflag:$0x1], $0x2, $0x38;
	[tilespmem:$0x1F6F8] =	vst v63  }
0x120: {  	s2 =	sadd.s32 @!p0 $0x108, s2;
	s0 =	sshll.u32 @!p0 s0, $0x7  }
0x121: {  	[spmem:s0] =	stream.linear.scatter @!p0 [tilespmem:s2], [sflag:$0x1], $0x80, $0x38;
	[tilespmem:$0x1F6F8] =	vst v63  }
0x122: {  	s0 =	simm.s32 @!p0 $0x82  }
0x123: {  	s28 =	simm.s32 $0x1;
	s0 =	simm.s32 @p0 $0x2  }
0x124: {  	_ =	swait.ge [sflag:s28], s0  }
0x125: {  	s0 =	ssub.s32 $0x0, s0;
	[sflag:s28] =	ssyncset.done $0x0  }
0x126: {  	p0 =	sne.s32 s16, $0x0;
	[sflag:s28] =	ssyncadd.s32 s0  }
.Ltmp17:
0x127: {  	_ =	sfence.stream.spmem;
	(pc) =	sbr.rel @p0 .LBB2_39-.Ltmp17, $4  }
0x128: {  	s29 =	simm.s32 $0x3;
	[bflag:$0x0] =	sbarrier.arrive $0xFFFF  }
0x129: {  	s30 =	simm.s32 $0x4;
	[sflag:s29] =	ssyncpa.u1 $0x1  }
0x12a: {  	s31 =	simm.s32 $0x3C;
	[sflag:s30] =	ssyncpa.u1 $0x1  }
0x12b: {  	s15 =	rddreg [dreg:$0x7];
	[sflag:s31] =	ssyncpa.u1 $0x1  }
0x12c: {  	_ =	sfence.stream.spmem;
	s0 =	simm.s32 $0x5  }
0x12d: {  	s2 =	simm.s32 $0x1000;
	s3 =	simm.s32 $0xF218;
	[sflag:s0] =	ssyncpa.u1 $0x0  }
0x12e: {  	[tilespmem:s3], [sflag:$0x5] =	stream.linear.gather [spmem:s2], $0x20, $0x38;
	[tilespmem:$0x1F6F8] =	vst v63  }
0x12f: {  	s26 =	simm.s32 $0x0;
	s28 =	simm.s32 $0xF238  }
0x130: {  	[tilespmem:s28], [sflag:$0x5] =	stream.linear.gather [spmem:s26], $0x1000, $0x38;
	[tilespmem:$0x1F6F8] =	vst v63  }
0x131: {  	_ =	swait.ge [sflag:s0], $0x1020  }
0x132: {  	[sflag:s0] =	ssyncset.done $0x0  }
0x133: {  	s29 =	simm.s32 $0x0;
	[sflag:s0] =	ssyncadd.s32 $0xFFFFEFE0  }
0x134: {  	v0 =	vld.msk [tilespmem:s29+$0xF218], $0x1;
	_ =	sdelay $0x1  }
0x135: {  	s30 =	simm.s32 $0x1  }
0x136: {  	v1 =	vld.msk [tilespmem:s30+$0xF218], $0x1;
	_ =	sdelay $0x1  }
0x137: {  	(v2sf) =	vpush v0, $0x0;
	_ =	sdelay $0x2  }
0x138: {  	(v2sf) =	vpush v1, $0x0;
	_ =	sdelay $0x2  }
0x139: {  	s31 =	simm.s32 $0x2  }
0x13a: {  	v0 =	vld.msk [tilespmem:s31+$0xF218], $0x1;
	_ =	sdelay $0x2  }
0x13b: {  	s4 =	simm.s32 $0xFFFFFFFF;
	s5 =	simm.s32 $0xFFFFFFFF;
	s0 =	simm.s32 $0xC  }
.LBB2_24:
0x13c: {  	s2 =	smov.u32 s5;
	s3 =	smov.u32 s4  }
0x13d: {  	s4 =	sshra.s32 s0, $0x2;
	p1 =	sne.s32 s0, $0x7C;
	s0 =	sadd.s32 $0x4, s0;
	(v2sf) =	vpush v0, $0x0  }
0x13e: {  	v0 =	vld.msk [tilespmem:s4+$0xF218], $0x1  }
.Ltmp18:
0x13f: {  	(pc) =	sbr.rel @p1 .LBB2_24-.Ltmp18, $4  }
0x140: {  	s5 =	spop (v2sf)  }
0x141: {  	p2 =	sne.s32 s3, $0xFFFFFFFF;
	s4 =	smov.u32 s5  }
0x142: {  	p3 =	seq.s32 s5, $0xFFFFFFFF;
	s4 =	smov.u32 @p2 s3  }
0x143: {  	s5 =	smov.u32 @p3 s2;
	s4 =	smov.u32 @p3 s3  }
0x144: {  	(v2sf) =	vpush v0, $0x0;
	_ =	sdelay $0x8  }
0x145: {  	s0 =	spop (v2sf)  }
0x146: {  	p1 =	sne.s32 s4, $0xFFFFFFFF;
	s2 =	smov.u32 s0  }
0x147: {  	s9 =	simm.s32 $0x6;
	p2 =	seq.s32 s0, $0xFFFFFFFF;
	s2 =	smov.u32 @p1 s4  }
0x148: {  	s6 =	simm.s32 $0x0;
	s2 =	smov.u32 @p2 s4;
	s3 =	spop (v2sf)  }
0x149: {  	s0 =	smov.u32 @p2 s5;
	p1 =	sne.s32 s2, $0xFFFFFFFF;
	s4 =	smov.u32 s3  }
.Ltmp19:
0x14a: {  	p2 =	seq.s32 s3, $0xFFFFFFFF;
	s4 =	smov.u32 @p1 s2;
	(pc) =	sbr.rel .LBB2_26-.Ltmp19, $4  }
0x14b: {  	s10 =	simm.s32 $0xF188;
	s4 =	smov.u32 @p2 s2;
	s7 =	spop (v2sf)  }
0x14c: {  	s11 =	simm.s32 $0x0;
	p1 =	sne.s32 s4, $0xFFFFFFFF;
	s8 =	smov.u32 s7  }
0x14d: {  	s3 =	smov.u32 @p2 s0;
	p2 =	seq.s32 s7, $0xFFFFFFFF;
	s8 =	smov.u32 @p1 s4  }
0x14e: {  	[sflag:s9] =	ssyncpa.u1 $0x0;
	s7 =	smov.u32 @p2 s3;
	s8 =	smov.u32 @p2 s4  }
.LBB2_32:
0x14f: {  	p1 =	sgt.u32 s12, $0x270F0  }
0x150: {  	p2 =	seq.s32 @!p1 s12, s8  }
0x151: {  	p1 =	por p1, p2  }
0x152: {  	p2 =	sne.s32 @!p1 s12, s7  }
0x153: {  	p1 =	por p1, !p2  }
0x154: {  	s0 =	sshll.u32 @p1 s11, $0x9  }
0x155: {  	s0 =	sand.u32 @!p1 $0x3FFF8, s12  }
0x156: {  	s2 =	sand.u32 @!p1 $0x7, s12;
	s0 =	sadd.s32 @!p1 s1, s0  }
0x157: {  	[tilespmem:s10], [sflag:$0x6] =	stream.linear.gather @!p1 [hbm4b:s0+s2], $0x80, $0x38;
	[tilespmem:$0x1F6F8] =	vst v63  }
0x158: {  	_ =	swait.ge @!p1 [sflag:s9], $0x80  }
0x159: {  	[sflag:s9] =	ssyncset.done @!p1 $0x0  }
0x15a: {  	[sflag:s9] =	ssyncadd.s32 @!p1 $0xFFFFFF80  }
0x15b: {  	v1 =	vld @!p1 [tilespmem:$0xF188];
	_ =	sdelay $0x2  }
0x15c: {  	s0 =	sshll.u32 @!p1 s11, $0x9  }
0x15d: {  	s2 =	sshrl.u32 @!p1 s0, $0x2  }
0x15e: {  	[tilespmem:s2+$0xF238] =	vst.add.f32.msk @!p1 $0xffff, v1  }
0x15f: {  	v1 =	vld @!p1 [tilespmem:$0xF198];
	_ =	sdelay $0x4  }
0x160: {  	[tilespmem:s2+$0xF248] =	vst.add.f32.msk @!p1 $0xffff, v1  }
0x161: {  	v1 =	vld @!p1 [tilespmem:$0xF1A8];
	_ =	sdelay $0x4  }
0x162: {  	[tilespmem:s2+$0xF258] =	vst.add.f32.msk @!p1 $0xffff, v1  }
0x163: {  	v1 =	vld @!p1 [tilespmem:$0xF1B8];
	_ =	sdelay $0x4  }
0x164: {  	[tilespmem:s2+$0xF268] =	vst.add.f32.msk @!p1 $0xffff, v1  }
0x165: {  	v1 =	vld @!p1 [tilespmem:$0xF1C8];
	_ =	sdelay $0x4  }
0x166: {  	[tilespmem:s2+$0xF278] =	vst.add.f32.msk @!p1 $0xffff, v1  }
0x167: {  	v1 =	vld @!p1 [tilespmem:$0xF1D8];
	_ =	sdelay $0x4  }
0x168: {  	[tilespmem:s2+$0xF288] =	vst.add.f32.msk @!p1 $0xffff, v1  }
0x169: {  	v1 =	vld @!p1 [tilespmem:$0xF1E8];
	_ =	sdelay $0x4  }
0x16a: {  	[tilespmem:s2+$0xF298] =	vst.add.f32.msk @!p1 $0xffff, v1  }
0x16b: {  	v1 =	vld @!p1 [tilespmem:$0xF1F8];
	_ =	sdelay $0x4  }
0x16c: {  	[tilespmem:s2+$0xF2A8] =	vst.add.f32.msk @!p1 $0xffff, v1  }
0x16d: {  	s0 =	sshrl.u32 s0, $0x2;
	[tilespmem:s6+$0xF218] =	vst.msk $0x1, v0  }
0x16e: {  	v0 =	vld [tilespmem:s0+$0xF238];
	_ =	sdelay $0x2  }
0x16f: {  	s31 =	sshll.u32 s6, $0x9  }
0x170: {  	s2 =	sshra.s32 s31, $0x2  }
0x171: {  	[tilespmem:s2+$0xF238] =	vst v0  }
0x172: {  	v0 =	vld [tilespmem:s0+$0xF248];
	_ =	sdelay $0x4  }
0x173: {  	[tilespmem:s2+$0xF248] =	vst v0  }
0x174: {  	v0 =	vld [tilespmem:s0+$0xF258];
	_ =	sdelay $0x4  }
0x175: {  	[tilespmem:s2+$0xF258] =	vst v0  }
0x176: {  	v0 =	vld [tilespmem:s0+$0xF268];
	_ =	sdelay $0x4  }
0x177: {  	[tilespmem:s2+$0xF268] =	vst v0  }
0x178: {  	v0 =	vld [tilespmem:s0+$0xF278];
	_ =	sdelay $0x4  }
0x179: {  	[tilespmem:s2+$0xF278] =	vst v0  }
0x17a: {  	v0 =	vld [tilespmem:s0+$0xF288];
	_ =	sdelay $0x4  }
0x17b: {  	[tilespmem:s2+$0xF288] =	vst v0  }
0x17c: {  	v0 =	vld [tilespmem:s0+$0xF298];
	_ =	sdelay $0x4  }
0x17d: {  	[tilespmem:s2+$0xF298] =	vst v0  }
0x17e: {  	v0 =	vld [tilespmem:s0+$0xF2A8];
	_ =	sdelay $0x4  }
0x17f: {  	s6 =	sadd.s32 $0x1, s6;
	[tilespmem:s2+$0xF2A8] =	vst v0  }
.LBB2_33:
0x180: {  	s11 =	sadd.s32 $0x1, s11  }
0x181: {  	p1 =	sne.s32 s11, $0x20  }
.Ltmp20:
0x182: {  	_ = 	snop;
	(pc) =	sbr.rel @!p1 .LBB2_34-.Ltmp20, $1  }
0x183: {  	_ =	sdelay $0x3  }
.LBB2_26:
0x184: {  	v0 =	vld.msk [tilespmem:s11+$0xF218], $0x1;
	_ =	sdelay $0x4  }
0x185: {  	(v2sf) =	vpush v0, $0x0;
	_ =	sdelay $0xe  }
0x186: {  	s12 =	spop (v2sf)  }
0x187: {  	p1 =	seq.s32 s12, $0xFFFFFFFF  }
.Ltmp21:
0x188: {  	_ = 	snop;
	(pc) =	sbr.rel @p1 .LBB2_33-.Ltmp21, $1  }
0x189: {  	_ =	sdelay $0x3  }
0x18a: {  	p1 =	slt.s32 s6, $0x1  }
.Ltmp22:
0x18b: {  	_ = 	snop;
	(pc) =	sbr.rel @p1 .LBB2_32-.Ltmp22, $1  }
0x18c: {  	_ =	sdelay $0x3  }
0x18d: {  	s13 =	simm.s32 $0xF218;
	p1 =	por $0x0, $0x0  }
0x18e: {  	v1 =	vld.msk @!p1 [tilespmem:s13+$0x0], $0x1;
	_ =	sdelay $0x4  }
0x18f: {  	(v2sf) =	vpush @!p1 v1, $0x0;
	_ =	sdelay $0xd  }
0x190: {  	p3 =	sne.s32 s6, $0x1  }
.Ltmp23:
0x191: {  	s0 =	spop @!p1 (v2sf);
	(pc) =	sbr.rel @!p3 .LBB2_30-.Ltmp23, $4  }
0x192: {  	p2 =	seq.s32 @!p1 s12, s0  }
0x193: {  	s14 =	simm.s32 $0x0;
	p2 =	por !p2, p1  }
0x194: {  	s2 =	simm.s32 $0xFFFFFFFF;
	s14 =	simm.s32 @p2 $0xFFFFFFFF  }
0x195: {  	s0 =	simm.s32 $0x1;
	s14 =	smov.u32 @p1 s2  }
.LBB2_29:
0x196: {  	s2 =	smov.u32 s14;
	p1 =	sne.s32 s14, $0xFFFFFFFF  }
0x197: {  	s13 =	sadd.s32 $0x1, s13;
	s14 =	smov.u32 s0;
	s0 =	sadd.s32 $0x1, s0  }
0x198: {  	p2 =	sne.s32 s6, s0;
	v1 =	vld.msk @!p1 [tilespmem:s13+$0x0], $0x1;
	_ =	sdelay $0x4  }
0x199: {  	(v2sf) =	vpush @!p1 v1, $0x0;
	_ =	sdelay $0xe  }
.Ltmp24:
0x19a: {  	s3 =	spop @!p1 (v2sf);
	(pc) =	sbr.rel @p2 .LBB2_29-.Ltmp24, $4  }
0x19b: {  	p3 =	seq.s32 @!p1 s12, s3  }
0x19c: {  	p3 =	por !p3, p1  }
0x19d: {  	s14 =	simm.s32 @p3 $0xFFFFFFFF  }
0x19e: {  	s14 =	smov.u32 @p1 s2  }
.LBB2_30:
0x19f: {  	p1 =	seq.s32 s14, $0xFFFFFFFF  }
.Ltmp25:
0x1a0: {  	_ = 	snop;
	(pc) =	sbr.rel @p1 .LBB2_32-.Ltmp25, $1  }
0x1a1: {  	_ =	sdelay $0x3  }
0x1a2: {  	s0 =	sshll.u32 s11, $0x7  }
0x1a3: {  	s0 =	sand.u32 $0x3FFFFF80, s0  }
0x1a4: {  	v0 =	vld [tilespmem:s0+$0xF238];
	_ =	sdelay $0x2  }
0x1a5: {  	s2 =	sshll.u32 s14, $0x9  }
0x1a6: {  	s2 =	sshra.s32 s2, $0x2  }
0x1a7: {  	[tilespmem:s2+$0xF238] =	vst.add.f32.msk $0xffff, v0  }
0x1a8: {  	v0 =	vld [tilespmem:s0+$0xF248];
	_ =	sdelay $0x4  }
0x1a9: {  	[tilespmem:s2+$0xF248] =	vst.add.f32.msk $0xffff, v0  }
0x1aa: {  	v0 =	vld [tilespmem:s0+$0xF258];
	_ =	sdelay $0x4  }
0x1ab: {  	[tilespmem:s2+$0xF258] =	vst.add.f32.msk $0xffff, v0  }
0x1ac: {  	v0 =	vld [tilespmem:s0+$0xF268];
	_ =	sdelay $0x4  }
0x1ad: {  	[tilespmem:s2+$0xF268] =	vst.add.f32.msk $0xffff, v0  }
0x1ae: {  	v0 =	vld [tilespmem:s0+$0xF278];
	_ =	sdelay $0x4  }
0x1af: {  	[tilespmem:s2+$0xF278] =	vst.add.f32.msk $0xffff, v0  }
0x1b0: {  	v0 =	vld [tilespmem:s0+$0xF288];
	_ =	sdelay $0x4  }
0x1b1: {  	[tilespmem:s2+$0xF288] =	vst.add.f32.msk $0xffff, v0  }
0x1b2: {  	v0 =	vld [tilespmem:s0+$0xF298];
	_ =	sdelay $0x4  }
0x1b3: {  	[tilespmem:s2+$0xF298] =	vst.add.f32.msk $0xffff, v0  }
0x1b4: {  	v0 =	vld [tilespmem:s0+$0xF2A8]  }
.Ltmp26:
0x1b5: {  	_ = 	snop;
	(pc) =	sbr.rel .LBB2_33-.Ltmp26, $2  }
0x1b6: {  	_ =	sdelay $0x2  }
0x1b7: {  	[tilespmem:s2+$0xF2A8] =	vst.add.f32.msk $0xffff, v0  }
.LBB2_34:
0x1b8: {  	s0 =	simm.s32 $0x6;
	p1 =	seq.s32 s6, $0x0  }
0x1b9: {  	[sflag:s0] =	ssyncpa.u1 $0x1;
	v0 =	vimm.s32 @p1 $0xFFFFFFFF  }
0x1ba: {  	s9 =	sadd.s32 $0xFFFFFFFF, s6;
	[tilespmem:$0x10238] =	vst @p1 v0  }
0x1bb: {  	v0 =	vld.msk @!p1 [tilespmem:s9+$0xF218], $0x1;
	_ =	sdelay $0x1  }
0x1bc: {  	v1 =	vld.msk @!p1 [tilespmem:$0xF218], $0x1;
	_ =	sdelay $0x2  }
0x1bd: {  	p2 =	seq.s32 @!p1 s9, $0x0;
	v0 =	vbroadcast @!p1 v0, $0x0  }
0x1be: {  	vm0 =	vmmov @!p1 $0x1;
	p2 =	por !p2, p1  }
0x1bf: {  	v1 =	vnsel @!p1 vm0, $0xFFFFFFFF, v1;
	vm0 =	vcmask @!p1 $0x308;
	v0 =	vpsel !p2, $0xFFFFFFFF, v0  }
0x1c0: {  	p2 =	sne.s32 @!p1 s8, s7;
	v0 =	vsel @!p1 vm0, v1, v0  }
0x1c1: {  	s0 =	simm.s32 @!p1 $0xF238;
	s2 =	simm.s32 @!p1 $0x0;
	p3 =	por !p2, p1;
	[tilespmem:$0x10238] =	vst @!p1 v0  }
0x1c2: {  	[spmem:s2] =	stream.linear.scatter @!p1 [tilespmem:s0], [sflag:$0x1], $0x80, $0x38;
	[tilespmem:$0x1F6F8] =	vst v63  }
0x1c3: {  	s0 =	sshll.u32 @!p3 s9, $0x9  }
0x1c4: {  	s0 =	sshra.s32 @!p3 s0, $0x2  }
0x1c5: {  	s2 =	simm.s32 @!p3 $0x80;
	s0 =	sadd.s32 @!p3 $0xF238, s0  }
0x1c6: {  	[spmem:s2] =	stream.linear.scatter @!p3 [tilespmem:s0], [sflag:$0x1], $0x80, $0x38;
	[tilespmem:$0x1F6F8] =	vst v63  }
0x1c7: {  	s0 =	simm.s32 @!p3 $0x1  }
0x1c8: {  	_ =	swait.ge @!p3 [sflag:s0], $0x100  }
0x1c9: {  	p1 =	por p2, p1;
	[sflag:s0] =	ssyncset.done @!p3 $0x0  }
0x1ca: {  	[sflag:s0] =	ssyncadd.s32 @!p3 $0xFFFFFF00;
	s0 =	simm.s32 @!p1 $0x1  }
0x1cb: {  	_ =	swait.ge @!p1 [sflag:s0], $0x80  }
0x1cc: {  	s29 =	simm.s32 $0x10238;
	[sflag:s0] =	ssyncset.done @!p1 $0x0  }
0x1cd: {  	s30 =	simm.s32 $0x1000;
	s31 =	simm.s32 $0x1;
	[sflag:s0] =	ssyncadd.s32 @!p1 $0xFFFFFF80  }
0x1ce: {  	[spmem:s30] =	stream.linear.scatter [tilespmem:s29], [sflag:$0x1], $0x10, $0x38;
	[tilespmem:$0x1F6F8] =	vst v63  }
0x1cf: {  	_ =	swait.ge [sflag:s31], $0x10  }
0x1d0: {  	[sflag:s31] =	ssyncset.done $0x0  }
0x1d1: {  	p1 =	seq.s32 s15, $0x0;
	s8 =	rddreg [dreg:$0x4];
	[sflag:s31] =	ssyncadd.s32 $0xFFFFFFF0  }
0x1d2: {  	s2 =	sshll.u32 @p1 s8, $0xE;
	s7 =	rddreg [dreg:$0x5]  }
0x1d3: {  	s0 =	sadd.s32 @p1 $0x15C3C, s2;
	s2 =	sshll.u32 @p1 s7, $0x11  }
0x1d4: {  	_ =	sfence.stream.spmem;
	s0 =	sor.u32 @p1 s2, s0  }
0x1d5: {  	[sflag:s0] =	ssyncadd.remote.s32 @p1 $0x1;
	s0 =	simm.s32 @p1 $0x4  }
0x1d6: {  	s3 =	simm.s32 @!p1 $0x3C;
	s2 =	sand.u32 $0xFFFFFFFE, s8;
	_ =	swait.ge @p1 [sflag:s0], $0x22  }
0x1d7: {  	s4 =	simm.s32 @!p1 $0x0;
	s2 =	sadd.s32 @!p1 $0x4, s2;
	[sflag:s0] =	ssyncset.done @p1 $0x0  }
0x1d8: {  	s5 =	simm.s32 @!p1 $0x100;
	[sflag:s0] =	ssyncadd.s32 @p1 $0xFFFFFFDE;
	s0 =	sshll.u32 @!p1 s2, $0x1A  }
0x1d9: {  	s2 =	sshll.u32 @!p1 s2, $0xD;
	s0 =	sor.u32 @!p1 s0, s7;
	_ =	swait.eq @!p1 [sflag:s3], $0x1  }
0x1da: {  	s2 =	sor.u32 @!p1 $0x1C04, s2;
	s3 =	simm.s32 @!p1 $0x1C03;
	s0 =	sor.u32 @!p1 $0x80004000, s0  }
0x1db: {  	[spmem:s5], [sflag:s2] =	dma.general @!p1 [spmem:s4], [sflag:s3], length:$0x20, [dreg:$0x0], stride_count:$0x0, ici_dest:s0, dma_misc:DstOpCode:WRITE  }
0x1dc: {  	p2 =	slt.s32 s9, $0x2;
	s4 =	simm.s32 @!p1 $0x200;
	s5 =	simm.s32 @!p1 $0x202  }
0x1dd: {  	[spmem:s5], [sflag:s2] =	dma.general @!p1 [spmem:s4], [sflag:s3], length:$0x2, [dreg:$0x0], stride_count:$0x0, ici_dest:s0, dma_misc:DstOpCode:WRITE  }
.Ltmp27:
0x1de: {  	s0 =	simm.s32 @!p1 $0x3;
	(pc) =	sbr.rel @p2 .LBB2_38-.Ltmp27, $4  }
0x1df: {  	s2 =	sshll.u32 @!p1 s8, $0xE;
	_ =	swait.ge @!p1 [sflag:s0], $0x22  }
0x1e0: {  	s3 =	sshll.u32 @!p1 s7, $0x11;
	s2 =	sadd.s32 @!p1 $0x11C3C, s2;
	[sflag:s0] =	ssyncset.done @!p1 $0x0  }
0x1e1: {  	[sflag:s0] =	ssyncadd.s32 @!p1 $0xFFFFFFDE;
	s0 =	sor.u32 @!p1 s3, s2  }
0x1e2: {  	[sflag:s0] =	ssyncadd.remote.s32 @!p1 $0xFFFFFFFF;
	s0 =	simm.s32 $0x0  }
0x1e3: {  	s0 =	simm.s32 $0xF219  }
0x1e4: {  	v0 =	vld.msk [tilespmem:s0+$0x0], $0x1;
	_ =	sdelay $0x4  }
0x1e5: {  	(v2sf) =	vpush v0, $0x0;
	_ =	sdelay $0xb  }
0x1e6: {  	s31 =	sadd.s32 $0xFFFFFFFE, s6  }
0x1e7: {  	s0 =	sadd.s32 $0xFFFFFFFF, s31  }
0x1e8: {  	p2 =	sne.s32 s0, $0x0  }
.Ltmp28:
0x1e9: {  	s2 =	spop (v2sf);
	(pc) =	sbr.rel @!p2 .LBB2_37-.Ltmp28, $4  }
0x1ea: {  	s4 =	simm.s32 $0xF2B8;
	s7 =	simm.s32 $0x0;
	p1 =	sgt.u32 s2, $0x270F0  }
0x1eb: {  	s5 =	simm.s32 $0x0;
	s6 =	simm.s32 $0xF21A;
	s3 =	sand.u32 @!p1 $0x3FFF8, s2  }
0x1ec: {  	s2 =	sand.u32 @!p1 $0x7, s2;
	s7 =	simm.s32 @!p1 $0x200;
	s3 =	sadd.s32 @!p1 s1, s3  }
0x1ed: {  	[hbm4b:s3+s2] =	stream.linear.scatter @!p1 [tilespmem:s4], [sflag:$0x5], $0x80, $0x38;
	[tilespmem:$0x1F6F8] =	vst v63  }
.LBB2_36:
0x1ee: {  	v0 =	vld.msk [tilespmem:s6+$0x0], $0x1;
	s0 =	sadd.s32 $0xFFFFFFFF, s0;
	s5 =	sadd.s32 s5, s7  }
0x1ef: {  	p1 =	sne.s32 s0, $0x0;
	_ =	sdelay $0x3  }
0x1f0: {  	(v2sf) =	vpush v0, $0x0;
	_ =	sdelay $0xe  }
.Ltmp29:
0x1f1: {  	s2 =	spop (v2sf);
	(pc) =	sbr.rel @p1 .LBB2_36-.Ltmp29, $4  }
0x1f2: {  	s7 =	simm.s32 $0x0;
	p2 =	sgt.u32 s2, $0x270F0  }
0x1f3: {  	s4 =	sadd.s32 $0x80, s4;
	s7 =	simm.s32 @!p2 $0x200;
	s3 =	sand.u32 @!p2 $0x3FFF8, s2  }
0x1f4: {  	s6 =	sadd.s32 $0x1, s6;
	s2 =	sand.u32 @!p2 $0x7, s2;
	s3 =	sadd.s32 @!p2 s1, s3  }
0x1f5: {  	[hbm4b:s3+s2] =	stream.linear.scatter @!p2 [tilespmem:s4], [sflag:$0x5], $0x80, $0x38;
	[tilespmem:$0x1F6F8] =	vst v63  }
.LBB2_37:
0x1f6: {  	s0 =	sadd.s32 s5, s7  }
0x1f7: {  	s0 =	sshrl.u32 s0, $0x2  }
.LBB2_38:
0x1f8: {  	s2 =	simm.s32 $0x5  }
0x1f9: {  	_ =	swait.ge [sflag:s2], s0  }
0x1fa: {  	s31 =	ssub.s32 $0x0, s0;
	[sflag:s2] =	ssyncset.done $0x0  }
0x1fb: {  	[sflag:s2] =	ssyncadd.s32 s31  }
0x1fc: {  	[sflag:s2] =	ssyncpa.u1 $0x1  }
.LBB2_39:
0x1fd: {  	s0 =	sor.u32 s15, s16  }
0x1fe: {  	p1 =	sne.s32 s0, $0x0  }
.Ltmp30:
0x1ff: {  	_ = 	snop;
	(pc) =	sbr.rel @p1 .LBB2_54-.Ltmp30, $3  }
0x200: {  	_ =	sdelay $0x1  }
0x201: {  	[bflag:$0x0] =	sbarrier.arrive $0xFFFF  }
0x202: {  	_ =	sfence  }
0x203: {  	s0 =	simm.s32 $0x7  }
0x204: {  	s2 =	simm.s32 $0x1000;
	s3 =	simm.s32 $0xF218;
	[sflag:s0] =	ssyncpa.u1 $0x0  }
0x205: {  	[tilespmem:s3], [sflag:$0x7] =	stream.linear.gather [spmem:s2], $0x20, $0x38;
	[tilespmem:$0x1F6F8] =	vst v63  }
0x206: {  	s30 =	simm.s32 $0xF238;
	s2 =	simm.s32 $0x0  }
0x207: {  	[tilespmem:s30], [sflag:$0x7] =	stream.linear.gather [spmem:s2], $0x1000, $0x38;
	[tilespmem:$0x1F6F8] =	vst v63  }
.Ltmp31:
0x208: {  	_ = 	snop;
	(pc) =	sbr.rel .LBB2_41-.Ltmp31, $4  }
0x209: {  	_ =	swait.ge [sflag:s0], $0x1020  }
0x20a: {  	[sflag:s0] =	ssyncset.done $0x0  }
0x20b: {  	s31 =	simm.s32 $0x8;
	[sflag:s0] =	ssyncadd.s32 $0xFFFFEFE0  }
0x20c: {  	s3 =	simm.s32 $0x0;
	[sflag:s31] =	ssyncpa.u1 $0x0  }
.LBB2_47:
0x20d: {  	p1 =	slt.u32 s4, $0x270F1  }
0x20e: {  	s0 =	sand.u32 @p1 $0x3FFF8, s4  }
0x20f: {  	s4 =	sand.u32 @p1 $0x7, s4;
	s5 =	simm.s32 @p1 $0xF188;
	s0 =	sadd.s32 @p1 s1, s0  }
0x210: {  	[tilespmem:s5], [sflag:$0x8] =	stream.linear.gather @p1 [hbm4b:s0+s4], $0x80, $0x38;
	[tilespmem:$0x1F6F8] =	vst v63  }
0x211: {  	s0 =	simm.s32 @p1 $0x8  }
0x212: {  	_ =	swait.ge @p1 [sflag:s0], $0x80  }
0x213: {  	[sflag:s0] =	ssyncset.done @p1 $0x0  }
0x214: {  	[sflag:s0] =	ssyncadd.s32 @p1 $0xFFFFFF80  }
0x215: {  	v1 =	vld @p1 [tilespmem:$0xF188];
	_ =	sdelay $0x2  }
0x216: {  	s0 =	sshll.u32 @p1 s3, $0x9  }
0x217: {  	s4 =	sshrl.u32 @p1 s0, $0x2  }
0x218: {  	[tilespmem:s4+$0xF238] =	vst.add.f32.msk @p1 $0xffff, v1  }
0x219: {  	v1 =	vld @p1 [tilespmem:$0xF198];
	_ =	sdelay $0x4  }
0x21a: {  	[tilespmem:s4+$0xF248] =	vst.add.f32.msk @p1 $0xffff, v1  }
0x21b: {  	v1 =	vld @p1 [tilespmem:$0xF1A8];
	_ =	sdelay $0x4  }
0x21c: {  	[tilespmem:s4+$0xF258] =	vst.add.f32.msk @p1 $0xffff, v1  }
0x21d: {  	v1 =	vld @p1 [tilespmem:$0xF1B8];
	_ =	sdelay $0x4  }
0x21e: {  	[tilespmem:s4+$0xF268] =	vst.add.f32.msk @p1 $0xffff, v1  }
0x21f: {  	v1 =	vld @p1 [tilespmem:$0xF1C8];
	_ =	sdelay $0x4  }
0x220: {  	[tilespmem:s4+$0xF278] =	vst.add.f32.msk @p1 $0xffff, v1  }
0x221: {  	v1 =	vld @p1 [tilespmem:$0xF1D8];
	_ =	sdelay $0x4  }
0x222: {  	[tilespmem:s4+$0xF288] =	vst.add.f32.msk @p1 $0xffff, v1  }
0x223: {  	v1 =	vld @p1 [tilespmem:$0xF1E8];
	_ =	sdelay $0x4  }
0x224: {  	[tilespmem:s4+$0xF298] =	vst.add.f32.msk @p1 $0xffff, v1  }
0x225: {  	v1 =	vld @p1 [tilespmem:$0xF1F8];
	_ =	sdelay $0x3  }
0x226: {  	s5 =	sshll.u32 @!p1 s3, $0x9  }
0x227: {  	s5 =	smov.u32 @p1 s0;
	[tilespmem:s4+$0xF2A8] =	vst.add.f32.msk @p1 $0xffff, v1  }
0x228: {  	s0 =	sshrl.u32 s5, $0x2;
	[tilespmem:s2+$0xF218] =	vst.msk $0x1, v0  }
0x229: {  	v0 =	vld [tilespmem:s0+$0xF238];
	_ =	sdelay $0x2  }
0x22a: {  	s31 =	sshll.u32 s2, $0x9  }
0x22b: {  	s4 =	sshra.s32 s31, $0x2  }
0x22c: {  	[tilespmem:s4+$0xF238] =	vst v0  }
0x22d: {  	v0 =	vld [tilespmem:s0+$0xF248];
	_ =	sdelay $0x4  }
0x22e: {  	[tilespmem:s4+$0xF248] =	vst v0  }
0x22f: {  	v0 =	vld [tilespmem:s0+$0xF258];
	_ =	sdelay $0x4  }
0x230: {  	[tilespmem:s4+$0xF258] =	vst v0  }
0x231: {  	v0 =	vld [tilespmem:s0+$0xF268];
	_ =	sdelay $0x4  }
0x232: {  	[tilespmem:s4+$0xF268] =	vst v0  }
0x233: {  	v0 =	vld [tilespmem:s0+$0xF278];
	_ =	sdelay $0x4  }
0x234: {  	[tilespmem:s4+$0xF278] =	vst v0  }
0x235: {  	v0 =	vld [tilespmem:s0+$0xF288];
	_ =	sdelay $0x4  }
0x236: {  	[tilespmem:s4+$0xF288] =	vst v0  }
0x237: {  	v0 =	vld [tilespmem:s0+$0xF298];
	_ =	sdelay $0x4  }
0x238: {  	[tilespmem:s4+$0xF298] =	vst v0  }
0x239: {  	v0 =	vld [tilespmem:s0+$0xF2A8];
	_ =	sdelay $0x4  }
0x23a: {  	s2 =	sadd.s32 $0x1, s2;
	[tilespmem:s4+$0xF2A8] =	vst v0  }
.LBB2_48:
0x23b: {  	s3 =	sadd.s32 $0x1, s3  }
0x23c: {  	p1 =	sne.s32 s3, $0x20  }
.Ltmp32:
0x23d: {  	_ = 	snop;
	(pc) =	sbr.rel @!p1 .LBB2_49-.Ltmp32, $1  }
0x23e: {  	_ =	sdelay $0x3  }
.LBB2_41:
0x23f: {  	v0 =	vld.msk [tilespmem:s3+$0xF218], $0x1;
	_ =	sdelay $0x4  }
0x240: {  	(v2sf) =	vpush v0, $0x0;
	_ =	sdelay $0xe  }
0x241: {  	s4 =	spop (v2sf)  }
0x242: {  	p1 =	seq.s32 s4, $0xFFFFFFFF  }
.Ltmp33:
0x243: {  	_ = 	snop;
	(pc) =	sbr.rel @p1 .LBB2_48-.Ltmp33, $1  }
0x244: {  	_ =	sdelay $0x3  }
0x245: {  	p1 =	slt.s32 s2, $0x1  }
.Ltmp34:
0x246: {  	_ = 	snop;
	(pc) =	sbr.rel @p1 .LBB2_47-.Ltmp34, $1  }
0x247: {  	_ =	sdelay $0x3  }
0x248: {  	s5 =	simm.s32 $0xF218;
	p1 =	por $0x0, $0x0  }
0x249: {  	v1 =	vld.msk @!p1 [tilespmem:s5+$0x0], $0x1;
	_ =	sdelay $0x4  }
0x24a: {  	(v2sf) =	vpush @!p1 v1, $0x0;
	_ =	sdelay $0xd  }
0x24b: {  	p3 =	sne.s32 s2, $0x1  }
.Ltmp35:
0x24c: {  	s0 =	spop @!p1 (v2sf);
	(pc) =	sbr.rel @!p3 .LBB2_45-.Ltmp35, $4  }
0x24d: {  	p2 =	seq.s32 @!p1 s4, s0  }
0x24e: {  	s6 =	simm.s32 $0x0;
	p2 =	por !p2, p1  }
0x24f: {  	s7 =	simm.s32 $0xFFFFFFFF;
	s6 =	simm.s32 @p2 $0xFFFFFFFF  }
0x250: {  	s0 =	simm.s32 $0x1;
	s6 =	smov.u32 @p1 s7  }
.LBB2_44:
0x251: {  	s7 =	smov.u32 s6;
	p1 =	sne.s32 s6, $0xFFFFFFFF  }
0x252: {  	s5 =	sadd.s32 $0x1, s5;
	s6 =	smov.u32 s0;
	s0 =	sadd.s32 $0x1, s0  }
0x253: {  	p2 =	sne.s32 s2, s0;
	v1 =	vld.msk @!p1 [tilespmem:s5+$0x0], $0x1;
	_ =	sdelay $0x4  }
0x254: {  	(v2sf) =	vpush @!p1 v1, $0x0;
	_ =	sdelay $0xe  }
.Ltmp36:
0x255: {  	s8 =	spop @!p1 (v2sf);
	(pc) =	sbr.rel @p2 .LBB2_44-.Ltmp36, $4  }
0x256: {  	p3 =	seq.s32 @!p1 s4, s8  }
0x257: {  	p3 =	por !p3, p1  }
0x258: {  	s6 =	simm.s32 @p3 $0xFFFFFFFF  }
0x259: {  	s6 =	smov.u32 @p1 s7  }
.LBB2_45:
0x25a: {  	p1 =	seq.s32 s6, $0xFFFFFFFF  }
.Ltmp37:
0x25b: {  	_ = 	snop;
	(pc) =	sbr.rel @p1 .LBB2_47-.Ltmp37, $1  }
0x25c: {  	_ =	sdelay $0x3  }
0x25d: {  	s0 =	sshll.u32 s3, $0x7  }
0x25e: {  	s0 =	sand.u32 $0x3FFFFF80, s0  }
0x25f: {  	v0 =	vld [tilespmem:s0+$0xF238];
	_ =	sdelay $0x2  }
0x260: {  	s4 =	sshll.u32 s6, $0x9  }
0x261: {  	s4 =	sshra.s32 s4, $0x2  }
0x262: {  	[tilespmem:s4+$0xF238] =	vst.add.f32.msk $0xffff, v0  }
0x263: {  	v0 =	vld [tilespmem:s0+$0xF248];
	_ =	sdelay $0x4  }
0x264: {  	[tilespmem:s4+$0xF248] =	vst.add.f32.msk $0xffff, v0  }
0x265: {  	v0 =	vld [tilespmem:s0+$0xF258];
	_ =	sdelay $0x4  }
0x266: {  	[tilespmem:s4+$0xF258] =	vst.add.f32.msk $0xffff, v0  }
0x267: {  	v0 =	vld [tilespmem:s0+$0xF268];
	_ =	sdelay $0x4  }
0x268: {  	[tilespmem:s4+$0xF268] =	vst.add.f32.msk $0xffff, v0  }
0x269: {  	v0 =	vld [tilespmem:s0+$0xF278];
	_ =	sdelay $0x4  }
0x26a: {  	[tilespmem:s4+$0xF278] =	vst.add.f32.msk $0xffff, v0  }
0x26b: {  	v0 =	vld [tilespmem:s0+$0xF288];
	_ =	sdelay $0x4  }
0x26c: {  	[tilespmem:s4+$0xF288] =	vst.add.f32.msk $0xffff, v0  }
0x26d: {  	v0 =	vld [tilespmem:s0+$0xF298];
	_ =	sdelay $0x4  }
0x26e: {  	[tilespmem:s4+$0xF298] =	vst.add.f32.msk $0xffff, v0  }
0x26f: {  	v0 =	vld [tilespmem:s0+$0xF2A8]  }
.Ltmp38:
0x270: {  	_ = 	snop;
	(pc) =	sbr.rel .LBB2_48-.Ltmp38, $2  }
0x271: {  	_ =	sdelay $0x2  }
0x272: {  	[tilespmem:s4+$0xF2A8] =	vst.add.f32.msk $0xffff, v0  }
.LBB2_49:
0x273: {  	p1 =	slt.s32 s2, $0x1  }
.Ltmp39:
0x274: {  	_ = 	snop;
	(pc) =	sbr.rel @p1 .LBB2_53-.Ltmp39, $3  }
0x275: {  	_ =	sdelay $0x1  }
0x276: {  	s0 =	simm.s32 $0x8  }
0x277: {  	s3 =	simm.s32 $0x0;
	[sflag:s0] =	ssyncpa.u1 $0x1  }
0x278: {  	s0 =	simm.s32 $0xF218  }
0x279: {  	v0 =	vld.msk [tilespmem:s0+$0x0], $0x1;
	_ =	sdelay $0x4  }
0x27a: {  	(v2sf) =	vpush v0, $0x0;
	_ =	sdelay $0xe  }
0x27b: {  	s0 =	sadd.s32 $0xFFFFFFFF, s2;
	s5 =	spop (v2sf)  }
0x27c: {  	p2 =	sne.s32 s0, $0x0;
	p1 =	sgt.u32 s5, $0x270F0  }
.Ltmp40:
0x27d: {  	s6 =	sand.u32 @!p1 $0x3FFF8, s5;
	(pc) =	sbr.rel @!p2 .LBB2_52-.Ltmp40, $4  }
0x27e: {  	s4 =	simm.s32 $0xF238;
	s5 =	sand.u32 @!p1 $0x7, s5;
	s2 =	sadd.s32 @!p1 s1, s6  }
0x27f: {  	[hbm4b:s2+s5] =	stream.linear.scatter @!p1 [tilespmem:s4], [sflag:$0x7], $0x80, $0x38;
	[tilespmem:$0x1F6F8] =	vst v63  }
0x280: {  	s5 =	simm.s32 $0x0  }
0x281: {  	s2 =	simm.s32 $0xF219;
	s5 =	simm.s32 @!p1 $0x200  }
.LBB2_51:
0x282: {  	v0 =	vld.msk [tilespmem:s2+$0x0], $0x1;
	s0 =	sadd.s32 $0xFFFFFFFF, s0;
	s3 =	sadd.s32 s3, s5  }
0x283: {  	p1 =	sne.s32 s0, $0x0;
	_ =	sdelay $0x3  }
0x284: {  	(v2sf) =	vpush v0, $0x0;
	_ =	sdelay $0xe  }
.Ltmp41:
0x285: {  	s6 =	spop (v2sf);
	(pc) =	sbr.rel @p1 .LBB2_51-.Ltmp41, $4  }
0x286: {  	s5 =	simm.s32 $0x0;
	p2 =	sgt.u32 s6, $0x270F0  }
0x287: {  	s4 =	sadd.s32 $0x80, s4;
	s5 =	simm.s32 @!p2 $0x200;
	s7 =	sand.u32 @!p2 $0x3FFF8, s6  }
0x288: {  	s2 =	sadd.s32 $0x1, s2;
	s6 =	sand.u32 @!p2 $0x7, s6;
	s7 =	sadd.s32 @!p2 s1, s7  }
0x289: {  	[hbm4b:s7+s6] =	stream.linear.scatter @!p2 [tilespmem:s4], [sflag:$0x7], $0x80, $0x38;
	[tilespmem:$0x1F6F8] =	vst v63  }
.LBB2_52:
0x28a: {  	s0 =	sadd.s32 s3, s5  }
0x28b: {  	s3 =	sshrl.u32 s0, $0x2  }
.LBB2_53:
0x28c: {  	s0 =	simm.s32 $0x7  }
0x28d: {  	_ =	swait.ge [sflag:s0], s3  }
0x28e: {  	s1 =	ssub.s32 $0x0, s3;
	[sflag:s0] =	ssyncset.done $0x0  }
0x28f: {  	[sflag:s0] =	ssyncadd.s32 s1  }
0x290: {  	[sflag:s0] =	ssyncpa.u1 $0x1  }
.LBB2_54:
0x291: {  	_ =	sfence;
	s0 =	simm.s32 $0x1  }
0x292: {  	[sflag:s0] =	ssyncpa.u1 $0x1  }
0x293: {  	_ =	strace $0x9000004D  }
0x294: {  	[bflag:$0x2] =	sbarrier.arrive $0xFFFF  }
0x295: {  	s0 =	rddreg [dreg:$0x6]  }
0x296: {  	s0 =	sadd.s32 @!p0 $0x100000, s0  }
0x297: {  	[sflag:s0] =	ssyncadd.tile.s32 @!p0 $0x1;
	_ =	shalt  }
.Lfunc_end2:
_tile_overlayer_lowered:
.L_overlay_start_2:
0x298: {  	(tag) =	ssettag $0x2  }
0x299: {  	s0 =	rddreg [dreg:$0x0];
	s2 =	stileid.u32  }
0x29a: {  	s1 =	rddreg [dreg:$0x1];
	p0 =	sne.s32 s2, $0x0  }
0x29b: {  	s3 =	rddreg [dreg:$0x2];
	[bflag:$0x3] =	sbarrier.arrive $0xFFFF;
	s2 =	simm.s32 @!p0 $0x1C01  }
0x29c: {  	[timem:s3], [sflag:s2] =	dma.local @!p0 [hbm:s0], s1  }
0x29d: {  	s0 =	simm.s32 @!p0 $0x1  }
0x29e: {  	_ =	swait.ge @!p0 [sflag:s0], s1  }
0x29f: {  	s1 =	ssub.s32 @!p0 $0x0, s1;
	[sflag:s0] =	ssyncset.done @!p0 $0x0  }
0x2a0: {  	[sflag:s0] =	ssyncadd.s32 @!p0 s1  }
0x2a1: {  	[bflag:$0x3] =	sbarrier.arrive $0xFFFF  }
0x2a2: {  	_ =	shalt  }

</sc_bundles>
